<compile_context>
chip_gen: v7x
topology: tpu7x:2x2x1
jax: 0.10.2.dev20260603
libtpu: 0.0.44.dev20260713+nightly
codegen_flags: <defaults>
</compile_context>

<pallas_src>
import functools

import jax
import jax.numpy as jnp
from jax import lax
from jax.experimental import pallas as pl
from jax.experimental.pallas import tpu as pltpu
from jax.experimental.pallas import tpu_sc as plsc

_BATCH = 16384
_N_FIELDS = 26
_EMBED = 16
_VOCAB = 1000000
_B = _BATCH * _N_FIELDS
_NW = 32
_B_PER_W = _B // _NW
_NCHUNK = 4
_CH = _B_PER_W // _NCHUNK

_UV = 2048
_NUNIT = _VOCAB // _UV
_TAIL0 = _NUNIT * _UV
_MID = 512
_TAIL1 = _TAIL0 + _MID

_mesh = plsc.VectorSubcoreMesh(core_axis_name="c", subcore_axis_name="s")


def _shuffle(tab_ref, og_ref, nvoc):
    i16 = lax.iota(jnp.int32, 16)

    @plsc.parallel_loop(0, nvoc // 8, unroll=4)
    def _(rr):
        for kk in range(8):
            vi = jnp.full((16,), rr * 8 + kk, jnp.int32)
            og_ref[rr, pl.ds(kk * 16, 16)] = plsc.load_gather(
                tab_ref, [i16, vi])


@functools.partial(
    pl.kernel,
    out_type=jax.ShapeDtypeStruct((_VOCAB // 8, 128), jnp.float32),
    mesh=_mesh,
    scratch_types=[
        pltpu.VMEM((16, _UV), jnp.float32),
        pltpu.VMEM((_UV // 8, 128), jnp.float32),
        pltpu.SemaphoreType.DMA,
    ],
    compiler_params=pltpu.CompilerParams(needs_layout_passes=False),
)
def _repack_kernel(tab_hbm, tail_hbm, out_hbm, tab_v, og_v, osem):
    wid = lax.axis_index("s") * 2 + lax.axis_index("c")

    def unit(i, _):
        u = wid + i * _NW

        @pl.when(u < _NUNIT)
        def _():
            v0 = u * _UV
            pltpu.sync_copy(tab_hbm.at[:, pl.ds(v0, _UV)], tab_v)

            @pl.when(i > 0)
            def _():
                pltpu.make_async_copy(
                    og_v, out_hbm.at[pl.ds(u * (_UV // 8), _UV // 8)],
                    osem).wait()

            _shuffle(tab_v, og_v, _UV)
            pltpu.async_copy(
                og_v, out_hbm.at[pl.ds(u * (_UV // 8), _UV // 8)], osem)

        return 0

    lax.fori_loop(0, (_NUNIT + _NW - 1) // _NW, unit, 0)
    pltpu.make_async_copy(og_v, out_hbm.at[pl.ds(0, _UV // 8)], osem).wait()

    @pl.when(wid == 1)
    def _():
        pltpu.sync_copy(tab_hbm.at[:, pl.ds(_TAIL0, _MID)],
                        tab_v.at[:, pl.ds(0, _MID)])
        _shuffle(tab_v, og_v, _MID)
        pltpu.sync_copy(og_v.at[pl.ds(0, _MID // 8)],
                        out_hbm.at[pl.ds(_TAIL0 // 8, _MID // 8)])

    @pl.when(wid == 0)
    def _():
        pltpu.sync_copy(tail_hbm, tab_v.at[:, pl.ds(0, 128)])
        _shuffle(tab_v, og_v, 128)
        pltpu.sync_copy(og_v.at[pl.ds(0, 8)],
                        out_hbm.at[pl.ds(_TAIL1 // 8, 8)])


@functools.partial(
    pl.kernel,
    out_type=jax.ShapeDtypeStruct((_B, _EMBED), jnp.float32),
    mesh=_mesh,
    scratch_types=[
        pltpu.VMEM((_CH,), jnp.int32),
        pltpu.VMEM((_CH, _EMBED), jnp.float32),
        pltpu.SemaphoreType.DMA,
    ],
    compiler_params=pltpu.CompilerParams(use_tc_tiling_on_sc=False),
)
def _gather_kernel(idx_hbm, table_hbm, out_hbm, idx_v, rows_v, sem):
    wid = lax.axis_index("s") * 2 + lax.axis_index("c")
    base = wid * _B_PER_W
    for g in range(_NCHUNK):
        off = base + g * _CH
        pltpu.sync_copy(idx_hbm.at[pl.ds(off, _CH)], idx_v)
        pltpu.async_copy(table_hbm.at[idx_v], rows_v, sem).wait()
        pltpu.sync_copy(rows_v, out_hbm.at[pl.ds(off, _CH)])


@functools.partial(
    pl.kernel,
    out_type=jax.ShapeDtypeStruct((_N_FIELDS, _EMBED, _BATCH), jnp.float32),
    mesh=_mesh,
    scratch_types=[
        pltpu.VMEM((128, 128), jnp.float32),
        pltpu.VMEM((_EMBED, 1024), jnp.float32),
    ],
    compiler_params=pltpu.CompilerParams(needs_layout_passes=False),
)
def _retile_kernel(rows_hbm, out_hbm, tin_v, och_v):
    i16 = lax.iota(jnp.int32, 16)
    hi = i16 >> 3
    si = (i16 & 7) * _EMBED
    wid = lax.axis_index("s") * 2 + lax.axis_index("c")

    def unit(c, _):
        f = c // 16
        q = c % 16
        pltpu.sync_copy(rows_hbm.at[f, pl.ds(q * 128, 128), :], tin_v)
        for j in range(_EMBED):
            colj = si + j

            @plsc.parallel_loop(0, 64, unroll=4)
            def _(k):
                rowk = hi + 2 * k
                och_v[j, pl.ds(k * 16, 16)] = plsc.load_gather(
                    tin_v, [rowk, colj])
        pltpu.sync_copy(och_v, out_hbm.at[f, :, pl.ds(q * 1024, 1024)])
        return 0

    lax.fori_loop(wid * 13, (wid + 1) * 13, unit, 0)


def kernel(index, cluster_index):
    table_t = jnp.swapaxes(cluster_index, 0, 1)
    tail = jnp.zeros((16, 128), jnp.float32)
    tail = lax.dynamic_update_slice(
        tail, lax.slice(table_t, (0, _TAIL1), (16, _VOCAB)), (0, 0))
    table_g = _repack_kernel(table_t, tail)
    table_v = jnp.reshape(table_g, (_VOCAB, _EMBED))
    flat_idx = jnp.swapaxes(index, 0, 1).reshape(-1)
    rows = _gather_kernel(flat_idx, table_v)
    rows3 = jnp.reshape(rows, (_N_FIELDS, _BATCH // 8, 128))
    out3 = _retile_kernel(rows3)
    return jnp.transpose(out3, (2, 0, 1))

# --- scband reference (transcript-rebuilt; emitter-appended) ---
"""Pipeline reference for scband-index-eb-59811714564208 (READ-ONLY COPY).

The authoritative reference and input builder live on the scoring server;
editing this copy changes nothing except your own understanding.
"""

import jax, jax.numpy as jnp
import numpy as np

VOCAB = 1000000
EMBED_DIM = 16
BATCH = 16384
N_FIELDS = 26

def setup_inputs(seed: int = 0) -> dict:
    key = jax.random.key(seed)
    k1, k2 = jax.random.split(key)
    index = jax.random.randint(k1, (BATCH, N_FIELDS), 0, VOCAB, dtype=jnp.int64 if jax.config.jax_enable_x64 else jnp.int32)
    cluster_index = jax.random.normal(k2, (VOCAB, EMBED_DIM), dtype=jnp.float32)
    return {"index": index, "cluster_index": cluster_index}

def reference(index, cluster_index):
    # Faithful translation of: return self.cluster_index[index]
    return jnp.take(cluster_index, index, axis=0)

if __name__ == "__main__":
    import jax
    _d = setup_inputs()
    print(jax.jit(kernel)(*tuple(_d.values())))

</pallas_src>

<mosaic_0001>
#map = affine_map<(d0, d1) -> (0, 0)>
module attributes {stable_mosaic.version = 14 : i64} {
  func.func @_repack_kernel(%arg0: i32, %arg1: i32, %arg2: memref<16x1000000xf32, #tpu.memory_space<hbm>>, %arg3: memref<16x128xf32, #tpu.memory_space<hbm>>, %arg4: memref<125000x128xf32, #tpu.memory_space<hbm>>, %arg5: memref<16x2048xf32, #tpu.memory_space<vmem>>, %arg6: memref<256x128xf32, #tpu.memory_space<vmem>>, %arg7: memref<!tpu.dma_semaphore, #tpu.memory_space<semaphore_mem>>) attributes {dimension_semantics = [#tpu.dimension_semantics<core_parallel>, #tpu.dimension_semantics<subcore_parallel>], iteration_bounds = array<i64: 2, 16>, scalar_prefetch = 0 : i64, scratch_operands = 3 : i64, tpu.core_type = #tpu.core_type<sc_vector_subcore>, window_params = [{transform_indices = #map}, {transform_indices = #map}, {transform_indices = #map}]} {
    %mul3A = arith.constant 2 : i32
    %mul3A_0 = arith.muli %arg1, %mul3A : i32
    %add3A = arith.addi %mul3A_0, %arg0 : i32
    %scan3A = arith.constant 0 : i32
    %scan3A_1 = arith.constant 0 : i32
    %scan3A_2 = arith.constant 16 : i32
    %scan3A_3 = arith.addi %scan3A_1, %scan3A_2 : i32
    %scan3A_4 = arith.constant 1 : i32
    %scan3A_5 = scf.for %scan3A_19 = %scan3A_1 to %scan3A_3 step %scan3A_4 iter_args(%scan3A_20 = %scan3A) -> (i32)  : i32 {
      %mul3A_21 = arith.constant 32 : i32
      %mul3A_22 = arith.muli %scan3A_19, %mul3A_21 : i32
      %add3A_23 = arith.addi %add3A, %mul3A_22 : i32
      %lt3A = arith.constant 488 : i32
      %lt3A_24 = arith.cmpi slt, %add3A_23, %lt3A : i32
      %convert_element_type3A_25 = arith.extui %lt3A_24 : i1 to i32
      %cond3A_26 = arith.constant 0 : i32
      %cond3A_27 = arith.cmpi ne, %convert_element_type3A_25, %cond3A_26 : i32
      scf.if %cond3A_27 {
        %mul3A_29 = arith.constant 2048 : i32
        %mul3A_30 = arith.muli %add3A_23, %mul3A_29 : i32
        "tpu.region"() ({
          %run_scoped3A = tpu.sem_alloc : memref<!tpu.dma_semaphore, #tpu.memory_space<semaphore_mem>>
          %dma_start3A_42 = arith.constant 0 : i32
          %dma_start3A_43 = tpu.memref_slice %arg2[%dma_start3A_42, %mul3A_30] : memref<16x1000000xf32, #tpu.memory_space<hbm>> -> memref<16x2048xf32, #tpu.memory_space<hbm>>
          %dma_start3A_44 = arith.constant 0 : i32
          %dma_start3A_45 = tpu.memref_slice %arg2[%dma_start3A_44, %mul3A_30] : memref<16x1000000xf32, #tpu.memory_space<hbm>> -> memref<16x2048xf32, #tpu.memory_space<hbm>>
          tpu.enqueue_dma source(%dma_start3A_45 : memref<16x2048xf32, #tpu.memory_space<hbm>>) target(%arg5 : memref<16x2048xf32, #tpu.memory_space<vmem>>) target_semaphore(%run_scoped3A : memref<!tpu.dma_semaphore, #tpu.memory_space<semaphore_mem>>)
          %dma_wait3A_46 = arith.constant 0 : i32
          %dma_wait3A_47 = tpu.memref_slice %arg2[%dma_wait3A_46, %mul3A_30] : memref<16x1000000xf32, #tpu.memory_space<hbm>> -> memref<16x2048xf32, #tpu.memory_space<hbm>>
          %dma_wait3A_48 = arith.constant 0 : i32
          %dma_wait3A_49 = tpu.memref_slice %arg2[%dma_wait3A_48, %mul3A_30] : memref<16x1000000xf32, #tpu.memory_space<hbm>> -> memref<16x2048xf32, #tpu.memory_space<hbm>>
          tpu.wait_dma2 semaphore(%run_scoped3A : memref<!tpu.dma_semaphore, #tpu.memory_space<semaphore_mem>>) src(%dma_wait3A_49 : memref<16x2048xf32, #tpu.memory_space<hbm>>) dst(%arg5 : memref<16x2048xf32, #tpu.memory_space<vmem>>)
          tpu.yield
        }) : () -> ()
        %gt3A = arith.constant 0 : i32
        %gt3A_31 = arith.cmpi sgt, %scan3A_19, %gt3A : i32
        %convert_element_type3A_32 = arith.extui %gt3A_31 : i1 to i32
        %cond3A_33 = arith.constant 0 : i32
        %cond3A_34 = arith.cmpi ne, %convert_element_type3A_32, %cond3A_33 : i32
        scf.if %cond3A_34 {
          %mul3A_42 = arith.constant 256 : i32
          %mul3A_43 = arith.muli %add3A_23, %mul3A_42 : i32
          %dma_wait3A_44 = arith.constant 0 : i32
          %dma_wait3A_45 = tpu.memref_slice %arg4[%mul3A_43, %dma_wait3A_44] : memref<125000x128xf32, #tpu.memory_space<hbm>> -> memref<256x128xf32, #tpu.memory_space<hbm>>
          %dma_wait3A_46 = arith.constant 0 : i32
          %dma_wait3A_47 = tpu.memref_slice %arg4[%mul3A_43, %dma_wait3A_46] : memref<125000x128xf32, #tpu.memory_space<hbm>> -> memref<256x128xf32, #tpu.memory_space<hbm>>
          tpu.wait_dma2 semaphore(%arg7 : memref<!tpu.dma_semaphore, #tpu.memory_space<semaphore_mem>>) src(%arg6 : memref<256x128xf32, #tpu.memory_space<vmem>>) dst(%dma_wait3A_47 : memref<256x128xf32, #tpu.memory_space<hbm>>)
        } else {
        }
        %iota3A = tpu.iota {dimensions = array<i32: 0>} : vector<16xi32>
        %parallel_loop3A = arith.constant 0 : i32
        %parallel_loop3A_35 = arith.constant 256 : i32
        %parallel_loop3A_36 = arith.constant 1 : i32
        scf.for %parallel_loop3A_42 = %parallel_loop3A to %parallel_loop3A_35 step %parallel_loop3A_36  : i32 {
          %parallel_loop3A_43 = arith.constant 8 : i32
          %parallel_loop3A_44 = arith.muli %parallel_loop3A_42, %parallel_loop3A_43 : i32
          %parallel_loop3A_45 = arith.constant 0 : i32
          %parallel_loop3A_46 = arith.addi %parallel_loop3A_44, %parallel_loop3A_45 : i32
          %parallel_loop3A_47 = vector.broadcast %parallel_loop3A_46 : i32 to vector<16xi32>
          %parallel_loop3A_48 = tpu.vector_load_idx %arg5[%iota3A, %parallel_loop3A_47] : memref<16x2048xf32, #tpu.memory_space<vmem>>[vector<16xi32>, vector<16xi32>], vector<16xf32>,
          %parallel_loop3A_49 = arith.index_cast %parallel_loop3A_42 : i32 to index
          %parallel_loop3A_50 = arith.constant 0 : index
          %parallel_loop3A_51 = tpu.vector_load %arg6[%parallel_loop3A_49, %parallel_loop3A_50] {strides = array<i32>} : memref<256x128xf32, #tpu.memory_space<vmem>>, vector<16xf32>,
          tpu.vector_store %arg6[%parallel_loop3A_49, %parallel_loop3A_50], %parallel_loop3A_48 {strides = array<i32>} : memref<256x128xf32, #tpu.memory_space<vmem>>, vector<16xf32>,
          %parallel_loop3A_52 = arith.constant 8 : i32
          %parallel_loop3A_53 = arith.muli %parallel_loop3A_42, %parallel_loop3A_52 : i32
          %parallel_loop3A_54 = arith.constant 1 : i32
          %parallel_loop3A_55 = arith.addi %parallel_loop3A_53, %parallel_loop3A_54 : i32
          %parallel_loop3A_56 = vector.broadcast %parallel_loop3A_55 : i32 to vector<16xi32>
          %parallel_loop3A_57 = tpu.vector_load_idx %arg5[%iota3A, %parallel_loop3A_56] : memref<16x2048xf32, #tpu.memory_space<vmem>>[vector<16xi32>, vector<16xi32>], vector<16xf32>,
          %parallel_loop3A_58 = arith.index_cast %parallel_loop3A_42 : i32 to index
          %parallel_loop3A_59 = arith.constant 16 : index
          %parallel_loop3A_60 = tpu.vector_load %arg6[%parallel_loop3A_58, %parallel_loop3A_59] {strides = array<i32>} : memref<256x128xf32, #tpu.memory_space<vmem>>, vector<16xf32>,
          tpu.vector_store %arg6[%parallel_loop3A_58, %parallel_loop3A_59], %parallel_loop3A_57 {strides = array<i32>} : memref<256x128xf32, #tpu.memory_space<vmem>>, vector<16xf32>,
          %parallel_loop3A_61 = arith.constant 8 : i32
          %parallel_loop3A_62 = arith.muli %parallel_loop3A_42, %parallel_loop3A_61 : i32
          %parallel_loop3A_63 = arith.constant 2 : i32
          %parallel_loop3A_64 = arith.addi %parallel_loop3A_62, %parallel_loop3A_63 : i32
          %parallel_loop3A_65 = vector.broadcast %parallel_loop3A_64 : i32 to vector<16xi32>
          %parallel_loop3A_66 = tpu.vector_load_idx %arg5[%iota3A, %parallel_loop3A_65] : memref<16x2048xf32, #tpu.memory_space<vmem>>[vector<16xi32>, vector<16xi32>], vector<16xf32>,
          %parallel_loop3A_67 = arith.index_cast %parallel_loop3A_42 : i32 to index
          %parallel_loop3A_68 = arith.constant 32 : index
          %parallel_loop3A_69 = tpu.vector_load %arg6[%parallel_loop3A_67, %parallel_loop3A_68] {strides = array<i32>} : memref<256x128xf32, #tpu.memory_space<vmem>>, vector<16xf32>,
          tpu.vector_store %arg6[%parallel_loop3A_67, %parallel_loop3A_68], %parallel_loop3A_66 {strides = array<i32>} : memref<256x128xf32, #tpu.memory_space<vmem>>, vector<16xf32>,
          %parallel_loop3A_70 = arith.constant 8 : i32
          %parallel_loop3A_71 = arith.muli %parallel_loop3A_42, %parallel_loop3A_70 : i32
          %parallel_loop3A_72 = arith.constant 3 : i32
          %parallel_loop3A_73 = arith.addi %parallel_loop3A_71, %parallel_loop3A_72 : i32
          %parallel_loop3A_74 = vector.broadcast %parallel_loop3A_73 : i32 to vector<16xi32>
          %parallel_loop3A_75 = tpu.vector_load_idx %arg5[%iota3A, %parallel_loop3A_74] : memref<16x2048xf32, #tpu.memory_space<vmem>>[vector<16xi32>, vector<16xi32>], vector<16xf32>,
          %parallel_loop3A_76 = arith.index_cast %parallel_loop3A_42 : i32 to index
          %parallel_loop3A_77 = arith.constant 48 : index
          %parallel_loop3A_78 = tpu.vector_load %arg6[%parallel_loop3A_76, %parallel_loop3A_77] {strides = array<i32>} : memref<256x128xf32, #tpu.memory_space<vmem>>, vector<16xf32>,
          tpu.vector_store %arg6[%parallel_loop3A_76, %parallel_loop3A_77], %parallel_loop3A_75 {strides = array<i32>} : memref<256x128xf32, #tpu.memory_space<vmem>>, vector<16xf32>,
          %parallel_loop3A_79 = arith.constant 8 : i32
          %parallel_loop3A_80 = arith.muli %parallel_loop3A_42, %parallel_loop3A_79 : i32
          %parallel_loop3A_81 = arith.constant 4 : i32
          %parallel_loop3A_82 = arith.addi %parallel_loop3A_80, %parallel_loop3A_81 : i32
          %parallel_loop3A_83 = vector.broadcast %parallel_loop3A_82 : i32 to vector<16xi32>
          %parallel_loop3A_84 = tpu.vector_load_idx %arg5[%iota3A, %parallel_loop3A_83] : memref<16x2048xf32, #tpu.memory_space<vmem>>[vector<16xi32>, vector<16xi32>], vector<16xf32>,
          %parallel_loop3A_85 = arith.index_cast %parallel_loop3A_42 : i32 to index
          %parallel_loop3A_86 = arith.constant 64 : index
          %parallel_loop3A_87 = tpu.vector_load %arg6[%parallel_loop3A_85, %parallel_loop3A_86] {strides = array<i32>} : memref<256x128xf32, #tpu.memory_space<vmem>>, vector<16xf32>,
          tpu.vector_store %arg6[%parallel_loop3A_85, %parallel_loop3A_86], %parallel_loop3A_84 {strides = array<i32>} : memref<256x128xf32, #tpu.memory_space<vmem>>, vector<16xf32>,
          %parallel_loop3A_88 = arith.constant 8 : i32
          %parallel_loop3A_89 = arith.muli %parallel_loop3A_42, %parallel_loop3A_88 : i32
          %parallel_loop3A_90 = arith.constant 5 : i32
          %parallel_loop3A_91 = arith.addi %parallel_loop3A_89, %parallel_loop3A_90 : i32
          %parallel_loop3A_92 = vector.broadcast %parallel_loop3A_91 : i32 to vector<16xi32>
          %parallel_loop3A_93 = tpu.vector_load_idx %arg5[%iota3A, %parallel_loop3A_92] : memref<16x2048xf32, #tpu.memory_space<vmem>>[vector<16xi32>, vector<16xi32>], vector<16xf32>,
          %parallel_loop3A_94 = arith.index_cast %parallel_loop3A_42 : i32 to index
          %parallel_loop3A_95 = arith.constant 80 : index
          %parallel_loop3A_96 = tpu.vector_load %arg6[%parallel_loop3A_94, %parallel_loop3A_95] {strides = array<i32>} : memref<256x128xf32, #tpu.memory_space<vmem>>, vector<16xf32>,
          tpu.vector_store %arg6[%parallel_loop3A_94, %parallel_loop3A_95], %parallel_loop3A_93 {strides = array<i32>} : memref<256x128xf32, #tpu.memory_space<vmem>>, vector<16xf32>,
          %parallel_loop3A_97 = arith.constant 8 : i32
          %parallel_loop3A_98 = arith.muli %parallel_loop3A_42, %parallel_loop3A_97 : i32
          %parallel_loop3A_99 = arith.constant 6 : i32
          %parallel_loop3A_100 = arith.addi %parallel_loop3A_98, %parallel_loop3A_99 : i32
          %parallel_loop3A_101 = vector.broadcast %parallel_loop3A_100 : i32 to vector<16xi32>
          %parallel_loop3A_102 = tpu.vector_load_idx %arg5[%iota3A, %parallel_loop3A_101] : memref<16x2048xf32, #tpu.memory_space<vmem>>[vector<16xi32>, vector<16xi32>], vector<16xf32>,
          %parallel_loop3A_103 = arith.index_cast %parallel_loop3A_42 : i32 to index
          %parallel_loop3A_104 = arith.constant 96 : index
          %parallel_loop3A_105 = tpu.vector_load %arg6[%parallel_loop3A_103, %parallel_loop3A_104] {strides = array<i32>} : memref<256x128xf32, #tpu.memory_space<vmem>>, vector<16xf32>,
          tpu.vector_store %arg6[%parallel_loop3A_103, %parallel_loop3A_104], %parallel_loop3A_102 {strides = array<i32>} : memref<256x128xf32, #tpu.memory_space<vmem>>, vector<16xf32>,
          %parallel_loop3A_106 = arith.constant 8 : i32
          %parallel_loop3A_107 = arith.muli %parallel_loop3A_42, %parallel_loop3A_106 : i32
          %parallel_loop3A_108 = arith.constant 7 : i32
          %parallel_loop3A_109 = arith.addi %parallel_loop3A_107, %parallel_loop3A_108 : i32
          %parallel_loop3A_110 = vector.broadcast %parallel_loop3A_109 : i32 to vector<16xi32>
          %parallel_loop3A_111 = tpu.vector_load_idx %arg5[%iota3A, %parallel_loop3A_110] : memref<16x2048xf32, #tpu.memory_space<vmem>>[vector<16xi32>, vector<16xi32>], vector<16xf32>,
          %parallel_loop3A_112 = arith.index_cast %parallel_loop3A_42 : i32 to index
          %parallel_loop3A_113 = arith.constant 112 : index
          %parallel_loop3A_114 = tpu.vector_load %arg6[%parallel_loop3A_112, %parallel_loop3A_113] {strides = array<i32>} : memref<256x128xf32, #tpu.memory_space<vmem>>, vector<16xf32>,
          tpu.vector_store %arg6[%parallel_loop3A_112, %parallel_loop3A_113], %parallel_loop3A_111 {strides = array<i32>} : memref<256x128xf32, #tpu.memory_space<vmem>>, vector<16xf32>,
        } {sc.loop_unroll_factor = 4 : i64, sc.parallel_access}
        %mul3A_37 = arith.constant 256 : i32
        %mul3A_38 = arith.muli %add3A_23, %mul3A_37 : i32
        %dma_start3A = arith.constant 0 : i32
        %dma_start3A_39 = tpu.memref_slice %arg4[%mul3A_38, %dma_start3A] : memref<125000x128xf32, #tpu.memory_space<hbm>> -> memref<256x128xf32, #tpu.memory_space<hbm>>
        %dma_start3A_40 = arith.constant 0 : i32
        %dma_start3A_41 = tpu.memref_slice %arg4[%mul3A_38, %dma_start3A_40] : memref<125000x128xf32, #tpu.memory_space<hbm>> -> memref<256x128xf32, #tpu.memory_space<hbm>>
        tpu.enqueue_dma source(%arg6 : memref<256x128xf32, #tpu.memory_space<vmem>>) target(%dma_start3A_41 : memref<256x128xf32, #tpu.memory_space<hbm>>) target_semaphore(%arg7 : memref<!tpu.dma_semaphore, #tpu.memory_space<semaphore_mem>>)
      } else {
      }
      %scan3A_28 = arith.constant 0 : i32
      scf.yield %scan3A_28 : i32
    }
    %scan3A_6 = arith.constant 16 : i32
    %dma_wait3A = arith.constant 0 : i32
    %dma_wait3A_7 = arith.constant 0 : i32
    %dma_wait3A_8 = tpu.memref_slice %arg4[%dma_wait3A, %dma_wait3A_7] : memref<125000x128xf32, #tpu.memory_space<hbm>> -> memref<256x128xf32, #tpu.memory_space<hbm>>
    %dma_wait3A_9 = arith.constant 0 : i32
    %dma_wait3A_10 = arith.constant 0 : i32
    %dma_wait3A_11 = tpu.memref_slice %arg4[%dma_wait3A_9, %dma_wait3A_10] : memref<125000x128xf32, #tpu.memory_space<hbm>> -> memref<256x128xf32, #tpu.memory_space<hbm>>
    tpu.wait_dma2 semaphore(%arg7 : memref<!tpu.dma_semaphore, #tpu.memory_space<semaphore_mem>>) src(%arg6 : memref<256x128xf32, #tpu.memory_space<vmem>>) dst(%dma_wait3A_11 : memref<256x128xf32, #tpu.memory_space<hbm>>)
    %eq3A = arith.constant 1 : i32
    %eq3A_12 = arith.cmpi eq, %add3A, %eq3A : i32
    %convert_element_type3A = arith.extui %eq3A_12 : i1 to i32
    %cond3A = arith.constant 0 : i32
    %cond3A_13 = arith.cmpi ne, %convert_element_type3A, %cond3A : i32
    scf.if %cond3A_13 {
      "tpu.region"() ({
        %run_scoped3A = tpu.sem_alloc : memref<!tpu.dma_semaphore, #tpu.memory_space<semaphore_mem>>
        %dma_start3A = arith.constant 0 : i32
        %dma_start3A_21 = arith.constant 0 : i32
        %dma_start3A_22 = tpu.memref_slice %arg5[%dma_start3A, %dma_start3A_21] : memref<16x2048xf32, #tpu.memory_space<vmem>> -> memref<16x512xf32, #tpu.memory_space<vmem>>
        %dma_start3A_23 = arith.constant 0 : i32
        %dma_start3A_24 = arith.constant 999424 : i32
        %dma_start3A_25 = tpu.memref_slice %arg2[%dma_start3A_23, %dma_start3A_24] : memref<16x1000000xf32, #tpu.memory_space<hbm>> -> memref<16x512xf32, #tpu.memory_space<hbm>>
        %dma_start3A_26 = arith.constant 0 : i32
        %dma_start3A_27 = arith.constant 0 : i32
        %dma_start3A_28 = tpu.memref_slice %arg5[%dma_start3A_26, %dma_start3A_27] : memref<16x2048xf32, #tpu.memory_space<vmem>> -> memref<16x512xf32, #tpu.memory_space<vmem>>
        %dma_start3A_29 = arith.constant 0 : i32
        %dma_start3A_30 = arith.constant 999424 : i32
        %dma_start3A_31 = tpu.memref_slice %arg2[%dma_start3A_29, %dma_start3A_30] : memref<16x1000000xf32, #tpu.memory_space<hbm>> -> memref<16x512xf32, #tpu.memory_space<hbm>>
        tpu.enqueue_dma source(%dma_start3A_31 : memref<16x512xf32, #tpu.memory_space<hbm>>) target(%dma_start3A_28 : memref<16x512xf32, #tpu.memory_space<vmem>>) target_semaphore(%run_scoped3A : memref<!tpu.dma_semaphore, #tpu.memory_space<semaphore_mem>>)
        %dma_wait3A_32 = arith.constant 0 : i32
        %dma_wait3A_33 = arith.constant 0 : i32
        %dma_wait3A_34 = tpu.memref_slice %arg5[%dma_wait3A_32, %dma_wait3A_33] : memref<16x2048xf32, #tpu.memory_space<vmem>> -> memref<16x512xf32, #tpu.memory_space<vmem>>
        %dma_wait3A_35 = arith.constant 0 : i32
        %dma_wait3A_36 = arith.constant 999424 : i32
        %dma_wait3A_37 = tpu.memref_slice %arg2[%dma_wait3A_35, %dma_wait3A_36] : memref<16x1000000xf32, #tpu.memory_space<hbm>> -> memref<16x512xf32, #tpu.memory_space<hbm>>
        %dma_wait3A_38 = arith.constant 0 : i32
        %dma_wait3A_39 = arith.constant 0 : i32
        %dma_wait3A_40 = tpu.memref_slice %arg5[%dma_wait3A_38, %dma_wait3A_39] : memref<16x2048xf32, #tpu.memory_space<vmem>> -> memref<16x512xf32, #tpu.memory_space<vmem>>
        %dma_wait3A_41 = arith.constant 0 : i32
        %dma_wait3A_42 = arith.constant 999424 : i32
        %dma_wait3A_43 = tpu.memref_slice %arg2[%dma_wait3A_41, %dma_wait3A_42] : memref<16x1000000xf32, #tpu.memory_space<hbm>> -> memref<16x512xf32, #tpu.memory_space<hbm>>
        tpu.wait_dma2 semaphore(%run_scoped3A : memref<!tpu.dma_semaphore, #tpu.memory_space<semaphore_mem>>) src(%dma_wait3A_43 : memref<16x512xf32, #tpu.memory_space<hbm>>) dst(%dma_wait3A_40 : memref<16x512xf32, #tpu.memory_space<vmem>>)
        tpu.yield
      }) : () -> ()
      %iota3A = tpu.iota {dimensions = array<i32: 0>} : vector<16xi32>
      %parallel_loop3A = arith.constant 0 : i32
      %parallel_loop3A_19 = arith.constant 64 : i32
      %parallel_loop3A_20 = arith.constant 1 : i32
      scf.for %parallel_loop3A_21 = %parallel_loop3A to %parallel_loop3A_19 step %parallel_loop3A_20  : i32 {
        %parallel_loop3A_22 = arith.constant 8 : i32
        %parallel_loop3A_23 = arith.muli %parallel_loop3A_21, %parallel_loop3A_22 : i32
        %parallel_loop3A_24 = arith.constant 0 : i32
        %parallel_loop3A_25 = arith.addi %parallel_loop3A_23, %parallel_loop3A_24 : i32
        %parallel_loop3A_26 = vector.broadcast %parallel_loop3A_25 : i32 to vector<16xi32>
        %parallel_loop3A_27 = tpu.vector_load_idx %arg5[%iota3A, %parallel_loop3A_26] : memref<16x2048xf32, #tpu.memory_space<vmem>>[vector<16xi32>, vector<16xi32>], vector<16xf32>,
        %parallel_loop3A_28 = arith.index_cast %parallel_loop3A_21 : i32 to index
        %parallel_loop3A_29 = arith.constant 0 : index
        %parallel_loop3A_30 = tpu.vector_load %arg6[%parallel_loop3A_28, %parallel_loop3A_29] {strides = array<i32>} : memref<256x128xf32, #tpu.memory_space<vmem>>, vector<16xf32>,
        tpu.vector_store %arg6[%parallel_loop3A_28, %parallel_loop3A_29], %parallel_loop3A_27 {strides = array<i32>} : memref<256x128xf32, #tpu.memory_space<vmem>>, vector<16xf32>,
        %parallel_loop3A_31 = arith.constant 8 : i32
        %parallel_loop3A_32 = arith.muli %parallel_loop3A_21, %parallel_loop3A_31 : i32
        %parallel_loop3A_33 = arith.constant 1 : i32
        %parallel_loop3A_34 = arith.addi %parallel_loop3A_32, %parallel_loop3A_33 : i32
        %parallel_loop3A_35 = vector.broadcast %parallel_loop3A_34 : i32 to vector<16xi32>
        %parallel_loop3A_36 = tpu.vector_load_idx %arg5[%iota3A, %parallel_loop3A_35] : memref<16x2048xf32, #tpu.memory_space<vmem>>[vector<16xi32>, vector<16xi32>], vector<16xf32>,
        %parallel_loop3A_37 = arith.index_cast %parallel_loop3A_21 : i32 to index
        %parallel_loop3A_38 = arith.constant 16 : index
        %parallel_loop3A_39 = tpu.vector_load %arg6[%parallel_loop3A_37, %parallel_loop3A_38] {strides = array<i32>} : memref<256x128xf32, #tpu.memory_space<vmem>>, vector<16xf32>,
        tpu.vector_store %arg6[%parallel_loop3A_37, %parallel_loop3A_38], %parallel_loop3A_36 {strides = array<i32>} : memref<256x128xf32, #tpu.memory_space<vmem>>, vector<16xf32>,
        %parallel_loop3A_40 = arith.constant 8 : i32
        %parallel_loop3A_41 = arith.muli %parallel_loop3A_21, %parallel_loop3A_40 : i32
        %parallel_loop3A_42 = arith.constant 2 : i32
        %parallel_loop3A_43 = arith.addi %parallel_loop3A_41, %parallel_loop3A_42 : i32
        %parallel_loop3A_44 = vector.broadcast %parallel_loop3A_43 : i32 to vector<16xi32>
        %parallel_loop3A_45 = tpu.vector_load_idx %arg5[%iota3A, %parallel_loop3A_44] : memref<16x2048xf32, #tpu.memory_space<vmem>>[vector<16xi32>, vector<16xi32>], vector<16xf32>,
        %parallel_loop3A_46 = arith.index_cast %parallel_loop3A_21 : i32 to index
        %parallel_loop3A_47 = arith.constant 32 : index
        %parallel_loop3A_48 = tpu.vector_load %arg6[%parallel_loop3A_46, %parallel_loop3A_47] {strides = array<i32>} : memref<256x128xf32, #tpu.memory_space<vmem>>, vector<16xf32>,
        tpu.vector_store %arg6[%parallel_loop3A_46, %parallel_loop3A_47], %parallel_loop3A_45 {strides = array<i32>} : memref<256x128xf32, #tpu.memory_space<vmem>>, vector<16xf32>,
        %parallel_loop3A_49 = arith.constant 8 : i32
        %parallel_loop3A_50 = arith.muli %parallel_loop3A_21, %parallel_loop3A_49 : i32
        %parallel_loop3A_51 = arith.constant 3 : i32
        %parallel_loop3A_52 = arith.addi %parallel_loop3A_50, %parallel_loop3A_51 : i32
        %parallel_loop3A_53 = vector.broadcast %parallel_loop3A_52 : i32 to vector<16xi32>
        %parallel_loop3A_54 = tpu.vector_load_idx %arg5[%iota3A, %parallel_loop3A_53] : memref<16x2048xf32, #tpu.memory_space<vmem>>[vector<16xi32>, vector<16xi32>], vector<16xf32>,
        %parallel_loop3A_55 = arith.index_cast %parallel_loop3A_21 : i32 to index
        %parallel_loop3A_56 = arith.constant 48 : index
        %parallel_loop3A_57 = tpu.vector_load %arg6[%parallel_loop3A_55, %parallel_loop3A_56] {strides = array<i32>} : memref<256x128xf32, #tpu.memory_space<vmem>>, vector<16xf32>,
        tpu.vector_store %arg6[%parallel_loop3A_55, %parallel_loop3A_56], %parallel_loop3A_54 {strides = array<i32>} : memref<256x128xf32, #tpu.memory_space<vmem>>, vector<16xf32>,
        %parallel_loop3A_58 = arith.constant 8 : i32
        %parallel_loop3A_59 = arith.muli %parallel_loop3A_21, %parallel_loop3A_58 : i32
        %parallel_loop3A_60 = arith.constant 4 : i32
        %parallel_loop3A_61 = arith.addi %parallel_loop3A_59, %parallel_loop3A_60 : i32
        %parallel_loop3A_62 = vector.broadcast %parallel_loop3A_61 : i32 to vector<16xi32>
        %parallel_loop3A_63 = tpu.vector_load_idx %arg5[%iota3A, %parallel_loop3A_62] : memref<16x2048xf32, #tpu.memory_space<vmem>>[vector<16xi32>, vector<16xi32>], vector<16xf32>,
        %parallel_loop3A_64 = arith.index_cast %parallel_loop3A_21 : i32 to index
        %parallel_loop3A_65 = arith.constant 64 : index
        %parallel_loop3A_66 = tpu.vector_load %arg6[%parallel_loop3A_64, %parallel_loop3A_65] {strides = array<i32>} : memref<256x128xf32, #tpu.memory_space<vmem>>, vector<16xf32>,
        tpu.vector_store %arg6[%parallel_loop3A_64, %parallel_loop3A_65], %parallel_loop3A_63 {strides = array<i32>} : memref<256x128xf32, #tpu.memory_space<vmem>>, vector<16xf32>,
        %parallel_loop3A_67 = arith.constant 8 : i32
        %parallel_loop3A_68 = arith.muli %parallel_loop3A_21, %parallel_loop3A_67 : i32
        %parallel_loop3A_69 = arith.constant 5 : i32
        %parallel_loop3A_70 = arith.addi %parallel_loop3A_68, %parallel_loop3A_69 : i32
        %parallel_loop3A_71 = vector.broadcast %parallel_loop3A_70 : i32 to vector<16xi32>
        %parallel_loop3A_72 = tpu.vector_load_idx %arg5[%iota3A, %parallel_loop3A_71] : memref<16x2048xf32, #tpu.memory_space<vmem>>[vector<16xi32>, vector<16xi32>], vector<16xf32>,
        %parallel_loop3A_73 = arith.index_cast %parallel_loop3A_21 : i32 to index
        %parallel_loop3A_74 = arith.constant 80 : index
        %parallel_loop3A_75 = tpu.vector_load %arg6[%parallel_loop3A_73, %parallel_loop3A_74] {strides = array<i32>} : memref<256x128xf32, #tpu.memory_space<vmem>>, vector<16xf32>,
        tpu.vector_store %arg6[%parallel_loop3A_73, %parallel_loop3A_74], %parallel_loop3A_72 {strides = array<i32>} : memref<256x128xf32, #tpu.memory_space<vmem>>, vector<16xf32>,
        %parallel_loop3A_76 = arith.constant 8 : i32
        %parallel_loop3A_77 = arith.muli %parallel_loop3A_21, %parallel_loop3A_76 : i32
        %parallel_loop3A_78 = arith.constant 6 : i32
        %parallel_loop3A_79 = arith.addi %parallel_loop3A_77, %parallel_loop3A_78 : i32
        %parallel_loop3A_80 = vector.broadcast %parallel_loop3A_79 : i32 to vector<16xi32>
        %parallel_loop3A_81 = tpu.vector_load_idx %arg5[%iota3A, %parallel_loop3A_80] : memref<16x2048xf32, #tpu.memory_space<vmem>>[vector<16xi32>, vector<16xi32>], vector<16xf32>,
        %parallel_loop3A_82 = arith.index_cast %parallel_loop3A_21 : i32 to index
        %parallel_loop3A_83 = arith.constant 96 : index
        %parallel_loop3A_84 = tpu.vector_load %arg6[%parallel_loop3A_82, %parallel_loop3A_83] {strides = array<i32>} : memref<256x128xf32, #tpu.memory_space<vmem>>, vector<16xf32>,
        tpu.vector_store %arg6[%parallel_loop3A_82, %parallel_loop3A_83], %parallel_loop3A_81 {strides = array<i32>} : memref<256x128xf32, #tpu.memory_space<vmem>>, vector<16xf32>,
        %parallel_loop3A_85 = arith.constant 8 : i32
        %parallel_loop3A_86 = arith.muli %parallel_loop3A_21, %parallel_loop3A_85 : i32
        %parallel_loop3A_87 = arith.constant 7 : i32
        %parallel_loop3A_88 = arith.addi %parallel_loop3A_86, %parallel_loop3A_87 : i32
        %parallel_loop3A_89 = vector.broadcast %parallel_loop3A_88 : i32 to vector<16xi32>
        %parallel_loop3A_90 = tpu.vector_load_idx %arg5[%iota3A, %parallel_loop3A_89] : memref<16x2048xf32, #tpu.memory_space<vmem>>[vector<16xi32>, vector<16xi32>], vector<16xf32>,
        %parallel_loop3A_91 = arith.index_cast %parallel_loop3A_21 : i32 to index
        %parallel_loop3A_92 = arith.constant 112 : index
        %parallel_loop3A_93 = tpu.vector_load %arg6[%parallel_loop3A_91, %parallel_loop3A_92] {strides = array<i32>} : memref<256x128xf32, #tpu.memory_space<vmem>>, vector<16xf32>,
        tpu.vector_store %arg6[%parallel_loop3A_91, %parallel_loop3A_92], %parallel_loop3A_90 {strides = array<i32>} : memref<256x128xf32, #tpu.memory_space<vmem>>, vector<16xf32>,
      } {sc.loop_unroll_factor = 4 : i64, sc.parallel_access}
      "tpu.region"() ({
        %run_scoped3A = tpu.sem_alloc : memref<!tpu.dma_semaphore, #tpu.memory_space<semaphore_mem>>
        %dma_start3A = arith.constant 0 : i32
        %dma_start3A_21 = arith.constant 0 : i32
        %dma_start3A_22 = tpu.memref_slice %arg6[%dma_start3A, %dma_start3A_21] : memref<256x128xf32, #tpu.memory_space<vmem>> -> memref<64x128xf32, #tpu.memory_space<vmem>>
        %dma_start3A_23 = arith.constant 124928 : i32
        %dma_start3A_24 = arith.constant 0 : i32
        %dma_start3A_25 = tpu.memref_slice %arg4[%dma_start3A_23, %dma_start3A_24] : memref<125000x128xf32, #tpu.memory_space<hbm>> -> memref<64x128xf32, #tpu.memory_space<hbm>>
        %dma_start3A_26 = arith.constant 124928 : i32
        %dma_start3A_27 = arith.constant 0 : i32
        %dma_start3A_28 = tpu.memref_slice %arg4[%dma_start3A_26, %dma_start3A_27] : memref<125000x128xf32, #tpu.memory_space<hbm>> -> memref<64x128xf32, #tpu.memory_space<hbm>>
        %dma_start3A_29 = arith.constant 0 : i32
        %dma_start3A_30 = arith.constant 0 : i32
        %dma_start3A_31 = tpu.memref_slice %arg6[%dma_start3A_29, %dma_start3A_30] : memref<256x128xf32, #tpu.memory_space<vmem>> -> memref<64x128xf32, #tpu.memory_space<vmem>>
        tpu.enqueue_dma source(%dma_start3A_31 : memref<64x128xf32, #tpu.memory_space<vmem>>) target(%dma_start3A_28 : memref<64x128xf32, #tpu.memory_space<hbm>>) target_semaphore(%run_scoped3A : memref<!tpu.dma_semaphore, #tpu.memory_space<semaphore_mem>>)
        %dma_wait3A_32 = arith.constant 0 : i32
        %dma_wait3A_33 = arith.constant 0 : i32
        %dma_wait3A_34 = tpu.memref_slice %arg6[%dma_wait3A_32, %dma_wait3A_33] : memref<256x128xf32, #tpu.memory_space<vmem>> -> memref<64x128xf32, #tpu.memory_space<vmem>>
        %dma_wait3A_35 = arith.constant 124928 : i32
        %dma_wait3A_36 = arith.constant 0 : i32
        %dma_wait3A_37 = tpu.memref_slice %arg4[%dma_wait3A_35, %dma_wait3A_36] : memref<125000x128xf32, #tpu.memory_space<hbm>> -> memref<64x128xf32, #tpu.memory_space<hbm>>
        %dma_wait3A_38 = arith.constant 124928 : i32
        %dma_wait3A_39 = arith.constant 0 : i32
        %dma_wait3A_40 = tpu.memref_slice %arg4[%dma_wait3A_38, %dma_wait3A_39] : memref<125000x128xf32, #tpu.memory_space<hbm>> -> memref<64x128xf32, #tpu.memory_space<hbm>>
        %dma_wait3A_41 = arith.constant 0 : i32
        %dma_wait3A_42 = arith.constant 0 : i32
        %dma_wait3A_43 = tpu.memref_slice %arg6[%dma_wait3A_41, %dma_wait3A_42] : memref<256x128xf32, #tpu.memory_space<vmem>> -> memref<64x128xf32, #tpu.memory_space<vmem>>
        tpu.wait_dma2 semaphore(%run_scoped3A : memref<!tpu.dma_semaphore, #tpu.memory_space<semaphore_mem>>) src(%dma_wait3A_43 : memref<64x128xf32, #tpu.memory_space<vmem>>) dst(%dma_wait3A_40 : memref<64x128xf32, #tpu.memory_space<hbm>>)
        tpu.yield
      }) : () -> ()
    } else {
    }
    %eq3A_14 = arith.constant 0 : i32
    %eq3A_15 = arith.cmpi eq, %add3A, %eq3A_14 : i32
    %convert_element_type3A_16 = arith.extui %eq3A_15 : i1 to i32
    %cond3A_17 = arith.constant 0 : i32
    %cond3A_18 = arith.cmpi ne, %convert_element_type3A_16, %cond3A_17 : i32
    scf.if %cond3A_18 {
      "tpu.region"() ({
        %run_scoped3A = tpu.sem_alloc : memref<!tpu.dma_semaphore, #tpu.memory_space<semaphore_mem>>
        %dma_start3A = arith.constant 0 : i32
        %dma_start3A_21 = arith.constant 0 : i32
        %dma_start3A_22 = tpu.memref_slice %arg5[%dma_start3A, %dma_start3A_21] : memref<16x2048xf32, #tpu.memory_space<vmem>> -> memref<16x128xf32, #tpu.memory_space<vmem>>
        %dma_start3A_23 = arith.constant 0 : i32
        %dma_start3A_24 = arith.constant 0 : i32
        %dma_start3A_25 = tpu.memref_slice %arg5[%dma_start3A_23, %dma_start3A_24] : memref<16x2048xf32, #tpu.memory_space<vmem>> -> memref<16x128xf32, #tpu.memory_space<vmem>>
        tpu.enqueue_dma source(%arg3 : memref<16x128xf32, #tpu.memory_space<hbm>>) target(%dma_start3A_25 : memref<16x128xf32, #tpu.memory_space<vmem>>) target_semaphore(%run_scoped3A : memref<!tpu.dma_semaphore, #tpu.memory_space<semaphore_mem>>)
        %dma_wait3A_26 = arith.constant 0 : i32
        %dma_wait3A_27 = arith.constant 0 : i32
        %dma_wait3A_28 = tpu.memref_slice %arg5[%dma_wait3A_26, %dma_wait3A_27] : memref<16x2048xf32, #tpu.memory_space<vmem>> -> memref<16x128xf32, #tpu.memory_space<vmem>>
        %dma_wait3A_29 = arith.constant 0 : i32
        %dma_wait3A_30 = arith.constant 0 : i32
        %dma_wait3A_31 = tpu.memref_slice %arg5[%dma_wait3A_29, %dma_wait3A_30] : memref<16x2048xf32, #tpu.memory_space<vmem>> -> memref<16x128xf32, #tpu.memory_space<vmem>>
        tpu.wait_dma2 semaphore(%run_scoped3A : memref<!tpu.dma_semaphore, #tpu.memory_space<semaphore_mem>>) src(%arg3 : memref<16x128xf32, #tpu.memory_space<hbm>>) dst(%dma_wait3A_31 : memref<16x128xf32, #tpu.memory_space<vmem>>)
        tpu.yield
      }) : () -> ()
      %iota3A = tpu.iota {dimensions = array<i32: 0>} : vector<16xi32>
      %parallel_loop3A = arith.constant 0 : i32
      %parallel_loop3A_19 = arith.constant 16 : i32
      %parallel_loop3A_20 = arith.constant 1 : i32
      scf.for %parallel_loop3A_21 = %parallel_loop3A to %parallel_loop3A_19 step %parallel_loop3A_20  : i32 {
        %parallel_loop3A_22 = arith.constant 8 : i32
        %parallel_loop3A_23 = arith.muli %parallel_loop3A_21, %parallel_loop3A_22 : i32
        %parallel_loop3A_24 = arith.constant 0 : i32
        %parallel_loop3A_25 = arith.addi %parallel_loop3A_23, %parallel_loop3A_24 : i32
        %parallel_loop3A_26 = vector.broadcast %parallel_loop3A_25 : i32 to vector<16xi32>
        %parallel_loop3A_27 = tpu.vector_load_idx %arg5[%iota3A, %parallel_loop3A_26] : memref<16x2048xf32, #tpu.memory_space<vmem>>[vector<16xi32>, vector<16xi32>], vector<16xf32>,
        %parallel_loop3A_28 = arith.index_cast %parallel_loop3A_21 : i32 to index
        %parallel_loop3A_29 = arith.constant 0 : index
        %parallel_loop3A_30 = tpu.vector_load %arg6[%parallel_loop3A_28, %parallel_loop3A_29] {strides = array<i32>} : memref<256x128xf32, #tpu.memory_space<vmem>>, vector<16xf32>,
        tpu.vector_store %arg6[%parallel_loop3A_28, %parallel_loop3A_29], %parallel_loop3A_27 {strides = array<i32>} : memref<256x128xf32, #tpu.memory_space<vmem>>, vector<16xf32>,
        %parallel_loop3A_31 = arith.constant 8 : i32
        %parallel_loop3A_32 = arith.muli %parallel_loop3A_21, %parallel_loop3A_31 : i32
        %parallel_loop3A_33 = arith.constant 1 : i32
        %parallel_loop3A_34 = arith.addi %parallel_loop3A_32, %parallel_loop3A_33 : i32
        %parallel_loop3A_35 = vector.broadcast %parallel_loop3A_34 : i32 to vector<16xi32>
        %parallel_loop3A_36 = tpu.vector_load_idx %arg5[%iota3A, %parallel_loop3A_35] : memref<16x2048xf32, #tpu.memory_space<vmem>>[vector<16xi32>, vector<16xi32>], vector<16xf32>,
        %parallel_loop3A_37 = arith.index_cast %parallel_loop3A_21 : i32 to index
        %parallel_loop3A_38 = arith.constant 16 : index
        %parallel_loop3A_39 = tpu.vector_load %arg6[%parallel_loop3A_37, %parallel_loop3A_38] {strides = array<i32>} : memref<256x128xf32, #tpu.memory_space<vmem>>, vector<16xf32>,
        tpu.vector_store %arg6[%parallel_loop3A_37, %parallel_loop3A_38], %parallel_loop3A_36 {strides = array<i32>} : memref<256x128xf32, #tpu.memory_space<vmem>>, vector<16xf32>,
        %parallel_loop3A_40 = arith.constant 8 : i32
        %parallel_loop3A_41 = arith.muli %parallel_loop3A_21, %parallel_loop3A_40 : i32
        %parallel_loop3A_42 = arith.constant 2 : i32
        %parallel_loop3A_43 = arith.addi %parallel_loop3A_41, %parallel_loop3A_42 : i32
        %parallel_loop3A_44 = vector.broadcast %parallel_loop3A_43 : i32 to vector<16xi32>
        %parallel_loop3A_45 = tpu.vector_load_idx %arg5[%iota3A, %parallel_loop3A_44] : memref<16x2048xf32, #tpu.memory_space<vmem>>[vector<16xi32>, vector<16xi32>], vector<16xf32>,
        %parallel_loop3A_46 = arith.index_cast %parallel_loop3A_21 : i32 to index
        %parallel_loop3A_47 = arith.constant 32 : index
        %parallel_loop3A_48 = tpu.vector_load %arg6[%parallel_loop3A_46, %parallel_loop3A_47] {strides = array<i32>} : memref<256x128xf32, #tpu.memory_space<vmem>>, vector<16xf32>,
        tpu.vector_store %arg6[%parallel_loop3A_46, %parallel_loop3A_47], %parallel_loop3A_45 {strides = array<i32>} : memref<256x128xf32, #tpu.memory_space<vmem>>, vector<16xf32>,
        %parallel_loop3A_49 = arith.constant 8 : i32
        %parallel_loop3A_50 = arith.muli %parallel_loop3A_21, %parallel_loop3A_49 : i32
        %parallel_loop3A_51 = arith.constant 3 : i32
        %parallel_loop3A_52 = arith.addi %parallel_loop3A_50, %parallel_loop3A_51 : i32
        %parallel_loop3A_53 = vector.broadcast %parallel_loop3A_52 : i32 to vector<16xi32>
        %parallel_loop3A_54 = tpu.vector_load_idx %arg5[%iota3A, %parallel_loop3A_53] : memref<16x2048xf32, #tpu.memory_space<vmem>>[vector<16xi32>, vector<16xi32>], vector<16xf32>,
        %parallel_loop3A_55 = arith.index_cast %parallel_loop3A_21 : i32 to index
        %parallel_loop3A_56 = arith.constant 48 : index
        %parallel_loop3A_57 = tpu.vector_load %arg6[%parallel_loop3A_55, %parallel_loop3A_56] {strides = array<i32>} : memref<256x128xf32, #tpu.memory_space<vmem>>, vector<16xf32>,
        tpu.vector_store %arg6[%parallel_loop3A_55, %parallel_loop3A_56], %parallel_loop3A_54 {strides = array<i32>} : memref<256x128xf32, #tpu.memory_space<vmem>>, vector<16xf32>,
        %parallel_loop3A_58 = arith.constant 8 : i32
        %parallel_loop3A_59 = arith.muli %parallel_loop3A_21, %parallel_loop3A_58 : i32
        %parallel_loop3A_60 = arith.constant 4 : i32
        %parallel_loop3A_61 = arith.addi %parallel_loop3A_59, %parallel_loop3A_60 : i32
        %parallel_loop3A_62 = vector.broadcast %parallel_loop3A_61 : i32 to vector<16xi32>
        %parallel_loop3A_63 = tpu.vector_load_idx %arg5[%iota3A, %parallel_loop3A_62] : memref<16x2048xf32, #tpu.memory_space<vmem>>[vector<16xi32>, vector<16xi32>], vector<16xf32>,
        %parallel_loop3A_64 = arith.index_cast %parallel_loop3A_21 : i32 to index
        %parallel_loop3A_65 = arith.constant 64 : index
        %parallel_loop3A_66 = tpu.vector_load %arg6[%parallel_loop3A_64, %parallel_loop3A_65] {strides = array<i32>} : memref<256x128xf32, #tpu.memory_space<vmem>>, vector<16xf32>,
        tpu.vector_store %arg6[%parallel_loop3A_64, %parallel_loop3A_65], %parallel_loop3A_63 {strides = array<i32>} : memref<256x128xf32, #tpu.memory_space<vmem>>, vector<16xf32>,
        %parallel_loop3A_67 = arith.constant 8 : i32
        %parallel_loop3A_68 = arith.muli %parallel_loop3A_21, %parallel_loop3A_67 : i32
        %parallel_loop3A_69 = arith.constant 5 : i32
        %parallel_loop3A_70 = arith.addi %parallel_loop3A_68, %parallel_loop3A_69 : i32
        %parallel_loop3A_71 = vector.broadcast %parallel_loop3A_70 : i32 to vector<16xi32>
        %parallel_loop3A_72 = tpu.vector_load_idx %arg5[%iota3A, %parallel_loop3A_71] : memref<16x2048xf32, #tpu.memory_space<vmem>>[vector<16xi32>, vector<16xi32>], vector<16xf32>,
        %parallel_loop3A_73 = arith.index_cast %parallel_loop3A_21 : i32 to index
        %parallel_loop3A_74 = arith.constant 80 : index
        %parallel_loop3A_75 = tpu.vector_load %arg6[%parallel_loop3A_73, %parallel_loop3A_74] {strides = array<i32>} : memref<256x128xf32, #tpu.memory_space<vmem>>, vector<16xf32>,
        tpu.vector_store %arg6[%parallel_loop3A_73, %parallel_loop3A_74], %parallel_loop3A_72 {strides = array<i32>} : memref<256x128xf32, #tpu.memory_space<vmem>>, vector<16xf32>,
        %parallel_loop3A_76 = arith.constant 8 : i32
        %parallel_loop3A_77 = arith.muli %parallel_loop3A_21, %parallel_loop3A_76 : i32
        %parallel_loop3A_78 = arith.constant 6 : i32
        %parallel_loop3A_79 = arith.addi %parallel_loop3A_77, %parallel_loop3A_78 : i32
        %parallel_loop3A_80 = vector.broadcast %parallel_loop3A_79 : i32 to vector<16xi32>
        %parallel_loop3A_81 = tpu.vector_load_idx %arg5[%iota3A, %parallel_loop3A_80] : memref<16x2048xf32, #tpu.memory_space<vmem>>[vector<16xi32>, vector<16xi32>], vector<16xf32>,
        %parallel_loop3A_82 = arith.index_cast %parallel_loop3A_21 : i32 to index
        %parallel_loop3A_83 = arith.constant 96 : index
        %parallel_loop3A_84 = tpu.vector_load %arg6[%parallel_loop3A_82, %parallel_loop3A_83] {strides = array<i32>} : memref<256x128xf32, #tpu.memory_space<vmem>>, vector<16xf32>,
        tpu.vector_store %arg6[%parallel_loop3A_82, %parallel_loop3A_83], %parallel_loop3A_81 {strides = array<i32>} : memref<256x128xf32, #tpu.memory_space<vmem>>, vector<16xf32>,
        %parallel_loop3A_85 = arith.constant 8 : i32
        %parallel_loop3A_86 = arith.muli %parallel_loop3A_21, %parallel_loop3A_85 : i32
        %parallel_loop3A_87 = arith.constant 7 : i32
        %parallel_loop3A_88 = arith.addi %parallel_loop3A_86, %parallel_loop3A_87 : i32
        %parallel_loop3A_89 = vector.broadcast %parallel_loop3A_88 : i32 to vector<16xi32>
        %parallel_loop3A_90 = tpu.vector_load_idx %arg5[%iota3A, %parallel_loop3A_89] : memref<16x2048xf32, #tpu.memory_space<vmem>>[vector<16xi32>, vector<16xi32>], vector<16xf32>,
        %parallel_loop3A_91 = arith.index_cast %parallel_loop3A_21 : i32 to index
        %parallel_loop3A_92 = arith.constant 112 : index
        %parallel_loop3A_93 = tpu.vector_load %arg6[%parallel_loop3A_91, %parallel_loop3A_92] {strides = array<i32>} : memref<256x128xf32, #tpu.memory_space<vmem>>, vector<16xf32>,
        tpu.vector_store %arg6[%parallel_loop3A_91, %parallel_loop3A_92], %parallel_loop3A_90 {strides = array<i32>} : memref<256x128xf32, #tpu.memory_space<vmem>>, vector<16xf32>,
      } {sc.loop_unroll_factor = 4 : i64, sc.parallel_access}
      "tpu.region"() ({
        %run_scoped3A = tpu.sem_alloc : memref<!tpu.dma_semaphore, #tpu.memory_space<semaphore_mem>>
        %dma_start3A = arith.constant 0 : i32
        %dma_start3A_21 = arith.constant 0 : i32
        %dma_start3A_22 = tpu.memref_slice %arg6[%dma_start3A, %dma_start3A_21] : memref<256x128xf32, #tpu.memory_space<vmem>> -> memref<8x128xf32, #tpu.memory_space<vmem>>
        %dma_start3A_23 = arith.constant 124992 : i32
        %dma_start3A_24 = arith.constant 0 : i32
        %dma_start3A_25 = tpu.memref_slice %arg4[%dma_start3A_23, %dma_start3A_24] : memref<125000x128xf32, #tpu.memory_space<hbm>> -> memref<8x128xf32, #tpu.memory_space<hbm>>
        %dma_start3A_26 = arith.constant 124992 : i32
        %dma_start3A_27 = arith.constant 0 : i32
        %dma_start3A_28 = tpu.memref_slice %arg4[%dma_start3A_26, %dma_start3A_27] : memref<125000x128xf32, #tpu.memory_space<hbm>> -> memref<8x128xf32, #tpu.memory_space<hbm>>
        %dma_start3A_29 = arith.constant 0 : i32
        %dma_start3A_30 = arith.constant 0 : i32
        %dma_start3A_31 = tpu.memref_slice %arg6[%dma_start3A_29, %dma_start3A_30] : memref<256x128xf32, #tpu.memory_space<vmem>> -> memref<8x128xf32, #tpu.memory_space<vmem>>
        tpu.enqueue_dma source(%dma_start3A_31 : memref<8x128xf32, #tpu.memory_space<vmem>>) target(%dma_start3A_28 : memref<8x128xf32, #tpu.memory_space<hbm>>) target_semaphore(%run_scoped3A : memref<!tpu.dma_semaphore, #tpu.memory_space<semaphore_mem>>)
        %dma_wait3A_32 = arith.constant 0 : i32
        %dma_wait3A_33 = arith.constant 0 : i32
        %dma_wait3A_34 = tpu.memref_slice %arg6[%dma_wait3A_32, %dma_wait3A_33] : memref<256x128xf32, #tpu.memory_space<vmem>> -> memref<8x128xf32, #tpu.memory_space<vmem>>
        %dma_wait3A_35 = arith.constant 124992 : i32
        %dma_wait3A_36 = arith.constant 0 : i32
        %dma_wait3A_37 = tpu.memref_slice %arg4[%dma_wait3A_35, %dma_wait3A_36] : memref<125000x128xf32, #tpu.memory_space<hbm>> -> memref<8x128xf32, #tpu.memory_space<hbm>>
        %dma_wait3A_38 = arith.constant 124992 : i32
        %dma_wait3A_39 = arith.constant 0 : i32
        %dma_wait3A_40 = tpu.memref_slice %arg4[%dma_wait3A_38, %dma_wait3A_39] : memref<125000x128xf32, #tpu.memory_space<hbm>> -> memref<8x128xf32, #tpu.memory_space<hbm>>
        %dma_wait3A_41 = arith.constant 0 : i32
        %dma_wait3A_42 = arith.constant 0 : i32
        %dma_wait3A_43 = tpu.memref_slice %arg6[%dma_wait3A_41, %dma_wait3A_42] : memref<256x128xf32, #tpu.memory_space<vmem>> -> memref<8x128xf32, #tpu.memory_space<vmem>>
        tpu.wait_dma2 semaphore(%run_scoped3A : memref<!tpu.dma_semaphore, #tpu.memory_space<semaphore_mem>>) src(%dma_wait3A_43 : memref<8x128xf32, #tpu.memory_space<vmem>>) dst(%dma_wait3A_40 : memref<8x128xf32, #tpu.memory_space<hbm>>)
        tpu.yield
      }) : () -> ()
    } else {
    }
    return
  }
}

#map = affine_map<(d0, d1) -> (0, 0, 0)>
module attributes {stable_mosaic.version = 14 : i64} {
  func.func @_retile_kernel(%arg0: i32, %arg1: i32, %arg2: memref<26x2048x128xf32, #tpu.memory_space<hbm>>, %arg3: memref<26x16x16384xf32, #tpu.memory_space<hbm>>, %arg4: memref<128x128xf32, #tpu.memory_space<vmem>>, %arg5: memref<16x1024xf32, #tpu.memory_space<vmem>>) attributes {dimension_semantics = [#tpu.dimension_semantics<core_parallel>, #tpu.dimension_semantics<subcore_parallel>], iteration_bounds = array<i64: 2, 16>, scalar_prefetch = 0 : i64, scratch_operands = 2 : i64, tpu.core_type = #tpu.core_type<sc_vector_subcore>, window_params = [{transform_indices = #map}, {transform_indices = #map}]} {
    %iota3A = tpu.iota {dimensions = array<i32: 0>} : vector<16xi32>
    %shift_right_arithmetic3A = arith.constant 3 : i32
    %shift_right_arithmetic3A_0 = vector.broadcast %shift_right_arithmetic3A : i32 to vector<16xi32>
    %shift_right_arithmetic3A_1 = arith.shrsi %iota3A, %shift_right_arithmetic3A_0 : vector<16xi32>
    %and3A = arith.constant 7 : i32
    %and3A_2 = vector.broadcast %and3A : i32 to vector<16xi32>
    %and3A_3 = arith.andi %iota3A, %and3A_2 : vector<16xi32>
    %mul3A = arith.constant 16 : i32
    %mul3A_4 = vector.broadcast %mul3A : i32 to vector<16xi32>
    %mul3A_5 = arith.muli %and3A_3, %mul3A_4 : vector<16xi32>
    %mul3A_6 = arith.constant 2 : i32
    %mul3A_7 = arith.muli %arg1, %mul3A_6 : i32
    %add3A = arith.addi %mul3A_7, %arg0 : i32
    %mul3A_8 = arith.constant 13 : i32
    %mul3A_9 = arith.muli %add3A, %mul3A_8 : i32
    %add3A_10 = arith.constant 1 : i32
    %add3A_11 = arith.addi %add3A, %add3A_10 : i32
    %mul3A_12 = arith.constant 13 : i32
    %mul3A_13 = arith.muli %add3A_11, %mul3A_12 : i32
    %while3A = arith.constant 0 : i32
    %while3A_14 = arith.subi %mul3A_13, %mul3A_9 : i32
    %while3A_15 = arith.addi %mul3A_9, %while3A_14 : i32
    %while3A_16 = arith.constant 1 : i32
    %while3A_17 = arith.divsi %while3A_14, %while3A_16 : i32
    %while3A_18 = arith.muli %while3A_17, %while3A_16 : i32
    %while3A_19 = arith.addi %mul3A_9, %while3A_18 : i32
    %while3A_20 = arith.constant 1 : i32
    %while3A_21 = scf.for %while3A_24 = %mul3A_9 to %while3A_19 step %while3A_20 iter_args(%while3A_25 = %while3A) -> (i32)  : i32 {
      %jit3A = arith.constant 16 : i32
      %div3A = arith.divsi %while3A_24, %jit3A : i32
      %sign3A = arith.constant 0 : i32
      %sign3A_26 = arith.cmpi sgt, %while3A_24, %sign3A : i32
      %sign3A_27 = arith.extui %sign3A_26 : i1 to i32
      %sign3A_28 = arith.constant 0 : i32
      %sign3A_29 = arith.cmpi slt, %while3A_24, %sign3A_28 : i32
      %sign3A_30 = arith.extui %sign3A_29 : i1 to i32
      %sign3A_31 = arith.subi %sign3A_27, %sign3A_30 : i32
      %sign3A_32 = arith.constant 0 : i32
      %sign3A_33 = arith.cmpi sgt, %jit3A, %sign3A_32 : i32
      %sign3A_34 = arith.extui %sign3A_33 : i1 to i32
      %sign3A_35 = arith.constant 0 : i32
      %sign3A_36 = arith.cmpi slt, %jit3A, %sign3A_35 : i32
      %sign3A_37 = arith.extui %sign3A_36 : i1 to i32
      %sign3A_38 = arith.subi %sign3A_34, %sign3A_37 : i32
      %ne3A = arith.cmpi ne, %sign3A_31, %sign3A_38 : i32
      %rem3A = arith.remsi %while3A_24, %jit3A : i32
      %ne3A_39 = arith.constant 0 : i32
      %ne3A_40 = arith.cmpi ne, %rem3A, %ne3A_39 : i32
      %and3A_41 = arith.andi %ne3A, %ne3A_40 : i1
      %sub3A = arith.constant 1 : i32
      %sub3A_42 = arith.subi %div3A, %sub3A : i32
      %select_n3A = arith.select %and3A_41, %sub3A_42, %div3A : i32
      %jit3A_43 = arith.constant 16 : i32
      %eq3A = arith.constant 0 : i32
      %eq3A_44 = arith.cmpi eq, %jit3A_43, %eq3A : i32
      %jit3A_45 = arith.constant 1 : i32
      %select_n3A_46 = arith.select %eq3A_44, %jit3A_45, %jit3A_43 : i32
      %rem3A_47 = arith.remsi %while3A_24, %select_n3A_46 : i32
      %ne3A_48 = arith.constant 0 : i32
      %ne3A_49 = arith.cmpi ne, %rem3A_47, %ne3A_48 : i32
      %lt3A = arith.constant 0 : i32
      %lt3A_50 = arith.cmpi slt, %rem3A_47, %lt3A : i32
      %lt3A_51 = arith.constant 0 : i32
      %lt3A_52 = arith.cmpi slt, %select_n3A_46, %lt3A_51 : i32
      %ne3A_53 = arith.xori %lt3A_50, %lt3A_52 : i1
      %and3A_54 = arith.andi %ne3A_53, %ne3A_49 : i1
      %add3A_55 = arith.addi %rem3A_47, %select_n3A_46 : i32
      %select_n3A_56 = arith.select %and3A_54, %add3A_55, %rem3A_47 : i32
      %mul3A_57 = arith.constant 128 : i32
      %mul3A_58 = arith.muli %select_n3A_56, %mul3A_57 : i32
      "tpu.region"() ({
        %run_scoped3A = tpu.sem_alloc : memref<!tpu.dma_semaphore, #tpu.memory_space<semaphore_mem>>
        %dma_start3A = arith.constant 0 : i32
        %dma_start3A_157 = tpu.memref_slice %arg2[%select_n3A, %mul3A_58, %dma_start3A] : memref<26x2048x128xf32, #tpu.memory_space<hbm>> -> memref<1x128x128xf32, #tpu.memory_space<hbm>>
        %dma_start3A_158 = tpu.memref_squeeze %dma_start3A_157 : memref<1x128x128xf32, #tpu.memory_space<hbm>> -> memref<128x128xf32, #tpu.memory_space<hbm>>
        %dma_start3A_159 = arith.constant 0 : i32
        %dma_start3A_160 = tpu.memref_slice %arg2[%select_n3A, %mul3A_58, %dma_start3A_159] : memref<26x2048x128xf32, #tpu.memory_space<hbm>> -> memref<1x128x128xf32, #tpu.memory_space<hbm>>
        %dma_start3A_161 = tpu.memref_squeeze %dma_start3A_160 : memref<1x128x128xf32, #tpu.memory_space<hbm>> -> memref<128x128xf32, #tpu.memory_space<hbm>>
        tpu.enqueue_dma source(%dma_start3A_161 : memref<128x128xf32, #tpu.memory_space<hbm>>) target(%arg4 : memref<128x128xf32, #tpu.memory_space<vmem>>) target_semaphore(%run_scoped3A : memref<!tpu.dma_semaphore, #tpu.memory_space<semaphore_mem>>)
        %dma_wait3A = arith.constant 0 : i32
        %dma_wait3A_162 = tpu.memref_slice %arg2[%select_n3A, %mul3A_58, %dma_wait3A] : memref<26x2048x128xf32, #tpu.memory_space<hbm>> -> memref<1x128x128xf32, #tpu.memory_space<hbm>>
        %dma_wait3A_163 = tpu.memref_squeeze %dma_wait3A_162 : memref<1x128x128xf32, #tpu.memory_space<hbm>> -> memref<128x128xf32, #tpu.memory_space<hbm>>
        %dma_wait3A_164 = arith.constant 0 : i32
        %dma_wait3A_165 = tpu.memref_slice %arg2[%select_n3A, %mul3A_58, %dma_wait3A_164] : memref<26x2048x128xf32, #tpu.memory_space<hbm>> -> memref<1x128x128xf32, #tpu.memory_space<hbm>>
        %dma_wait3A_166 = tpu.memref_squeeze %dma_wait3A_165 : memref<1x128x128xf32, #tpu.memory_space<hbm>> -> memref<128x128xf32, #tpu.memory_space<hbm>>
        tpu.wait_dma2 semaphore(%run_scoped3A : memref<!tpu.dma_semaphore, #tpu.memory_space<semaphore_mem>>) src(%dma_wait3A_166 : memref<128x128xf32, #tpu.memory_space<hbm>>) dst(%arg4 : memref<128x128xf32, #tpu.memory_space<vmem>>)
        tpu.yield
      }) : () -> ()
      %add3A_59 = arith.constant 0 : i32
      %add3A_60 = vector.broadcast %add3A_59 : i32 to vector<16xi32>
      %add3A_61 = arith.addi %mul3A_5, %add3A_60 : vector<16xi32>
      %parallel_loop3A = arith.constant 0 : i32
      %parallel_loop3A_62 = arith.constant 64 : i32
      %parallel_loop3A_63 = arith.constant 1 : i32
      scf.for %parallel_loop3A_157 = %parallel_loop3A to %parallel_loop3A_62 step %parallel_loop3A_63  : i32 {
        %parallel_loop3A_158 = arith.constant 2 : i32
        %parallel_loop3A_159 = arith.muli %parallel_loop3A_158, %parallel_loop3A_157 : i32
        %parallel_loop3A_160 = vector.broadcast %parallel_loop3A_159 : i32 to vector<16xi32>
        %parallel_loop3A_161 = arith.addi %shift_right_arithmetic3A_1, %parallel_loop3A_160 : vector<16xi32>
        %parallel_loop3A_162 = tpu.vector_load_idx %arg4[%parallel_loop3A_161, %add3A_61] : memref<128x128xf32, #tpu.memory_space<vmem>>[vector<16xi32>, vector<16xi32>], vector<16xf32>,
        %parallel_loop3A_163 = arith.constant 16 : i32
        %parallel_loop3A_164 = arith.muli %parallel_loop3A_157, %parallel_loop3A_163 : i32
        %parallel_loop3A_165 = arith.constant 0 : i32
        %parallel_loop3A_166 = arith.index_cast %parallel_loop3A_165 : i32 to index
        %parallel_loop3A_167 = arith.index_cast %parallel_loop3A_164 : i32 to index
        %parallel_loop3A_168 = tpu.vector_load %arg5[%parallel_loop3A_166, %parallel_loop3A_167] {strides = array<i32>} : memref<16x1024xf32, #tpu.memory_space<vmem>>, vector<16xf32>,
        tpu.vector_store %arg5[%parallel_loop3A_166, %parallel_loop3A_167], %parallel_loop3A_162 {strides = array<i32>} : memref<16x1024xf32, #tpu.memory_space<vmem>>, vector<16xf32>,
      } {sc.loop_unroll_factor = 4 : i64, sc.parallel_access}
      %add3A_64 = arith.constant 1 : i32
      %add3A_65 = vector.broadcast %add3A_64 : i32 to vector<16xi32>
      %add3A_66 = arith.addi %mul3A_5, %add3A_65 : vector<16xi32>
      %parallel_loop3A_67 = arith.constant 0 : i32
      %parallel_loop3A_68 = arith.constant 64 : i32
      %parallel_loop3A_69 = arith.constant 1 : i32
      scf.for %parallel_loop3A_157 = %parallel_loop3A_67 to %parallel_loop3A_68 step %parallel_loop3A_69  : i32 {
        %parallel_loop3A_158 = arith.constant 2 : i32
        %parallel_loop3A_159 = arith.muli %parallel_loop3A_158, %parallel_loop3A_157 : i32
        %parallel_loop3A_160 = vector.broadcast %parallel_loop3A_159 : i32 to vector<16xi32>
        %parallel_loop3A_161 = arith.addi %shift_right_arithmetic3A_1, %parallel_loop3A_160 : vector<16xi32>
        %parallel_loop3A_162 = tpu.vector_load_idx %arg4[%parallel_loop3A_161, %add3A_66] : memref<128x128xf32, #tpu.memory_space<vmem>>[vector<16xi32>, vector<16xi32>], vector<16xf32>,
        %parallel_loop3A_163 = arith.constant 16 : i32
        %parallel_loop3A_164 = arith.muli %parallel_loop3A_157, %parallel_loop3A_163 : i32
        %parallel_loop3A_165 = arith.constant 1 : i32
        %parallel_loop3A_166 = arith.index_cast %parallel_loop3A_165 : i32 to index
        %parallel_loop3A_167 = arith.index_cast %parallel_loop3A_164 : i32 to index
        %parallel_loop3A_168 = tpu.vector_load %arg5[%parallel_loop3A_166, %parallel_loop3A_167] {strides = array<i32>} : memref<16x1024xf32, #tpu.memory_space<vmem>>, vector<16xf32>,
        tpu.vector_store %arg5[%parallel_loop3A_166, %parallel_loop3A_167], %parallel_loop3A_162 {strides = array<i32>} : memref<16x1024xf32, #tpu.memory_space<vmem>>, vector<16xf32>,
      } {sc.loop_unroll_factor = 4 : i64, sc.parallel_access}
      %add3A_70 = arith.constant 2 : i32
      %add3A_71 = vector.broadcast %add3A_70 : i32 to vector<16xi32>
      %add3A_72 = arith.addi %mul3A_5, %add3A_71 : vector<16xi32>
      %parallel_loop3A_73 = arith.constant 0 : i32
      %parallel_loop3A_74 = arith.constant 64 : i32
      %parallel_loop3A_75 = arith.constant 1 : i32
      scf.for %parallel_loop3A_157 = %parallel_loop3A_73 to %parallel_loop3A_74 step %parallel_loop3A_75  : i32 {
        %parallel_loop3A_158 = arith.constant 2 : i32
        %parallel_loop3A_159 = arith.muli %parallel_loop3A_158, %parallel_loop3A_157 : i32
        %parallel_loop3A_160 = vector.broadcast %parallel_loop3A_159 : i32 to vector<16xi32>
        %parallel_loop3A_161 = arith.addi %shift_right_arithmetic3A_1, %parallel_loop3A_160 : vector<16xi32>
        %parallel_loop3A_162 = tpu.vector_load_idx %arg4[%parallel_loop3A_161, %add3A_72] : memref<128x128xf32, #tpu.memory_space<vmem>>[vector<16xi32>, vector<16xi32>], vector<16xf32>,
        %parallel_loop3A_163 = arith.constant 16 : i32
        %parallel_loop3A_164 = arith.muli %parallel_loop3A_157, %parallel_loop3A_163 : i32
        %parallel_loop3A_165 = arith.constant 2 : i32
        %parallel_loop3A_166 = arith.index_cast %parallel_loop3A_165 : i32 to index
        %parallel_loop3A_167 = arith.index_cast %parallel_loop3A_164 : i32 to index
        %parallel_loop3A_168 = tpu.vector_load %arg5[%parallel_loop3A_166, %parallel_loop3A_167] {strides = array<i32>} : memref<16x1024xf32, #tpu.memory_space<vmem>>, vector<16xf32>,
        tpu.vector_store %arg5[%parallel_loop3A_166, %parallel_loop3A_167], %parallel_loop3A_162 {strides = array<i32>} : memref<16x1024xf32, #tpu.memory_space<vmem>>, vector<16xf32>,
      } {sc.loop_unroll_factor = 4 : i64, sc.parallel_access}
      %add3A_76 = arith.constant 3 : i32
      %add3A_77 = vector.broadcast %add3A_76 : i32 to vector<16xi32>
      %add3A_78 = arith.addi %mul3A_5, %add3A_77 : vector<16xi32>
      %parallel_loop3A_79 = arith.constant 0 : i32
      %parallel_loop3A_80 = arith.constant 64 : i32
      %parallel_loop3A_81 = arith.constant 1 : i32
      scf.for %parallel_loop3A_157 = %parallel_loop3A_79 to %parallel_loop3A_80 step %parallel_loop3A_81  : i32 {
        %parallel_loop3A_158 = arith.constant 2 : i32
        %parallel_loop3A_159 = arith.muli %parallel_loop3A_158, %parallel_loop3A_157 : i32
        %parallel_loop3A_160 = vector.broadcast %parallel_loop3A_159 : i32 to vector<16xi32>
        %parallel_loop3A_161 = arith.addi %shift_right_arithmetic3A_1, %parallel_loop3A_160 : vector<16xi32>
        %parallel_loop3A_162 = tpu.vector_load_idx %arg4[%parallel_loop3A_161, %add3A_78] : memref<128x128xf32, #tpu.memory_space<vmem>>[vector<16xi32>, vector<16xi32>], vector<16xf32>,
        %parallel_loop3A_163 = arith.constant 16 : i32
        %parallel_loop3A_164 = arith.muli %parallel_loop3A_157, %parallel_loop3A_163 : i32
        %parallel_loop3A_165 = arith.constant 3 : i32
        %parallel_loop3A_166 = arith.index_cast %parallel_loop3A_165 : i32 to index
        %parallel_loop3A_167 = arith.index_cast %parallel_loop3A_164 : i32 to index
        %parallel_loop3A_168 = tpu.vector_load %arg5[%parallel_loop3A_166, %parallel_loop3A_167] {strides = array<i32>} : memref<16x1024xf32, #tpu.memory_space<vmem>>, vector<16xf32>,
        tpu.vector_store %arg5[%parallel_loop3A_166, %parallel_loop3A_167], %parallel_loop3A_162 {strides = array<i32>} : memref<16x1024xf32, #tpu.memory_space<vmem>>, vector<16xf32>,
      } {sc.loop_unroll_factor = 4 : i64, sc.parallel_access}
      %add3A_82 = arith.constant 4 : i32
      %add3A_83 = vector.broadcast %add3A_82 : i32 to vector<16xi32>
      %add3A_84 = arith.addi %mul3A_5, %add3A_83 : vector<16xi32>
      %parallel_loop3A_85 = arith.constant 0 : i32
      %parallel_loop3A_86 = arith.constant 64 : i32
      %parallel_loop3A_87 = arith.constant 1 : i32
      scf.for %parallel_loop3A_157 = %parallel_loop3A_85 to %parallel_loop3A_86 step %parallel_loop3A_87  : i32 {
        %parallel_loop3A_158 = arith.constant 2 : i32
        %parallel_loop3A_159 = arith.muli %parallel_loop3A_158, %parallel_loop3A_157 : i32
        %parallel_loop3A_160 = vector.broadcast %parallel_loop3A_159 : i32 to vector<16xi32>
        %parallel_loop3A_161 = arith.addi %shift_right_arithmetic3A_1, %parallel_loop3A_160 : vector<16xi32>
        %parallel_loop3A_162 = tpu.vector_load_idx %arg4[%parallel_loop3A_161, %add3A_84] : memref<128x128xf32, #tpu.memory_space<vmem>>[vector<16xi32>, vector<16xi32>], vector<16xf32>,
        %parallel_loop3A_163 = arith.constant 16 : i32
        %parallel_loop3A_164 = arith.muli %parallel_loop3A_157, %parallel_loop3A_163 : i32
        %parallel_loop3A_165 = arith.constant 4 : i32
        %parallel_loop3A_166 = arith.index_cast %parallel_loop3A_165 : i32 to index
        %parallel_loop3A_167 = arith.index_cast %parallel_loop3A_164 : i32 to index
        %parallel_loop3A_168 = tpu.vector_load %arg5[%parallel_loop3A_166, %parallel_loop3A_167] {strides = array<i32>} : memref<16x1024xf32, #tpu.memory_space<vmem>>, vector<16xf32>,
        tpu.vector_store %arg5[%parallel_loop3A_166, %parallel_loop3A_167], %parallel_loop3A_162 {strides = array<i32>} : memref<16x1024xf32, #tpu.memory_space<vmem>>, vector<16xf32>,
      } {sc.loop_unroll_factor = 4 : i64, sc.parallel_access}
      %add3A_88 = arith.constant 5 : i32
      %add3A_89 = vector.broadcast %add3A_88 : i32 to vector<16xi32>
      %add3A_90 = arith.addi %mul3A_5, %add3A_89 : vector<16xi32>
      %parallel_loop3A_91 = arith.constant 0 : i32
      %parallel_loop3A_92 = arith.constant 64 : i32
      %parallel_loop3A_93 = arith.constant 1 : i32
      scf.for %parallel_loop3A_157 = %parallel_loop3A_91 to %parallel_loop3A_92 step %parallel_loop3A_93  : i32 {
        %parallel_loop3A_158 = arith.constant 2 : i32
        %parallel_loop3A_159 = arith.muli %parallel_loop3A_158, %parallel_loop3A_157 : i32
        %parallel_loop3A_160 = vector.broadcast %parallel_loop3A_159 : i32 to vector<16xi32>
        %parallel_loop3A_161 = arith.addi %shift_right_arithmetic3A_1, %parallel_loop3A_160 : vector<16xi32>
        %parallel_loop3A_162 = tpu.vector_load_idx %arg4[%parallel_loop3A_161, %add3A_90] : memref<128x128xf32, #tpu.memory_space<vmem>>[vector<16xi32>, vector<16xi32>], vector<16xf32>,
        %parallel_loop3A_163 = arith.constant 16 : i32
        %parallel_loop3A_164 = arith.muli %parallel_loop3A_157, %parallel_loop3A_163 : i32
        %parallel_loop3A_165 = arith.constant 5 : i32
        %parallel_loop3A_166 = arith.index_cast %parallel_loop3A_165 : i32 to index
        %parallel_loop3A_167 = arith.index_cast %parallel_loop3A_164 : i32 to index
        %parallel_loop3A_168 = tpu.vector_load %arg5[%parallel_loop3A_166, %parallel_loop3A_167] {strides = array<i32>} : memref<16x1024xf32, #tpu.memory_space<vmem>>, vector<16xf32>,
        tpu.vector_store %arg5[%parallel_loop3A_166, %parallel_loop3A_167], %parallel_loop3A_162 {strides = array<i32>} : memref<16x1024xf32, #tpu.memory_space<vmem>>, vector<16xf32>,
      } {sc.loop_unroll_factor = 4 : i64, sc.parallel_access}
      %add3A_94 = arith.constant 6 : i32
      %add3A_95 = vector.broadcast %add3A_94 : i32 to vector<16xi32>
      %add3A_96 = arith.addi %mul3A_5, %add3A_95 : vector<16xi32>
      %parallel_loop3A_97 = arith.constant 0 : i32
      %parallel_loop3A_98 = arith.constant 64 : i32
      %parallel_loop3A_99 = arith.constant 1 : i32
      scf.for %parallel_loop3A_157 = %parallel_loop3A_97 to %parallel_loop3A_98 step %parallel_loop3A_99  : i32 {
        %parallel_loop3A_158 = arith.constant 2 : i32
        %parallel_loop3A_159 = arith.muli %parallel_loop3A_158, %parallel_loop3A_157 : i32
        %parallel_loop3A_160 = vector.broadcast %parallel_loop3A_159 : i32 to vector<16xi32>
        %parallel_loop3A_161 = arith.addi %shift_right_arithmetic3A_1, %parallel_loop3A_160 : vector<16xi32>
        %parallel_loop3A_162 = tpu.vector_load_idx %arg4[%parallel_loop3A_161, %add3A_96] : memref<128x128xf32, #tpu.memory_space<vmem>>[vector<16xi32>, vector<16xi32>], vector<16xf32>,
        %parallel_loop3A_163 = arith.constant 16 : i32
        %parallel_loop3A_164 = arith.muli %parallel_loop3A_157, %parallel_loop3A_163 : i32
        %parallel_loop3A_165 = arith.constant 6 : i32
        %parallel_loop3A_166 = arith.index_cast %parallel_loop3A_165 : i32 to index
        %parallel_loop3A_167 = arith.index_cast %parallel_loop3A_164 : i32 to index
        %parallel_loop3A_168 = tpu.vector_load %arg5[%parallel_loop3A_166, %parallel_loop3A_167] {strides = array<i32>} : memref<16x1024xf32, #tpu.memory_space<vmem>>, vector<16xf32>,
        tpu.vector_store %arg5[%parallel_loop3A_166, %parallel_loop3A_167], %parallel_loop3A_162 {strides = array<i32>} : memref<16x1024xf32, #tpu.memory_space<vmem>>, vector<16xf32>,
      } {sc.loop_unroll_factor = 4 : i64, sc.parallel_access}
      %add3A_100 = arith.constant 7 : i32
      %add3A_101 = vector.broadcast %add3A_100 : i32 to vector<16xi32>
      %add3A_102 = arith.addi %mul3A_5, %add3A_101 : vector<16xi32>
      %parallel_loop3A_103 = arith.constant 0 : i32
      %parallel_loop3A_104 = arith.constant 64 : i32
      %parallel_loop3A_105 = arith.constant 1 : i32
      scf.for %parallel_loop3A_157 = %parallel_loop3A_103 to %parallel_loop3A_104 step %parallel_loop3A_105  : i32 {
        %parallel_loop3A_158 = arith.constant 2 : i32
        %parallel_loop3A_159 = arith.muli %parallel_loop3A_158, %parallel_loop3A_157 : i32
        %parallel_loop3A_160 = vector.broadcast %parallel_loop3A_159 : i32 to vector<16xi32>
        %parallel_loop3A_161 = arith.addi %shift_right_arithmetic3A_1, %parallel_loop3A_160 : vector<16xi32>
        %parallel_loop3A_162 = tpu.vector_load_idx %arg4[%parallel_loop3A_161, %add3A_102] : memref<128x128xf32, #tpu.memory_space<vmem>>[vector<16xi32>, vector<16xi32>], vector<16xf32>,
        %parallel_loop3A_163 = arith.constant 16 : i32
        %parallel_loop3A_164 = arith.muli %parallel_loop3A_157, %parallel_loop3A_163 : i32
        %parallel_loop3A_165 = arith.constant 7 : i32
        %parallel_loop3A_166 = arith.index_cast %parallel_loop3A_165 : i32 to index
        %parallel_loop3A_167 = arith.index_cast %parallel_loop3A_164 : i32 to index
        %parallel_loop3A_168 = tpu.vector_load %arg5[%parallel_loop3A_166, %parallel_loop3A_167] {strides = array<i32>} : memref<16x1024xf32, #tpu.memory_space<vmem>>, vector<16xf32>,
        tpu.vector_store %arg5[%parallel_loop3A_166, %parallel_loop3A_167], %parallel_loop3A_162 {strides = array<i32>} : memref<16x1024xf32, #tpu.memory_space<vmem>>, vector<16xf32>,
      } {sc.loop_unroll_factor = 4 : i64, sc.parallel_access}
      %add3A_106 = arith.constant 8 : i32
      %add3A_107 = vector.broadcast %add3A_106 : i32 to vector<16xi32>
      %add3A_108 = arith.addi %mul3A_5, %add3A_107 : vector<16xi32>
      %parallel_loop3A_109 = arith.constant 0 : i32
      %parallel_loop3A_110 = arith.constant 64 : i32
      %parallel_loop3A_111 = arith.constant 1 : i32
      scf.for %parallel_loop3A_157 = %parallel_loop3A_109 to %parallel_loop3A_110 step %parallel_loop3A_111  : i32 {
        %parallel_loop3A_158 = arith.constant 2 : i32
        %parallel_loop3A_159 = arith.muli %parallel_loop3A_158, %parallel_loop3A_157 : i32
        %parallel_loop3A_160 = vector.broadcast %parallel_loop3A_159 : i32 to vector<16xi32>
        %parallel_loop3A_161 = arith.addi %shift_right_arithmetic3A_1, %parallel_loop3A_160 : vector<16xi32>
        %parallel_loop3A_162 = tpu.vector_load_idx %arg4[%parallel_loop3A_161, %add3A_108] : memref<128x128xf32, #tpu.memory_space<vmem>>[vector<16xi32>, vector<16xi32>], vector<16xf32>,
        %parallel_loop3A_163 = arith.constant 16 : i32
        %parallel_loop3A_164 = arith.muli %parallel_loop3A_157, %parallel_loop3A_163 : i32
        %parallel_loop3A_165 = arith.constant 8 : i32
        %parallel_loop3A_166 = arith.index_cast %parallel_loop3A_165 : i32 to index
        %parallel_loop3A_167 = arith.index_cast %parallel_loop3A_164 : i32 to index
        %parallel_loop3A_168 = tpu.vector_load %arg5[%parallel_loop3A_166, %parallel_loop3A_167] {strides = array<i32>} : memref<16x1024xf32, #tpu.memory_space<vmem>>, vector<16xf32>,
        tpu.vector_store %arg5[%parallel_loop3A_166, %parallel_loop3A_167], %parallel_loop3A_162 {strides = array<i32>} : memref<16x1024xf32, #tpu.memory_space<vmem>>, vector<16xf32>,
      } {sc.loop_unroll_factor = 4 : i64, sc.parallel_access}
      %add3A_112 = arith.constant 9 : i32
      %add3A_113 = vector.broadcast %add3A_112 : i32 to vector<16xi32>
      %add3A_114 = arith.addi %mul3A_5, %add3A_113 : vector<16xi32>
      %parallel_loop3A_115 = arith.constant 0 : i32
      %parallel_loop3A_116 = arith.constant 64 : i32
      %parallel_loop3A_117 = arith.constant 1 : i32
      scf.for %parallel_loop3A_157 = %parallel_loop3A_115 to %parallel_loop3A_116 step %parallel_loop3A_117  : i32 {
        %parallel_loop3A_158 = arith.constant 2 : i32
        %parallel_loop3A_159 = arith.muli %parallel_loop3A_158, %parallel_loop3A_157 : i32
        %parallel_loop3A_160 = vector.broadcast %parallel_loop3A_159 : i32 to vector<16xi32>
        %parallel_loop3A_161 = arith.addi %shift_right_arithmetic3A_1, %parallel_loop3A_160 : vector<16xi32>
        %parallel_loop3A_162 = tpu.vector_load_idx %arg4[%parallel_loop3A_161, %add3A_114] : memref<128x128xf32, #tpu.memory_space<vmem>>[vector<16xi32>, vector<16xi32>], vector<16xf32>,
        %parallel_loop3A_163 = arith.constant 16 : i32
        %parallel_loop3A_164 = arith.muli %parallel_loop3A_157, %parallel_loop3A_163 : i32
        %parallel_loop3A_165 = arith.constant 9 : i32
        %parallel_loop3A_166 = arith.index_cast %parallel_loop3A_165 : i32 to index
        %parallel_loop3A_167 = arith.index_cast %parallel_loop3A_164 : i32 to index
        %parallel_loop3A_168 = tpu.vector_load %arg5[%parallel_loop3A_166, %parallel_loop3A_167] {strides = array<i32>} : memref<16x1024xf32, #tpu.memory_space<vmem>>, vector<16xf32>,
        tpu.vector_store %arg5[%parallel_loop3A_166, %parallel_loop3A_167], %parallel_loop3A_162 {strides = array<i32>} : memref<16x1024xf32, #tpu.memory_space<vmem>>, vector<16xf32>,
      } {sc.loop_unroll_factor = 4 : i64, sc.parallel_access}
      %add3A_118 = arith.constant 10 : i32
      %add3A_119 = vector.broadcast %add3A_118 : i32 to vector<16xi32>
      %add3A_120 = arith.addi %mul3A_5, %add3A_119 : vector<16xi32>
      %parallel_loop3A_121 = arith.constant 0 : i32
      %parallel_loop3A_122 = arith.constant 64 : i32
      %parallel_loop3A_123 = arith.constant 1 : i32
      scf.for %parallel_loop3A_157 = %parallel_loop3A_121 to %parallel_loop3A_122 step %parallel_loop3A_123  : i32 {
        %parallel_loop3A_158 = arith.constant 2 : i32
        %parallel_loop3A_159 = arith.muli %parallel_loop3A_158, %parallel_loop3A_157 : i32
        %parallel_loop3A_160 = vector.broadcast %parallel_loop3A_159 : i32 to vector<16xi32>
        %parallel_loop3A_161 = arith.addi %shift_right_arithmetic3A_1, %parallel_loop3A_160 : vector<16xi32>
        %parallel_loop3A_162 = tpu.vector_load_idx %arg4[%parallel_loop3A_161, %add3A_120] : memref<128x128xf32, #tpu.memory_space<vmem>>[vector<16xi32>, vector<16xi32>], vector<16xf32>,
        %parallel_loop3A_163 = arith.constant 16 : i32
        %parallel_loop3A_164 = arith.muli %parallel_loop3A_157, %parallel_loop3A_163 : i32
        %parallel_loop3A_165 = arith.constant 10 : i32
        %parallel_loop3A_166 = arith.index_cast %parallel_loop3A_165 : i32 to index
        %parallel_loop3A_167 = arith.index_cast %parallel_loop3A_164 : i32 to index
        %parallel_loop3A_168 = tpu.vector_load %arg5[%parallel_loop3A_166, %parallel_loop3A_167] {strides = array<i32>} : memref<16x1024xf32, #tpu.memory_space<vmem>>, vector<16xf32>,
        tpu.vector_store %arg5[%parallel_loop3A_166, %parallel_loop3A_167], %parallel_loop3A_162 {strides = array<i32>} : memref<16x1024xf32, #tpu.memory_space<vmem>>, vector<16xf32>,
      } {sc.loop_unroll_factor = 4 : i64, sc.parallel_access}
      %add3A_124 = arith.constant 11 : i32
      %add3A_125 = vector.broadcast %add3A_124 : i32 to vector<16xi32>
      %add3A_126 = arith.addi %mul3A_5, %add3A_125 : vector<16xi32>
      %parallel_loop3A_127 = arith.constant 0 : i32
      %parallel_loop3A_128 = arith.constant 64 : i32
      %parallel_loop3A_129 = arith.constant 1 : i32
      scf.for %parallel_loop3A_157 = %parallel_loop3A_127 to %parallel_loop3A_128 step %parallel_loop3A_129  : i32 {
        %parallel_loop3A_158 = arith.constant 2 : i32
        %parallel_loop3A_159 = arith.muli %parallel_loop3A_158, %parallel_loop3A_157 : i32
        %parallel_loop3A_160 = vector.broadcast %parallel_loop3A_159 : i32 to vector<16xi32>
        %parallel_loop3A_161 = arith.addi %shift_right_arithmetic3A_1, %parallel_loop3A_160 : vector<16xi32>
        %parallel_loop3A_162 = tpu.vector_load_idx %arg4[%parallel_loop3A_161, %add3A_126] : memref<128x128xf32, #tpu.memory_space<vmem>>[vector<16xi32>, vector<16xi32>], vector<16xf32>,
        %parallel_loop3A_163 = arith.constant 16 : i32
        %parallel_loop3A_164 = arith.muli %parallel_loop3A_157, %parallel_loop3A_163 : i32
        %parallel_loop3A_165 = arith.constant 11 : i32
        %parallel_loop3A_166 = arith.index_cast %parallel_loop3A_165 : i32 to index
        %parallel_loop3A_167 = arith.index_cast %parallel_loop3A_164 : i32 to index
        %parallel_loop3A_168 = tpu.vector_load %arg5[%parallel_loop3A_166, %parallel_loop3A_167] {strides = array<i32>} : memref<16x1024xf32, #tpu.memory_space<vmem>>, vector<16xf32>,
        tpu.vector_store %arg5[%parallel_loop3A_166, %parallel_loop3A_167], %parallel_loop3A_162 {strides = array<i32>} : memref<16x1024xf32, #tpu.memory_space<vmem>>, vector<16xf32>,
      } {sc.loop_unroll_factor = 4 : i64, sc.parallel_access}
      %add3A_130 = arith.constant 12 : i32
      %add3A_131 = vector.broadcast %add3A_130 : i32 to vector<16xi32>
      %add3A_132 = arith.addi %mul3A_5, %add3A_131 : vector<16xi32>
      %parallel_loop3A_133 = arith.constant 0 : i32
      %parallel_loop3A_134 = arith.constant 64 : i32
      %parallel_loop3A_135 = arith.constant 1 : i32
      scf.for %parallel_loop3A_157 = %parallel_loop3A_133 to %parallel_loop3A_134 step %parallel_loop3A_135  : i32 {
        %parallel_loop3A_158 = arith.constant 2 : i32
        %parallel_loop3A_159 = arith.muli %parallel_loop3A_158, %parallel_loop3A_157 : i32
        %parallel_loop3A_160 = vector.broadcast %parallel_loop3A_159 : i32 to vector<16xi32>
        %parallel_loop3A_161 = arith.addi %shift_right_arithmetic3A_1, %parallel_loop3A_160 : vector<16xi32>
        %parallel_loop3A_162 = tpu.vector_load_idx %arg4[%parallel_loop3A_161, %add3A_132] : memref<128x128xf32, #tpu.memory_space<vmem>>[vector<16xi32>, vector<16xi32>], vector<16xf32>,
        %parallel_loop3A_163 = arith.constant 16 : i32
        %parallel_loop3A_164 = arith.muli %parallel_loop3A_157, %parallel_loop3A_163 : i32
        %parallel_loop3A_165 = arith.constant 12 : i32
        %parallel_loop3A_166 = arith.index_cast %parallel_loop3A_165 : i32 to index
        %parallel_loop3A_167 = arith.index_cast %parallel_loop3A_164 : i32 to index
        %parallel_loop3A_168 = tpu.vector_load %arg5[%parallel_loop3A_166, %parallel_loop3A_167] {strides = array<i32>} : memref<16x1024xf32, #tpu.memory_space<vmem>>, vector<16xf32>,
        tpu.vector_store %arg5[%parallel_loop3A_166, %parallel_loop3A_167], %parallel_loop3A_162 {strides = array<i32>} : memref<16x1024xf32, #tpu.memory_space<vmem>>, vector<16xf32>,
      } {sc.loop_unroll_factor = 4 : i64, sc.parallel_access}
      %add3A_136 = arith.constant 13 : i32
      %add3A_137 = vector.broadcast %add3A_136 : i32 to vector<16xi32>
      %add3A_138 = arith.addi %mul3A_5, %add3A_137 : vector<16xi32>
      %parallel_loop3A_139 = arith.constant 0 : i32
      %parallel_loop3A_140 = arith.constant 64 : i32
      %parallel_loop3A_141 = arith.constant 1 : i32
      scf.for %parallel_loop3A_157 = %parallel_loop3A_139 to %parallel_loop3A_140 step %parallel_loop3A_141  : i32 {
        %parallel_loop3A_158 = arith.constant 2 : i32
        %parallel_loop3A_159 = arith.muli %parallel_loop3A_158, %parallel_loop3A_157 : i32
        %parallel_loop3A_160 = vector.broadcast %parallel_loop3A_159 : i32 to vector<16xi32>
        %parallel_loop3A_161 = arith.addi %shift_right_arithmetic3A_1, %parallel_loop3A_160 : vector<16xi32>
        %parallel_loop3A_162 = tpu.vector_load_idx %arg4[%parallel_loop3A_161, %add3A_138] : memref<128x128xf32, #tpu.memory_space<vmem>>[vector<16xi32>, vector<16xi32>], vector<16xf32>,
        %parallel_loop3A_163 = arith.constant 16 : i32
        %parallel_loop3A_164 = arith.muli %parallel_loop3A_157, %parallel_loop3A_163 : i32
        %parallel_loop3A_165 = arith.constant 13 : i32
        %parallel_loop3A_166 = arith.index_cast %parallel_loop3A_165 : i32 to index
        %parallel_loop3A_167 = arith.index_cast %parallel_loop3A_164 : i32 to index
        %parallel_loop3A_168 = tpu.vector_load %arg5[%parallel_loop3A_166, %parallel_loop3A_167] {strides = array<i32>} : memref<16x1024xf32, #tpu.memory_space<vmem>>, vector<16xf32>,
        tpu.vector_store %arg5[%parallel_loop3A_166, %parallel_loop3A_167], %parallel_loop3A_162 {strides = array<i32>} : memref<16x1024xf32, #tpu.memory_space<vmem>>, vector<16xf32>,
      } {sc.loop_unroll_factor = 4 : i64, sc.parallel_access}
      %add3A_142 = arith.constant 14 : i32
      %add3A_143 = vector.broadcast %add3A_142 : i32 to vector<16xi32>
      %add3A_144 = arith.addi %mul3A_5, %add3A_143 : vector<16xi32>
      %parallel_loop3A_145 = arith.constant 0 : i32
      %parallel_loop3A_146 = arith.constant 64 : i32
      %parallel_loop3A_147 = arith.constant 1 : i32
      scf.for %parallel_loop3A_157 = %parallel_loop3A_145 to %parallel_loop3A_146 step %parallel_loop3A_147  : i32 {
        %parallel_loop3A_158 = arith.constant 2 : i32
        %parallel_loop3A_159 = arith.muli %parallel_loop3A_158, %parallel_loop3A_157 : i32
        %parallel_loop3A_160 = vector.broadcast %parallel_loop3A_159 : i32 to vector<16xi32>
        %parallel_loop3A_161 = arith.addi %shift_right_arithmetic3A_1, %parallel_loop3A_160 : vector<16xi32>
        %parallel_loop3A_162 = tpu.vector_load_idx %arg4[%parallel_loop3A_161, %add3A_144] : memref<128x128xf32, #tpu.memory_space<vmem>>[vector<16xi32>, vector<16xi32>], vector<16xf32>,
        %parallel_loop3A_163 = arith.constant 16 : i32
        %parallel_loop3A_164 = arith.muli %parallel_loop3A_157, %parallel_loop3A_163 : i32
        %parallel_loop3A_165 = arith.constant 14 : i32
        %parallel_loop3A_166 = arith.index_cast %parallel_loop3A_165 : i32 to index
        %parallel_loop3A_167 = arith.index_cast %parallel_loop3A_164 : i32 to index
        %parallel_loop3A_168 = tpu.vector_load %arg5[%parallel_loop3A_166, %parallel_loop3A_167] {strides = array<i32>} : memref<16x1024xf32, #tpu.memory_space<vmem>>, vector<16xf32>,
        tpu.vector_store %arg5[%parallel_loop3A_166, %parallel_loop3A_167], %parallel_loop3A_162 {strides = array<i32>} : memref<16x1024xf32, #tpu.memory_space<vmem>>, vector<16xf32>,
      } {sc.loop_unroll_factor = 4 : i64, sc.parallel_access}
      %add3A_148 = arith.constant 15 : i32
      %add3A_149 = vector.broadcast %add3A_148 : i32 to vector<16xi32>
      %add3A_150 = arith.addi %mul3A_5, %add3A_149 : vector<16xi32>
      %parallel_loop3A_151 = arith.constant 0 : i32
      %parallel_loop3A_152 = arith.constant 64 : i32
      %parallel_loop3A_153 = arith.constant 1 : i32
      scf.for %parallel_loop3A_157 = %parallel_loop3A_151 to %parallel_loop3A_152 step %parallel_loop3A_153  : i32 {
        %parallel_loop3A_158 = arith.constant 2 : i32
        %parallel_loop3A_159 = arith.muli %parallel_loop3A_158, %parallel_loop3A_157 : i32
        %parallel_loop3A_160 = vector.broadcast %parallel_loop3A_159 : i32 to vector<16xi32>
        %parallel_loop3A_161 = arith.addi %shift_right_arithmetic3A_1, %parallel_loop3A_160 : vector<16xi32>
        %parallel_loop3A_162 = tpu.vector_load_idx %arg4[%parallel_loop3A_161, %add3A_150] : memref<128x128xf32, #tpu.memory_space<vmem>>[vector<16xi32>, vector<16xi32>], vector<16xf32>,
        %parallel_loop3A_163 = arith.constant 16 : i32
        %parallel_loop3A_164 = arith.muli %parallel_loop3A_157, %parallel_loop3A_163 : i32
        %parallel_loop3A_165 = arith.constant 15 : i32
        %parallel_loop3A_166 = arith.index_cast %parallel_loop3A_165 : i32 to index
        %parallel_loop3A_167 = arith.index_cast %parallel_loop3A_164 : i32 to index
        %parallel_loop3A_168 = tpu.vector_load %arg5[%parallel_loop3A_166, %parallel_loop3A_167] {strides = array<i32>} : memref<16x1024xf32, #tpu.memory_space<vmem>>, vector<16xf32>,
        tpu.vector_store %arg5[%parallel_loop3A_166, %parallel_loop3A_167], %parallel_loop3A_162 {strides = array<i32>} : memref<16x1024xf32, #tpu.memory_space<vmem>>, vector<16xf32>,
      } {sc.loop_unroll_factor = 4 : i64, sc.parallel_access}
      %mul3A_154 = arith.constant 1024 : i32
      %mul3A_155 = arith.muli %select_n3A_56, %mul3A_154 : i32
      "tpu.region"() ({
        %run_scoped3A = tpu.sem_alloc : memref<!tpu.dma_semaphore, #tpu.memory_space<semaphore_mem>>
        %dma_start3A = arith.constant 0 : i32
        %dma_start3A_157 = tpu.memref_slice %arg3[%select_n3A, %dma_start3A, %mul3A_155] : memref<26x16x16384xf32, #tpu.memory_space<hbm>> -> memref<1x16x1024xf32, #tpu.memory_space<hbm>>
        %dma_start3A_158 = tpu.memref_squeeze %dma_start3A_157 : memref<1x16x1024xf32, #tpu.memory_space<hbm>> -> memref<16x1024xf32, #tpu.memory_space<hbm>>
        %dma_start3A_159 = arith.constant 0 : i32
        %dma_start3A_160 = tpu.memref_slice %arg3[%select_n3A, %dma_start3A_159, %mul3A_155] : memref<26x16x16384xf32, #tpu.memory_space<hbm>> -> memref<1x16x1024xf32, #tpu.memory_space<hbm>>
        %dma_start3A_161 = tpu.memref_squeeze %dma_start3A_160 : memref<1x16x1024xf32, #tpu.memory_space<hbm>> -> memref<16x1024xf32, #tpu.memory_space<hbm>>
        tpu.enqueue_dma source(%arg5 : memref<16x1024xf32, #tpu.memory_space<vmem>>) target(%dma_start3A_161 : memref<16x1024xf32, #tpu.memory_space<hbm>>) target_semaphore(%run_scoped3A : memref<!tpu.dma_semaphore, #tpu.memory_space<semaphore_mem>>)
        %dma_wait3A = arith.constant 0 : i32
        %dma_wait3A_162 = tpu.memref_slice %arg3[%select_n3A, %dma_wait3A, %mul3A_155] : memref<26x16x16384xf32, #tpu.memory_space<hbm>> -> memref<1x16x1024xf32, #tpu.memory_space<hbm>>
        %dma_wait3A_163 = tpu.memref_squeeze %dma_wait3A_162 : memref<1x16x1024xf32, #tpu.memory_space<hbm>> -> memref<16x1024xf32, #tpu.memory_space<hbm>>
        %dma_wait3A_164 = arith.constant 0 : i32
        %dma_wait3A_165 = tpu.memref_slice %arg3[%select_n3A, %dma_wait3A_164, %mul3A_155] : memref<26x16x16384xf32, #tpu.memory_space<hbm>> -> memref<1x16x1024xf32, #tpu.memory_space<hbm>>
        %dma_wait3A_166 = tpu.memref_squeeze %dma_wait3A_165 : memref<1x16x1024xf32, #tpu.memory_space<hbm>> -> memref<16x1024xf32, #tpu.memory_space<hbm>>
        tpu.wait_dma2 semaphore(%run_scoped3A : memref<!tpu.dma_semaphore, #tpu.memory_space<semaphore_mem>>) src(%arg5 : memref<16x1024xf32, #tpu.memory_space<vmem>>) dst(%dma_wait3A_166 : memref<16x1024xf32, #tpu.memory_space<hbm>>)
        tpu.yield
      }) : () -> ()
      %while3A_156 = arith.constant 0 : i32
      scf.yield %while3A_156 : i32
    }
    %while3A_22 = arith.constant 1 : i32
    %while3A_23 = scf.for %while3A_24 = %while3A_19 to %while3A_15 step %while3A_22 iter_args(%while3A_25 = %while3A_21) -> (i32)  : i32 {
      %jit3A = arith.constant 16 : i32
      %div3A = arith.divsi %while3A_24, %jit3A : i32
      %sign3A = arith.constant 0 : i32
      %sign3A_26 = arith.cmpi sgt, %while3A_24, %sign3A : i32
      %sign3A_27 = arith.extui %sign3A_26 : i1 to i32
      %sign3A_28 = arith.constant 0 : i32
      %sign3A_29 = arith.cmpi slt, %while3A_24, %sign3A_28 : i32
      %sign3A_30 = arith.extui %sign3A_29 : i1 to i32
      %sign3A_31 = arith.subi %sign3A_27, %sign3A_30 : i32
      %sign3A_32 = arith.constant 0 : i32
      %sign3A_33 = arith.cmpi sgt, %jit3A, %sign3A_32 : i32
      %sign3A_34 = arith.extui %sign3A_33 : i1 to i32
      %sign3A_35 = arith.constant 0 : i32
      %sign3A_36 = arith.cmpi slt, %jit3A, %sign3A_35 : i32
      %sign3A_37 = arith.extui %sign3A_36 : i1 to i32
      %sign3A_38 = arith.subi %sign3A_34, %sign3A_37 : i32
      %ne3A = arith.cmpi ne, %sign3A_31, %sign3A_38 : i32
      %rem3A = arith.remsi %while3A_24, %jit3A : i32
      %ne3A_39 = arith.constant 0 : i32
      %ne3A_40 = arith.cmpi ne, %rem3A, %ne3A_39 : i32
      %and3A_41 = arith.andi %ne3A, %ne3A_40 : i1
      %sub3A = arith.constant 1 : i32
      %sub3A_42 = arith.subi %div3A, %sub3A : i32
      %select_n3A = arith.select %and3A_41, %sub3A_42, %div3A : i32
      %jit3A_43 = arith.constant 16 : i32
      %eq3A = arith.constant 0 : i32
      %eq3A_44 = arith.cmpi eq, %jit3A_43, %eq3A : i32
      %jit3A_45 = arith.constant 1 : i32
      %select_n3A_46 = arith.select %eq3A_44, %jit3A_45, %jit3A_43 : i32
      %rem3A_47 = arith.remsi %while3A_24, %select_n3A_46 : i32
      %ne3A_48 = arith.constant 0 : i32
      %ne3A_49 = arith.cmpi ne, %rem3A_47, %ne3A_48 : i32
      %lt3A = arith.constant 0 : i32
      %lt3A_50 = arith.cmpi slt, %rem3A_47, %lt3A : i32
      %lt3A_51 = arith.constant 0 : i32
      %lt3A_52 = arith.cmpi slt, %select_n3A_46, %lt3A_51 : i32
      %ne3A_53 = arith.xori %lt3A_50, %lt3A_52 : i1
      %and3A_54 = arith.andi %ne3A_53, %ne3A_49 : i1
      %add3A_55 = arith.addi %rem3A_47, %select_n3A_46 : i32
      %select_n3A_56 = arith.select %and3A_54, %add3A_55, %rem3A_47 : i32
      %mul3A_57 = arith.constant 128 : i32
      %mul3A_58 = arith.muli %select_n3A_56, %mul3A_57 : i32
      "tpu.region"() ({
        %run_scoped3A = tpu.sem_alloc : memref<!tpu.dma_semaphore, #tpu.memory_space<semaphore_mem>>
        %dma_start3A = arith.constant 0 : i32
        %dma_start3A_157 = tpu.memref_slice %arg2[%select_n3A, %mul3A_58, %dma_start3A] : memref<26x2048x128xf32, #tpu.memory_space<hbm>> -> memref<1x128x128xf32, #tpu.memory_space<hbm>>
        %dma_start3A_158 = tpu.memref_squeeze %dma_start3A_157 : memref<1x128x128xf32, #tpu.memory_space<hbm>> -> memref<128x128xf32, #tpu.memory_space<hbm>>
        %dma_start3A_159 = arith.constant 0 : i32
        %dma_start3A_160 = tpu.memref_slice %arg2[%select_n3A, %mul3A_58, %dma_start3A_159] : memref<26x2048x128xf32, #tpu.memory_space<hbm>> -> memref<1x128x128xf32, #tpu.memory_space<hbm>>
        %dma_start3A_161 = tpu.memref_squeeze %dma_start3A_160 : memref<1x128x128xf32, #tpu.memory_space<hbm>> -> memref<128x128xf32, #tpu.memory_space<hbm>>
        tpu.enqueue_dma source(%dma_start3A_161 : memref<128x128xf32, #tpu.memory_space<hbm>>) target(%arg4 : memref<128x128xf32, #tpu.memory_space<vmem>>) target_semaphore(%run_scoped3A : memref<!tpu.dma_semaphore, #tpu.memory_space<semaphore_mem>>)
        %dma_wait3A = arith.constant 0 : i32
        %dma_wait3A_162 = tpu.memref_slice %arg2[%select_n3A, %mul3A_58, %dma_wait3A] : memref<26x2048x128xf32, #tpu.memory_space<hbm>> -> memref<1x128x128xf32, #tpu.memory_space<hbm>>
        %dma_wait3A_163 = tpu.memref_squeeze %dma_wait3A_162 : memref<1x128x128xf32, #tpu.memory_space<hbm>> -> memref<128x128xf32, #tpu.memory_space<hbm>>
        %dma_wait3A_164 = arith.constant 0 : i32
        %dma_wait3A_165 = tpu.memref_slice %arg2[%select_n3A, %mul3A_58, %dma_wait3A_164] : memref<26x2048x128xf32, #tpu.memory_space<hbm>> -> memref<1x128x128xf32, #tpu.memory_space<hbm>>
        %dma_wait3A_166 = tpu.memref_squeeze %dma_wait3A_165 : memref<1x128x128xf32, #tpu.memory_space<hbm>> -> memref<128x128xf32, #tpu.memory_space<hbm>>
        tpu.wait_dma2 semaphore(%run_scoped3A : memref<!tpu.dma_semaphore, #tpu.memory_space<semaphore_mem>>) src(%dma_wait3A_166 : memref<128x128xf32, #tpu.memory_space<hbm>>) dst(%arg4 : memref<128x128xf32, #tpu.memory_space<vmem>>)
        tpu.yield
      }) : () -> ()
      %add3A_59 = arith.constant 0 : i32
      %add3A_60 = vector.broadcast %add3A_59 : i32 to vector<16xi32>
      %add3A_61 = arith.addi %mul3A_5, %add3A_60 : vector<16xi32>
      %parallel_loop3A = arith.constant 0 : i32
      %parallel_loop3A_62 = arith.constant 64 : i32
      %parallel_loop3A_63 = arith.constant 1 : i32
      scf.for %parallel_loop3A_157 = %parallel_loop3A to %parallel_loop3A_62 step %parallel_loop3A_63  : i32 {
        %parallel_loop3A_158 = arith.constant 2 : i32
        %parallel_loop3A_159 = arith.muli %parallel_loop3A_158, %parallel_loop3A_157 : i32
        %parallel_loop3A_160 = vector.broadcast %parallel_loop3A_159 : i32 to vector<16xi32>
        %parallel_loop3A_161 = arith.addi %shift_right_arithmetic3A_1, %parallel_loop3A_160 : vector<16xi32>
        %parallel_loop3A_162 = tpu.vector_load_idx %arg4[%parallel_loop3A_161, %add3A_61] : memref<128x128xf32, #tpu.memory_space<vmem>>[vector<16xi32>, vector<16xi32>], vector<16xf32>,
        %parallel_loop3A_163 = arith.constant 16 : i32
        %parallel_loop3A_164 = arith.muli %parallel_loop3A_157, %parallel_loop3A_163 : i32
        %parallel_loop3A_165 = arith.constant 0 : i32
        %parallel_loop3A_166 = arith.index_cast %parallel_loop3A_165 : i32 to index
        %parallel_loop3A_167 = arith.index_cast %parallel_loop3A_164 : i32 to index
        %parallel_loop3A_168 = tpu.vector_load %arg5[%parallel_loop3A_166, %parallel_loop3A_167] {strides = array<i32>} : memref<16x1024xf32, #tpu.memory_space<vmem>>, vector<16xf32>,
        tpu.vector_store %arg5[%parallel_loop3A_166, %parallel_loop3A_167], %parallel_loop3A_162 {strides = array<i32>} : memref<16x1024xf32, #tpu.memory_space<vmem>>, vector<16xf32>,
      } {sc.loop_unroll_factor = 4 : i64, sc.parallel_access}
      %add3A_64 = arith.constant 1 : i32
      %add3A_65 = vector.broadcast %add3A_64 : i32 to vector<16xi32>
      %add3A_66 = arith.addi %mul3A_5, %add3A_65 : vector<16xi32>
      %parallel_loop3A_67 = arith.constant 0 : i32
      %parallel_loop3A_68 = arith.constant 64 : i32
      %parallel_loop3A_69 = arith.constant 1 : i32
      scf.for %parallel_loop3A_157 = %parallel_loop3A_67 to %parallel_loop3A_68 step %parallel_loop3A_69  : i32 {
        %parallel_loop3A_158 = arith.constant 2 : i32
        %parallel_loop3A_159 = arith.muli %parallel_loop3A_158, %parallel_loop3A_157 : i32
        %parallel_loop3A_160 = vector.broadcast %parallel_loop3A_159 : i32 to vector<16xi32>
        %parallel_loop3A_161 = arith.addi %shift_right_arithmetic3A_1, %parallel_loop3A_160 : vector<16xi32>
        %parallel_loop3A_162 = tpu.vector_load_idx %arg4[%parallel_loop3A_161, %add3A_66] : memref<128x128xf32, #tpu.memory_space<vmem>>[vector<16xi32>, vector<16xi32>], vector<16xf32>,
        %parallel_loop3A_163 = arith.constant 16 : i32
        %parallel_loop3A_164 = arith.muli %parallel_loop3A_157, %parallel_loop3A_163 : i32
        %parallel_loop3A_165 = arith.constant 1 : i32
        %parallel_loop3A_166 = arith.index_cast %parallel_loop3A_165 : i32 to index
        %parallel_loop3A_167 = arith.index_cast %parallel_loop3A_164 : i32 to index
        %parallel_loop3A_168 = tpu.vector_load %arg5[%parallel_loop3A_166, %parallel_loop3A_167] {strides = array<i32>} : memref<16x1024xf32, #tpu.memory_space<vmem>>, vector<16xf32>,
        tpu.vector_store %arg5[%parallel_loop3A_166, %parallel_loop3A_167], %parallel_loop3A_162 {strides = array<i32>} : memref<16x1024xf32, #tpu.memory_space<vmem>>, vector<16xf32>,
      } {sc.loop_unroll_factor = 4 : i64, sc.parallel_access}
      %add3A_70 = arith.constant 2 : i32
      %add3A_71 = vector.broadcast %add3A_70 : i32 to vector<16xi32>
      %add3A_72 = arith.addi %mul3A_5, %add3A_71 : vector<16xi32>
      %parallel_loop3A_73 = arith.constant 0 : i32
      %parallel_loop3A_74 = arith.constant 64 : i32
      %parallel_loop3A_75 = arith.constant 1 : i32
      scf.for %parallel_loop3A_157 = %parallel_loop3A_73 to %parallel_loop3A_74 step %parallel_loop3A_75  : i32 {
        %parallel_loop3A_158 = arith.constant 2 : i32
        %parallel_loop3A_159 = arith.muli %parallel_loop3A_158, %parallel_loop3A_157 : i32
        %parallel_loop3A_160 = vector.broadcast %parallel_loop3A_159 : i32 to vector<16xi32>
        %parallel_loop3A_161 = arith.addi %shift_right_arithmetic3A_1, %parallel_loop3A_160 : vector<16xi32>
        %parallel_loop3A_162 = tpu.vector_load_idx %arg4[%parallel_loop3A_161, %add3A_72] : memref<128x128xf32, #tpu.memory_space<vmem>>[vector<16xi32>, vector<16xi32>], vector<16xf32>,
        %parallel_loop3A_163 = arith.constant 16 : i32
        %parallel_loop3A_164 = arith.muli %parallel_loop3A_157, %parallel_loop3A_163 : i32
        %parallel_loop3A_165 = arith.constant 2 : i32
        %parallel_loop3A_166 = arith.index_cast %parallel_loop3A_165 : i32 to index
        %parallel_loop3A_167 = arith.index_cast %parallel_loop3A_164 : i32 to index
        %parallel_loop3A_168 = tpu.vector_load %arg5[%parallel_loop3A_166, %parallel_loop3A_167] {strides = array<i32>} : memref<16x1024xf32, #tpu.memory_space<vmem>>, vector<16xf32>,
        tpu.vector_store %arg5[%parallel_loop3A_166, %parallel_loop3A_167], %parallel_loop3A_162 {strides = array<i32>} : memref<16x1024xf32, #tpu.memory_space<vmem>>, vector<16xf32>,
      } {sc.loop_unroll_factor = 4 : i64, sc.parallel_access}
      %add3A_76 = arith.constant 3 : i32
      %add3A_77 = vector.broadcast %add3A_76 : i32 to vector<16xi32>
      %add3A_78 = arith.addi %mul3A_5, %add3A_77 : vector<16xi32>
      %parallel_loop3A_79 = arith.constant 0 : i32
      %parallel_loop3A_80 = arith.constant 64 : i32
      %parallel_loop3A_81 = arith.constant 1 : i32
      scf.for %parallel_loop3A_157 = %parallel_loop3A_79 to %parallel_loop3A_80 step %parallel_loop3A_81  : i32 {
        %parallel_loop3A_158 = arith.constant 2 : i32
        %parallel_loop3A_159 = arith.muli %parallel_loop3A_158, %parallel_loop3A_157 : i32
        %parallel_loop3A_160 = vector.broadcast %parallel_loop3A_159 : i32 to vector<16xi32>
        %parallel_loop3A_161 = arith.addi %shift_right_arithmetic3A_1, %parallel_loop3A_160 : vector<16xi32>
        %parallel_loop3A_162 = tpu.vector_load_idx %arg4[%parallel_loop3A_161, %add3A_78] : memref<128x128xf32, #tpu.memory_space<vmem>>[vector<16xi32>, vector<16xi32>], vector<16xf32>,
        %parallel_loop3A_163 = arith.constant 16 : i32
        %parallel_loop3A_164 = arith.muli %parallel_loop3A_157, %parallel_loop3A_163 : i32
        %parallel_loop3A_165 = arith.constant 3 : i32
        %parallel_loop3A_166 = arith.index_cast %parallel_loop3A_165 : i32 to index
        %parallel_loop3A_167 = arith.index_cast %parallel_loop3A_164 : i32 to index
        %parallel_loop3A_168 = tpu.vector_load %arg5[%parallel_loop3A_166, %parallel_loop3A_167] {strides = array<i32>} : memref<16x1024xf32, #tpu.memory_space<vmem>>, vector<16xf32>,
        tpu.vector_store %arg5[%parallel_loop3A_166, %parallel_loop3A_167], %parallel_loop3A_162 {strides = array<i32>} : memref<16x1024xf32, #tpu.memory_space<vmem>>, vector<16xf32>,
      } {sc.loop_unroll_factor = 4 : i64, sc.parallel_access}
      %add3A_82 = arith.constant 4 : i32
      %add3A_83 = vector.broadcast %add3A_82 : i32 to vector<16xi32>
      %add3A_84 = arith.addi %mul3A_5, %add3A_83 : vector<16xi32>
      %parallel_loop3A_85 = arith.constant 0 : i32
      %parallel_loop3A_86 = arith.constant 64 : i32
      %parallel_loop3A_87 = arith.constant 1 : i32
      scf.for %parallel_loop3A_157 = %parallel_loop3A_85 to %parallel_loop3A_86 step %parallel_loop3A_87  : i32 {
        %parallel_loop3A_158 = arith.constant 2 : i32
        %parallel_loop3A_159 = arith.muli %parallel_loop3A_158, %parallel_loop3A_157 : i32
        %parallel_loop3A_160 = vector.broadcast %parallel_loop3A_159 : i32 to vector<16xi32>
        %parallel_loop3A_161 = arith.addi %shift_right_arithmetic3A_1, %parallel_loop3A_160 : vector<16xi32>
        %parallel_loop3A_162 = tpu.vector_load_idx %arg4[%parallel_loop3A_161, %add3A_84] : memref<128x128xf32, #tpu.memory_space<vmem>>[vector<16xi32>, vector<16xi32>], vector<16xf32>,
        %parallel_loop3A_163 = arith.constant 16 : i32
        %parallel_loop3A_164 = arith.muli %parallel_loop3A_157, %parallel_loop3A_163 : i32
        %parallel_loop3A_165 = arith.constant 4 : i32
        %parallel_loop3A_166 = arith.index_cast %parallel_loop3A_165 : i32 to index
        %parallel_loop3A_167 = arith.index_cast %parallel_loop3A_164 : i32 to index
        %parallel_loop3A_168 = tpu.vector_load %arg5[%parallel_loop3A_166, %parallel_loop3A_167] {strides = array<i32>} : memref<16x1024xf32, #tpu.memory_space<vmem>>, vector<16xf32>,
        tpu.vector_store %arg5[%parallel_loop3A_166, %parallel_loop3A_167], %parallel_loop3A_162 {strides = array<i32>} : memref<16x1024xf32, #tpu.memory_space<vmem>>, vector<16xf32>,
      } {sc.loop_unroll_factor = 4 : i64, sc.parallel_access}
      %add3A_88 = arith.constant 5 : i32
      %add3A_89 = vector.broadcast %add3A_88 : i32 to vector<16xi32>
      %add3A_90 = arith.addi %mul3A_5, %add3A_89 : vector<16xi32>
      %parallel_loop3A_91 = arith.constant 0 : i32
      %parallel_loop3A_92 = arith.constant 64 : i32
      %parallel_loop3A_93 = arith.constant 1 : i32
      scf.for %parallel_loop3A_157 = %parallel_loop3A_91 to %parallel_loop3A_92 step %parallel_loop3A_93  : i32 {
        %parallel_loop3A_158 = arith.constant 2 : i32
        %parallel_loop3A_159 = arith.muli %parallel_loop3A_158, %parallel_loop3A_157 : i32
        %parallel_loop3A_160 = vector.broadcast %parallel_loop3A_159 : i32 to vector<16xi32>
        %parallel_loop3A_161 = arith.addi %shift_right_arithmetic3A_1, %parallel_loop3A_160 : vector<16xi32>
        %parallel_loop3A_162 = tpu.vector_load_idx %arg4[%parallel_loop3A_161, %add3A_90] : memref<128x128xf32, #tpu.memory_space<vmem>>[vector<16xi32>, vector<16xi32>], vector<16xf32>,
        %parallel_loop3A_163 = arith.constant 16 : i32
        %parallel_loop3A_164 = arith.muli %parallel_loop3A_157, %parallel_loop3A_163 : i32
        %parallel_loop3A_165 = arith.constant 5 : i32
        %parallel_loop3A_166 = arith.index_cast %parallel_loop3A_165 : i32 to index
        %parallel_loop3A_167 = arith.index_cast %parallel_loop3A_164 : i32 to index
        %parallel_loop3A_168 = tpu.vector_load %arg5[%parallel_loop3A_166, %parallel_loop3A_167] {strides = array<i32>} : memref<16x1024xf32, #tpu.memory_space<vmem>>, vector<16xf32>,
        tpu.vector_store %arg5[%parallel_loop3A_166, %parallel_loop3A_167], %parallel_loop3A_162 {strides = array<i32>} : memref<16x1024xf32, #tpu.memory_space<vmem>>, vector<16xf32>,
      } {sc.loop_unroll_factor = 4 : i64, sc.parallel_access}
      %add3A_94 = arith.constant 6 : i32
      %add3A_95 = vector.broadcast %add3A_94 : i32 to vector<16xi32>
      %add3A_96 = arith.addi %mul3A_5, %add3A_95 : vector<16xi32>
      %parallel_loop3A_97 = arith.constant 0 : i32
      %parallel_loop3A_98 = arith.constant 64 : i32
      %parallel_loop3A_99 = arith.constant 1 : i32
      scf.for %parallel_loop3A_157 = %parallel_loop3A_97 to %parallel_loop3A_98 step %parallel_loop3A_99  : i32 {
        %parallel_loop3A_158 = arith.constant 2 : i32
        %parallel_loop3A_159 = arith.muli %parallel_loop3A_158, %parallel_loop3A_157 : i32
        %parallel_loop3A_160 = vector.broadcast %parallel_loop3A_159 : i32 to vector<16xi32>
        %parallel_loop3A_161 = arith.addi %shift_right_arithmetic3A_1, %parallel_loop3A_160 : vector<16xi32>
        %parallel_loop3A_162 = tpu.vector_load_idx %arg4[%parallel_loop3A_161, %add3A_96] : memref<128x128xf32, #tpu.memory_space<vmem>>[vector<16xi32>, vector<16xi32>], vector<16xf32>,
        %parallel_loop3A_163 = arith.constant 16 : i32
        %parallel_loop3A_164 = arith.muli %parallel_loop3A_157, %parallel_loop3A_163 : i32
        %parallel_loop3A_165 = arith.constant 6 : i32
        %parallel_loop3A_166 = arith.index_cast %parallel_loop3A_165 : i32 to index
        %parallel_loop3A_167 = arith.index_cast %parallel_loop3A_164 : i32 to index
        %parallel_loop3A_168 = tpu.vector_load %arg5[%parallel_loop3A_166, %parallel_loop3A_167] {strides = array<i32>} : memref<16x1024xf32, #tpu.memory_space<vmem>>, vector<16xf32>,
        tpu.vector_store %arg5[%parallel_loop3A_166, %parallel_loop3A_167], %parallel_loop3A_162 {strides = array<i32>} : memref<16x1024xf32, #tpu.memory_space<vmem>>, vector<16xf32>,
      } {sc.loop_unroll_factor = 4 : i64, sc.parallel_access}
      %add3A_100 = arith.constant 7 : i32
      %add3A_101 = vector.broadcast %add3A_100 : i32 to vector<16xi32>
      %add3A_102 = arith.addi %mul3A_5, %add3A_101 : vector<16xi32>
      %parallel_loop3A_103 = arith.constant 0 : i32
      %parallel_loop3A_104 = arith.constant 64 : i32
      %parallel_loop3A_105 = arith.constant 1 : i32
      scf.for %parallel_loop3A_157 = %parallel_loop3A_103 to %parallel_loop3A_104 step %parallel_loop3A_105  : i32 {
        %parallel_loop3A_158 = arith.constant 2 : i32
        %parallel_loop3A_159 = arith.muli %parallel_loop3A_158, %parallel_loop3A_157 : i32
        %parallel_loop3A_160 = vector.broadcast %parallel_loop3A_159 : i32 to vector<16xi32>
        %parallel_loop3A_161 = arith.addi %shift_right_arithmetic3A_1, %parallel_loop3A_160 : vector<16xi32>
        %parallel_loop3A_162 = tpu.vector_load_idx %arg4[%parallel_loop3A_161, %add3A_102] : memref<128x128xf32, #tpu.memory_space<vmem>>[vector<16xi32>, vector<16xi32>], vector<16xf32>,
        %parallel_loop3A_163 = arith.constant 16 : i32
        %parallel_loop3A_164 = arith.muli %parallel_loop3A_157, %parallel_loop3A_163 : i32
        %parallel_loop3A_165 = arith.constant 7 : i32
        %parallel_loop3A_166 = arith.index_cast %parallel_loop3A_165 : i32 to index
        %parallel_loop3A_167 = arith.index_cast %parallel_loop3A_164 : i32 to index
        %parallel_loop3A_168 = tpu.vector_load %arg5[%parallel_loop3A_166, %parallel_loop3A_167] {strides = array<i32>} : memref<16x1024xf32, #tpu.memory_space<vmem>>, vector<16xf32>,
        tpu.vector_store %arg5[%parallel_loop3A_166, %parallel_loop3A_167], %parallel_loop3A_162 {strides = array<i32>} : memref<16x1024xf32, #tpu.memory_space<vmem>>, vector<16xf32>,
      } {sc.loop_unroll_factor = 4 : i64, sc.parallel_access}
      %add3A_106 = arith.constant 8 : i32
      %add3A_107 = vector.broadcast %add3A_106 : i32 to vector<16xi32>
      %add3A_108 = arith.addi %mul3A_5, %add3A_107 : vector<16xi32>
      %parallel_loop3A_109 = arith.constant 0 : i32
      %parallel_loop3A_110 = arith.constant 64 : i32
      %parallel_loop3A_111 = arith.constant 1 : i32
      scf.for %parallel_loop3A_157 = %parallel_loop3A_109 to %parallel_loop3A_110 step %parallel_loop3A_111  : i32 {
        %parallel_loop3A_158 = arith.constant 2 : i32
        %parallel_loop3A_159 = arith.muli %parallel_loop3A_158, %parallel_loop3A_157 : i32
        %parallel_loop3A_160 = vector.broadcast %parallel_loop3A_159 : i32 to vector<16xi32>
        %parallel_loop3A_161 = arith.addi %shift_right_arithmetic3A_1, %parallel_loop3A_160 : vector<16xi32>
        %parallel_loop3A_162 = tpu.vector_load_idx %arg4[%parallel_loop3A_161, %add3A_108] : memref<128x128xf32, #tpu.memory_space<vmem>>[vector<16xi32>, vector<16xi32>], vector<16xf32>,
        %parallel_loop3A_163 = arith.constant 16 : i32
        %parallel_loop3A_164 = arith.muli %parallel_loop3A_157, %parallel_loop3A_163 : i32
        %parallel_loop3A_165 = arith.constant 8 : i32
        %parallel_loop3A_166 = arith.index_cast %parallel_loop3A_165 : i32 to index
        %parallel_loop3A_167 = arith.index_cast %parallel_loop3A_164 : i32 to index
        %parallel_loop3A_168 = tpu.vector_load %arg5[%parallel_loop3A_166, %parallel_loop3A_167] {strides = array<i32>} : memref<16x1024xf32, #tpu.memory_space<vmem>>, vector<16xf32>,
        tpu.vector_store %arg5[%parallel_loop3A_166, %parallel_loop3A_167], %parallel_loop3A_162 {strides = array<i32>} : memref<16x1024xf32, #tpu.memory_space<vmem>>, vector<16xf32>,
      } {sc.loop_unroll_factor = 4 : i64, sc.parallel_access}
      %add3A_112 = arith.constant 9 : i32
      %add3A_113 = vector.broadcast %add3A_112 : i32 to vector<16xi32>
      %add3A_114 = arith.addi %mul3A_5, %add3A_113 : vector<16xi32>
      %parallel_loop3A_115 = arith.constant 0 : i32
      %parallel_loop3A_116 = arith.constant 64 : i32
      %parallel_loop3A_117 = arith.constant 1 : i32
      scf.for %parallel_loop3A_157 = %parallel_loop3A_115 to %parallel_loop3A_116 step %parallel_loop3A_117  : i32 {
        %parallel_loop3A_158 = arith.constant 2 : i32
        %parallel_loop3A_159 = arith.muli %parallel_loop3A_158, %parallel_loop3A_157 : i32
        %parallel_loop3A_160 = vector.broadcast %parallel_loop3A_159 : i32 to vector<16xi32>
        %parallel_loop3A_161 = arith.addi %shift_right_arithmetic3A_1, %parallel_loop3A_160 : vector<16xi32>
        %parallel_loop3A_162 = tpu.vector_load_idx %arg4[%parallel_loop3A_161, %add3A_114] : memref<128x128xf32, #tpu.memory_space<vmem>>[vector<16xi32>, vector<16xi32>], vector<16xf32>,
        %parallel_loop3A_163 = arith.constant 16 : i32
        %parallel_loop3A_164 = arith.muli %parallel_loop3A_157, %parallel_loop3A_163 : i32
        %parallel_loop3A_165 = arith.constant 9 : i32
        %parallel_loop3A_166 = arith.index_cast %parallel_loop3A_165 : i32 to index
        %parallel_loop3A_167 = arith.index_cast %parallel_loop3A_164 : i32 to index
        %parallel_loop3A_168 = tpu.vector_load %arg5[%parallel_loop3A_166, %parallel_loop3A_167] {strides = array<i32>} : memref<16x1024xf32, #tpu.memory_space<vmem>>, vector<16xf32>,
        tpu.vector_store %arg5[%parallel_loop3A_166, %parallel_loop3A_167], %parallel_loop3A_162 {strides = array<i32>} : memref<16x1024xf32, #tpu.memory_space<vmem>>, vector<16xf32>,
      } {sc.loop_unroll_factor = 4 : i64, sc.parallel_access}
      %add3A_118 = arith.constant 10 : i32
      %add3A_119 = vector.broadcast %add3A_118 : i32 to vector<16xi32>
      %add3A_120 = arith.addi %mul3A_5, %add3A_119 : vector<16xi32>
      %parallel_loop3A_121 = arith.constant 0 : i32
      %parallel_loop3A_122 = arith.constant 64 : i32
      %parallel_loop3A_123 = arith.constant 1 : i32
      scf.for %parallel_loop3A_157 = %parallel_loop3A_121 to %parallel_loop3A_122 step %parallel_loop3A_123  : i32 {
        %parallel_loop3A_158 = arith.constant 2 : i32
        %parallel_loop3A_159 = arith.muli %parallel_loop3A_158, %parallel_loop3A_157 : i32
        %parallel_loop3A_160 = vector.broadcast %parallel_loop3A_159 : i32 to vector<16xi32>
        %parallel_loop3A_161 = arith.addi %shift_right_arithmetic3A_1, %parallel_loop3A_160 : vector<16xi32>
        %parallel_loop3A_162 = tpu.vector_load_idx %arg4[%parallel_loop3A_161, %add3A_120] : memref<128x128xf32, #tpu.memory_space<vmem>>[vector<16xi32>, vector<16xi32>], vector<16xf32>,
        %parallel_loop3A_163 = arith.constant 16 : i32
        %parallel_loop3A_164 = arith.muli %parallel_loop3A_157, %parallel_loop3A_163 : i32
        %parallel_loop3A_165 = arith.constant 10 : i32
        %parallel_loop3A_166 = arith.index_cast %parallel_loop3A_165 : i32 to index
        %parallel_loop3A_167 = arith.index_cast %parallel_loop3A_164 : i32 to index
        %parallel_loop3A_168 = tpu.vector_load %arg5[%parallel_loop3A_166, %parallel_loop3A_167] {strides = array<i32>} : memref<16x1024xf32, #tpu.memory_space<vmem>>, vector<16xf32>,
        tpu.vector_store %arg5[%parallel_loop3A_166, %parallel_loop3A_167], %parallel_loop3A_162 {strides = array<i32>} : memref<16x1024xf32, #tpu.memory_space<vmem>>, vector<16xf32>,
      } {sc.loop_unroll_factor = 4 : i64, sc.parallel_access}
      %add3A_124 = arith.constant 11 : i32
      %add3A_125 = vector.broadcast %add3A_124 : i32 to vector<16xi32>
      %add3A_126 = arith.addi %mul3A_5, %add3A_125 : vector<16xi32>
      %parallel_loop3A_127 = arith.constant 0 : i32
      %parallel_loop3A_128 = arith.constant 64 : i32
      %parallel_loop3A_129 = arith.constant 1 : i32
      scf.for %parallel_loop3A_157 = %parallel_loop3A_127 to %parallel_loop3A_128 step %parallel_loop3A_129  : i32 {
        %parallel_loop3A_158 = arith.constant 2 : i32
        %parallel_loop3A_159 = arith.muli %parallel_loop3A_158, %parallel_loop3A_157 : i32
        %parallel_loop3A_160 = vector.broadcast %parallel_loop3A_159 : i32 to vector<16xi32>
        %parallel_loop3A_161 = arith.addi %shift_right_arithmetic3A_1, %parallel_loop3A_160 : vector<16xi32>
        %parallel_loop3A_162 = tpu.vector_load_idx %arg4[%parallel_loop3A_161, %add3A_126] : memref<128x128xf32, #tpu.memory_space<vmem>>[vector<16xi32>, vector<16xi32>], vector<16xf32>,
        %parallel_loop3A_163 = arith.constant 16 : i32
        %parallel_loop3A_164 = arith.muli %parallel_loop3A_157, %parallel_loop3A_163 : i32
        %parallel_loop3A_165 = arith.constant 11 : i32
        %parallel_loop3A_166 = arith.index_cast %parallel_loop3A_165 : i32 to index
        %parallel_loop3A_167 = arith.index_cast %parallel_loop3A_164 : i32 to index
        %parallel_loop3A_168 = tpu.vector_load %arg5[%parallel_loop3A_166, %parallel_loop3A_167] {strides = array<i32>} : memref<16x1024xf32, #tpu.memory_space<vmem>>, vector<16xf32>,
        tpu.vector_store %arg5[%parallel_loop3A_166, %parallel_loop3A_167], %parallel_loop3A_162 {strides = array<i32>} : memref<16x1024xf32, #tpu.memory_space<vmem>>, vector<16xf32>,
      } {sc.loop_unroll_factor = 4 : i64, sc.parallel_access}
      %add3A_130 = arith.constant 12 : i32
      %add3A_131 = vector.broadcast %add3A_130 : i32 to vector<16xi32>
      %add3A_132 = arith.addi %mul3A_5, %add3A_131 : vector<16xi32>
      %parallel_loop3A_133 = arith.constant 0 : i32
      %parallel_loop3A_134 = arith.constant 64 : i32
      %parallel_loop3A_135 = arith.constant 1 : i32
      scf.for %parallel_loop3A_157 = %parallel_loop3A_133 to %parallel_loop3A_134 step %parallel_loop3A_135  : i32 {
        %parallel_loop3A_158 = arith.constant 2 : i32
        %parallel_loop3A_159 = arith.muli %parallel_loop3A_158, %parallel_loop3A_157 : i32
        %parallel_loop3A_160 = vector.broadcast %parallel_loop3A_159 : i32 to vector<16xi32>
        %parallel_loop3A_161 = arith.addi %shift_right_arithmetic3A_1, %parallel_loop3A_160 : vector<16xi32>
        %parallel_loop3A_162 = tpu.vector_load_idx %arg4[%parallel_loop3A_161, %add3A_132] : memref<128x128xf32, #tpu.memory_space<vmem>>[vector<16xi32>, vector<16xi32>], vector<16xf32>,
        %parallel_loop3A_163 = arith.constant 16 : i32
        %parallel_loop3A_164 = arith.muli %parallel_loop3A_157, %parallel_loop3A_163 : i32
        %parallel_loop3A_165 = arith.constant 12 : i32
        %parallel_loop3A_166 = arith.index_cast %parallel_loop3A_165 : i32 to index
        %parallel_loop3A_167 = arith.index_cast %parallel_loop3A_164 : i32 to index
        %parallel_loop3A_168 = tpu.vector_load %arg5[%parallel_loop3A_166, %parallel_loop3A_167] {strides = array<i32>} : memref<16x1024xf32, #tpu.memory_space<vmem>>, vector<16xf32>,
        tpu.vector_store %arg5[%parallel_loop3A_166, %parallel_loop3A_167], %parallel_loop3A_162 {strides = array<i32>} : memref<16x1024xf32, #tpu.memory_space<vmem>>, vector<16xf32>,
      } {sc.loop_unroll_factor = 4 : i64, sc.parallel_access}
      %add3A_136 = arith.constant 13 : i32
      %add3A_137 = vector.broadcast %add3A_136 : i32 to vector<16xi32>
      %add3A_138 = arith.addi %mul3A_5, %add3A_137 : vector<16xi32>
      %parallel_loop3A_139 = arith.constant 0 : i32
      %parallel_loop3A_140 = arith.constant 64 : i32
      %parallel_loop3A_141 = arith.constant 1 : i32
      scf.for %parallel_loop3A_157 = %parallel_loop3A_139 to %parallel_loop3A_140 step %parallel_loop3A_141  : i32 {
        %parallel_loop3A_158 = arith.constant 2 : i32
        %parallel_loop3A_159 = arith.muli %parallel_loop3A_158, %parallel_loop3A_157 : i32
        %parallel_loop3A_160 = vector.broadcast %parallel_loop3A_159 : i32 to vector<16xi32>
        %parallel_loop3A_161 = arith.addi %shift_right_arithmetic3A_1, %parallel_loop3A_160 : vector<16xi32>
        %parallel_loop3A_162 = tpu.vector_load_idx %arg4[%parallel_loop3A_161, %add3A_138] : memref<128x128xf32, #tpu.memory_space<vmem>>[vector<16xi32>, vector<16xi32>], vector<16xf32>,
        %parallel_loop3A_163 = arith.constant 16 : i32
        %parallel_loop3A_164 = arith.muli %parallel_loop3A_157, %parallel_loop3A_163 : i32
        %parallel_loop3A_165 = arith.constant 13 : i32
        %parallel_loop3A_166 = arith.index_cast %parallel_loop3A_165 : i32 to index
        %parallel_loop3A_167 = arith.index_cast %parallel_loop3A_164 : i32 to index
        %parallel_loop3A_168 = tpu.vector_load %arg5[%parallel_loop3A_166, %parallel_loop3A_167] {strides = array<i32>} : memref<16x1024xf32, #tpu.memory_space<vmem>>, vector<16xf32>,
        tpu.vector_store %arg5[%parallel_loop3A_166, %parallel_loop3A_167], %parallel_loop3A_162 {strides = array<i32>} : memref<16x1024xf32, #tpu.memory_space<vmem>>, vector<16xf32>,
      } {sc.loop_unroll_factor = 4 : i64, sc.parallel_access}
      %add3A_142 = arith.constant 14 : i32
      %add3A_143 = vector.broadcast %add3A_142 : i32 to vector<16xi32>
      %add3A_144 = arith.addi %mul3A_5, %add3A_143 : vector<16xi32>
      %parallel_loop3A_145 = arith.constant 0 : i32
      %parallel_loop3A_146 = arith.constant 64 : i32
      %parallel_loop3A_147 = arith.constant 1 : i32
      scf.for %parallel_loop3A_157 = %parallel_loop3A_145 to %parallel_loop3A_146 step %parallel_loop3A_147  : i32 {
        %parallel_loop3A_158 = arith.constant 2 : i32
        %parallel_loop3A_159 = arith.muli %parallel_loop3A_158, %parallel_loop3A_157 : i32
        %parallel_loop3A_160 = vector.broadcast %parallel_loop3A_159 : i32 to vector<16xi32>
        %parallel_loop3A_161 = arith.addi %shift_right_arithmetic3A_1, %parallel_loop3A_160 : vector<16xi32>
        %parallel_loop3A_162 = tpu.vector_load_idx %arg4[%parallel_loop3A_161, %add3A_144] : memref<128x128xf32, #tpu.memory_space<vmem>>[vector<16xi32>, vector<16xi32>], vector<16xf32>,
        %parallel_loop3A_163 = arith.constant 16 : i32
        %parallel_loop3A_164 = arith.muli %parallel_loop3A_157, %parallel_loop3A_163 : i32
        %parallel_loop3A_165 = arith.constant 14 : i32
        %parallel_loop3A_166 = arith.index_cast %parallel_loop3A_165 : i32 to index
        %parallel_loop3A_167 = arith.index_cast %parallel_loop3A_164 : i32 to index
        %parallel_loop3A_168 = tpu.vector_load %arg5[%parallel_loop3A_166, %parallel_loop3A_167] {strides = array<i32>} : memref<16x1024xf32, #tpu.memory_space<vmem>>, vector<16xf32>,
        tpu.vector_store %arg5[%parallel_loop3A_166, %parallel_loop3A_167], %parallel_loop3A_162 {strides = array<i32>} : memref<16x1024xf32, #tpu.memory_space<vmem>>, vector<16xf32>,
      } {sc.loop_unroll_factor = 4 : i64, sc.parallel_access}
      %add3A_148 = arith.constant 15 : i32
      %add3A_149 = vector.broadcast %add3A_148 : i32 to vector<16xi32>
      %add3A_150 = arith.addi %mul3A_5, %add3A_149 : vector<16xi32>
      %parallel_loop3A_151 = arith.constant 0 : i32
      %parallel_loop3A_152 = arith.constant 64 : i32
      %parallel_loop3A_153 = arith.constant 1 : i32
      scf.for %parallel_loop3A_157 = %parallel_loop3A_151 to %parallel_loop3A_152 step %parallel_loop3A_153  : i32 {
        %parallel_loop3A_158 = arith.constant 2 : i32
        %parallel_loop3A_159 = arith.muli %parallel_loop3A_158, %parallel_loop3A_157 : i32
        %parallel_loop3A_160 = vector.broadcast %parallel_loop3A_159 : i32 to vector<16xi32>
        %parallel_loop3A_161 = arith.addi %shift_right_arithmetic3A_1, %parallel_loop3A_160 : vector<16xi32>
        %parallel_loop3A_162 = tpu.vector_load_idx %arg4[%parallel_loop3A_161, %add3A_150] : memref<128x128xf32, #tpu.memory_space<vmem>>[vector<16xi32>, vector<16xi32>], vector<16xf32>,
        %parallel_loop3A_163 = arith.constant 16 : i32
        %parallel_loop3A_164 = arith.muli %parallel_loop3A_157, %parallel_loop3A_163 : i32
        %parallel_loop3A_165 = arith.constant 15 : i32
        %parallel_loop3A_166 = arith.index_cast %parallel_loop3A_165 : i32 to index
        %parallel_loop3A_167 = arith.index_cast %parallel_loop3A_164 : i32 to index
        %parallel_loop3A_168 = tpu.vector_load %arg5[%parallel_loop3A_166, %parallel_loop3A_167] {strides = array<i32>} : memref<16x1024xf32, #tpu.memory_space<vmem>>, vector<16xf32>,
        tpu.vector_store %arg5[%parallel_loop3A_166, %parallel_loop3A_167], %parallel_loop3A_162 {strides = array<i32>} : memref<16x1024xf32, #tpu.memory_space<vmem>>, vector<16xf32>,
      } {sc.loop_unroll_factor = 4 : i64, sc.parallel_access}
      %mul3A_154 = arith.constant 1024 : i32
      %mul3A_155 = arith.muli %select_n3A_56, %mul3A_154 : i32
      "tpu.region"() ({
        %run_scoped3A = tpu.sem_alloc : memref<!tpu.dma_semaphore, #tpu.memory_space<semaphore_mem>>
        %dma_start3A = arith.constant 0 : i32
        %dma_start3A_157 = tpu.memref_slice %arg3[%select_n3A, %dma_start3A, %mul3A_155] : memref<26x16x16384xf32, #tpu.memory_space<hbm>> -> memref<1x16x1024xf32, #tpu.memory_space<hbm>>
        %dma_start3A_158 = tpu.memref_squeeze %dma_start3A_157 : memref<1x16x1024xf32, #tpu.memory_space<hbm>> -> memref<16x1024xf32, #tpu.memory_space<hbm>>
        %dma_start3A_159 = arith.constant 0 : i32
        %dma_start3A_160 = tpu.memref_slice %arg3[%select_n3A, %dma_start3A_159, %mul3A_155] : memref<26x16x16384xf32, #tpu.memory_space<hbm>> -> memref<1x16x1024xf32, #tpu.memory_space<hbm>>
        %dma_start3A_161 = tpu.memref_squeeze %dma_start3A_160 : memref<1x16x1024xf32, #tpu.memory_space<hbm>> -> memref<16x1024xf32, #tpu.memory_space<hbm>>
        tpu.enqueue_dma source(%arg5 : memref<16x1024xf32, #tpu.memory_space<vmem>>) target(%dma_start3A_161 : memref<16x1024xf32, #tpu.memory_space<hbm>>) target_semaphore(%run_scoped3A : memref<!tpu.dma_semaphore, #tpu.memory_space<semaphore_mem>>)
        %dma_wait3A = arith.constant 0 : i32
        %dma_wait3A_162 = tpu.memref_slice %arg3[%select_n3A, %dma_wait3A, %mul3A_155] : memref<26x16x16384xf32, #tpu.memory_space<hbm>> -> memref<1x16x1024xf32, #tpu.memory_space<hbm>>
        %dma_wait3A_163 = tpu.memref_squeeze %dma_wait3A_162 : memref<1x16x1024xf32, #tpu.memory_space<hbm>> -> memref<16x1024xf32, #tpu.memory_space<hbm>>
        %dma_wait3A_164 = arith.constant 0 : i32
        %dma_wait3A_165 = tpu.memref_slice %arg3[%select_n3A, %dma_wait3A_164, %mul3A_155] : memref<26x16x16384xf32, #tpu.memory_space<hbm>> -> memref<1x16x1024xf32, #tpu.memory_space<hbm>>
        %dma_wait3A_166 = tpu.memref_squeeze %dma_wait3A_165 : memref<1x16x1024xf32, #tpu.memory_space<hbm>> -> memref<16x1024xf32, #tpu.memory_space<hbm>>
        tpu.wait_dma2 semaphore(%run_scoped3A : memref<!tpu.dma_semaphore, #tpu.memory_space<semaphore_mem>>) src(%arg5 : memref<16x1024xf32, #tpu.memory_space<vmem>>) dst(%dma_wait3A_166 : memref<16x1024xf32, #tpu.memory_space<hbm>>)
        tpu.yield
      }) : () -> ()
      %while3A_156 = arith.constant 0 : i32
      scf.yield %while3A_156 : i32
    }
    return
  }
}

#map = affine_map<(d0, d1) -> (0)>
#map1 = affine_map<(d0, d1) -> (0, 0)>
module attributes {stable_mosaic.version = 14 : i64} {
  func.func @_gather_kernel(%arg0: i32, %arg1: i32, %arg2: memref<425984xi32, #tpu.memory_space<hbm>>, %arg3: memref<1000000x16xf32, #tpu.memory_space<hbm>>, %arg4: memref<425984x16xf32, #tpu.memory_space<hbm>>, %arg5: memref<3328xi32, #tpu.memory_space<vmem>>, %arg6: memref<3328x16xf32, #tpu.memory_space<vmem>>, %arg7: memref<!tpu.dma_semaphore, #tpu.memory_space<semaphore_mem>>) attributes {dimension_semantics = [#tpu.dimension_semantics<core_parallel>, #tpu.dimension_semantics<subcore_parallel>], iteration_bounds = array<i64: 2, 16>, scalar_prefetch = 0 : i64, scratch_operands = 3 : i64, tpu.core_type = #tpu.core_type<sc_vector_subcore>, window_params = [{transform_indices = #map}, {transform_indices = #map1}, {transform_indices = #map1}]} {
    %mul3A = arith.constant 2 : i32
    %mul3A_0 = arith.muli %arg1, %mul3A : i32
    %add3A = arith.addi %mul3A_0, %arg0 : i32
    %mul3A_1 = arith.constant 13312 : i32
    %mul3A_2 = arith.muli %add3A, %mul3A_1 : i32
    %add3A_3 = arith.constant 0 : i32
    %add3A_4 = arith.addi %mul3A_2, %add3A_3 : i32
    "tpu.region"() ({
      %run_scoped3A = tpu.sem_alloc : memref<!tpu.dma_semaphore, #tpu.memory_space<semaphore_mem>>
      %dma_start3A_33 = tpu.memref_slice %arg2[%add3A_4] : memref<425984xi32, #tpu.memory_space<hbm>> -> memref<3328xi32, #tpu.memory_space<hbm>>
      %dma_start3A_34 = tpu.memref_slice %arg2[%add3A_4] : memref<425984xi32, #tpu.memory_space<hbm>> -> memref<3328xi32, #tpu.memory_space<hbm>>
      tpu.enqueue_dma source(%dma_start3A_34 : memref<3328xi32, #tpu.memory_space<hbm>>) target(%arg5 : memref<3328xi32, #tpu.memory_space<vmem>>) target_semaphore(%run_scoped3A : memref<!tpu.dma_semaphore, #tpu.memory_space<semaphore_mem>>)
      %dma_wait3A_35 = tpu.memref_slice %arg2[%add3A_4] : memref<425984xi32, #tpu.memory_space<hbm>> -> memref<3328xi32, #tpu.memory_space<hbm>>
      %dma_wait3A_36 = tpu.memref_slice %arg2[%add3A_4] : memref<425984xi32, #tpu.memory_space<hbm>> -> memref<3328xi32, #tpu.memory_space<hbm>>
      tpu.wait_dma2 semaphore(%run_scoped3A : memref<!tpu.dma_semaphore, #tpu.memory_space<semaphore_mem>>) src(%dma_wait3A_36 : memref<3328xi32, #tpu.memory_space<hbm>>) dst(%arg5 : memref<3328xi32, #tpu.memory_space<vmem>>)
      tpu.yield
    }) : () -> ()
    %dma_start3A = arith.constant 0 : i32
    %dma_start3A_5 = arith.constant 0 : i32
    %dma_start3A_6 = tpu.memref_slice %arg3[%dma_start3A, %dma_start3A_5] : memref<1000000x16xf32, #tpu.memory_space<hbm>> -> memref<1000000x16xf32, #tpu.memory_space<hbm>>
    tpu.enqueue_indirect_dma source(%dma_start3A_6 : memref<1000000x16xf32, #tpu.memory_space<hbm>>) target(%arg6 : memref<3328x16xf32, #tpu.memory_space<vmem>>) offsets(%arg5 : memref<3328xi32, #tpu.memory_space<vmem>>) semaphore(%arg7 : memref<!tpu.dma_semaphore, #tpu.memory_space<semaphore_mem>>)
    %dma_wait3A = arith.constant 0 : i32
    %dma_wait3A_7 = arith.constant 0 : i32
    %dma_wait3A_8 = tpu.memref_slice %arg3[%dma_wait3A, %dma_wait3A_7] : memref<1000000x16xf32, #tpu.memory_space<hbm>> -> memref<1000000x16xf32, #tpu.memory_space<hbm>>
    tpu.wait_indirect_dma semaphore(%arg7 : memref<!tpu.dma_semaphore, #tpu.memory_space<semaphore_mem>>) src(%dma_wait3A_8 : memref<1000000x16xf32, #tpu.memory_space<hbm>>) dst(%arg6 : memref<3328x16xf32, #tpu.memory_space<vmem>>)
    "tpu.region"() ({
      %run_scoped3A = tpu.sem_alloc : memref<!tpu.dma_semaphore, #tpu.memory_space<semaphore_mem>>
      %dma_start3A_33 = arith.constant 0 : i32
      %dma_start3A_34 = tpu.memref_slice %arg4[%add3A_4, %dma_start3A_33] : memref<425984x16xf32, #tpu.memory_space<hbm>> -> memref<3328x16xf32, #tpu.memory_space<hbm>>
      %dma_start3A_35 = arith.constant 0 : i32
      %dma_start3A_36 = tpu.memref_slice %arg4[%add3A_4, %dma_start3A_35] : memref<425984x16xf32, #tpu.memory_space<hbm>> -> memref<3328x16xf32, #tpu.memory_space<hbm>>
      tpu.enqueue_dma source(%arg6 : memref<3328x16xf32, #tpu.memory_space<vmem>>) target(%dma_start3A_36 : memref<3328x16xf32, #tpu.memory_space<hbm>>) target_semaphore(%run_scoped3A : memref<!tpu.dma_semaphore, #tpu.memory_space<semaphore_mem>>)
      %dma_wait3A_37 = arith.constant 0 : i32
      %dma_wait3A_38 = tpu.memref_slice %arg4[%add3A_4, %dma_wait3A_37] : memref<425984x16xf32, #tpu.memory_space<hbm>> -> memref<3328x16xf32, #tpu.memory_space<hbm>>
      %dma_wait3A_39 = arith.constant 0 : i32
      %dma_wait3A_40 = tpu.memref_slice %arg4[%add3A_4, %dma_wait3A_39] : memref<425984x16xf32, #tpu.memory_space<hbm>> -> memref<3328x16xf32, #tpu.memory_space<hbm>>
      tpu.wait_dma2 semaphore(%run_scoped3A : memref<!tpu.dma_semaphore, #tpu.memory_space<semaphore_mem>>) src(%arg6 : memref<3328x16xf32, #tpu.memory_space<vmem>>) dst(%dma_wait3A_40 : memref<3328x16xf32, #tpu.memory_space<hbm>>)
      tpu.yield
    }) : () -> ()
    %add3A_9 = arith.constant 3328 : i32
    %add3A_10 = arith.addi %mul3A_2, %add3A_9 : i32
    "tpu.region"() ({
      %run_scoped3A = tpu.sem_alloc : memref<!tpu.dma_semaphore, #tpu.memory_space<semaphore_mem>>
      %dma_start3A_33 = tpu.memref_slice %arg2[%add3A_10] : memref<425984xi32, #tpu.memory_space<hbm>> -> memref<3328xi32, #tpu.memory_space<hbm>>
      %dma_start3A_34 = tpu.memref_slice %arg2[%add3A_10] : memref<425984xi32, #tpu.memory_space<hbm>> -> memref<3328xi32, #tpu.memory_space<hbm>>
      tpu.enqueue_dma source(%dma_start3A_34 : memref<3328xi32, #tpu.memory_space<hbm>>) target(%arg5 : memref<3328xi32, #tpu.memory_space<vmem>>) target_semaphore(%run_scoped3A : memref<!tpu.dma_semaphore, #tpu.memory_space<semaphore_mem>>)
      %dma_wait3A_35 = tpu.memref_slice %arg2[%add3A_10] : memref<425984xi32, #tpu.memory_space<hbm>> -> memref<3328xi32, #tpu.memory_space<hbm>>
      %dma_wait3A_36 = tpu.memref_slice %arg2[%add3A_10] : memref<425984xi32, #tpu.memory_space<hbm>> -> memref<3328xi32, #tpu.memory_space<hbm>>
      tpu.wait_dma2 semaphore(%run_scoped3A : memref<!tpu.dma_semaphore, #tpu.memory_space<semaphore_mem>>) src(%dma_wait3A_36 : memref<3328xi32, #tpu.memory_space<hbm>>) dst(%arg5 : memref<3328xi32, #tpu.memory_space<vmem>>)
      tpu.yield
    }) : () -> ()
    %dma_start3A_11 = arith.constant 0 : i32
    %dma_start3A_12 = arith.constant 0 : i32
    %dma_start3A_13 = tpu.memref_slice %arg3[%dma_start3A_11, %dma_start3A_12] : memref<1000000x16xf32, #tpu.memory_space<hbm>> -> memref<1000000x16xf32, #tpu.memory_space<hbm>>
    tpu.enqueue_indirect_dma source(%dma_start3A_13 : memref<1000000x16xf32, #tpu.memory_space<hbm>>) target(%arg6 : memref<3328x16xf32, #tpu.memory_space<vmem>>) offsets(%arg5 : memref<3328xi32, #tpu.memory_space<vmem>>) semaphore(%arg7 : memref<!tpu.dma_semaphore, #tpu.memory_space<semaphore_mem>>)
    %dma_wait3A_14 = arith.constant 0 : i32
    %dma_wait3A_15 = arith.constant 0 : i32
    %dma_wait3A_16 = tpu.memref_slice %arg3[%dma_wait3A_14, %dma_wait3A_15] : memref<1000000x16xf32, #tpu.memory_space<hbm>> -> memref<1000000x16xf32, #tpu.memory_space<hbm>>
    tpu.wait_indirect_dma semaphore(%arg7 : memref<!tpu.dma_semaphore, #tpu.memory_space<semaphore_mem>>) src(%dma_wait3A_16 : memref<1000000x16xf32, #tpu.memory_space<hbm>>) dst(%arg6 : memref<3328x16xf32, #tpu.memory_space<vmem>>)
    "tpu.region"() ({
      %run_scoped3A = tpu.sem_alloc : memref<!tpu.dma_semaphore, #tpu.memory_space<semaphore_mem>>
      %dma_start3A_33 = arith.constant 0 : i32
      %dma_start3A_34 = tpu.memref_slice %arg4[%add3A_10, %dma_start3A_33] : memref<425984x16xf32, #tpu.memory_space<hbm>> -> memref<3328x16xf32, #tpu.memory_space<hbm>>
      %dma_start3A_35 = arith.constant 0 : i32
      %dma_start3A_36 = tpu.memref_slice %arg4[%add3A_10, %dma_start3A_35] : memref<425984x16xf32, #tpu.memory_space<hbm>> -> memref<3328x16xf32, #tpu.memory_space<hbm>>
      tpu.enqueue_dma source(%arg6 : memref<3328x16xf32, #tpu.memory_space<vmem>>) target(%dma_start3A_36 : memref<3328x16xf32, #tpu.memory_space<hbm>>) target_semaphore(%run_scoped3A : memref<!tpu.dma_semaphore, #tpu.memory_space<semaphore_mem>>)
      %dma_wait3A_37 = arith.constant 0 : i32
      %dma_wait3A_38 = tpu.memref_slice %arg4[%add3A_10, %dma_wait3A_37] : memref<425984x16xf32, #tpu.memory_space<hbm>> -> memref<3328x16xf32, #tpu.memory_space<hbm>>
      %dma_wait3A_39 = arith.constant 0 : i32
      %dma_wait3A_40 = tpu.memref_slice %arg4[%add3A_10, %dma_wait3A_39] : memref<425984x16xf32, #tpu.memory_space<hbm>> -> memref<3328x16xf32, #tpu.memory_space<hbm>>
      tpu.wait_dma2 semaphore(%run_scoped3A : memref<!tpu.dma_semaphore, #tpu.memory_space<semaphore_mem>>) src(%arg6 : memref<3328x16xf32, #tpu.memory_space<vmem>>) dst(%dma_wait3A_40 : memref<3328x16xf32, #tpu.memory_space<hbm>>)
      tpu.yield
    }) : () -> ()
    %add3A_17 = arith.constant 6656 : i32
    %add3A_18 = arith.addi %mul3A_2, %add3A_17 : i32
    "tpu.region"() ({
      %run_scoped3A = tpu.sem_alloc : memref<!tpu.dma_semaphore, #tpu.memory_space<semaphore_mem>>
      %dma_start3A_33 = tpu.memref_slice %arg2[%add3A_18] : memref<425984xi32, #tpu.memory_space<hbm>> -> memref<3328xi32, #tpu.memory_space<hbm>>
      %dma_start3A_34 = tpu.memref_slice %arg2[%add3A_18] : memref<425984xi32, #tpu.memory_space<hbm>> -> memref<3328xi32, #tpu.memory_space<hbm>>
      tpu.enqueue_dma source(%dma_start3A_34 : memref<3328xi32, #tpu.memory_space<hbm>>) target(%arg5 : memref<3328xi32, #tpu.memory_space<vmem>>) target_semaphore(%run_scoped3A : memref<!tpu.dma_semaphore, #tpu.memory_space<semaphore_mem>>)
      %dma_wait3A_35 = tpu.memref_slice %arg2[%add3A_18] : memref<425984xi32, #tpu.memory_space<hbm>> -> memref<3328xi32, #tpu.memory_space<hbm>>
      %dma_wait3A_36 = tpu.memref_slice %arg2[%add3A_18] : memref<425984xi32, #tpu.memory_space<hbm>> -> memref<3328xi32, #tpu.memory_space<hbm>>
      tpu.wait_dma2 semaphore(%run_scoped3A : memref<!tpu.dma_semaphore, #tpu.memory_space<semaphore_mem>>) src(%dma_wait3A_36 : memref<3328xi32, #tpu.memory_space<hbm>>) dst(%arg5 : memref<3328xi32, #tpu.memory_space<vmem>>)
      tpu.yield
    }) : () -> ()
    %dma_start3A_19 = arith.constant 0 : i32
    %dma_start3A_20 = arith.constant 0 : i32
    %dma_start3A_21 = tpu.memref_slice %arg3[%dma_start3A_19, %dma_start3A_20] : memref<1000000x16xf32, #tpu.memory_space<hbm>> -> memref<1000000x16xf32, #tpu.memory_space<hbm>>
    tpu.enqueue_indirect_dma source(%dma_start3A_21 : memref<1000000x16xf32, #tpu.memory_space<hbm>>) target(%arg6 : memref<3328x16xf32, #tpu.memory_space<vmem>>) offsets(%arg5 : memref<3328xi32, #tpu.memory_space<vmem>>) semaphore(%arg7 : memref<!tpu.dma_semaphore, #tpu.memory_space<semaphore_mem>>)
    %dma_wait3A_22 = arith.constant 0 : i32
    %dma_wait3A_23 = arith.constant 0 : i32
    %dma_wait3A_24 = tpu.memref_slice %arg3[%dma_wait3A_22, %dma_wait3A_23] : memref<1000000x16xf32, #tpu.memory_space<hbm>> -> memref<1000000x16xf32, #tpu.memory_space<hbm>>
    tpu.wait_indirect_dma semaphore(%arg7 : memref<!tpu.dma_semaphore, #tpu.memory_space<semaphore_mem>>) src(%dma_wait3A_24 : memref<1000000x16xf32, #tpu.memory_space<hbm>>) dst(%arg6 : memref<3328x16xf32, #tpu.memory_space<vmem>>)
    "tpu.region"() ({
      %run_scoped3A = tpu.sem_alloc : memref<!tpu.dma_semaphore, #tpu.memory_space<semaphore_mem>>
      %dma_start3A_33 = arith.constant 0 : i32
      %dma_start3A_34 = tpu.memref_slice %arg4[%add3A_18, %dma_start3A_33] : memref<425984x16xf32, #tpu.memory_space<hbm>> -> memref<3328x16xf32, #tpu.memory_space<hbm>>
      %dma_start3A_35 = arith.constant 0 : i32
      %dma_start3A_36 = tpu.memref_slice %arg4[%add3A_18, %dma_start3A_35] : memref<425984x16xf32, #tpu.memory_space<hbm>> -> memref<3328x16xf32, #tpu.memory_space<hbm>>
      tpu.enqueue_dma source(%arg6 : memref<3328x16xf32, #tpu.memory_space<vmem>>) target(%dma_start3A_36 : memref<3328x16xf32, #tpu.memory_space<hbm>>) target_semaphore(%run_scoped3A : memref<!tpu.dma_semaphore, #tpu.memory_space<semaphore_mem>>)
      %dma_wait3A_37 = arith.constant 0 : i32
      %dma_wait3A_38 = tpu.memref_slice %arg4[%add3A_18, %dma_wait3A_37] : memref<425984x16xf32, #tpu.memory_space<hbm>> -> memref<3328x16xf32, #tpu.memory_space<hbm>>
      %dma_wait3A_39 = arith.constant 0 : i32
      %dma_wait3A_40 = tpu.memref_slice %arg4[%add3A_18, %dma_wait3A_39] : memref<425984x16xf32, #tpu.memory_space<hbm>> -> memref<3328x16xf32, #tpu.memory_space<hbm>>
      tpu.wait_dma2 semaphore(%run_scoped3A : memref<!tpu.dma_semaphore, #tpu.memory_space<semaphore_mem>>) src(%arg6 : memref<3328x16xf32, #tpu.memory_space<vmem>>) dst(%dma_wait3A_40 : memref<3328x16xf32, #tpu.memory_space<hbm>>)
      tpu.yield
    }) : () -> ()
    %add3A_25 = arith.constant 9984 : i32
    %add3A_26 = arith.addi %mul3A_2, %add3A_25 : i32
    "tpu.region"() ({
      %run_scoped3A = tpu.sem_alloc : memref<!tpu.dma_semaphore, #tpu.memory_space<semaphore_mem>>
      %dma_start3A_33 = tpu.memref_slice %arg2[%add3A_26] : memref<425984xi32, #tpu.memory_space<hbm>> -> memref<3328xi32, #tpu.memory_space<hbm>>
      %dma_start3A_34 = tpu.memref_slice %arg2[%add3A_26] : memref<425984xi32, #tpu.memory_space<hbm>> -> memref<3328xi32, #tpu.memory_space<hbm>>
      tpu.enqueue_dma source(%dma_start3A_34 : memref<3328xi32, #tpu.memory_space<hbm>>) target(%arg5 : memref<3328xi32, #tpu.memory_space<vmem>>) target_semaphore(%run_scoped3A : memref<!tpu.dma_semaphore, #tpu.memory_space<semaphore_mem>>)
      %dma_wait3A_35 = tpu.memref_slice %arg2[%add3A_26] : memref<425984xi32, #tpu.memory_space<hbm>> -> memref<3328xi32, #tpu.memory_space<hbm>>
      %dma_wait3A_36 = tpu.memref_slice %arg2[%add3A_26] : memref<425984xi32, #tpu.memory_space<hbm>> -> memref<3328xi32, #tpu.memory_space<hbm>>
      tpu.wait_dma2 semaphore(%run_scoped3A : memref<!tpu.dma_semaphore, #tpu.memory_space<semaphore_mem>>) src(%dma_wait3A_36 : memref<3328xi32, #tpu.memory_space<hbm>>) dst(%arg5 : memref<3328xi32, #tpu.memory_space<vmem>>)
      tpu.yield
    }) : () -> ()
    %dma_start3A_27 = arith.constant 0 : i32
    %dma_start3A_28 = arith.constant 0 : i32
    %dma_start3A_29 = tpu.memref_slice %arg3[%dma_start3A_27, %dma_start3A_28] : memref<1000000x16xf32, #tpu.memory_space<hbm>> -> memref<1000000x16xf32, #tpu.memory_space<hbm>>
    tpu.enqueue_indirect_dma source(%dma_start3A_29 : memref<1000000x16xf32, #tpu.memory_space<hbm>>) target(%arg6 : memref<3328x16xf32, #tpu.memory_space<vmem>>) offsets(%arg5 : memref<3328xi32, #tpu.memory_space<vmem>>) semaphore(%arg7 : memref<!tpu.dma_semaphore, #tpu.memory_space<semaphore_mem>>)
    %dma_wait3A_30 = arith.constant 0 : i32
    %dma_wait3A_31 = arith.constant 0 : i32
    %dma_wait3A_32 = tpu.memref_slice %arg3[%dma_wait3A_30, %dma_wait3A_31] : memref<1000000x16xf32, #tpu.memory_space<hbm>> -> memref<1000000x16xf32, #tpu.memory_space<hbm>>
    tpu.wait_indirect_dma semaphore(%arg7 : memref<!tpu.dma_semaphore, #tpu.memory_space<semaphore_mem>>) src(%dma_wait3A_32 : memref<1000000x16xf32, #tpu.memory_space<hbm>>) dst(%arg6 : memref<3328x16xf32, #tpu.memory_space<vmem>>)
    "tpu.region"() ({
      %run_scoped3A = tpu.sem_alloc : memref<!tpu.dma_semaphore, #tpu.memory_space<semaphore_mem>>
      %dma_start3A_33 = arith.constant 0 : i32
      %dma_start3A_34 = tpu.memref_slice %arg4[%add3A_26, %dma_start3A_33] : memref<425984x16xf32, #tpu.memory_space<hbm>> -> memref<3328x16xf32, #tpu.memory_space<hbm>>
      %dma_start3A_35 = arith.constant 0 : i32
      %dma_start3A_36 = tpu.memref_slice %arg4[%add3A_26, %dma_start3A_35] : memref<425984x16xf32, #tpu.memory_space<hbm>> -> memref<3328x16xf32, #tpu.memory_space<hbm>>
      tpu.enqueue_dma source(%arg6 : memref<3328x16xf32, #tpu.memory_space<vmem>>) target(%dma_start3A_36 : memref<3328x16xf32, #tpu.memory_space<hbm>>) target_semaphore(%run_scoped3A : memref<!tpu.dma_semaphore, #tpu.memory_space<semaphore_mem>>)
      %dma_wait3A_37 = arith.constant 0 : i32
      %dma_wait3A_38 = tpu.memref_slice %arg4[%add3A_26, %dma_wait3A_37] : memref<425984x16xf32, #tpu.memory_space<hbm>> -> memref<3328x16xf32, #tpu.memory_space<hbm>>
      %dma_wait3A_39 = arith.constant 0 : i32
      %dma_wait3A_40 = tpu.memref_slice %arg4[%add3A_26, %dma_wait3A_39] : memref<425984x16xf32, #tpu.memory_space<hbm>> -> memref<3328x16xf32, #tpu.memory_space<hbm>>
      tpu.wait_dma2 semaphore(%run_scoped3A : memref<!tpu.dma_semaphore, #tpu.memory_space<semaphore_mem>>) src(%arg6 : memref<3328x16xf32, #tpu.memory_space<vmem>>) dst(%dma_wait3A_40 : memref<3328x16xf32, #tpu.memory_space<hbm>>)
      tpu.yield
    }) : () -> ()
    return
  }
}

</mosaic_0001>

<sc_bundles>
// kernel: kernel.11.cloned.1.call-start
scs
__scs_entry_jumppad:
0x0: {  	(pc) =	sbr.rel $0x88, $3  }
0x1: {  	(tag) =	ssettag $0x0;
	lr =	simm.s32 $0x1  }
0x2: {  	[smem:$0x3F9F] =	sst lr;
	_ =	strace $0xD0000000  }
0x3: {  	_ = 	snop  }
0x4: {  	_ = 	snop  }
0x5: {  	_ = 	snop  }
0x6: {  	_ = 	snop  }
0x7: {  	_ = 	snop  }
__scs_overlays_trampoline_lowered:
0x8: {  	[smem:$0x3FAE] =	sst s0  }
0x9: {  	[smem:$0x3FAF] =	sst s1  }
0xa: {  	[smem:$0x3FB0] =	sst s2  }
0xb: {  	[smem:$0x3FB1] =	sst s3  }
0xc: {  	[smem:$0x3FB2] =	sst s4  }
0xd: {  	[smem:$0x3FB3] =	sst s5  }
0xe: {  	[smem:$0x3FB4] =	sst s6  }
0xf: {  	[smem:$0x3FB5] =	sst s7  }
0x10: {  	[smem:$0x3FB6] =	sst s8  }
0x11: {  	[smem:$0x3FB7] =	sst s9;
	s0 =	simm.s32 @!p0 $0x0  }
0x12: {  	s1 =	sld [smem:$0x3F9D];
	s0 =	simm.s32 @p0 $0x1  }
0x13: {  	[smem:$0x3FB8] =	sst s0;
	s0 =	simm.s32 @!p1 $0x0  }
0x14: {  	s2 =	sld [smem:$0x3F9C];
	s0 =	simm.s32 @p1 $0x1  }
0x15: {  	[smem:$0x3FB9] =	sst s0;
	s0 =	simm.s32 @!p2 $0x0  }
0x16: {  	s3 =	sld [smem:$0x3FDB];
	s0 =	simm.s32 @p2 $0x1  }
0x17: {  	s4 =	simm.s32 $0x1BF5;
	[smem:$0x3FBB] =	sst s0  }
0x18: {  	s0 =	sld [smem:$0x3F9E];
	_ =	swait.ge [sflag:s4], $0x0  }
0x19: {  	s7 =	sld [smem:$0x3F9F]  }
0x1a: {  	s8 =	sadd.s32 $0xFFFFE003, lr  }
0x1b: {  	s9 =	sadd.s32 $0xFFFFFEF7, lr;
	s5 =	simm.s32 $0xFFFFFFFF;
	p2 =	slt.u32 s8, $0xFFFFF086  }
0x1c: {  	p1 =	slt.u32 s9, $0xF7A;
	s5 =	simm.s32 @!p2 $0x0  }
0x1d: {  	s5 =	simm.s32 @p1 $0x1;
	p0 =	seq.s32 s7, s2  }
0x1e: {  	s7 =	smul.u32 @!p0 $0xF7A, s2;
	p2 =	seq.s32 @!p0 s5, $0x0  }
0x1f: {  	s9 =	smul.u32 $0xF7A, s1;
	s8 =	simm.s32 @!p0 $0x1BF5;
	p2 =	por !p2, p0  }
0x20: {  	[sflag:s8] =	ssyncset.s32 @!p0 $0xFFFFF086;
	s6 =	sadd.s32 @!p0 s3, s7;
	s7 =	simm.s32 @!p0 $0x108  }
0x21: {  	s3 =	sadd.s32 s3, s9;
	s6 =	sadd.s32 @!p0 $0x88, s6;
	s7 =	simm.s32 @p2 $0x1082  }
0x22: {  	[simem:s7], [sflag:s8] =	dma.local @!p0 [hbm:s6], $0xF7A  }
0x23: {  	s9 =	sor.u32 $0xD0000000, s2;
	s6 =	simm.s32 $0x108;
	_ =	swait.ge @!p0 [sflag:s8], $0x0  }
0x24: {  	s3 =	sadd.s32 $0x88, s3;
	s6 =	simm.s32 @!p1 $0x1082;
	[sflag:s4] =	ssyncset.s32 $0xFFFFF086  }
0x25: {  	[simem:s6], [sflag:s4] =	dma.local [hbm:s3], $0xF7A  }
0x26: {  	[smem:$0x3F9F] =	sst s1;
	(tag) =	ssettag s2;
	_ =	strace s9  }
0x27: {  	s1 =	sld [smem:$0x3FAF]  }
0x28: {  	s2 =	sld [smem:$0x3FB0]  }
0x29: {  	s4 =	sld [smem:$0x3FB2]  }
0x2a: {  	p0 =	seq.s32 s5, $0x0;
	s5 =	sld [smem:$0x3FB3]  }
0x2b: {  	s6 =	sld [smem:$0x3FB4]  }
0x2c: {  	s7 =	sld [smem:$0x3FB5]  }
0x2d: {  	s3 =	simm.s32 $0x108;
	s8 =	sld [smem:$0x3FB6]  }
0x2e: {  	s3 =	simm.s32 @!p0 $0x1082;
	s9 =	sld [smem:$0x3FB7]  }
0x2f: {  	lr =	sadd.s32 s0, s3;
	s0 =	sld [smem:$0x3FAE]  }
0x30: {  	s3 =	sld [smem:$0x3FB1]  }
0x31: {  	[smem:$0x3FBA] =	sst s10  }
0x32: {  	s10 =	sld [smem:$0x3FB8];
	_ =	sdelay $0x3  }
0x33: {  	p0 =	seq.s32 s10, $0x1;
	s10 =	sld [smem:$0x3FBA];
	_ =	sdelay $0x3  }
0x34: {  	[smem:$0x3FBA] =	sst s10  }
0x35: {  	s10 =	sld [smem:$0x3FB9];
	_ =	sdelay $0x3  }
0x36: {  	p1 =	seq.s32 s10, $0x1;
	s10 =	sld [smem:$0x3FBA];
	_ =	sdelay $0x3  }
0x37: {  	[smem:$0x3FBA] =	sst s10  }
0x38: {  	s10 =	sld [smem:$0x3FBB]  }
0x39: {  	_ = 	snop;
	(pc) =	sbr.ind lr, $3  }
0x3a: {  	_ = 	snop  }
0x3b: {  	_ = 	snop  }
0x3c: {  	p2 =	seq.s32 s10, $0x1;
	s10 =	sld [smem:$0x3FBA]  }
0x3d: {  	_ =	shalt  }
0x3e: {  	_ =	shalt  }
0x3f: {  	_ =	shalt  }
0x40: {  	_ =	shalt  }
0x41: {  	_ =	shalt  }
0x42: {  	_ =	shalt  }
0x43: {  	_ =	shalt  }
0x44: {  	_ =	shalt  }
0x45: {  	_ =	shalt  }
0x46: {  	_ =	shalt  }
0x47: {  	_ =	shalt  }
0x48: {  	_ =	shalt  }
0x49: {  	_ =	shalt  }
0x4a: {  	_ =	shalt  }
0x4b: {  	_ =	shalt  }
0x4c: {  	_ =	shalt  }
0x4d: {  	_ =	shalt  }
0x4e: {  	_ =	shalt  }
0x4f: {  	_ =	shalt  }
0x50: {  	_ =	shalt  }
0x51: {  	_ =	shalt  }
0x52: {  	_ =	shalt  }
0x53: {  	_ =	shalt  }
0x54: {  	_ =	shalt  }
0x55: {  	_ =	shalt  }
0x56: {  	_ =	shalt  }
0x57: {  	_ =	shalt  }
0x58: {  	_ =	shalt  }
0x59: {  	_ =	shalt  }
0x5a: {  	_ =	shalt  }
0x5b: {  	_ =	shalt  }
0x5c: {  	_ =	shalt  }
0x5d: {  	_ =	shalt  }
0x5e: {  	_ =	shalt  }
0x5f: {  	_ =	shalt  }
0x60: {  	_ =	shalt  }
0x61: {  	_ =	shalt  }
0x62: {  	_ =	shalt  }
0x63: {  	_ =	shalt  }
0x64: {  	_ =	shalt  }
0x65: {  	_ =	shalt  }
0x66: {  	_ =	shalt  }
0x67: {  	_ =	shalt  }
0x68: {  	_ =	shalt  }
0x69: {  	_ =	shalt  }
0x6a: {  	_ =	shalt  }
0x6b: {  	_ =	shalt  }
0x6c: {  	_ =	shalt  }
0x6d: {  	_ =	shalt  }
0x6e: {  	_ =	shalt  }
0x6f: {  	_ =	shalt  }
0x70: {  	_ =	shalt  }
0x71: {  	_ =	shalt  }
0x72: {  	_ =	shalt  }
0x73: {  	_ =	shalt  }
0x74: {  	_ =	shalt  }
0x75: {  	_ =	shalt  }
0x76: {  	_ =	shalt  }
0x77: {  	_ =	shalt  }
0x78: {  	_ =	shalt  }
0x79: {  	_ =	shalt  }
0x7a: {  	_ =	shalt  }
0x7b: {  	_ =	shalt  }
0x7c: {  	_ =	shalt  }
0x7d: {  	_ =	shalt  }
0x7e: {  	_ =	shalt  }
0x7f: {  	_ =	shalt  }
0x80: {  	_ =	shalt  }
0x81: {  	_ =	shalt  }
0x82: {  	_ =	shalt  }
0x83: {  	_ =	shalt  }
0x84: {  	_ =	shalt  }
0x85: {  	_ =	shalt  }
0x86: {  	_ =	shalt  }
0x87: {  	_ =	shalt  }
.Lfunc_end0:
.L_simem_size_0:
called_computation.2_lowered:
.L_overlay_start_0:
0x88: {  	s2 =	sld [smem:$0x3FD9]  }
0x89: {  	s3 =	sld [smem:$0x3FFE];
	_ =	sdelay $0x1  }
0x8a: {  	s1 =	srdreg.scid  }
0x8b: {  	s0 =	sand.u32 $0x1, s1  }
0x8c: {  	s17 =	sshll.u32 s0, $0xA;
	s2 =	sadd.s32 s3, s2  }
0x8d: {  	s2 =	sadd.s32 s2, s17  }
0x8e: {  	[smem:$0x3FC6] =	sst s2  }
0x8f: {  	_ = 	snop  }
0x90: {  	s2 =	sld [smem:$0x3FD0];
	(tm) =	ssettm $0x1  }
0x91: {  	s18 =	sld [smem:$0x3FFB];
	_ =	sdelay $0x3  }
0x92: {  	_ =	strace s18  }
0x93: {  	s3 =	sld [smem:$0x3FFC];
	_ =	sdelay $0x3  }
0x94: {  	_ =	strace s3  }
0x95: {  	s3 =	sld [smem:$0x3FFD];
	_ =	sdelay $0x3  }
0x96: {  	_ =	strace s3  }
0x97: {  	_ =	strace $0x8FFFFFFF  }
0x98: {  	s19 =	sld [smem:$0x3FDB];
	_ =	sdelay $0x1  }
0x99: {  	s4 =	simm.s32 $_scs_section_size  }
0x9a: {  	s5 =	simm.s32 $_size__tile_overlayer_lowered;
	s6 =	simm.s32 $_tile_overlayer_lowered  }
0x9b: {  	s22 =	simm.s32 $0x1BFF;
	s21 =	sshll.u32 s6, $0x1;
	s3 =	sadd.s32 s4, s19  }
0x9c: {  	s7 =	simm.s32 $0x0;
	s20 =	sshll.u32 s5, $0x1;
	s5 =	sadd.s32 s21, s3  }
0x9d: {  	[timem:s7], [sflag:s22] =	dma.local [hbm:s5], s20  }
0x9e: {  	_ =	swait.ge [sflag:s22], s20  }
0x9f: {  	s4 =	ssub.s32 $0x0, s20;
	[sflag:s22] =	ssyncset.done $0x0  }
0xa0: {  	[sflag:s22] =	ssyncadd.s32 s4;
	_ =	sdelay $0x1  }
0xa1: {  	s23 =	simm.s32 $0x1B8B  }
0xa2: {  	_ =	swait.ge [sflag:s23], $0x1  }
0xa3: {  	[sflag:s23] =	ssyncset.done $0x0  }
0xa4: {  	s25 =	simm.s32 $0x1B8E;
	s24 =	sld [smem:$0x3FFE];
	[sflag:s23] =	ssyncadd.s32 $0xFFFFFFFF  }
0xa5: {  	s26 =	simm.s32 $execute0_lowered;
	[smem:$0x3FD2] =	sst s25  }
0xa6: {  	s5 =	sshll.u32 s26, $0x1;
	_ =	strace $0x8000004C;
	[dreg:$0x1] =	wrdreg $0xFFFFFFFF  }
0xa7: {  	s28 =	simm.s32 $_size_execute0_lowered;
	s3 =	sadd.s32 s3, s5;
	[dreg:$0x0] =	wrdreg $0x0  }
0xa8: {  	s5 =	sshll.u32 s28, $0x1;
	[dreg:$0x2] =	wrdreg s3  }
0xa9: {  	[dreg:$0x3] =	wrdreg s5  }
0xaa: {  	[dreg:$0x4] =	wrdreg $0xC0  }
0xab: {  	_ =	task [dreg:s7], $0x5FFFF  }
0xac: {  	[dreg:$0x1] =	wrdreg $0xFFFFFFFF  }
0xad: {  	[dreg:$0x0] =	wrdreg $0x60  }
0xae: {  	[dreg:$0x2] =	wrdreg s24  }
0xaf: {  	[dreg:$0x3] =	wrdreg s2  }
0xb0: {  	[dreg:$0x4] =	wrdreg $0x9  }
0xb1: {  	_ =	task.clear_ibuf [dreg:s7], $0x5FFFF;
	_ =	strace $0x9000004C  }
0xb2: {  	s29 =	simm.s32 $0x9;
	_ =	strace $0x8000004E  }
0xb3: {  	_ =	swait.ge [sflag:s29], $0x1  }
0xb4: {  	[sflag:s29] =	ssyncadd.s32 $0xFFFFFFFF  }
0xb5: {  	_ =	strace $0x9000004E  }
0xb6: {  	_ =	sfence  }
0xb7: {  	s30 =	sld [smem:$0x0];
	_ =	sdelay $0x2  }
0xb8: {  	s31 =	sshll.u32 s1, $0xD;
	s1 =	sshrl.u32 s1, $0x2  }
0xb9: {  	s3 =	sand.u32 $0x4000, s31;
	s1 =	sadd.s32 s1, s30  }
0xba: {  	s0 =	sor.u32 s3, s0;
	s1 =	sshll.u32 s1, $0x11  }
0xbb: {  	s0 =	sor.u32 s1, s0  }
0xbc: {  	s0 =	sadd.s32 $0x8F2B, s0  }
0xbd: {  	[sflag:s0] =	ssyncadd.remote.s32 $0x1  }
0xbe: {  	_ =	sfence.sel $0xFFFF  }
0xbf: {  	[dreg:$0x0] =	wrdreg $0xFFFFFFFF;
	(pc) =	sbr.abs _section_cstart, $3  }
0xc0: {  	[dreg:$0x1] =	wrdreg $0xFFFFFFFF  }
0xc1: {  	_ =	task.clear_ibuf [dreg:s7], $0x2FFFF;
	_ =	strace $0x9FFFFFFF  }
0xc2: {  	(tm) =	ssettm $0x7FFFFFFF  }
0xc3: {  	_ =	shalt  }
tec
execute0_lowered:
.L_overlay_start_1:
0x0: {  	(tag) =	ssettag $0x1  }
0x1: {  	v0 =	vlaneseq.u32  }
0x2: {  	s5 =	rddreg [dreg:$0x0];
	s1 =	srdreg.scid;
	v1 =	vand.u32 $0x7, v0  }
0x3: {  	s0 =	stileid.u32;
	s2 =	rddreg [dreg:$0x1];
	s3 =	simm.s32 $0x0;
	v2 =	vshrl.u32 v0, $0x3;
	v0 =	vmul.u32 $0x10, v1  }
0x4: {  	s8 =	simm.s32 $0x1;
	s9 =	simm.s32 $0x2000;
	s10 =	simm.s32 $0x20000;
	v1 =	vmul.u32 $0x80, v2  }
.Ltmp0:
0x5: {  	s4 =	sand.u32 $0x1, s1;
	s6 =	sshll.u32 s0, $0x1;
	v2 =	vor.u32 $0x1, v0;
	v3 =	vor.u32 $0x2, v0;
	v4 =	vor.u32 $0x3, v0;
	(pc) =	sbr.rel .LBB2_1-.Ltmp0, $4  }
0x6: {  	s11 =	simm.s32 $0x4000;
	s6 =	sor.u32 s4, s6;
	s7 =	ssub.s32 $0x2, s4;
	v5 =	vor.u32 $0x4, v0;
	v6 =	vor.u32 $0x5, v0;
	v7 =	vor.u32 $0x6, v0  }
0x7: {  	s12 =	simm.s32 $0x0;
	s4 =	smul.u32 $0xD, s6;
	s31 =	sshrl.u32 s7, $0x1;
	v8 =	vor.u32 $0x7, v0;
	v9 =	vor.u32 $0x8, v0;
	v10 =	vor.u32 $0x9, v0  }
0x8: {  	[smem:$0x7FF] =	sst s3;
	s5 =	sadd.s32 $0x1E9600, s5;
	s7 =	ssub.s32 s7, s31;
	v11 =	vor.u32 $0xA, v0;
	v12 =	vor.u32 $0xB, v0;
	v13 =	vor.u32 $0xC, v0  }
0x9: {  	_ =	strace $0x8000004D;
	v14 =	vor.u32 $0xD, v0;
	v15 =	vor.u32 $0xE, v0;
	v16 =	vor.u32 $0xF, v0;
	s6 =	sadd.s32 $0xD, s4;
	s7 =	smax.u32 s7, $0x1  }
.LBB2_77:
0xa: {  	s12 =	sadd.s32 $0x1, s12  }
0xb: {  	p0 =	sne.s32 s12, s7  }
.Ltmp1:
0xc: {  	_ = 	snop;
	(pc) =	sbr.rel @!p0 .LBB2_78-.Ltmp1, $1  }
0xd: {  	_ =	sdelay $0x3  }
.LBB2_1:
0xe: {  	s13 =	smov.u32 s4  }
.LBB2_2:
0xf: {  	s15 =	sand.u32 $0xF, s13  }
0x10: {  	s14 =	sshll.u32 s13, $0xE;
	s16 =	simm.s32 $0x4;
	s23 =	simm.s32 $0x0  }
0x11: {  	s18 =	simm.s32 $0x2;
	s14 =	sand.u32 $0x7FFC0000, s14;
	s17 =	sshll.u32 s15, $0xE;
	v17 =	vmov s16  }
0x12: {  	s19 =	simm.s32 $0x6;
	v18 =	vmov s23;
	v19 =	vmov s18;
	s22 =	sor.u32 s17, s14;
	v17 =	vshll.u32 v17, $0x7  }
0x13: {  	v22 =	vmov s19;
	v18 =	vshll.u32 v18, $0x7;
	s16 =	sshrl.u32 s22, $0x3;
	v17 =	vor.u32 v1, v17  }
0x14: {  	v19 =	vshll.u32 v19, $0x7;
	v20 =	vor.u32 v1, v18;
	s24 =	sadd.s32 s5, s16;
	s16 =	simm.s32 $0x0;
	v21 =	vor.u32 v0, v17  }
0x15: {  	v18 =	vshll.u32 v22, $0x7;
	v19 =	vor.u32 v1, v19;
	v22 =	vor.u32 v0, v20;
	[tilespmem:s16], [sflag:$0x1] =	stream.linear.gather [hbm4b:s24+s16], $0x4000, $0x38;
	[tilespmem:$0x8000] =	vst v63  }
0x16: {  	v23 =	vor.u32 v0, v19;
	_ =	swait.ge [sflag:s8], $0x4000  }
0x17: {  	s20 =	simm.s32 $0xC;
	v18 =	vor.u32 v1, v18;
	[sflag:s8] =	ssyncset.done $0x0  }
0x18: {  	s25 =	simm.s32 $0xE;
	s21 =	simm.s32 $0x8;
	v25 =	vmov s20;
	v27 =	vor.u32 v0, v18;
	[sflag:s8] =	ssyncadd.s32 $0xFFFFC000  }
0x19: {  	s26 =	simm.s32 $0xA;
	s31 =	simm.s32 $0x20;
	v24 =	vmov s25;
	v28 =	vmov s21;
	v25 =	vshll.u32 v25, $0x7;
	v32 =	vld.idx.msk [tilespmem:v21+s16+$0x0], $0xffff  }
0x1a: {  	s18 =	simm.s32 $0x4;
	s20 =	simm.s32 $0x10;
	s17 =	simm.s32 $0x30;
	v28 =	vshll.u32 v28, $0x7;
	v21 =	vmov s26;
	v26 =	vld.idx.msk [tilespmem:v22+s16+$0x0], $0xffff;
	v22 =	vor.u32 v1, v25  }
0x1b: {  	s28 =	sand.u32 $0x50, s20;
	s22 =	sand.u32 $0x60, s31;
	s19 =	sand.u32 $0x1C00, s16;
	v25 =	vld.idx.msk [tilespmem:v23+s16+$0x0], $0xffff;
	v23 =	vor.u32 v1, v28;
	v21 =	vshll.u32 v21, $0x7;
	v30 =	vor.u32 v0, v22  }
0x1c: {  	v24 =	vshll.u32 v24, $0x7;
	s29 =	sand.u32 $0x70, s17;
	s24 =	simm.s32 $0x0;
	s23 =	sor.u32 $0x4000, s19;
	v31 =	vor.u32 v0, v23;
	v21 =	vor.u32 v1, v21  }
0x1d: {  	v24 =	vor.u32 v1, v24;
	s21 =	sand.u32 $0x40, s24;
	s24 =	simm.s32 $0x16;
	s25 =	sor.u32 s22, s23;
	v27 =	vld.idx.msk [tilespmem:v27+s16+$0x0], $0xffff;
	v29 =	vor.u32 v0, v21  }
0x1e: {  	s30 =	sor.u32 s21, s23;
	v28 =	vor.u32 v0, v24;
	s26 =	simm.s32 $0x0;
	[tilespmem:s25+$0x0] =	vst v32;
	s25 =	simm.s32 $0x30  }
.LBB2_3:
0x1f: {  	s31 =	sadd.s32 $0xFFFFFFFC, s24;
	s1 =	sadd.s32 $0xFFFFFFFE, s24;
	v32 =	vmov s24;
	s18 =	sadd.s32 $0x4, s18;
	[tilespmem:s30+$0x0] =	vst v26  }
0x20: {  	s30 =	sadd.s32 $0xFFFFFFFA, s24;
	v26 =	vmov s31;
	v33 =	vmov s1;
	v32 =	vshll.u32 v32, $0x7;
	p0 =	slt.u32 s18, $0x3C;
	v34 =	vld.idx.msk [tilespmem:v30+s16+$0x0], $0xffff;
	s1 =	sor.u32 s28, s23  }
0x21: {  	v30 =	vmov s30;
	v35 =	vshll.u32 v26, $0x7;
	v33 =	vshll.u32 v33, $0x7;
	v26 =	vld.idx.msk [tilespmem:v31+s16+$0x0], $0xffff;
	[tilespmem:s1+$0x0] =	vst v25;
	s1 =	sor.u32 s29, s23  }
.Ltmp2:
0x22: {  	s25 =	sadd.s32 $0x40, s25;
	s26 =	sadd.s32 $0x200, s26;
	v30 =	vshll.u32 v30, $0x7;
	v35 =	vor.u32 v1, v35;
	v31 =	vor.u32 v1, v33;
	v25 =	vld.idx.msk [tilespmem:v29+s16+$0x0], $0xffff;
	[tilespmem:s1+$0x0] =	vst v27;
	(pc) =	sbr.rel @p0 .LBB2_3-.Ltmp2, $4  }
0x23: {  	s28 =	sadd.s32 $0xFFFFFFF0, s25;
	v32 =	vor.u32 v1, v32;
	s23 =	sand.u32 $0x1C00, s26;
	v29 =	vor.u32 v1, v30;
	s1 =	sadd.s32 $0xFFFFFFD0, s25;
	v30 =	vor.u32 v0, v31;
	v27 =	vld.idx.msk [tilespmem:v28+s16+$0x0], $0xffff  }
0x24: {  	s29 =	sadd.s32 $0xFFFFFFE0, s25;
	s30 =	sand.u32 $0x60, s28;
	s23 =	sor.u32 $0x4000, s23;
	v31 =	vor.u32 v0, v29;
	v29 =	vor.u32 v0, v35;
	v28 =	vor.u32 v0, v32  }
0x25: {  	s28 =	sand.u32 $0x50, s29;
	s1 =	sand.u32 $0x40, s1;
	s29 =	sor.u32 s30, s23  }
0x26: {  	s24 =	sadd.s32 $0x8, s24;
	s30 =	sor.u32 s1, s23;
	[tilespmem:s29+$0x0] =	vst v34;
	s29 =	sand.u32 $0x70, s25  }
0x27: {  	_ =	sdelay $0x3  }
0x28: {  	v30 =	vld.idx.msk [tilespmem:v30+s16+$0x0], $0xffff  }
0x29: {  	s1 =	sor.u32 s28, s23;
	v31 =	vld.idx.msk [tilespmem:v31+s16+$0x0], $0xffff;
	s18 =	sadd.s32 $0x40, s25;
	s24 =	sadd.s32 $0x200, s26  }
0x2a: {  	[tilespmem:s30+$0x0] =	vst v26;
	s29 =	sor.u32 s29, s23;
	v62 =	vld.idx.msk [tilespmem:v29+s16+$0x0], $0xffff;
	s24 =	sand.u32 $0x1C00, s24;
	s25 =	sadd.s32 $0xFFFFFFF0, s18  }
0x2b: {  	v63 =	vld.idx.msk [tilespmem:v28+s16+$0x0], $0xffff;
	[tilespmem:s1+$0x0] =	vst v25;
	s30 =	sadd.s32 $0xFFFFFFD0, s18;
	s24 =	sor.u32 $0x4000, s24;
	s25 =	sand.u32 $0x60, s25  }
0x2c: {  	v17 =	vor.u32 v2, v17;
	[tilespmem:s29+$0x0] =	vst v27;
	s31 =	sadd.s32 $0xFFFFFFE0, s18;
	s1 =	sand.u32 $0x40, s30;
	s25 =	sor.u32 s25, s24  }
0x2d: {  	s23 =	sand.u32 $0x50, s31;
	s1 =	sor.u32 s1, s24;
	[tilespmem:s25+$0x0] =	vst v30  }
0x2e: {  	s18 =	sand.u32 $0x70, s18;
	s26 =	sor.u32 s23, s24;
	[tilespmem:s1+$0x0] =	vst v31  }
0x2f: {  	v20 =	vor.u32 v2, v20;
	s28 =	sor.u32 s18, s24;
	[tilespmem:s26+$0x0] =	vst v62  }
0x30: {  	v19 =	vor.u32 v2, v19;
	s18 =	simm.s32 $0x0;
	[tilespmem:s28+$0x0] =	vst v63  }
0x31: {  	v18 =	vor.u32 v2, v18;
	v17 =	vld.idx.msk [tilespmem:v17+s18+$0x0], $0xffff;
	_ =	sdelay $0x2  }
0x32: {  	s29 =	sor.u32 $0x4000, s19;
	v25 =	vld.idx.msk [tilespmem:v20+s18+$0x0], $0xffff  }
0x33: {  	s19 =	sor.u32 s22, s29;
	v26 =	vld.idx.msk [tilespmem:v19+s18+$0x0], $0xffff  }
0x34: {  	v20 =	vor.u32 v2, v22;
	[tilespmem:s19+$0x80] =	vst v17;
	v17 =	vld.idx.msk [tilespmem:v18+s18+$0x0], $0xffff  }
0x35: {  	v22 =	vor.u32 v2, v23  }
0x36: {  	s20 =	sand.u32 $0x50, s20;
	s21 =	sor.u32 s21, s29;
	v19 =	vor.u32 v2, v21  }
0x37: {  	s30 =	sor.u32 s20, s29;
	s31 =	sand.u32 $0x70, s17;
	[tilespmem:s21+$0x80] =	vst v25;
	v18 =	vor.u32 v2, v24  }
0x38: {  	s20 =	simm.s32 $0x16;
	s19 =	simm.s32 $0x4;
	s21 =	sor.u32 s31, s29;
	[tilespmem:s30+$0x80] =	vst v26  }
.LBB2_5:
0x39: {  	s1 =	sadd.s32 $0xFFFFFFFC, s20;
	s22 =	sadd.s32 $0xFFFFFFFE, s20;
	v21 =	vmov s20;
	s19 =	sadd.s32 $0x4, s19;
	v23 =	vld.idx.msk [tilespmem:v20+s18+$0x0], $0xffff;
	[tilespmem:s21+$0x80] =	vst v17  }
0x3a: {  	s21 =	sadd.s32 $0xFFFFFFFA, s20;
	s17 =	sadd.s32 $0x40, s17;
	v17 =	vmov s1;
	v20 =	vmov s22;
	v21 =	vshll.u32 v21, $0x7;
	p0 =	slt.u32 s19, $0x3C;
	v24 =	vld.idx.msk [tilespmem:v22+s18+$0x0], $0xffff  }
0x3b: {  	s16 =	sadd.s32 $0x200, s16;
	v22 =	vmov s21;
	s1 =	sadd.s32 $0xFFFFFFD0, s17;
	v17 =	vshll.u32 v17, $0x7;
	v20 =	vshll.u32 v20, $0x7;
	v25 =	vld.idx.msk [tilespmem:v19+s18+$0x0], $0xffff  }
0x3c: {  	s21 =	sand.u32 $0x1C00, s16;
	s22 =	sadd.s32 $0xFFFFFFF0, s17;
	s23 =	sadd.s32 $0xFFFFFFE0, s17;
	v19 =	vshll.u32 v22, $0x7;
	v26 =	vor.u32 v1, v17;
	v20 =	vor.u32 v1, v20;
	v17 =	vld.idx.msk [tilespmem:v18+s18+$0x0], $0xffff  }
.Ltmp3:
0x3d: {  	v21 =	vor.u32 v1, v21;
	s21 =	sor.u32 $0x4000, s21;
	s22 =	sand.u32 $0x60, s22;
	v18 =	vor.u32 v1, v19;
	v20 =	vor.u32 v2, v20;
	(pc) =	sbr.rel @p0 .LBB2_5-.Ltmp3, $4  }
0x3e: {  	s1 =	sand.u32 $0x40, s1;
	s23 =	sand.u32 $0x50, s23;
	s22 =	sor.u32 s22, s21;
	v22 =	vor.u32 v2, v18;
	v19 =	vor.u32 v2, v26;
	v18 =	vor.u32 v2, v21  }
0x3f: {  	s1 =	sor.u32 s1, s21;
	s23 =	sor.u32 s23, s21;
	[tilespmem:s22+$0x80] =	vst v23;
	s22 =	sand.u32 $0x70, s17  }
0x40: {  	[tilespmem:s1+$0x80] =	vst v24;
	s21 =	sor.u32 s22, s21  }
0x41: {  	s20 =	sadd.s32 $0x8, s20;
	s22 =	simm.s32 $0x6;
	[tilespmem:s23+$0x80] =	vst v25  }
0x42: {  	_ =	sdelay $0x3  }
0x43: {  	v20 =	vld.idx.msk [tilespmem:v20+s18+$0x0], $0xffff;
	s1 =	sadd.s32 $0x40, s17;
	s16 =	sadd.s32 $0x200, s16  }
0x44: {  	v21 =	vld.idx.msk [tilespmem:v22+s18+$0x0], $0xffff;
	s23 =	simm.s32 $0x2;
	s29 =	simm.s32 $0x4;
	s30 =	simm.s32 $0x0  }
0x45: {  	v22 =	vld.idx.msk [tilespmem:v18+s18+$0x0], $0xffff;
	p1 =	por $0x1, $0x1;
	s16 =	sand.u32 $0x1C00, s16;
	s19 =	sadd.s32 $0xFFFFFFF0, s1  }
0x46: {  	v19 =	vld.idx.msk [tilespmem:v19+s18+$0x0], $0xffff;
	s17 =	sadd.s32 $0xFFFFFFD0, s1;
	s16 =	sor.u32 $0x4000, s16;
	s19 =	sand.u32 $0x60, s19  }
0x47: {  	[tilespmem:s21+$0x80] =	vst v17;
	s20 =	sadd.s32 $0xFFFFFFE0, s1;
	v17 =	vmov s23;
	s17 =	sand.u32 $0x40, s17;
	s19 =	sor.u32 s19, s16  }
.Ltmp4:
0x48: {  	v18 =	vmov s22;
	v23 =	vmov s29;
	s1 =	sand.u32 $0x70, s1;
	v17 =	vshll.u32 v17, $0x7;
	s17 =	sor.u32 s17, s16;
	[tilespmem:s19+$0x80] =	vst v20;
	(pc) =	sbr.rel @!p1 .LBB2_7-.Ltmp4, $4  }
0x49: {  	v24 =	vshll.u32 v18, $0x7;
	v18 =	vmov s30;
	s20 =	sand.u32 $0x50, s20;
	v17 =	vor.u32 v1, v17;
	s1 =	sor.u32 s1, s16;
	[tilespmem:s17+$0x80] =	vst v21  }
0x4a: {  	s31 =	sor.u32 s20, s16;
	v20 =	vshll.u32 v23, $0x7;
	v21 =	vshll.u32 v18, $0x7;
	[tilespmem:s1+$0x80] =	vst v22;
	v22 =	vor.u32 v3, v17  }
0x4b: {  	[tilespmem:s31+$0x80] =	vst v19;
	v18 =	vor.u32 v1, v20;
	v19 =	vor.u32 v1, v21;
	v20 =	vor.u32 v1, v24  }
0x4c: {  	p0 =	por $0x0, $0x0;
	s20 =	simm.s32 $0x30;
	s19 =	simm.s32 $0xE;
	v27 =	vor.u32 v3, v18;
	v25 =	vor.u32 v3, v19;
	v21 =	vor.u32 v3, v20  }
0x4d: {  	_ =	sdelay $0x1  }
0x4e: {  	s1 =	simm.s32 $0xA;
	s17 =	simm.s32 $0xC  }
0x4f: {  	v23 =	vmov s19;
	s21 =	simm.s32 $0x8;
	v24 =	vmov s1;
	v26 =	vmov s17  }
0x50: {  	s16 =	simm.s32 $0x4;
	v28 =	vld.idx.msk [tilespmem:v27+s18+$0x0], $0xffff;
	p3 =	por $0x1, $0x1;
	s29 =	simm.s32 $0x0;
	v29 =	vshll.u32 v23, $0x7;
	v23 =	vmov s21;
	v26 =	vshll.u32 v26, $0x7  }
.Ltmp5:
0x51: {  	s30 =	sand.u32 $0x1C00, s18;
	s31 =	simm.s32 $0x20;
	v27 =	vshll.u32 v24, $0x7;
	v24 =	vld.idx.msk [tilespmem:v25+s18+$0x0], $0xffff;
	v25 =	vshll.u32 v23, $0x7;
	v26 =	vor.u32 v1, v26;
	(pc) =	sbr.rel @!p3 .LBB2_9-.Ltmp5, $4  }
0x52: {  	s22 =	simm.s32 $0x10;
	s25 =	sand.u32 $0x70, s20;
	p2 =	por $0x1, $0x1;
	v23 =	vld.idx.msk [tilespmem:v22+s18+$0x0], $0xffff;
	v30 =	vor.u32 v1, v27;
	v22 =	vor.u32 v1, v25;
	v27 =	vor.u32 v3, v26  }
0x53: {  	s23 =	smov.u32 s18;
	s17 =	sor.u32 $0x4000, s30;
	s21 =	sand.u32 $0x60, s31;
	v25 =	vor.u32 v3, v22  }
0x54: {  	s1 =	sand.u32 $0x40, s29;
	s24 =	sand.u32 $0x50, s22;
	v29 =	vor.u32 v1, v29;
	s21 =	sor.u32 s21, s17;
	v26 =	vld.idx.msk [tilespmem:v21+s18+$0x0], $0xffff;
	v22 =	vor.u32 v3, v30  }
0x55: {  	s22 =	simm.s32 $0x16;
	s26 =	sor.u32 s1, s17;
	v21 =	vor.u32 v3, v29;
	[tilespmem:s21+$0x100] =	vst v28;
	s21 =	simm.s32 $0x30  }
.LBB2_10:
0x56: {  	s1 =	sadd.s32 $0xFFFFFFFC, s22;
	s28 =	sadd.s32 $0xFFFFFFFE, s22;
	v28 =	vmov s22;
	s16 =	sadd.s32 $0x4, s16;
	[tilespmem:s26+$0x100] =	vst v24  }
0x57: {  	s26 =	sadd.s32 $0xFFFFFFFA, s22;
	v24 =	vmov s1;
	v29 =	vmov s28;
	v28 =	vshll.u32 v28, $0x7;
	p3 =	slt.u32 s16, $0x3C;
	v30 =	vld.idx.msk [tilespmem:v27+s18+$0x0], $0xffff;
	s1 =	sor.u32 s24, s17  }
0x58: {  	v27 =	vmov s26;
	v31 =	vshll.u32 v24, $0x7;
	v29 =	vshll.u32 v29, $0x7;
	v24 =	vld.idx.msk [tilespmem:v25+s18+$0x0], $0xffff;
	[tilespmem:s1+$0x100] =	vst v23;
	s1 =	sor.u32 s25, s17  }
.Ltmp6:
0x59: {  	s21 =	sadd.s32 $0x40, s21;
	s23 =	sadd.s32 $0x200, s23;
	v25 =	vshll.u32 v27, $0x7;
	v31 =	vor.u32 v1, v31;
	v27 =	vor.u32 v1, v29;
	v23 =	vld.idx.msk [tilespmem:v22+s18+$0x0], $0xffff;
	[tilespmem:s1+$0x100] =	vst v26;
	(pc) =	sbr.rel @p3 .LBB2_10-.Ltmp6, $4  }
0x5a: {  	s24 =	sadd.s32 $0xFFFFFFF0, s21;
	v28 =	vor.u32 v1, v28;
	s17 =	sand.u32 $0x1C00, s23;
	v22 =	vor.u32 v1, v25;
	s1 =	sadd.s32 $0xFFFFFFD0, s21;
	v27 =	vor.u32 v3, v27;
	v26 =	vld.idx.msk [tilespmem:v21+s18+$0x0], $0xffff  }
0x5b: {  	s25 =	sadd.s32 $0xFFFFFFE0, s21;
	s26 =	sand.u32 $0x60, s24;
	s17 =	sor.u32 $0x4000, s17;
	v25 =	vor.u32 v3, v22;
	v22 =	vor.u32 v3, v31;
	v21 =	vor.u32 v3, v28  }
0x5c: {  	s24 =	sand.u32 $0x50, s25;
	s1 =	sand.u32 $0x40, s1;
	s25 =	sor.u32 s26, s17  }
0x5d: {  	s22 =	sadd.s32 $0x8, s22;
	s26 =	sor.u32 s1, s17;
	[tilespmem:s25+$0x100] =	vst v30;
	s25 =	sand.u32 $0x70, s21  }
.LBB2_11:
0x5e: {  	_ =	sdelay $0x2  }
0x5f: {  	s1 =	sadd.s32 @p2 $0x40, s21;
	s21 =	simm.s32 $0x30  }
0x60: {  	v27 =	vld.idx.msk [tilespmem:v27+s18+$0x0], $0xffff;
	s16 =	sadd.s32 @p2 $0x200, s23;
	s22 =	smov.u32 s18;
	s21 =	smov.u32 @p2 s1  }
0x61: {  	v25 =	vld.idx.msk [tilespmem:v25+s18+$0x0], $0xffff;
	s22 =	smov.u32 @p2 s16;
	s1 =	sor.u32 @p2 s24, s17;
	s16 =	sor.u32 @p2 s25, s17  }
0x62: {  	[tilespmem:s26+$0x100] =	vst @p2 v24;
	v22 =	vld.idx.msk [tilespmem:v22+s18+$0x0], $0xffff;
	s25 =	sand.u32 $0x1C00, s22;
	s26 =	sadd.s32 $0xFFFFFFF0, s21;
	s28 =	sadd.s32 $0xFFFFFFD0, s21  }
0x63: {  	v21 =	vld.idx.msk [tilespmem:v21+s18+$0x0], $0xffff;
	[tilespmem:s1+$0x100] =	vst @p2 v23;
	s29 =	sadd.s32 $0xFFFFFFE0, s21;
	s17 =	sor.u32 $0x4000, s25;
	s22 =	sand.u32 $0x60, s26  }
.Ltmp7:
0x64: {  	[tilespmem:s16+$0x100] =	vst @p2 v26;
	s1 =	sand.u32 $0x40, s28;
	s22 =	sor.u32 s22, s17;
	(pc) =	sbr.rel @!p1 .LBB2_12-.Ltmp7, $4  }
0x65: {  	s16 =	sand.u32 $0x50, s29;
	s1 =	sor.u32 s1, s17;
	[tilespmem:s22+$0x100] =	vst v27  }
0x66: {  	s21 =	sand.u32 $0x70, s21;
	s30 =	sor.u32 s16, s17;
	[tilespmem:s1+$0x100] =	vst v25  }
0x67: {  	s31 =	sor.u32 s21, s17;
	[tilespmem:s30+$0x100] =	vst v22;
	v22 =	vor.u32 v4, v18  }
0x68: {  	s17 =	simm.s32 $0x0;
	s16 =	simm.s32 $0x20;
	[tilespmem:s31+$0x100] =	vst v21;
	v21 =	vor.u32 v4, v19;
	v19 =	vor.u32 v4, v17;
	v17 =	vor.u32 v4, v20  }
0x69: {  	_ =	sdelay $0x3  }
0x6a: {  	s22 =	simm.s32 $0xC;
	v21 =	vld.idx.msk [tilespmem:v21+s17+$0x0], $0xffff  }
0x6b: {  	v20 =	vld.idx.msk [tilespmem:v22+s17+$0x0], $0xffff;
	s1 =	simm.s32 $0xA;
	v18 =	vmov s19;
	s25 =	simm.s32 $0x8;
	v22 =	vmov s22  }
0x6c: {  	s23 =	sand.u32 $0x1C00, s18;
	s24 =	simm.s32 $0x20;
	s26 =	simm.s32 $0x0;
	v24 =	vshll.u32 v18, $0x7;
	v18 =	vmov s25;
	v22 =	vshll.u32 v22, $0x7  }
0x6d: {  	v23 =	vld.idx.msk [tilespmem:v19+s17+$0x0], $0xffff;
	p2 =	por $0x1, $0x1;
	v19 =	vmov s1;
	s28 =	sor.u32 $0x4000, s23;
	s1 =	sand.u32 $0x40, s26;
	v25 =	vshll.u32 v18, $0x7;
	v22 =	vor.u32 v1, v22  }
.Ltmp8:
0x6e: {  	s29 =	sand.u32 $0x60, s24;
	v19 =	vshll.u32 v19, $0x7;
	v18 =	vld.idx.msk [tilespmem:v17+s17+$0x0], $0xffff;
	s1 =	sor.u32 s1, s28;
	v17 =	vor.u32 v1, v25;
	v22 =	vor.u32 v4, v22;
	(pc) =	sbr.rel @!p2 .LBB2_14-.Ltmp8, $4  }
0x6f: {  	s30 =	simm.s32 $0x10;
	s23 =	sor.u32 s29, s28;
	v19 =	vor.u32 v1, v19;
	[tilespmem:s1+$0x180] =	vst v21;
	v21 =	vor.u32 v4, v17  }
0x70: {  	s21 =	simm.s32 $0x4;
	s31 =	sand.u32 $0x70, s20;
	s19 =	sand.u32 $0x50, s30;
	v19 =	vor.u32 v4, v19;
	[tilespmem:s23+$0x180] =	vst v20;
	v20 =	vor.u32 v1, v24  }
0x71: {  	p1 =	por $0x1, $0x1;
	s22 =	smov.u32 s18;
	s19 =	sor.u32 s19, s28;
	v17 =	vor.u32 v4, v20  }
0x72: {  	s24 =	sor.u32 s31, s28;
	s23 =	simm.s32 $0x16;
	[tilespmem:s19+$0x180] =	vst v23;
	s19 =	simm.s32 $0x30  }
.LBB2_15:
0x73: {  	s1 =	sadd.s32 $0xFFFFFFFC, s23;
	s25 =	sadd.s32 $0xFFFFFFFE, s23;
	v20 =	vmov s23;
	s21 =	sadd.s32 $0x4, s21;
	v23 =	vld.idx.msk [tilespmem:v22+s17+$0x0], $0xffff;
	[tilespmem:s24+$0x180] =	vst v18  }
0x74: {  	s24 =	sadd.s32 $0xFFFFFFFA, s23;
	s19 =	sadd.s32 $0x40, s19;
	v18 =	vmov s1;
	v22 =	vmov s25;
	v20 =	vshll.u32 v20, $0x7;
	p2 =	slt.u32 s21, $0x3C;
	v24 =	vld.idx.msk [tilespmem:v21+s17+$0x0], $0xffff  }
0x75: {  	s22 =	sadd.s32 $0x200, s22;
	v21 =	vmov s24;
	s1 =	sadd.s32 $0xFFFFFFD0, s19;
	v18 =	vshll.u32 v18, $0x7;
	v22 =	vshll.u32 v22, $0x7;
	v25 =	vld.idx.msk [tilespmem:v19+s17+$0x0], $0xffff  }
0x76: {  	s24 =	sand.u32 $0x1C00, s22;
	s25 =	sadd.s32 $0xFFFFFFF0, s19;
	s26 =	sadd.s32 $0xFFFFFFE0, s19;
	v19 =	vshll.u32 v21, $0x7;
	v26 =	vor.u32 v1, v18;
	v21 =	vor.u32 v1, v22;
	v18 =	vld.idx.msk [tilespmem:v17+s17+$0x0], $0xffff  }
.Ltmp9:
0x77: {  	v20 =	vor.u32 v1, v20;
	s24 =	sor.u32 $0x4000, s24;
	s25 =	sand.u32 $0x60, s25;
	v17 =	vor.u32 v1, v19;
	v22 =	vor.u32 v4, v21;
	(pc) =	sbr.rel @p2 .LBB2_15-.Ltmp9, $4  }
0x78: {  	s1 =	sand.u32 $0x40, s1;
	s26 =	sand.u32 $0x50, s26;
	s25 =	sor.u32 s25, s24;
	v21 =	vor.u32 v4, v17;
	v19 =	vor.u32 v4, v26;
	v17 =	vor.u32 v4, v20  }
0x79: {  	s1 =	sor.u32 s1, s24;
	s26 =	sor.u32 s26, s24;
	[tilespmem:s25+$0x180] =	vst v23;
	s25 =	sand.u32 $0x70, s19  }
0x7a: {  	[tilespmem:s1+$0x180] =	vst v24;
	s24 =	sor.u32 s25, s24  }
0x7b: {  	s23 =	sadd.s32 $0x8, s23;
	[tilespmem:s26+$0x180] =	vst v25  }
.LBB2_16:
0x7c: {  	_ =	sdelay $0x2  }
0x7d: {  	s1 =	sadd.s32 @p1 $0x40, s19;
	s19 =	sadd.s32 @p1 $0x200, s22;
	s23 =	simm.s32 $0x0  }
0x7e: {  	v20 =	vld.idx.msk [tilespmem:v22+s17+$0x0], $0xffff;
	s25 =	simm.s32 $0x4;
	s29 =	simm.s32 $0x2;
	p2 =	por $0x1, $0x1  }
0x7f: {  	v21 =	vld.idx.msk [tilespmem:v21+s17+$0x0], $0xffff;
	s20 =	smov.u32 @p1 s1;
	s18 =	smov.u32 @p1 s19;
	s19 =	simm.s32 $0x6  }
0x80: {  	v22 =	vld.idx.msk [tilespmem:v19+s17+$0x0], $0xffff;
	s1 =	sadd.s32 $0xFFFFFFD0, s20;
	s18 =	sand.u32 $0x1C00, s18;
	s21 =	sadd.s32 $0xFFFFFFF0, s20  }
0x81: {  	v23 =	vld.idx.msk [tilespmem:v17+s17+$0x0], $0xffff;
	v19 =	vmov s25;
	s28 =	sadd.s32 $0xFFFFFFE0, s20;
	s18 =	sor.u32 $0x4000, s18;
	s21 =	sand.u32 $0x60, s21  }
.Ltmp10:
0x82: {  	[tilespmem:s24+$0x180] =	vst @p1 v18;
	v18 =	vmov s23;
	v17 =	vmov s19;
	v19 =	vshll.u32 v19, $0x7;
	s1 =	sand.u32 $0x40, s1;
	s21 =	sor.u32 s21, s18;
	(pc) =	sbr.rel @!p2 .LBB2_17-.Ltmp10, $4  }
0x83: {  	v25 =	vshll.u32 v17, $0x7;
	s30 =	sand.u32 $0x50, s28;
	v17 =	vshll.u32 v18, $0x7;
	v18 =	vmov s29;
	s1 =	sor.u32 s1, s18;
	[tilespmem:s21+$0x180] =	vst v20  }
0x84: {  	s20 =	sand.u32 $0x70, s20;
	v19 =	vor.u32 v1, v19;
	v17 =	vor.u32 v1, v17;
	v18 =	vshll.u32 v18, $0x7;
	s21 =	sor.u32 s30, s18;
	[tilespmem:s1+$0x180] =	vst v21  }
0x85: {  	s31 =	sor.u32 s20, s18;
	v24 =	vor.u32 v5, v19;
	v18 =	vor.u32 v1, v18;
	v20 =	vor.u32 v1, v25;
	[tilespmem:s21+$0x180] =	vst v22;
	s21 =	simm.s32 $0x1  }
0x86: {  	s22 =	simm.s32 $0xE;
	p1 =	por $0x0, $0x0;
	[tilespmem:s31+$0x180] =	vst v23;
	v25 =	vor.u32 v5, v17;
	v22 =	vor.u32 v5, v18;
	v21 =	vor.u32 v5, v20;
	s21 =	simm.s32 @!p0 $0x0  }
0x87: {  	_ =	sdelay $0x2  }
0x88: {  	s1 =	simm.s32 $0x8;
	s20 =	simm.s32 $0xC  }
0x89: {  	s18 =	simm.s32 $0x4;
	v24 =	vld.idx.msk [tilespmem:v24+s17+$0x0], $0xffff;
	s23 =	simm.s32 $0xA;
	s24 =	sand.u32 $0x3, s17  }
0x8a: {  	v25 =	vld.idx.msk [tilespmem:v25+s17+$0x0], $0xffff;
	s25 =	simm.s32 $0x1;
	s26 =	sand.u32 $0x7, s17;
	p5 =	por $0x1, $0x1  }
0x8b: {  	v23 =	vmov s22;
	p4 =	por !p0, !p0;
	s25 =	simm.s32 @!p0 $0x0;
	s24 =	sshll.u32 s24, $0x5;
	v27 =	vmov s20  }
0x8c: {  	v26 =	vld.idx.msk [tilespmem:v22+s17+$0x0], $0xffff;
	s26 =	sshll.u32 s26, $0x4;
	v22 =	vmov s1;
	v28 =	vshll.u32 v23, $0x7;
	s24 =	sadd.s32 s24, s16;
	s25 =	sshll.u32 s25, $0x6;
	v27 =	vshll.u32 v27, $0x7  }
.Ltmp11:
0x8d: {  	v23 =	vmov s23;
	v22 =	vshll.u32 v22, $0x7;
	s20 =	sadd.s32 s25, s17;
	s1 =	sor.u32 $0x200, s24;
	v27 =	vor.u32 v1, v27;
	(pc) =	sbr.rel @!p5 .LBB2_19-.Ltmp11, $4  }
0x8e: {  	p3 =	por $0x1, $0x1;
	s26 =	sadd.s32 s26, s17;
	v29 =	vshll.u32 v23, $0x7;
	v23 =	vld.idx.msk [tilespmem:v21+s17+$0x0], $0xffff;
	v22 =	vor.u32 v1, v22;
	s20 =	sor.u32 $0x200, s20;
	[tilespmem:s1+$0x4000] =	vst v24;
	v24 =	vor.u32 v5, v27  }
0x8f: {  	s23 =	smov.u32 s17;
	s29 =	sadd.s32 $0x10, s26;
	v21 =	vor.u32 v1, v29;
	s31 =	sadd.s32 $0x30, s26;
	[tilespmem:s20+$0x4000] =	vst v25;
	v25 =	vor.u32 v5, v22  }
0x90: {  	s26 =	simm.s32 $0x16;
	s25 =	smov.u32 s17;
	s30 =	sor.u32 $0x200, s29;
	v27 =	vor.u32 v1, v28;
	v22 =	vor.u32 v5, v21  }
0x91: {  	s24 =	smov.u32 s16;
	s28 =	sor.u32 $0x200, s31;
	s20 =	sadd.s32 $0x200, s17;
	[tilespmem:s30+$0x4000] =	vst v26;
	v21 =	vor.u32 v5, v27  }
.LBB2_20:
0x92: {  	s1 =	sadd.s32 $0xFFFFFFFA, s26;
	s29 =	sadd.s32 $0xFFFFFFFE, s26  }
0x93: {  	v26 =	vmov s26;
	s18 =	sadd.s32 $0x4, s18;
	v27 =	vld.idx.msk [tilespmem:v24+s17+$0x0], $0xffff;
	[tilespmem:s28+$0x4000] =	vst v23;
	s23 =	sadd.s32 $0x2, s23;
	s28 =	simm.s32 $0x1  }
0x94: {  	s25 =	sadd.s32 $0x4, s25;
	v23 =	vmov s1;
	s1 =	sadd.s32 $0xFFFFFFFC, s26;
	v24 =	vmov s29;
	v26 =	vshll.u32 v26, $0x7;
	p5 =	slt.u32 s18, $0x3C;
	v28 =	vld.idx.msk [tilespmem:v25+s17+$0x0], $0xffff  }
0x95: {  	s28 =	simm.s32 @!p4 $0x0;
	s29 =	sand.u32 $0x7, s25;
	v23 =	vshll.u32 v23, $0x7;
	v25 =	vmov s1;
	v24 =	vshll.u32 v24, $0x7;
	s1 =	sand.u32 $0x3, s23;
	v29 =	vld.idx.msk [tilespmem:v22+s17+$0x0], $0xffff  }
0x96: {  	s24 =	sadd.s32 $0x200, s24;
	s29 =	sshll.u32 s29, $0x4;
	v22 =	vor.u32 v1, v23;
	v25 =	vshll.u32 v25, $0x7;
	v24 =	vor.u32 v1, v24;
	s1 =	sshll.u32 s1, $0x5;
	v23 =	vld.idx.msk [tilespmem:v21+s17+$0x0], $0xffff  }
.Ltmp12:
0x97: {  	v26 =	vor.u32 v1, v26;
	s28 =	sshll.u32 s28, $0x6;
	v21 =	vor.u32 v1, v25;
	v24 =	vor.u32 v5, v24;
	s1 =	sadd.s32 s1, s24;
	(pc) =	sbr.rel @p5 .LBB2_20-.Ltmp12, $4  }
0x98: {  	s29 =	sadd.s32 s29, s20;
	s28 =	sadd.s32 s28, s20;
	v25 =	vor.u32 v5, v22;
	v22 =	vor.u32 v5, v21;
	v21 =	vor.u32 v5, v26;
	s1 =	sor.u32 $0x200, s1  }
0x99: {  	s28 =	sor.u32 $0x200, s28;
	s30 =	sadd.s32 $0x10, s29;
	[tilespmem:s1+$0x4000] =	vst v27  }
0x9a: {  	s20 =	sadd.s32 $0x200, s20;
	s1 =	sor.u32 $0x200, s30;
	[tilespmem:s28+$0x4000] =	vst v28;
	s28 =	sadd.s32 $0x30, s29  }
0x9b: {  	s26 =	sadd.s32 $0x8, s26;
	p4 =	por !p4, !p4;
	[tilespmem:s1+$0x4000] =	vst v29;
	s28 =	sor.u32 $0x200, s28  }
.LBB2_21:
0x9c: {  	_ =	sdelay $0x1  }
0x9d: {  	s1 =	sadd.s32 @p3 $0x2, s23;
	s18 =	smov.u32 s17  }
0x9e: {  	s23 =	sadd.s32 @p3 $0x4, s25;
	s25 =	smov.u32 s17;
	s18 =	smov.u32 @p3 s1  }
0x9f: {  	v24 =	vld.idx.msk [tilespmem:v24+s17+$0x0], $0xffff;
	s25 =	smov.u32 @p3 s23;
	s1 =	sadd.s32 @p3 $0x200, s24;
	s23 =	smov.u32 s16  }
0xa0: {  	v25 =	vld.idx.msk [tilespmem:v25+s17+$0x0], $0xffff;
	s18 =	sand.u32 $0x3, s18;
	s23 =	smov.u32 @p3 s1;
	s1 =	simm.s32 $0x1  }
0xa1: {  	v22 =	vld.idx.msk [tilespmem:v22+s17+$0x0], $0xffff;
	s31 =	sand.u32 $0x7, s25;
	s1 =	simm.s32 @!p4 $0x0;
	s18 =	sshll.u32 s18, $0x5  }
0xa2: {  	v21 =	vld.idx.msk [tilespmem:v21+s17+$0x0], $0xffff;
	s24 =	sshll.u32 s31, $0x4;
	s18 =	sadd.s32 s18, s23;
	s1 =	sshll.u32 s1, $0x6  }
0xa3: {  	[tilespmem:s28+$0x4000] =	vst @p3 v23;
	v19 =	vor.u32 v6, v19;
	s25 =	sadd.s32 s24, s20;
	s1 =	sadd.s32 s1, s20;
	s18 =	sor.u32 $0x200, s18  }
0xa4: {  	v23 =	vor.u32 v6, v20;
	s26 =	sadd.s32 $0x10, s25;
	s1 =	sor.u32 $0x200, s1;
	[tilespmem:s18+$0x4000] =	vst v24  }
.Ltmp13:
0xa5: {  	s29 =	sadd.s32 $0x30, s25;
	s28 =	sor.u32 $0x200, s26;
	[tilespmem:s1+$0x4000] =	vst v25;
	(pc) =	sbr.rel @!p2 .LBB2_22-.Ltmp13, $4  }
0xa6: {  	s30 =	sor.u32 $0x200, s29;
	[tilespmem:s28+$0x4000] =	vst v22  }
0xa7: {  	s31 =	sand.u32 $0x7, s17;
	s18 =	simm.s32 $0x0;
	[tilespmem:s30+$0x4000] =	vst v21  }
0xa8: {  	s1 =	sshll.u32 s31, $0x4;
	v19 =	vld.idx.msk [tilespmem:v19+s18+$0x0], $0xffff  }
0xa9: {  	v20 =	vor.u32 v6, v17;
	v17 =	vor.u32 v6, v18;
	s20 =	simm.s32 $0x20;
	s23 =	sadd.s32 s1, s17;
	v18 =	vld.idx.msk [tilespmem:v23+s18+$0x0], $0xffff  }
0xaa: {  	_ =	sdelay $0x2  }
0xab: {  	s1 =	simm.s32 $0xC;
	s25 =	sand.u32 $0x3, s17  }
0xac: {  	v22 =	vmov s22;
	s24 =	simm.s32 $0x8;
	v20 =	vld.idx.msk [tilespmem:v20+s18+$0x0], $0xffff;
	v21 =	vmov s1;
	s1 =	sshll.u32 s25, $0x5  }
0xad: {  	s26 =	simm.s32 $0xA;
	v23 =	vld.idx.msk [tilespmem:v17+s18+$0x0], $0xffff;
	v22 =	vshll.u32 v22, $0x7;
	v17 =	vmov s24;
	s1 =	sadd.s32 s1, s16  }
0xae: {  	s21 =	sshll.u32 s21, $0x6;
	s25 =	sadd.s32 $0x30, s23;
	v24 =	vmov s26;
	v21 =	vshll.u32 v21, $0x7;
	v22 =	vor.u32 v1, v22;
	s1 =	sor.u32 $0x280, s1  }
0xaf: {  	s21 =	sadd.s32 s21, s17;
	s28 =	sor.u32 $0x280, s25;
	v17 =	vshll.u32 v17, $0x7;
	v21 =	vor.u32 v1, v21;
	v22 =	vor.u32 v6, v22;
	[tilespmem:s1+$0x4000] =	vst v19  }
0xb0: {  	s22 =	simm.s32 $0x4;
	p3 =	por $0x1, $0x1;
	s29 =	sor.u32 $0x280, s21;
	v17 =	vor.u32 v1, v17;
	v21 =	vor.u32 v6, v21;
	v19 =	vshll.u32 v24, $0x7;
	[tilespmem:s28+$0x4000] =	vst v18  }
.Ltmp14:
0xb1: {  	p0 =	por !p0, !p0;
	p2 =	por $0x1, $0x1;
	v18 =	vor.u32 v1, v19;
	[tilespmem:s29+$0x4000] =	vst v20;
	v20 =	vor.u32 v6, v17;
	(pc) =	sbr.rel @!p3 .LBB2_24-.Ltmp14, $4  }
0xb2: {  	s26 =	sadd.s32 $0x10, s23;
	s24 =	sadd.s32 $0x200, s17;
	s25 =	sadd.s32 $0x4, s17;
	v17 =	vor.u32 v6, v18  }
0xb3: {  	s21 =	simm.s32 $0x1;
	s17 =	sadd.s32 $0x2, s17;
	s30 =	sand.u32 $0x7, s25  }
0xb4: {  	s21 =	simm.s32 @!p0 $0x0;
	s31 =	sshll.u32 s30, $0x4;
	s1 =	sor.u32 $0x280, s26;
	v18 =	vld.idx.msk [tilespmem:v22+s18+$0x0], $0xffff  }
0xb5: {  	s28 =	simm.s32 $0x16;
	s26 =	smov.u32 s16;
	s23 =	sadd.s32 s31, s24;
	[tilespmem:s1+$0x4000] =	vst v23;
	v19 =	vld.idx.msk [tilespmem:v21+s18+$0x0], $0xffff  }
.LBB2_25:
0xb6: {  	s1 =	sadd.s32 $0xFFFFFFFE, s28;
	v21 =	vmov s28;
	s22 =	sadd.s32 $0x4, s22;
	s29 =	sand.u32 $0x3, s17;
	v22 =	vld.idx.msk [tilespmem:v20+s18+$0x0], $0xffff  }
0xb7: {  	s26 =	sadd.s32 $0x200, s26;
	v20 =	vmov s1;
	v21 =	vshll.u32 v21, $0x7;
	p3 =	slt.u32 s22, $0x3C;
	s1 =	sshll.u32 s29, $0x5;
	v23 =	vld.idx.msk [tilespmem:v17+s18+$0x0], $0xffff  }
0xb8: {  	s18 =	sadd.s32 $0xFFFFFFFA, s28;
	s29 =	sadd.s32 $0xFFFFFFFC, s28;
	v17 =	vshll.u32 v20, $0x7;
	v20 =	vor.u32 v1, v21;
	s1 =	sadd.s32 s1, s26  }
0xb9: {  	v21 =	vmov s18;
	v24 =	vmov s29;
	s18 =	sshll.u32 s21, $0x6;
	s21 =	sadd.s32 $0x30, s23;
	v17 =	vor.u32 v1, v17;
	s1 =	sor.u32 $0x280, s1  }
0xba: {  	v21 =	vshll.u32 v21, $0x7;
	v24 =	vshll.u32 v24, $0x7;
	s18 =	sadd.s32 s18, s24;
	v25 =	vor.u32 v6, v17;
	[tilespmem:s1+$0x4000] =	vst v19;
	s1 =	sor.u32 $0x280, s21  }
0xbb: {  	v17 =	vor.u32 v1, v21;
	v19 =	vor.u32 v1, v24;
	v21 =	vor.u32 v6, v20;
	s18 =	sor.u32 $0x280, s18;
	s21 =	sadd.s32 $0x10, s23;
	[tilespmem:s1+$0x4000] =	vst v18  }
.Ltmp15:
0xbc: {  	v20 =	vor.u32 v6, v17;
	v17 =	vor.u32 v6, v19;
	s1 =	sor.u32 $0x280, s21;
	[tilespmem:s18+$0x4000] =	vst v22;
	(pc) =	sbr.rel @p3 .LBB2_25-.Ltmp15, $4  }
0xbd: {  	s25 =	sadd.s32 $0x4, s25;
	p0 =	por !p0, !p0;
	[tilespmem:s1+$0x4000] =	vst v23  }
0xbe: {  	s21 =	simm.s32 $0x1;
	s18 =	simm.s32 $0x0;
	s1 =	sand.u32 $0x7, s25  }
0xbf: {  	s24 =	sadd.s32 $0x200, s24;
	s21 =	simm.s32 @!p0 $0x0;
	s1 =	sshll.u32 s1, $0x4;
	v19 =	vld.idx.msk [tilespmem:v25+s18+$0x0], $0xffff  }
0xc0: {  	s17 =	sadd.s32 $0x2, s17;
	s28 =	sadd.s32 $0x8, s28;
	s23 =	sadd.s32 s1, s24;
	v18 =	vld.idx.msk [tilespmem:v21+s18+$0x0], $0xffff  }
.LBB2_26:
0xc1: {  	_ =	sdelay $0x1  }
0xc2: {  	s1 =	sadd.s32 $0xFFFFFFFE, s19  }
0xc3: {  	s22 =	sand.u32 $0x3, s17;
	s17 =	sadd.s32 @p2 $0x200, s26;
	v21 =	vmov s1  }
0xc4: {  	v20 =	vld.idx.msk [tilespmem:v20+s18+$0x0], $0xffff;
	s25 =	sshll.u32 s21, $0x6;
	s1 =	sshll.u32 s22, $0x5;
	s16 =	smov.u32 @p2 s17;
	v21 =	vshll.u32 v21, $0x7  }
0xc5: {  	v22 =	vld.idx.msk [tilespmem:v17+s18+$0x0], $0xffff;
	s26 =	sadd.s32 $0x30, s23;
	s29 =	sadd.s32 $0xFFFFFFFA, s19;
	s1 =	sadd.s32 s1, s16;
	v17 =	vor.u32 v1, v21  }
0xc6: {  	s30 =	sadd.s32 $0xFFFFFFFC, s19;
	p2 =	por $0x1, $0x1;
	s1 =	sor.u32 $0x280, s1;
	v21 =	vor.u32 v7, v17  }
.Ltmp16:
0xc7: {  	s28 =	sor.u32 $0x280, s26;
	s16 =	sadd.s32 s25, s24;
	[tilespmem:s1+$0x4000] =	vst v19;
	(pc) =	sbr.rel @!p2 .LBB2_27-.Ltmp16, $4  }
0xc8: {  	s22 =	sadd.s32 $0x10, s23;
	v23 =	vmov s30;
	s16 =	sor.u32 $0x280, s16;
	[tilespmem:s28+$0x4000] =	vst v18;
	v18 =	vmov s19;
	v19 =	vmov s29  }
0xc9: {  	s31 =	sor.u32 $0x280, s22;
	[tilespmem:s16+$0x4000] =	vst v20;
	v18 =	vshll.u32 v18, $0x7;
	v19 =	vshll.u32 v19, $0x7;
	v20 =	vshll.u32 v23, $0x7  }
0xca: {  	s21 =	simm.s32 $0x1;
	p0 =	por $0x0, $0x0;
	[tilespmem:s31+$0x4000] =	vst v22;
	v18 =	vor.u32 v1, v18;
	v19 =	vor.u32 v1, v19;
	v20 =	vor.u32 v1, v20  }
0xcb: {  	s21 =	simm.s32 @!p1 $0x0;
	s22 =	sand.u32 $0x7, s18;
	s16 =	sadd.s32 $0x8, s19;
	v23 =	vor.u32 v7, v19;
	v22 =	vor.u32 v7, v18;
	v24 =	vor.u32 v7, v20;
	v21 =	vld.idx.msk [tilespmem:v21+s18+$0x0], $0xffff  }
0xcc: {  	_ =	sdelay $0x3  }
0xcd: {  	v23 =	vld.idx.msk [tilespmem:v23+s18+$0x0], $0xffff  }
0xce: {  	s1 =	sadd.s32 $0xFFFFFFFE, s16;
	s26 =	sadd.s32 $0xFFFFFFFA, s16;
	s19 =	sand.u32 $0x3, s18;
	v24 =	vld.idx.msk [tilespmem:v24+s18+$0x0], $0xffff  }
0xcf: {  	s23 =	sadd.s32 $0xFFFFFFFC, s16;
	v26 =	vld.idx.msk [tilespmem:v22+s18+$0x0], $0xffff;
	v25 =	vmov s1;
	s19 =	sshll.u32 s19, $0x5;
	v22 =	vmov s26  }
0xd0: {  	s22 =	sshll.u32 s22, $0x4;
	s21 =	sshll.u32 s21, $0x6;
	v27 =	vmov s16;
	v25 =	vshll.u32 v25, $0x7;
	s19 =	sadd.s32 s19, s20;
	v22 =	vshll.u32 v22, $0x7  }
0xd1: {  	s22 =	sadd.s32 s22, s18;
	s28 =	sadd.s32 s21, s18;
	v28 =	vmov s23;
	v25 =	vor.u32 v1, v25;
	s19 =	sor.u32 $0x300, s19;
	v22 =	vor.u32 v1, v22  }
0xd2: {  	p4 =	por $0x1, $0x1;
	s29 =	sadd.s32 $0x10, s22;
	s1 =	sor.u32 $0x300, s28;
	v25 =	vor.u32 v7, v25;
	[tilespmem:s19+$0x4000] =	vst v21;
	v21 =	vshll.u32 v27, $0x7;
	v27 =	vshll.u32 v28, $0x7  }
.Ltmp17:
0xd3: {  	s17 =	simm.s32 $0x4;
	s21 =	sor.u32 $0x300, s29;
	[tilespmem:s1+$0x4000] =	vst v23;
	v23 =	vor.u32 v7, v22;
	v27 =	vor.u32 v1, v27;
	(pc) =	sbr.rel @!p4 .LBB2_29-.Ltmp17, $4  }
0xd4: {  	p3 =	por !p1, !p1;
	p1 =	por $0x1, $0x1;
	s25 =	smov.u32 s18;
	v21 =	vor.u32 v1, v21;
	[tilespmem:s21+$0x4000] =	vst v24;
	v24 =	vor.u32 v7, v27  }
0xd5: {  	s24 =	smov.u32 s20;
	s23 =	sadd.s32 $0x4, s18;
	s30 =	sadd.s32 $0x30, s22;
	v22 =	vor.u32 v7, v21  }
0xd6: {  	s26 =	sadd.s32 $0x8, s16;
	s31 =	sor.u32 $0x300, s30;
	s21 =	simm.s32 $0x1  }
0xd7: {  	s22 =	sand.u32 $0x7, s23;
	s19 =	sadd.s32 $0x200, s18;
	[tilespmem:s31+$0x4000] =	vst v26;
	s21 =	simm.s32 @!p3 $0x0;
	v21 =	vld.idx.msk [tilespmem:v25+s18+$0x0], $0xffff  }
.LBB2_30:
0xd8: {  	s1 =	sadd.s32 $0xFFFFFFFE, s26;
	v25 =	vmov s26;
	s17 =	sadd.s32 $0x4, s17;
	v26 =	vld.idx.msk [tilespmem:v23+s18+$0x0], $0xffff;
	s25 =	sadd.s32 $0x2, s25  }
0xd9: {  	s28 =	sadd.s32 $0xFFFFFFFA, s26;
	v23 =	vmov s1;
	v25 =	vshll.u32 v25, $0x7;
	p4 =	slt.u32 s17, $0x3C;
	s1 =	sand.u32 $0x3, s25;
	v27 =	vld.idx.msk [tilespmem:v24+s18+$0x0], $0xffff  }
0xda: {  	s24 =	sadd.s32 $0x200, s24;
	v24 =	vmov s28;
	s28 =	sadd.s32 $0xFFFFFFFC, s26;
	v23 =	vshll.u32 v23, $0x7;
	v25 =	vor.u32 v1, v25;
	s1 =	sshll.u32 s1, $0x5;
	v28 =	vld.idx.msk [tilespmem:v22+s18+$0x0], $0xffff  }
0xdb: {  	s22 =	sshll.u32 s22, $0x4;
	s21 =	sshll.u32 s21, $0x6;
	v22 =	vshll.u32 v24, $0x7;
	v24 =	vmov s28;
	v23 =	vor.u32 v1, v23;
	s1 =	sadd.s32 s1, s24  }
0xdc: {  	s22 =	sadd.s32 s22, s19;
	s21 =	sadd.s32 s21, s19;
	v22 =	vor.u32 v1, v22;
	v24 =	vshll.u32 v24, $0x7;
	v29 =	vor.u32 v7, v23;
	s1 =	sor.u32 $0x300, s1  }
.Ltmp18:
0xdd: {  	s21 =	sor.u32 $0x300, s21;
	s28 =	sadd.s32 $0x10, s22;
	v23 =	vor.u32 v7, v22;
	v24 =	vor.u32 v1, v24;
	v22 =	vor.u32 v7, v25;
	[tilespmem:s1+$0x4000] =	vst v21;
	(pc) =	sbr.rel @p4 .LBB2_30-.Ltmp18, $4  }
0xde: {  	v24 =	vor.u32 v7, v24;
	s1 =	sor.u32 $0x300, s28;
	[tilespmem:s21+$0x4000] =	vst v26;
	s21 =	sadd.s32 $0x30, s22  }
0xdf: {  	s23 =	sadd.s32 $0x4, s23;
	[tilespmem:s1+$0x4000] =	vst v27;
	s1 =	sor.u32 $0x300, s21  }
0xe0: {  	p3 =	por !p3, !p3;
	s19 =	sadd.s32 $0x200, s19;
	s21 =	simm.s32 $0x1;
	[tilespmem:s1+$0x4000] =	vst v28  }
0xe1: {  	s26 =	sadd.s32 $0x8, s26;
	s22 =	sand.u32 $0x7, s23;
	s21 =	simm.s32 @!p3 $0x0;
	v21 =	vld.idx.msk [tilespmem:v29+s18+$0x0], $0xffff  }
.LBB2_31:
0xe2: {  	_ =	sdelay $0x3  }
0xe3: {  	s1 =	sadd.s32 @p1 $0x2, s25;
	s17 =	smov.u32 s18;
	v23 =	vld.idx.msk [tilespmem:v23+s18+$0x0], $0xffff  }
0xe4: {  	s25 =	sshll.u32 s22, $0x4;
	s26 =	sshll.u32 s21, $0x6;
	s17 =	smov.u32 @p1 s1  }
0xe5: {  	v24 =	vld.idx.msk [tilespmem:v24+s18+$0x0], $0xffff;
	s28 =	sadd.s32 s26, s19;
	s1 =	sand.u32 $0x3, s17;
	s17 =	sadd.s32 @p1 $0x200, s24  }
0xe6: {  	v22 =	vld.idx.msk [tilespmem:v22+s18+$0x0], $0xffff;
	s1 =	sshll.u32 s1, $0x5;
	s20 =	smov.u32 @p1 s17;
	s17 =	sadd.s32 s25, s19  }
.Ltmp19:
0xe7: {  	s19 =	sor.u32 $0x300, s28;
	s1 =	sadd.s32 s1, s20;
	(pc) =	sbr.rel @!p2 .LBB2_32-.Ltmp19, $4  }
0xe8: {  	s29 =	sadd.s32 $0x10, s17;
	s1 =	sor.u32 $0x300, s1;
	[tilespmem:s19+$0x4000] =	vst v23  }
0xe9: {  	s17 =	sadd.s32 $0x30, s17;
	s30 =	sor.u32 $0x300, s29;
	[tilespmem:s1+$0x4000] =	vst v21  }
0xea: {  	s31 =	sor.u32 $0x300, s17;
	v23 =	vor.u32 v8, v17;
	[tilespmem:s30+$0x4000] =	vst v24  }
0xeb: {  	s17 =	simm.s32 $0x30;
	v17 =	vor.u32 v8, v18;
	[tilespmem:s31+$0x4000] =	vst v22;
	v22 =	vor.u32 v8, v19;
	v19 =	vor.u32 v8, v20  }
0xec: {  	_ =	sdelay $0x1  }
0xed: {  	s1 =	sadd.s32 $0xFFFFFFFE, s16;
	v18 =	vmov s16  }
0xee: {  	s19 =	simm.s32 $0x0;
	s21 =	sadd.s32 $0xFFFFFFFA, s16;
	s22 =	sadd.s32 $0xFFFFFFFC, s16;
	v20 =	vmov s1;
	v25 =	vshll.u32 v18, $0x7  }
0xef: {  	s20 =	simm.s32 $0x4;
	p1 =	por $0x1, $0x1;
	v24 =	vld.idx.msk [tilespmem:v23+s19+$0x0], $0xffff;
	v21 =	vmov s21;
	v23 =	vmov s22;
	v20 =	vshll.u32 v20, $0x7  }
.Ltmp20:
0xf0: {  	s29 =	simm.s32 $0x20;
	s30 =	simm.s32 $0x0;
	v18 =	vld.idx.msk [tilespmem:v22+s19+$0x0], $0xffff;
	v21 =	vshll.u32 v21, $0x7;
	v22 =	vshll.u32 v23, $0x7;
	v23 =	vor.u32 v1, v20;
	(pc) =	sbr.rel @!p1 .LBB2_34-.Ltmp20, $4  }
0xf1: {  	s31 =	simm.s32 $0x10;
	s23 =	sor.u32 s17, s18;
	s16 =	sadd.s32 $0x8, s16;
	v20 =	vld.idx.msk [tilespmem:v19+s19+$0x0], $0xffff;
	v19 =	vor.u32 v1, v21;
	v23 =	vor.u32 v8, v23  }
0xf2: {  	p0 =	por $0x1, $0x1;
	s1 =	sor.u32 s29, s18;
	s21 =	sor.u32 s30, s18;
	v26 =	vor.u32 v1, v22;
	v22 =	vor.u32 v8, v19  }
0xf3: {  	s22 =	sor.u32 s31, s18;
	s1 =	sor.u32 $0x380, s1;
	s25 =	sor.u32 $0x380, s21;
	v21 =	vld.idx.msk [tilespmem:v17+s19+$0x0], $0xffff;
	v17 =	vor.u32 v1, v25;
	v19 =	vor.u32 v8, v26  }
0xf4: {  	s24 =	sor.u32 $0x380, s22;
	s22 =	simm.s32 $0x30;
	s21 =	smov.u32 s18;
	v17 =	vor.u32 v8, v17;
	[tilespmem:s1+$0x4000] =	vst v24  }
.LBB2_35:
0xf5: {  	s1 =	sadd.s32 $0xFFFFFFFE, s16;
	v24 =	vmov s16;
	s20 =	sadd.s32 $0x4, s20;
	[tilespmem:s25+$0x4000] =	vst v18  }
0xf6: {  	s25 =	sadd.s32 $0xFFFFFFFA, s16;
	s26 =	sadd.s32 $0xFFFFFFFC, s16;
	v18 =	vmov s1;
	v24 =	vshll.u32 v24, $0x7;
	p1 =	slt.u32 s20, $0x3C;
	v25 =	vld.idx.msk [tilespmem:v23+s19+$0x0], $0xffff;
	[tilespmem:s24+$0x4000] =	vst v20  }
0xf7: {  	v20 =	vmov s25;
	v23 =	vmov s26;
	s1 =	sor.u32 $0x380, s23;
	v26 =	vshll.u32 v18, $0x7;
	v18 =	vld.idx.msk [tilespmem:v22+s19+$0x0], $0xffff  }
.Ltmp21:
0xf8: {  	s22 =	sadd.s32 $0x40, s22;
	v22 =	vshll.u32 v20, $0x7;
	v23 =	vshll.u32 v23, $0x7;
	v26 =	vor.u32 v1, v26;
	v20 =	vld.idx.msk [tilespmem:v19+s19+$0x0], $0xffff;
	[tilespmem:s1+$0x4000] =	vst v21;
	(pc) =	sbr.rel @p1 .LBB2_35-.Ltmp21, $4  }
0xf9: {  	s21 =	sadd.s32 $0x200, s21;
	s23 =	sadd.s32 $0xFFFFFFF0, s22;
	v19 =	vor.u32 v1, v22;
	v27 =	vor.u32 v1, v23;
	s1 =	sadd.s32 $0xFFFFFFD0, s22;
	v23 =	vor.u32 v8, v26;
	v21 =	vld.idx.msk [tilespmem:v17+s19+$0x0], $0xffff  }
0xfa: {  	s24 =	sadd.s32 $0xFFFFFFE0, s22;
	s23 =	sor.u32 s23, s21;
	v22 =	vor.u32 v8, v19;
	v19 =	vor.u32 v8, v27;
	v17 =	vor.u32 v1, v24;
	s1 =	sor.u32 s1, s21  }
0xfb: {  	s24 =	sor.u32 s24, s21;
	s26 =	sor.u32 $0x380, s23;
	s23 =	sor.u32 s22, s21;
	v17 =	vor.u32 v8, v17  }
0xfc: {  	s16 =	sadd.s32 $0x8, s16;
	s24 =	sor.u32 $0x380, s24;
	s25 =	sor.u32 $0x380, s1;
	[tilespmem:s26+$0x4000] =	vst v25  }
.LBB2_36:
0xfd: {  	_ =	sdelay $0x1  }
0xfe: {  	s16 =	simm.s32 $0x0  }
0xff: {  	s1 =	sadd.s32 @p0 $0x40, s22;
	s19 =	simm.s32 $0x30;
	s20 =	sor.u32 @p0 $0x380, s23  }
0x100: {  	[tilespmem:s25+$0x4000] =	vst @p0 v18;
	s31 =	simm.s32 $0x6;
	s25 =	simm.s32 $0x2;
	s26 =	simm.s32 $0x4;
	v23 =	vld.idx.msk [tilespmem:v23+s16+$0x0], $0xffff  }
0x101: {  	s29 =	simm.s32 $0x0;
	s19 =	smov.u32 @p0 s1;
	s1 =	sadd.s32 @p0 $0x200, s21;
	v22 =	vld.idx.msk [tilespmem:v22+s16+$0x0], $0xffff  }
0x102: {  	p1 =	por $0x1, $0x1;
	v19 =	vld.idx.msk [tilespmem:v19+s16+$0x0], $0xffff;
	s18 =	smov.u32 @p0 s1;
	s23 =	sadd.s32 $0xFFFFFFF0, s19  }
0x103: {  	[tilespmem:s24+$0x4000] =	vst @p0 v20;
	v24 =	vld.idx.msk [tilespmem:v17+s16+$0x0], $0xffff;
	v17 =	vmov s31;
	s30 =	sadd.s32 $0xFFFFFFD0, s19;
	s28 =	sadd.s32 $0xFFFFFFE0, s19;
	s22 =	sor.u32 s23, s18  }
.Ltmp22:
0x104: {  	[tilespmem:s20+$0x4000] =	vst @p0 v21;
	v18 =	vmov s25;
	v20 =	vmov s26;
	v21 =	vshll.u32 v17, $0x7;
	s21 =	sor.u32 s30, s18;
	s22 =	sor.u32 $0x380, s22;
	(pc) =	sbr.rel @!p1 .LBB2_37-.Ltmp22, $4  }
0x105: {  	v17 =	vmov s29;
	v18 =	vshll.u32 v18, $0x7;
	v20 =	vshll.u32 v20, $0x7;
	s20 =	sor.u32 s28, s18;
	s21 =	sor.u32 $0x380, s21;
	[tilespmem:s22+$0x4000] =	vst v23  }
0x106: {  	s30 =	sor.u32 s19, s18;
	s31 =	sor.u32 $0x380, s20;
	[tilespmem:s21+$0x4000] =	vst v22;
	v22 =	vshll.u32 v17, $0x7;
	v17 =	vor.u32 v1, v18;
	v18 =	vor.u32 v1, v20  }
0x107: {  	s1 =	sor.u32 $0x380, s30;
	[tilespmem:s31+$0x4000] =	vst v19;
	v20 =	vor.u32 v1, v21;
	v19 =	vor.u32 v1, v22;
	v27 =	vor.u32 v9, v18  }
0x108: {  	p0 =	por $0x0, $0x0;
	s19 =	simm.s32 $0xE;
	[tilespmem:s1+$0x4000] =	vst v24;
	v22 =	vor.u32 v9, v17;
	v21 =	vor.u32 v9, v20;
	v25 =	vor.u32 v9, v19  }
0x109: {  	_ =	sdelay $0x1  }
0x10a: {  	s1 =	simm.s32 $0xA;
	s20 =	simm.s32 $0xC  }
0x10b: {  	v23 =	vmov s19;
	s21 =	simm.s32 $0x8;
	v24 =	vmov s1;
	v26 =	vmov s20  }
0x10c: {  	s18 =	simm.s32 $0x4;
	p3 =	por $0x1, $0x1;
	v28 =	vld.idx.msk [tilespmem:v27+s16+$0x0], $0xffff;
	s28 =	simm.s32 $0x0;
	v29 =	vshll.u32 v23, $0x7;
	v23 =	vmov s21;
	v26 =	vshll.u32 v26, $0x7  }
.Ltmp23:
0x10d: {  	s29 =	sand.u32 $0x1C00, s16;
	s22 =	simm.s32 $0x20;
	v27 =	vshll.u32 v24, $0x7;
	v24 =	vld.idx.msk [tilespmem:v25+s16+$0x0], $0xffff;
	v25 =	vshll.u32 v23, $0x7;
	v26 =	vor.u32 v1, v26;
	(pc) =	sbr.rel @!p3 .LBB2_39-.Ltmp23, $4  }
0x10e: {  	s30 =	simm.s32 $0x10;
	s25 =	sand.u32 $0x70, s17;
	p2 =	por $0x1, $0x1;
	v23 =	vld.idx.msk [tilespmem:v22+s16+$0x0], $0xffff;
	v30 =	vor.u32 v1, v27;
	v22 =	vor.u32 v1, v25;
	v27 =	vor.u32 v9, v26  }
0x10f: {  	s23 =	simm.s32 $0x0;
	s20 =	sor.u32 $0x6000, s29;
	s22 =	sand.u32 $0x60, s22;
	v25 =	vor.u32 v9, v22  }
0x110: {  	s1 =	sand.u32 $0x40, s28;
	s24 =	sand.u32 $0x50, s30;
	s31 =	sor.u32 s22, s20;
	v29 =	vor.u32 v1, v29;
	v26 =	vld.idx.msk [tilespmem:v21+s16+$0x0], $0xffff;
	v22 =	vor.u32 v9, v30  }
0x111: {  	s21 =	simm.s32 $0x30;
	s22 =	simm.s32 $0x16;
	s26 =	sor.u32 s1, s20;
	v21 =	vor.u32 v9, v29;
	[tilespmem:s31+$0x0] =	vst v28  }
.LBB2_40:
0x112: {  	s1 =	sadd.s32 $0xFFFFFFFC, s22;
	s28 =	sadd.s32 $0xFFFFFFFE, s22;
	v28 =	vmov s22;
	s18 =	sadd.s32 $0x4, s18;
	[tilespmem:s26+$0x0] =	vst v24  }
0x113: {  	s26 =	sadd.s32 $0xFFFFFFFA, s22;
	v24 =	vmov s1;
	v29 =	vmov s28;
	v28 =	vshll.u32 v28, $0x7;
	p3 =	slt.u32 s18, $0x3C;
	v30 =	vld.idx.msk [tilespmem:v27+s16+$0x0], $0xffff;
	s1 =	sor.u32 s24, s20  }
0x114: {  	v27 =	vmov s26;
	v31 =	vshll.u32 v24, $0x7;
	v29 =	vshll.u32 v29, $0x7;
	v24 =	vld.idx.msk [tilespmem:v25+s16+$0x0], $0xffff;
	[tilespmem:s1+$0x0] =	vst v23;
	s1 =	sor.u32 s25, s20  }
.Ltmp24:
0x115: {  	s21 =	sadd.s32 $0x40, s21;
	s23 =	sadd.s32 $0x200, s23;
	v25 =	vshll.u32 v27, $0x7;
	v31 =	vor.u32 v1, v31;
	v27 =	vor.u32 v1, v29;
	v23 =	vld.idx.msk [tilespmem:v22+s16+$0x0], $0xffff;
	[tilespmem:s1+$0x0] =	vst v26;
	(pc) =	sbr.rel @p3 .LBB2_40-.Ltmp24, $4  }
0x116: {  	s24 =	sadd.s32 $0xFFFFFFF0, s21;
	v28 =	vor.u32 v1, v28;
	s20 =	sand.u32 $0x1C00, s23;
	v22 =	vor.u32 v1, v25;
	s1 =	sadd.s32 $0xFFFFFFD0, s21;
	v27 =	vor.u32 v9, v27;
	v26 =	vld.idx.msk [tilespmem:v21+s16+$0x0], $0xffff  }
0x117: {  	s25 =	sadd.s32 $0xFFFFFFE0, s21;
	s26 =	sand.u32 $0x60, s24;
	s20 =	sor.u32 $0x6000, s20;
	v25 =	vor.u32 v9, v22;
	v22 =	vor.u32 v9, v31;
	v21 =	vor.u32 v9, v28  }
0x118: {  	s24 =	sand.u32 $0x50, s25;
	s1 =	sand.u32 $0x40, s1;
	s25 =	sor.u32 s26, s20  }
0x119: {  	s22 =	sadd.s32 $0x8, s22;
	s26 =	sor.u32 s1, s20;
	[tilespmem:s25+$0x0] =	vst v30;
	s25 =	sand.u32 $0x70, s21  }
.LBB2_41:
0x11a: {  	_ =	sdelay $0x2  }
0x11b: {  	s1 =	sadd.s32 @p2 $0x40, s21  }
0x11c: {  	v27 =	vld.idx.msk [tilespmem:v27+s16+$0x0], $0xffff;
	s18 =	sadd.s32 @p2 $0x200, s23;
	s21 =	simm.s32 $0x0;
	s17 =	smov.u32 @p2 s1  }
0x11d: {  	v25 =	vld.idx.msk [tilespmem:v25+s16+$0x0], $0xffff;
	s1 =	sor.u32 @p2 s24, s20;
	s21 =	smov.u32 @p2 s18;
	s18 =	sor.u32 @p2 s25, s20  }
0x11e: {  	[tilespmem:s26+$0x0] =	vst @p2 v24;
	v22 =	vld.idx.msk [tilespmem:v22+s16+$0x0], $0xffff;
	s25 =	sand.u32 $0x1C00, s21;
	s26 =	sadd.s32 $0xFFFFFFF0, s17;
	s28 =	sadd.s32 $0xFFFFFFD0, s17  }
0x11f: {  	[tilespmem:s1+$0x0] =	vst @p2 v23;
	v23 =	vld.idx.msk [tilespmem:v21+s16+$0x0], $0xffff;
	s29 =	sadd.s32 $0xFFFFFFE0, s17;
	s20 =	sor.u32 $0x6000, s25;
	s21 =	sand.u32 $0x60, s26  }
.Ltmp25:
0x120: {  	[tilespmem:s18+$0x0] =	vst @p2 v26;
	s1 =	sand.u32 $0x40, s28;
	s21 =	sor.u32 s21, s20;
	(pc) =	sbr.rel @!p1 .LBB2_42-.Ltmp25, $4  }
0x121: {  	s18 =	sand.u32 $0x50, s29;
	s1 =	sor.u32 s1, s20;
	[tilespmem:s21+$0x0] =	vst v27  }
0x122: {  	s17 =	sand.u32 $0x70, s17;
	s30 =	sor.u32 s18, s20;
	[tilespmem:s1+$0x0] =	vst v25  }
0x123: {  	v21 =	vor.u32 v10, v18;
	s31 =	sor.u32 s17, s20;
	[tilespmem:s30+$0x0] =	vst v22  }
0x124: {  	s18 =	simm.s32 $0x30;
	v22 =	vor.u32 v10, v19;
	v19 =	vor.u32 v10, v17;
	v17 =	vor.u32 v10, v20;
	[tilespmem:s31+$0x0] =	vst v23  }
0x125: {  	_ =	sdelay $0x3  }
0x126: {  	s17 =	simm.s32 $0xC;
	v22 =	vld.idx.msk [tilespmem:v22+s16+$0x0], $0xffff  }
0x127: {  	s1 =	simm.s32 $0xA;
	v20 =	vld.idx.msk [tilespmem:v21+s16+$0x0], $0xffff;
	s21 =	simm.s32 $0x8;
	v18 =	vmov s19;
	v21 =	vmov s17  }
0x128: {  	p1 =	por $0x1, $0x1;
	s24 =	simm.s32 $0x0;
	s22 =	sand.u32 $0x1C00, s16;
	v24 =	vshll.u32 v18, $0x7;
	v18 =	vmov s21;
	v21 =	vshll.u32 v21, $0x7  }
0x129: {  	v23 =	vld.idx.msk [tilespmem:v19+s16+$0x0], $0xffff;
	s23 =	simm.s32 $0x20;
	v19 =	vmov s1;
	s25 =	sor.u32 $0x6080, s22;
	s19 =	sand.u32 $0x40, s24;
	v25 =	vshll.u32 v18, $0x7;
	v21 =	vor.u32 v1, v21  }
.Ltmp26:
0x12a: {  	s28 =	sand.u32 $0x60, s23;
	v19 =	vshll.u32 v19, $0x7;
	v18 =	vld.idx.msk [tilespmem:v17+s16+$0x0], $0xffff;
	s19 =	sor.u32 s19, s25;
	v17 =	vor.u32 v1, v25;
	v21 =	vor.u32 v10, v21;
	(pc) =	sbr.rel @!p1 .LBB2_44-.Ltmp26, $4  }
0x12b: {  	s20 =	simm.s32 $0x4;
	s26 =	simm.s32 $0x10;
	s29 =	sor.u32 s28, s25;
	v19 =	vor.u32 v1, v19;
	[tilespmem:s19+$0x0] =	vst v22;
	v22 =	vor.u32 v10, v17  }
0x12c: {  	s31 =	sand.u32 $0x70, s18;
	p0 =	por $0x1, $0x1;
	s17 =	sand.u32 $0x50, s26;
	v19 =	vor.u32 v10, v19;
	[tilespmem:s29+$0x0] =	vst v20;
	v20 =	vor.u32 v1, v24  }
0x12d: {  	s21 =	simm.s32 $0x16;
	s22 =	simm.s32 $0x0;
	s30 =	sor.u32 s17, s25;
	v17 =	vor.u32 v10, v20  }
0x12e: {  	s23 =	sor.u32 s31, s25;
	s17 =	simm.s32 $0x0;
	[tilespmem:s30+$0x0] =	vst v23;
	s19 =	simm.s32 $0x30  }
.LBB2_45:
0x12f: {  	s1 =	sadd.s32 $0xFFFFFFFC, s21;
	s24 =	sadd.s32 $0xFFFFFFFE, s21;
	v20 =	vmov s21;
	s20 =	sadd.s32 $0x4, s20;
	v23 =	vld.idx.msk [tilespmem:v21+s17+$0x0], $0xffff;
	[tilespmem:s23+$0x0] =	vst v18  }
0x130: {  	s23 =	sadd.s32 $0xFFFFFFFA, s21;
	s19 =	sadd.s32 $0x40, s19;
	v18 =	vmov s1;
	v21 =	vmov s24;
	v20 =	vshll.u32 v20, $0x7;
	p1 =	slt.u32 s20, $0x3C;
	v24 =	vld.idx.msk [tilespmem:v22+s17+$0x0], $0xffff  }
0x131: {  	s22 =	sadd.s32 $0x200, s22;
	v22 =	vmov s23;
	s1 =	sadd.s32 $0xFFFFFFD0, s19;
	v18 =	vshll.u32 v18, $0x7;
	v21 =	vshll.u32 v21, $0x7;
	v25 =	vld.idx.msk [tilespmem:v19+s17+$0x0], $0xffff  }
0x132: {  	s23 =	sand.u32 $0x1C00, s22;
	s24 =	sadd.s32 $0xFFFFFFF0, s19;
	s25 =	sadd.s32 $0xFFFFFFE0, s19;
	v19 =	vshll.u32 v22, $0x7;
	v26 =	vor.u32 v1, v18;
	v21 =	vor.u32 v1, v21;
	v18 =	vld.idx.msk [tilespmem:v17+s17+$0x0], $0xffff  }
.Ltmp27:
0x133: {  	v20 =	vor.u32 v1, v20;
	s23 =	sor.u32 $0x6080, s23;
	s24 =	sand.u32 $0x60, s24;
	v17 =	vor.u32 v1, v19;
	v21 =	vor.u32 v10, v21;
	(pc) =	sbr.rel @p1 .LBB2_45-.Ltmp27, $4  }
0x134: {  	s1 =	sand.u32 $0x40, s1;
	s25 =	sand.u32 $0x50, s25;
	s24 =	sor.u32 s24, s23;
	v22 =	vor.u32 v10, v17;
	v19 =	vor.u32 v10, v26;
	v17 =	vor.u32 v10, v20  }
0x135: {  	s1 =	sor.u32 s1, s23;
	s25 =	sor.u32 s25, s23;
	[tilespmem:s24+$0x0] =	vst v23;
	s24 =	sand.u32 $0x70, s19  }
0x136: {  	[tilespmem:s1+$0x0] =	vst v24;
	s23 =	sor.u32 s24, s23  }
0x137: {  	s21 =	sadd.s32 $0x8, s21;
	[tilespmem:s25+$0x0] =	vst v25  }
.LBB2_46:
0x138: {  	_ =	sdelay $0x2  }
0x139: {  	s1 =	sadd.s32 @p0 $0x40, s19;
	s19 =	sadd.s32 @p0 $0x200, s22;
	s20 =	simm.s32 $0x30  }
0x13a: {  	v20 =	vld.idx.msk [tilespmem:v21+s17+$0x0], $0xffff;
	s25 =	simm.s32 $0x6;
	s24 =	simm.s32 $0x2;
	s29 =	simm.s32 $0x4  }
0x13b: {  	v21 =	vld.idx.msk [tilespmem:v22+s17+$0x0], $0xffff;
	s30 =	simm.s32 $0x0;
	s20 =	smov.u32 @p0 s1;
	s16 =	smov.u32 @p0 s19  }
0x13c: {  	v19 =	vld.idx.msk [tilespmem:v19+s17+$0x0], $0xffff;
	p1 =	por $0x1, $0x1;
	s16 =	sand.u32 $0x1C00, s16;
	s21 =	sadd.s32 $0xFFFFFFF0, s20  }
0x13d: {  	v22 =	vld.idx.msk [tilespmem:v17+s17+$0x0], $0xffff;
	s26 =	sadd.s32 $0xFFFFFFD0, s20;
	s16 =	sor.u32 $0x6080, s16;
	s21 =	sand.u32 $0x60, s21  }
0x13e: {  	[tilespmem:s23+$0x0] =	vst @p0 v18;
	v17 =	vmov s25;
	s28 =	sadd.s32 $0xFFFFFFE0, s20;
	s19 =	sand.u32 $0x40, s26;
	s21 =	sor.u32 s21, s16  }
.Ltmp28:
0x13f: {  	v18 =	vmov s24;
	v23 =	vmov s29;
	v24 =	vshll.u32 v17, $0x7;
	s22 =	sand.u32 $0x50, s28;
	s19 =	sor.u32 s19, s16;
	[tilespmem:s21+$0x0] =	vst v20;
	(pc) =	sbr.rel @!p1 .LBB2_47-.Ltmp28, $4  }
0x140: {  	v17 =	vmov s30;
	v18 =	vshll.u32 v18, $0x7;
	s20 =	sand.u32 $0x70, s20;
	s31 =	sor.u32 s22, s16;
	v20 =	vshll.u32 v23, $0x7;
	[tilespmem:s19+$0x0] =	vst v21  }
0x141: {  	s16 =	sor.u32 s20, s16;
	v21 =	vshll.u32 v17, $0x7;
	v17 =	vor.u32 v1, v18;
	[tilespmem:s31+$0x0] =	vst v19;
	v18 =	vor.u32 v1, v20  }
0x142: {  	[tilespmem:s16+$0x0] =	vst v22;
	v19 =	vor.u32 v1, v21;
	v20 =	vor.u32 v1, v24;
	v22 =	vor.u32 v11, v17  }
0x143: {  	p0 =	por $0x0, $0x0;
	s19 =	simm.s32 $0xE;
	v27 =	vor.u32 v11, v18;
	v25 =	vor.u32 v11, v19;
	v21 =	vor.u32 v11, v20  }
0x144: {  	_ =	sdelay $0x1  }
0x145: {  	s1 =	simm.s32 $0xA;
	s20 =	simm.s32 $0xC  }
0x146: {  	v23 =	vmov s19;
	s21 =	simm.s32 $0x8;
	v24 =	vmov s1;
	v26 =	vmov s20  }
0x147: {  	s16 =	simm.s32 $0x4;
	v28 =	vld.idx.msk [tilespmem:v27+s17+$0x0], $0xffff;
	p3 =	por $0x1, $0x1;
	s29 =	simm.s32 $0x0;
	v29 =	vshll.u32 v23, $0x7;
	v23 =	vmov s21;
	v26 =	vshll.u32 v26, $0x7  }
.Ltmp29:
0x148: {  	s30 =	sand.u32 $0x1C00, s17;
	s31 =	simm.s32 $0x20;
	v27 =	vshll.u32 v24, $0x7;
	v24 =	vld.idx.msk [tilespmem:v25+s17+$0x0], $0xffff;
	v25 =	vshll.u32 v23, $0x7;
	v26 =	vor.u32 v1, v26;
	(pc) =	sbr.rel @!p3 .LBB2_49-.Ltmp29, $4  }
0x149: {  	s22 =	simm.s32 $0x10;
	s25 =	sand.u32 $0x70, s18;
	p2 =	por $0x1, $0x1;
	v23 =	vld.idx.msk [tilespmem:v22+s17+$0x0], $0xffff;
	v30 =	vor.u32 v1, v27;
	v22 =	vor.u32 v1, v25;
	v27 =	vor.u32 v11, v26  }
0x14a: {  	s23 =	smov.u32 s17;
	s20 =	sor.u32 $0x6100, s30;
	s21 =	sand.u32 $0x60, s31;
	v25 =	vor.u32 v11, v22  }
0x14b: {  	s1 =	sand.u32 $0x40, s29;
	s24 =	sand.u32 $0x50, s22;
	v29 =	vor.u32 v1, v29;
	s21 =	sor.u32 s21, s20;
	v26 =	vld.idx.msk [tilespmem:v21+s17+$0x0], $0xffff;
	v22 =	vor.u32 v11, v30  }
0x14c: {  	s22 =	simm.s32 $0x16;
	s26 =	sor.u32 s1, s20;
	v21 =	vor.u32 v11, v29;
	[tilespmem:s21+$0x0] =	vst v28;
	s21 =	simm.s32 $0x30  }
.LBB2_50:
0x14d: {  	s1 =	sadd.s32 $0xFFFFFFFC, s22;
	s28 =	sadd.s32 $0xFFFFFFFE, s22;
	v28 =	vmov s22;
	s16 =	sadd.s32 $0x4, s16;
	[tilespmem:s26+$0x0] =	vst v24  }
0x14e: {  	s26 =	sadd.s32 $0xFFFFFFFA, s22;
	v24 =	vmov s1;
	v29 =	vmov s28;
	v28 =	vshll.u32 v28, $0x7;
	p3 =	slt.u32 s16, $0x3C;
	v30 =	vld.idx.msk [tilespmem:v27+s17+$0x0], $0xffff;
	s1 =	sor.u32 s24, s20  }
0x14f: {  	v27 =	vmov s26;
	v31 =	vshll.u32 v24, $0x7;
	v29 =	vshll.u32 v29, $0x7;
	v24 =	vld.idx.msk [tilespmem:v25+s17+$0x0], $0xffff;
	[tilespmem:s1+$0x0] =	vst v23;
	s1 =	sor.u32 s25, s20  }
.Ltmp30:
0x150: {  	s21 =	sadd.s32 $0x40, s21;
	s23 =	sadd.s32 $0x200, s23;
	v25 =	vshll.u32 v27, $0x7;
	v31 =	vor.u32 v1, v31;
	v27 =	vor.u32 v1, v29;
	v23 =	vld.idx.msk [tilespmem:v22+s17+$0x0], $0xffff;
	[tilespmem:s1+$0x0] =	vst v26;
	(pc) =	sbr.rel @p3 .LBB2_50-.Ltmp30, $4  }
0x151: {  	s24 =	sadd.s32 $0xFFFFFFF0, s21;
	v28 =	vor.u32 v1, v28;
	s20 =	sand.u32 $0x1C00, s23;
	v22 =	vor.u32 v1, v25;
	s1 =	sadd.s32 $0xFFFFFFD0, s21;
	v27 =	vor.u32 v11, v27;
	v26 =	vld.idx.msk [tilespmem:v21+s17+$0x0], $0xffff  }
0x152: {  	s25 =	sadd.s32 $0xFFFFFFE0, s21;
	s26 =	sand.u32 $0x60, s24;
	s20 =	sor.u32 $0x6100, s20;
	v25 =	vor.u32 v11, v22;
	v22 =	vor.u32 v11, v31;
	v21 =	vor.u32 v11, v28  }
0x153: {  	s24 =	sand.u32 $0x50, s25;
	s1 =	sand.u32 $0x40, s1;
	s25 =	sor.u32 s26, s20  }
0x154: {  	s22 =	sadd.s32 $0x8, s22;
	s26 =	sor.u32 s1, s20;
	[tilespmem:s25+$0x0] =	vst v30;
	s25 =	sand.u32 $0x70, s21  }
.LBB2_51:
0x155: {  	_ =	sdelay $0x2  }
0x156: {  	s1 =	sadd.s32 @p2 $0x40, s21  }
0x157: {  	v27 =	vld.idx.msk [tilespmem:v27+s17+$0x0], $0xffff;
	s16 =	sadd.s32 @p2 $0x200, s23;
	s21 =	smov.u32 s17;
	s18 =	smov.u32 @p2 s1  }
0x158: {  	v25 =	vld.idx.msk [tilespmem:v25+s17+$0x0], $0xffff;
	s1 =	sor.u32 @p2 s24, s20;
	s21 =	smov.u32 @p2 s16;
	s16 =	sor.u32 @p2 s25, s20  }
0x159: {  	[tilespmem:s26+$0x0] =	vst @p2 v24;
	v22 =	vld.idx.msk [tilespmem:v22+s17+$0x0], $0xffff;
	s25 =	sand.u32 $0x1C00, s21;
	s26 =	sadd.s32 $0xFFFFFFF0, s18;
	s28 =	sadd.s32 $0xFFFFFFD0, s18  }
0x15a: {  	v21 =	vld.idx.msk [tilespmem:v21+s17+$0x0], $0xffff;
	[tilespmem:s1+$0x0] =	vst @p2 v23;
	s29 =	sadd.s32 $0xFFFFFFE0, s18;
	s20 =	sor.u32 $0x6100, s25;
	s21 =	sand.u32 $0x60, s26  }
.Ltmp31:
0x15b: {  	[tilespmem:s16+$0x0] =	vst @p2 v26;
	s1 =	sand.u32 $0x40, s28;
	s21 =	sor.u32 s21, s20;
	(pc) =	sbr.rel @!p1 .LBB2_52-.Ltmp31, $4  }
0x15c: {  	s16 =	sand.u32 $0x50, s29;
	s1 =	sor.u32 s1, s20;
	[tilespmem:s21+$0x0] =	vst v27  }
0x15d: {  	s18 =	sand.u32 $0x70, s18;
	s30 =	sor.u32 s16, s20;
	[tilespmem:s1+$0x0] =	vst v25  }
0x15e: {  	s31 =	sor.u32 s18, s20;
	[tilespmem:s30+$0x0] =	vst v22;
	v22 =	vor.u32 v12, v18  }
0x15f: {  	s18 =	simm.s32 $0x30;
	s16 =	simm.s32 $0x0;
	[tilespmem:s31+$0x0] =	vst v21;
	v21 =	vor.u32 v12, v19;
	v19 =	vor.u32 v12, v17;
	v17 =	vor.u32 v12, v20  }
0x160: {  	_ =	sdelay $0x3  }
0x161: {  	s21 =	simm.s32 $0xC;
	v21 =	vld.idx.msk [tilespmem:v21+s16+$0x0], $0xffff  }
0x162: {  	v20 =	vld.idx.msk [tilespmem:v22+s16+$0x0], $0xffff;
	s1 =	simm.s32 $0xA;
	v18 =	vmov s19;
	s25 =	simm.s32 $0x8;
	v22 =	vmov s21  }
0x163: {  	s22 =	sand.u32 $0x1C00, s17;
	s23 =	simm.s32 $0x20;
	s26 =	simm.s32 $0x0;
	v24 =	vshll.u32 v18, $0x7;
	v18 =	vmov s25;
	v22 =	vshll.u32 v22, $0x7  }
0x164: {  	v23 =	vld.idx.msk [tilespmem:v19+s16+$0x0], $0xffff;
	p1 =	por $0x1, $0x1;
	v19 =	vmov s1;
	s28 =	sor.u32 $0x6180, s22;
	s1 =	sand.u32 $0x40, s26;
	v25 =	vshll.u32 v18, $0x7;
	v22 =	vor.u32 v1, v22  }
.Ltmp32:
0x165: {  	s29 =	sand.u32 $0x60, s23;
	v19 =	vshll.u32 v19, $0x7;
	v18 =	vld.idx.msk [tilespmem:v17+s16+$0x0], $0xffff;
	s1 =	sor.u32 s1, s28;
	v17 =	vor.u32 v1, v25;
	v22 =	vor.u32 v12, v22;
	(pc) =	sbr.rel @!p1 .LBB2_54-.Ltmp32, $4  }
0x166: {  	s30 =	simm.s32 $0x10;
	s22 =	sor.u32 s29, s28;
	v19 =	vor.u32 v1, v19;
	[tilespmem:s1+$0x0] =	vst v21;
	v21 =	vor.u32 v12, v17  }
0x167: {  	s20 =	simm.s32 $0x4;
	s31 =	sand.u32 $0x70, s18;
	s19 =	sand.u32 $0x50, s30;
	v19 =	vor.u32 v12, v19;
	[tilespmem:s22+$0x0] =	vst v20;
	v20 =	vor.u32 v1, v24  }
0x168: {  	p0 =	por $0x1, $0x1;
	s21 =	smov.u32 s17;
	s19 =	sor.u32 s19, s28;
	v17 =	vor.u32 v12, v20  }
0x169: {  	s23 =	sor.u32 s31, s28;
	s22 =	simm.s32 $0x16;
	[tilespmem:s19+$0x0] =	vst v23;
	s19 =	simm.s32 $0x30  }
.LBB2_55:
0x16a: {  	s1 =	sadd.s32 $0xFFFFFFFC, s22;
	s24 =	sadd.s32 $0xFFFFFFFE, s22;
	v20 =	vmov s22;
	s20 =	sadd.s32 $0x4, s20;
	v23 =	vld.idx.msk [tilespmem:v22+s16+$0x0], $0xffff;
	[tilespmem:s23+$0x0] =	vst v18  }
0x16b: {  	s23 =	sadd.s32 $0xFFFFFFFA, s22;
	s19 =	sadd.s32 $0x40, s19;
	v18 =	vmov s1;
	v22 =	vmov s24;
	v20 =	vshll.u32 v20, $0x7;
	p1 =	slt.u32 s20, $0x3C;
	v24 =	vld.idx.msk [tilespmem:v21+s16+$0x0], $0xffff  }
0x16c: {  	s21 =	sadd.s32 $0x200, s21;
	v21 =	vmov s23;
	s1 =	sadd.s32 $0xFFFFFFD0, s19;
	v18 =	vshll.u32 v18, $0x7;
	v22 =	vshll.u32 v22, $0x7;
	v25 =	vld.idx.msk [tilespmem:v19+s16+$0x0], $0xffff  }
0x16d: {  	s23 =	sand.u32 $0x1C00, s21;
	s24 =	sadd.s32 $0xFFFFFFF0, s19;
	s25 =	sadd.s32 $0xFFFFFFE0, s19;
	v19 =	vshll.u32 v21, $0x7;
	v26 =	vor.u32 v1, v18;
	v21 =	vor.u32 v1, v22;
	v18 =	vld.idx.msk [tilespmem:v17+s16+$0x0], $0xffff  }
.Ltmp33:
0x16e: {  	v20 =	vor.u32 v1, v20;
	s23 =	sor.u32 $0x6180, s23;
	s24 =	sand.u32 $0x60, s24;
	v17 =	vor.u32 v1, v19;
	v22 =	vor.u32 v12, v21;
	(pc) =	sbr.rel @p1 .LBB2_55-.Ltmp33, $4  }
0x16f: {  	s1 =	sand.u32 $0x40, s1;
	s25 =	sand.u32 $0x50, s25;
	s24 =	sor.u32 s24, s23;
	v21 =	vor.u32 v12, v17;
	v19 =	vor.u32 v12, v26;
	v17 =	vor.u32 v12, v20  }
0x170: {  	s1 =	sor.u32 s1, s23;
	s25 =	sor.u32 s25, s23;
	[tilespmem:s24+$0x0] =	vst v23;
	s24 =	sand.u32 $0x70, s19  }
0x171: {  	[tilespmem:s1+$0x0] =	vst v24;
	s23 =	sor.u32 s24, s23  }
0x172: {  	s22 =	sadd.s32 $0x8, s22;
	[tilespmem:s25+$0x0] =	vst v25  }
.LBB2_56:
0x173: {  	_ =	sdelay $0x2  }
0x174: {  	s1 =	sadd.s32 @p0 $0x40, s19;
	s19 =	sadd.s32 @p0 $0x200, s21;
	s20 =	simm.s32 $0x30  }
0x175: {  	v20 =	vld.idx.msk [tilespmem:v22+s16+$0x0], $0xffff;
	s25 =	simm.s32 $0x6;
	s24 =	simm.s32 $0x2;
	s29 =	simm.s32 $0x4  }
0x176: {  	v21 =	vld.idx.msk [tilespmem:v21+s16+$0x0], $0xffff;
	s30 =	simm.s32 $0x0;
	s20 =	smov.u32 @p0 s1;
	s17 =	smov.u32 @p0 s19  }
0x177: {  	v19 =	vld.idx.msk [tilespmem:v19+s16+$0x0], $0xffff;
	p1 =	por $0x1, $0x1;
	s17 =	sand.u32 $0x1C00, s17;
	s28 =	sadd.s32 $0xFFFFFFF0, s20  }
0x178: {  	v22 =	vld.idx.msk [tilespmem:v17+s16+$0x0], $0xffff;
	s26 =	sadd.s32 $0xFFFFFFD0, s20;
	s17 =	sor.u32 $0x6180, s17;
	s21 =	sand.u32 $0x60, s28  }
0x179: {  	[tilespmem:s23+$0x0] =	vst @p0 v18;
	v17 =	vmov s25;
	s22 =	sadd.s32 $0xFFFFFFE0, s20;
	s19 =	sand.u32 $0x40, s26;
	s21 =	sor.u32 s21, s17  }
.Ltmp34:
0x17a: {  	v18 =	vmov s24;
	v23 =	vmov s29;
	v24 =	vshll.u32 v17, $0x7;
	s22 =	sand.u32 $0x50, s22;
	s19 =	sor.u32 s19, s17;
	[tilespmem:s21+$0x0] =	vst v20;
	(pc) =	sbr.rel @!p1 .LBB2_57-.Ltmp34, $4  }
0x17b: {  	v17 =	vmov s30;
	v18 =	vshll.u32 v18, $0x7;
	s20 =	sand.u32 $0x70, s20;
	s31 =	sor.u32 s22, s17;
	v20 =	vshll.u32 v23, $0x7;
	[tilespmem:s19+$0x0] =	vst v21  }
0x17c: {  	s17 =	sor.u32 s20, s17;
	v21 =	vshll.u32 v17, $0x7;
	v17 =	vor.u32 v1, v18;
	[tilespmem:s31+$0x0] =	vst v19;
	v18 =	vor.u32 v1, v20  }
0x17d: {  	[tilespmem:s17+$0x0] =	vst v22;
	v19 =	vor.u32 v1, v21;
	v20 =	vor.u32 v1, v24;
	v22 =	vor.u32 v13, v17  }
0x17e: {  	p0 =	por $0x0, $0x0;
	s19 =	simm.s32 $0xE;
	v27 =	vor.u32 v13, v18;
	v25 =	vor.u32 v13, v19;
	v21 =	vor.u32 v13, v20  }
0x17f: {  	_ =	sdelay $0x1  }
0x180: {  	s1 =	simm.s32 $0xA;
	s20 =	simm.s32 $0xC  }
0x181: {  	v23 =	vmov s19;
	s21 =	simm.s32 $0x8;
	v24 =	vmov s1;
	v26 =	vmov s20  }
0x182: {  	s17 =	simm.s32 $0x4;
	v28 =	vld.idx.msk [tilespmem:v27+s16+$0x0], $0xffff;
	p3 =	por $0x1, $0x1;
	s29 =	simm.s32 $0x0;
	v29 =	vshll.u32 v23, $0x7;
	v23 =	vmov s21;
	v26 =	vshll.u32 v26, $0x7  }
.Ltmp35:
0x183: {  	s30 =	sand.u32 $0x1C00, s16;
	s31 =	simm.s32 $0x20;
	v27 =	vshll.u32 v24, $0x7;
	v24 =	vld.idx.msk [tilespmem:v25+s16+$0x0], $0xffff;
	v25 =	vshll.u32 v23, $0x7;
	v26 =	vor.u32 v1, v26;
	(pc) =	sbr.rel @!p3 .LBB2_59-.Ltmp35, $4  }
0x184: {  	s22 =	simm.s32 $0x10;
	s25 =	sand.u32 $0x70, s18;
	p2 =	por $0x1, $0x1;
	v23 =	vld.idx.msk [tilespmem:v22+s16+$0x0], $0xffff;
	v30 =	vor.u32 v1, v27;
	v22 =	vor.u32 v1, v25;
	v27 =	vor.u32 v13, v26  }
0x185: {  	s23 =	smov.u32 s16;
	s20 =	sor.u32 $0x6200, s30;
	s21 =	sand.u32 $0x60, s31;
	v25 =	vor.u32 v13, v22  }
0x186: {  	s1 =	sand.u32 $0x40, s29;
	s24 =	sand.u32 $0x50, s22;
	v29 =	vor.u32 v1, v29;
	s21 =	sor.u32 s21, s20;
	v26 =	vld.idx.msk [tilespmem:v21+s16+$0x0], $0xffff;
	v22 =	vor.u32 v13, v30  }
0x187: {  	s22 =	simm.s32 $0x16;
	s26 =	sor.u32 s1, s20;
	v21 =	vor.u32 v13, v29;
	[tilespmem:s21+$0x0] =	vst v28;
	s21 =	simm.s32 $0x30  }
.LBB2_60:
0x188: {  	s1 =	sadd.s32 $0xFFFFFFFC, s22;
	s28 =	sadd.s32 $0xFFFFFFFE, s22;
	v28 =	vmov s22;
	s17 =	sadd.s32 $0x4, s17;
	[tilespmem:s26+$0x0] =	vst v24  }
0x189: {  	s26 =	sadd.s32 $0xFFFFFFFA, s22;
	v24 =	vmov s1;
	v29 =	vmov s28;
	v28 =	vshll.u32 v28, $0x7;
	p3 =	slt.u32 s17, $0x3C;
	v30 =	vld.idx.msk [tilespmem:v27+s16+$0x0], $0xffff;
	s1 =	sor.u32 s24, s20  }
0x18a: {  	v27 =	vmov s26;
	v31 =	vshll.u32 v24, $0x7;
	v29 =	vshll.u32 v29, $0x7;
	v24 =	vld.idx.msk [tilespmem:v25+s16+$0x0], $0xffff;
	[tilespmem:s1+$0x0] =	vst v23;
	s1 =	sor.u32 s25, s20  }
.Ltmp36:
0x18b: {  	s21 =	sadd.s32 $0x40, s21;
	s23 =	sadd.s32 $0x200, s23;
	v25 =	vshll.u32 v27, $0x7;
	v31 =	vor.u32 v1, v31;
	v27 =	vor.u32 v1, v29;
	v23 =	vld.idx.msk [tilespmem:v22+s16+$0x0], $0xffff;
	[tilespmem:s1+$0x0] =	vst v26;
	(pc) =	sbr.rel @p3 .LBB2_60-.Ltmp36, $4  }
0x18c: {  	s24 =	sadd.s32 $0xFFFFFFF0, s21;
	v28 =	vor.u32 v1, v28;
	s20 =	sand.u32 $0x1C00, s23;
	v22 =	vor.u32 v1, v25;
	s1 =	sadd.s32 $0xFFFFFFD0, s21;
	v27 =	vor.u32 v13, v27;
	v26 =	vld.idx.msk [tilespmem:v21+s16+$0x0], $0xffff  }
0x18d: {  	s25 =	sadd.s32 $0xFFFFFFE0, s21;
	s26 =	sand.u32 $0x60, s24;
	s20 =	sor.u32 $0x6200, s20;
	v25 =	vor.u32 v13, v22;
	v22 =	vor.u32 v13, v31;
	v21 =	vor.u32 v13, v28  }
0x18e: {  	s24 =	sand.u32 $0x50, s25;
	s1 =	sand.u32 $0x40, s1;
	s25 =	sor.u32 s26, s20  }
0x18f: {  	s22 =	sadd.s32 $0x8, s22;
	s26 =	sor.u32 s1, s20;
	[tilespmem:s25+$0x0] =	vst v30;
	s25 =	sand.u32 $0x70, s21  }
.LBB2_61:
0x190: {  	_ =	sdelay $0x2  }
0x191: {  	s1 =	sadd.s32 @p2 $0x40, s21  }
0x192: {  	v27 =	vld.idx.msk [tilespmem:v27+s16+$0x0], $0xffff;
	s17 =	sadd.s32 @p2 $0x200, s23;
	s21 =	smov.u32 s16;
	s18 =	smov.u32 @p2 s1  }
0x193: {  	v25 =	vld.idx.msk [tilespmem:v25+s16+$0x0], $0xffff;
	s1 =	sor.u32 @p2 s24, s20;
	s21 =	smov.u32 @p2 s17;
	s17 =	sor.u32 @p2 s25, s20  }
0x194: {  	[tilespmem:s26+$0x0] =	vst @p2 v24;
	v22 =	vld.idx.msk [tilespmem:v22+s16+$0x0], $0xffff;
	s25 =	sand.u32 $0x1C00, s21;
	s26 =	sadd.s32 $0xFFFFFFF0, s18;
	s28 =	sadd.s32 $0xFFFFFFD0, s18  }
0x195: {  	v21 =	vld.idx.msk [tilespmem:v21+s16+$0x0], $0xffff;
	[tilespmem:s1+$0x0] =	vst @p2 v23;
	s29 =	sadd.s32 $0xFFFFFFE0, s18;
	s20 =	sor.u32 $0x6200, s25;
	s21 =	sand.u32 $0x60, s26  }
.Ltmp37:
0x196: {  	[tilespmem:s17+$0x0] =	vst @p2 v26;
	s1 =	sand.u32 $0x40, s28;
	s21 =	sor.u32 s21, s20;
	(pc) =	sbr.rel @!p1 .LBB2_62-.Ltmp37, $4  }
0x197: {  	s17 =	sand.u32 $0x50, s29;
	s1 =	sor.u32 s1, s20;
	[tilespmem:s21+$0x0] =	vst v27  }
0x198: {  	s18 =	sand.u32 $0x70, s18;
	s30 =	sor.u32 s17, s20;
	[tilespmem:s1+$0x0] =	vst v25  }
0x199: {  	s31 =	sor.u32 s18, s20;
	[tilespmem:s30+$0x0] =	vst v22;
	v22 =	vor.u32 v14, v18  }
0x19a: {  	s18 =	simm.s32 $0x30;
	s17 =	simm.s32 $0x0;
	[tilespmem:s31+$0x0] =	vst v21;
	v21 =	vor.u32 v14, v19;
	v19 =	vor.u32 v14, v17;
	v17 =	vor.u32 v14, v20  }
0x19b: {  	_ =	sdelay $0x3  }
0x19c: {  	s21 =	simm.s32 $0xC;
	v21 =	vld.idx.msk [tilespmem:v21+s17+$0x0], $0xffff  }
0x19d: {  	v20 =	vld.idx.msk [tilespmem:v22+s17+$0x0], $0xffff;
	s1 =	simm.s32 $0xA;
	v18 =	vmov s19;
	s25 =	simm.s32 $0x8;
	v22 =	vmov s21  }
0x19e: {  	s22 =	sand.u32 $0x1C00, s16;
	s23 =	simm.s32 $0x20;
	s26 =	simm.s32 $0x0;
	v24 =	vshll.u32 v18, $0x7;
	v18 =	vmov s25;
	v22 =	vshll.u32 v22, $0x7  }
0x19f: {  	v23 =	vld.idx.msk [tilespmem:v19+s17+$0x0], $0xffff;
	p1 =	por $0x1, $0x1;
	v19 =	vmov s1;
	s28 =	sor.u32 $0x6280, s22;
	s1 =	sand.u32 $0x40, s26;
	v25 =	vshll.u32 v18, $0x7;
	v22 =	vor.u32 v1, v22  }
.Ltmp38:
0x1a0: {  	s29 =	sand.u32 $0x60, s23;
	v19 =	vshll.u32 v19, $0x7;
	v18 =	vld.idx.msk [tilespmem:v17+s17+$0x0], $0xffff;
	s1 =	sor.u32 s1, s28;
	v17 =	vor.u32 v1, v25;
	v22 =	vor.u32 v14, v22;
	(pc) =	sbr.rel @!p1 .LBB2_64-.Ltmp38, $4  }
0x1a1: {  	s30 =	simm.s32 $0x10;
	s22 =	sor.u32 s29, s28;
	v19 =	vor.u32 v1, v19;
	[tilespmem:s1+$0x0] =	vst v21;
	v21 =	vor.u32 v14, v17  }
0x1a2: {  	s20 =	simm.s32 $0x4;
	s31 =	sand.u32 $0x70, s18;
	s19 =	sand.u32 $0x50, s30;
	v19 =	vor.u32 v14, v19;
	[tilespmem:s22+$0x0] =	vst v20;
	v20 =	vor.u32 v1, v24  }
0x1a3: {  	p0 =	por $0x1, $0x1;
	s21 =	smov.u32 s16;
	s19 =	sor.u32 s19, s28;
	v17 =	vor.u32 v14, v20  }
0x1a4: {  	s23 =	sor.u32 s31, s28;
	s22 =	simm.s32 $0x16;
	[tilespmem:s19+$0x0] =	vst v23;
	s19 =	simm.s32 $0x30  }
.LBB2_65:
0x1a5: {  	s1 =	sadd.s32 $0xFFFFFFFC, s22;
	s24 =	sadd.s32 $0xFFFFFFFE, s22;
	v20 =	vmov s22;
	s20 =	sadd.s32 $0x4, s20;
	v23 =	vld.idx.msk [tilespmem:v22+s17+$0x0], $0xffff;
	[tilespmem:s23+$0x0] =	vst v18  }
0x1a6: {  	s23 =	sadd.s32 $0xFFFFFFFA, s22;
	s19 =	sadd.s32 $0x40, s19;
	v18 =	vmov s1;
	v22 =	vmov s24;
	v20 =	vshll.u32 v20, $0x7;
	p1 =	slt.u32 s20, $0x3C;
	v24 =	vld.idx.msk [tilespmem:v21+s17+$0x0], $0xffff  }
0x1a7: {  	s21 =	sadd.s32 $0x200, s21;
	v21 =	vmov s23;
	s1 =	sadd.s32 $0xFFFFFFD0, s19;
	v18 =	vshll.u32 v18, $0x7;
	v22 =	vshll.u32 v22, $0x7;
	v25 =	vld.idx.msk [tilespmem:v19+s17+$0x0], $0xffff  }
0x1a8: {  	s23 =	sand.u32 $0x1C00, s21;
	s24 =	sadd.s32 $0xFFFFFFF0, s19;
	s25 =	sadd.s32 $0xFFFFFFE0, s19;
	v19 =	vshll.u32 v21, $0x7;
	v26 =	vor.u32 v1, v18;
	v21 =	vor.u32 v1, v22;
	v18 =	vld.idx.msk [tilespmem:v17+s17+$0x0], $0xffff  }
.Ltmp39:
0x1a9: {  	v20 =	vor.u32 v1, v20;
	s23 =	sor.u32 $0x6280, s23;
	s24 =	sand.u32 $0x60, s24;
	v17 =	vor.u32 v1, v19;
	v22 =	vor.u32 v14, v21;
	(pc) =	sbr.rel @p1 .LBB2_65-.Ltmp39, $4  }
0x1aa: {  	s1 =	sand.u32 $0x40, s1;
	s25 =	sand.u32 $0x50, s25;
	s24 =	sor.u32 s24, s23;
	v21 =	vor.u32 v14, v17;
	v19 =	vor.u32 v14, v26;
	v17 =	vor.u32 v14, v20  }
0x1ab: {  	s1 =	sor.u32 s1, s23;
	s25 =	sor.u32 s25, s23;
	[tilespmem:s24+$0x0] =	vst v23;
	s24 =	sand.u32 $0x70, s19  }
0x1ac: {  	[tilespmem:s1+$0x0] =	vst v24;
	s23 =	sor.u32 s24, s23  }
0x1ad: {  	s22 =	sadd.s32 $0x8, s22;
	[tilespmem:s25+$0x0] =	vst v25  }
.LBB2_66:
0x1ae: {  	_ =	sdelay $0x2  }
0x1af: {  	s1 =	sadd.s32 @p0 $0x40, s19;
	s19 =	sadd.s32 @p0 $0x200, s21;
	s20 =	simm.s32 $0x30  }
0x1b0: {  	v20 =	vld.idx.msk [tilespmem:v22+s17+$0x0], $0xffff;
	s25 =	simm.s32 $0x6;
	s24 =	simm.s32 $0x2;
	s29 =	simm.s32 $0x4  }
0x1b1: {  	v21 =	vld.idx.msk [tilespmem:v21+s17+$0x0], $0xffff;
	s30 =	simm.s32 $0x0;
	s20 =	smov.u32 @p0 s1;
	s16 =	smov.u32 @p0 s19  }
0x1b2: {  	v19 =	vld.idx.msk [tilespmem:v19+s17+$0x0], $0xffff;
	p1 =	por $0x1, $0x1;
	s16 =	sand.u32 $0x1C00, s16;
	s28 =	sadd.s32 $0xFFFFFFF0, s20  }
0x1b3: {  	v22 =	vld.idx.msk [tilespmem:v17+s17+$0x0], $0xffff;
	s26 =	sadd.s32 $0xFFFFFFD0, s20;
	s16 =	sor.u32 $0x6280, s16;
	s21 =	sand.u32 $0x60, s28  }
0x1b4: {  	[tilespmem:s23+$0x0] =	vst @p0 v18;
	v17 =	vmov s25;
	s22 =	sadd.s32 $0xFFFFFFE0, s20;
	s19 =	sand.u32 $0x40, s26;
	s21 =	sor.u32 s21, s16  }
.Ltmp40:
0x1b5: {  	v18 =	vmov s24;
	v23 =	vmov s29;
	v24 =	vshll.u32 v17, $0x7;
	s22 =	sand.u32 $0x50, s22;
	s19 =	sor.u32 s19, s16;
	[tilespmem:s21+$0x0] =	vst v20;
	(pc) =	sbr.rel @!p1 .LBB2_67-.Ltmp40, $4  }
0x1b6: {  	v17 =	vmov s30;
	v18 =	vshll.u32 v18, $0x7;
	s20 =	sand.u32 $0x70, s20;
	s31 =	sor.u32 s22, s16;
	v20 =	vshll.u32 v23, $0x7;
	[tilespmem:s19+$0x0] =	vst v21  }
0x1b7: {  	s16 =	sor.u32 s20, s16;
	v21 =	vshll.u32 v17, $0x7;
	v17 =	vor.u32 v1, v18;
	[tilespmem:s31+$0x0] =	vst v19;
	v18 =	vor.u32 v1, v20  }
0x1b8: {  	[tilespmem:s16+$0x0] =	vst v22;
	v19 =	vor.u32 v1, v21;
	v20 =	vor.u32 v1, v24;
	v22 =	vor.u32 v15, v17  }
0x1b9: {  	p0 =	por $0x0, $0x0;
	s16 =	simm.s32 $0xE;
	v27 =	vor.u32 v15, v18;
	v25 =	vor.u32 v15, v19;
	v21 =	vor.u32 v15, v20  }
0x1ba: {  	_ =	sdelay $0x1  }
0x1bb: {  	s1 =	simm.s32 $0xA;
	s20 =	simm.s32 $0xC  }
0x1bc: {  	v23 =	vmov s16;
	s21 =	simm.s32 $0x8;
	v24 =	vmov s1;
	v26 =	vmov s20  }
0x1bd: {  	s19 =	simm.s32 $0x4;
	v28 =	vld.idx.msk [tilespmem:v27+s17+$0x0], $0xffff;
	p3 =	por $0x1, $0x1;
	s29 =	simm.s32 $0x0;
	v29 =	vshll.u32 v23, $0x7;
	v23 =	vmov s21;
	v26 =	vshll.u32 v26, $0x7  }
.Ltmp41:
0x1be: {  	s30 =	sand.u32 $0x1C00, s17;
	s31 =	simm.s32 $0x20;
	v27 =	vshll.u32 v24, $0x7;
	v24 =	vld.idx.msk [tilespmem:v25+s17+$0x0], $0xffff;
	v25 =	vshll.u32 v23, $0x7;
	v26 =	vor.u32 v1, v26;
	(pc) =	sbr.rel @!p3 .LBB2_69-.Ltmp41, $4  }
0x1bf: {  	s22 =	simm.s32 $0x10;
	s25 =	sand.u32 $0x70, s18;
	p2 =	por $0x1, $0x1;
	v23 =	vld.idx.msk [tilespmem:v22+s17+$0x0], $0xffff;
	v30 =	vor.u32 v1, v27;
	v22 =	vor.u32 v1, v25;
	v27 =	vor.u32 v15, v26  }
0x1c0: {  	s23 =	smov.u32 s17;
	s20 =	sor.u32 $0x6300, s30;
	s21 =	sand.u32 $0x60, s31;
	v25 =	vor.u32 v15, v22  }
0x1c1: {  	s1 =	sand.u32 $0x40, s29;
	s24 =	sand.u32 $0x50, s22;
	v29 =	vor.u32 v1, v29;
	s21 =	sor.u32 s21, s20;
	v26 =	vld.idx.msk [tilespmem:v21+s17+$0x0], $0xffff;
	v22 =	vor.u32 v15, v30  }
0x1c2: {  	s22 =	simm.s32 $0x16;
	s26 =	sor.u32 s1, s20;
	v21 =	vor.u32 v15, v29;
	[tilespmem:s21+$0x0] =	vst v28;
	s21 =	simm.s32 $0x30  }
.LBB2_70:
0x1c3: {  	s1 =	sadd.s32 $0xFFFFFFFC, s22;
	s28 =	sadd.s32 $0xFFFFFFFE, s22;
	v28 =	vmov s22;
	s19 =	sadd.s32 $0x4, s19;
	[tilespmem:s26+$0x0] =	vst v24  }
0x1c4: {  	s26 =	sadd.s32 $0xFFFFFFFA, s22;
	v24 =	vmov s1;
	v29 =	vmov s28;
	v28 =	vshll.u32 v28, $0x7;
	p3 =	slt.u32 s19, $0x3C;
	v30 =	vld.idx.msk [tilespmem:v27+s17+$0x0], $0xffff;
	s1 =	sor.u32 s24, s20  }
0x1c5: {  	v27 =	vmov s26;
	v31 =	vshll.u32 v24, $0x7;
	v29 =	vshll.u32 v29, $0x7;
	v24 =	vld.idx.msk [tilespmem:v25+s17+$0x0], $0xffff;
	[tilespmem:s1+$0x0] =	vst v23;
	s1 =	sor.u32 s25, s20  }
.Ltmp42:
0x1c6: {  	s21 =	sadd.s32 $0x40, s21;
	s23 =	sadd.s32 $0x200, s23;
	v25 =	vshll.u32 v27, $0x7;
	v31 =	vor.u32 v1, v31;
	v27 =	vor.u32 v1, v29;
	v23 =	vld.idx.msk [tilespmem:v22+s17+$0x0], $0xffff;
	[tilespmem:s1+$0x0] =	vst v26;
	(pc) =	sbr.rel @p3 .LBB2_70-.Ltmp42, $4  }
0x1c7: {  	s24 =	sadd.s32 $0xFFFFFFF0, s21;
	v28 =	vor.u32 v1, v28;
	s20 =	sand.u32 $0x1C00, s23;
	v22 =	vor.u32 v1, v25;
	s1 =	sadd.s32 $0xFFFFFFD0, s21;
	v27 =	vor.u32 v15, v27;
	v26 =	vld.idx.msk [tilespmem:v21+s17+$0x0], $0xffff  }
0x1c8: {  	s25 =	sadd.s32 $0xFFFFFFE0, s21;
	s26 =	sand.u32 $0x60, s24;
	s20 =	sor.u32 $0x6300, s20;
	v25 =	vor.u32 v15, v22;
	v22 =	vor.u32 v15, v31;
	v21 =	vor.u32 v15, v28  }
0x1c9: {  	s24 =	sand.u32 $0x50, s25;
	s1 =	sand.u32 $0x40, s1;
	s25 =	sor.u32 s26, s20  }
0x1ca: {  	s22 =	sadd.s32 $0x8, s22;
	s26 =	sor.u32 s1, s20;
	[tilespmem:s25+$0x0] =	vst v30;
	s25 =	sand.u32 $0x70, s21  }
.LBB2_71:
0x1cb: {  	_ =	sdelay $0x2  }
0x1cc: {  	s1 =	sadd.s32 @p2 $0x40, s21  }
0x1cd: {  	v27 =	vld.idx.msk [tilespmem:v27+s17+$0x0], $0xffff;
	s19 =	sadd.s32 @p2 $0x200, s23;
	s21 =	smov.u32 s17;
	s18 =	smov.u32 @p2 s1  }
0x1ce: {  	v25 =	vld.idx.msk [tilespmem:v25+s17+$0x0], $0xffff;
	s1 =	sor.u32 @p2 s24, s20;
	s21 =	smov.u32 @p2 s19;
	s19 =	sor.u32 @p2 s25, s20  }
0x1cf: {  	[tilespmem:s26+$0x0] =	vst @p2 v24;
	v22 =	vld.idx.msk [tilespmem:v22+s17+$0x0], $0xffff;
	s25 =	sand.u32 $0x1C00, s21;
	s26 =	sadd.s32 $0xFFFFFFF0, s18;
	s28 =	sadd.s32 $0xFFFFFFD0, s18  }
0x1d0: {  	v21 =	vld.idx.msk [tilespmem:v21+s17+$0x0], $0xffff;
	[tilespmem:s1+$0x0] =	vst @p2 v23;
	s29 =	sadd.s32 $0xFFFFFFE0, s18;
	s20 =	sor.u32 $0x6300, s25;
	s21 =	sand.u32 $0x60, s26  }
.Ltmp43:
0x1d1: {  	[tilespmem:s19+$0x0] =	vst @p2 v26;
	s1 =	sand.u32 $0x40, s28;
	s21 =	sor.u32 s21, s20;
	(pc) =	sbr.rel @!p1 .LBB2_72-.Ltmp43, $4  }
0x1d2: {  	s19 =	sand.u32 $0x50, s29;
	s1 =	sor.u32 s1, s20;
	[tilespmem:s21+$0x0] =	vst v27  }
0x1d3: {  	s18 =	sand.u32 $0x70, s18;
	s30 =	sor.u32 s19, s20;
	[tilespmem:s1+$0x0] =	vst v25  }
0x1d4: {  	v23 =	vor.u32 v16, v18;
	s31 =	sor.u32 s18, s20;
	[tilespmem:s30+$0x0] =	vst v22  }
0x1d5: {  	v18 =	vor.u32 v16, v17;
	v17 =	vor.u32 v16, v20;
	s18 =	simm.s32 $0x30;
	[tilespmem:s31+$0x0] =	vst v21;
	v21 =	vor.u32 v16, v19  }
0x1d6: {  	_ =	sdelay $0x1  }
0x1d7: {  	s1 =	simm.s32 $0xA;
	s19 =	simm.s32 $0xC  }
0x1d8: {  	v19 =	vmov s16;
	s20 =	simm.s32 $0x8;
	v20 =	vmov s1;
	v22 =	vmov s19  }
0x1d9: {  	s16 =	simm.s32 $0x4;
	v24 =	vld.idx.msk [tilespmem:v23+s3+$0x0], $0xffff;
	p1 =	por $0x1, $0x1;
	s29 =	simm.s32 $0x0;
	v25 =	vshll.u32 v19, $0x7;
	v19 =	vmov s20;
	v22 =	vshll.u32 v22, $0x7  }
.Ltmp44:
0x1da: {  	s30 =	sand.u32 $0x1C00, s17;
	s31 =	simm.s32 $0x20;
	v23 =	vshll.u32 v20, $0x7;
	v20 =	vld.idx.msk [tilespmem:v21+s3+$0x0], $0xffff;
	v21 =	vshll.u32 v19, $0x7;
	v22 =	vor.u32 v1, v22;
	(pc) =	sbr.rel @!p1 .LBB2_74-.Ltmp44, $4  }
0x1db: {  	s21 =	simm.s32 $0x10;
	s24 =	sand.u32 $0x70, s18;
	p0 =	por $0x1, $0x1;
	v19 =	vld.idx.msk [tilespmem:v18+s3+$0x0], $0xffff;
	v26 =	vor.u32 v1, v23;
	v18 =	vor.u32 v1, v21;
	v23 =	vor.u32 v16, v22  }
0x1dc: {  	s22 =	smov.u32 s17;
	s19 =	sor.u32 $0x6380, s30;
	s20 =	sand.u32 $0x60, s31;
	v21 =	vor.u32 v16, v18  }
0x1dd: {  	s1 =	sand.u32 $0x40, s29;
	s23 =	sand.u32 $0x50, s21;
	v25 =	vor.u32 v1, v25;
	s20 =	sor.u32 s20, s19;
	v22 =	vld.idx.msk [tilespmem:v17+s3+$0x0], $0xffff;
	v18 =	vor.u32 v16, v26  }
0x1de: {  	s21 =	simm.s32 $0x16;
	s25 =	sor.u32 s1, s19;
	v17 =	vor.u32 v16, v25;
	[tilespmem:s20+$0x0] =	vst v24;
	s20 =	simm.s32 $0x30  }
.LBB2_75:
0x1df: {  	s1 =	sadd.s32 $0xFFFFFFFC, s21;
	s26 =	sadd.s32 $0xFFFFFFFE, s21;
	v24 =	vmov s21;
	s16 =	sadd.s32 $0x4, s16;
	[tilespmem:s25+$0x0] =	vst v20  }
0x1e0: {  	s25 =	sadd.s32 $0xFFFFFFFA, s21;
	v20 =	vmov s1;
	v25 =	vmov s26;
	v24 =	vshll.u32 v24, $0x7;
	p1 =	slt.u32 s16, $0x3C;
	v26 =	vld.idx.msk [tilespmem:v23+s3+$0x0], $0xffff;
	s1 =	sor.u32 s23, s19  }
0x1e1: {  	v23 =	vmov s25;
	v27 =	vshll.u32 v20, $0x7;
	v25 =	vshll.u32 v25, $0x7;
	v20 =	vld.idx.msk [tilespmem:v21+s3+$0x0], $0xffff;
	[tilespmem:s1+$0x0] =	vst v19;
	s1 =	sor.u32 s24, s19  }
.Ltmp45:
0x1e2: {  	s20 =	sadd.s32 $0x40, s20;
	s22 =	sadd.s32 $0x200, s22;
	v21 =	vshll.u32 v23, $0x7;
	v27 =	vor.u32 v1, v27;
	v23 =	vor.u32 v1, v25;
	v19 =	vld.idx.msk [tilespmem:v18+s3+$0x0], $0xffff;
	[tilespmem:s1+$0x0] =	vst v22;
	(pc) =	sbr.rel @p1 .LBB2_75-.Ltmp45, $4  }
0x1e3: {  	s23 =	sadd.s32 $0xFFFFFFF0, s20;
	v24 =	vor.u32 v1, v24;
	s19 =	sand.u32 $0x1C00, s22;
	v18 =	vor.u32 v1, v21;
	s1 =	sadd.s32 $0xFFFFFFD0, s20;
	v23 =	vor.u32 v16, v23;
	v22 =	vld.idx.msk [tilespmem:v17+s3+$0x0], $0xffff  }
0x1e4: {  	s24 =	sadd.s32 $0xFFFFFFE0, s20;
	s25 =	sand.u32 $0x60, s23;
	s19 =	sor.u32 $0x6380, s19;
	v21 =	vor.u32 v16, v18;
	v18 =	vor.u32 v16, v27;
	v17 =	vor.u32 v16, v24  }
0x1e5: {  	s23 =	sand.u32 $0x50, s24;
	s1 =	sand.u32 $0x40, s1;
	s24 =	sor.u32 s25, s19  }
0x1e6: {  	s21 =	sadd.s32 $0x8, s21;
	s25 =	sor.u32 s1, s19;
	[tilespmem:s24+$0x0] =	vst v26;
	s24 =	sand.u32 $0x70, s20  }
.LBB2_76:
0x1e7: {  	_ =	sdelay $0x3  }
0x1e8: {  	v23 =	vld.idx.msk [tilespmem:v23+s3+$0x0], $0xffff;
	s1 =	sadd.s32 @p0 $0x40, s20;
	s16 =	sadd.s32 @p0 $0x200, s22  }
0x1e9: {  	s20 =	sor.u32 @p0 s23, s19;
	v21 =	vld.idx.msk [tilespmem:v21+s3+$0x0], $0xffff;
	s18 =	smov.u32 @p0 s1;
	s17 =	smov.u32 @p0 s16  }
0x1ea: {  	[tilespmem:s25+$0x0] =	vst @p0 v20;
	v18 =	vld.idx.msk [tilespmem:v18+s3+$0x0], $0xffff;
	s1 =	sor.u32 @p0 s24, s19;
	s16 =	sand.u32 $0x1C00, s17;
	s25 =	sadd.s32 $0xFFFFFFF0, s18  }
0x1eb: {  	v17 =	vld.idx.msk [tilespmem:v17+s3+$0x0], $0xffff;
	[tilespmem:s20+$0x0] =	vst @p0 v19;
	s26 =	sadd.s32 $0xFFFFFFD0, s18;
	s16 =	sor.u32 $0x6380, s16;
	s17 =	sand.u32 $0x60, s25  }
0x1ec: {  	[tilespmem:s1+$0x0] =	vst @p0 v22;
	s28 =	sadd.s32 $0xFFFFFFE0, s18;
	s19 =	sand.u32 $0x40, s26;
	s17 =	sor.u32 s17, s16  }
0x1ed: {  	s15 =	sshll.u32 s15, $0xD;
	s1 =	sand.u32 $0x50, s28;
	s19 =	sor.u32 s19, s16;
	[tilespmem:s17+$0x0] =	vst v23  }
0x1ee: {  	s14 =	sor.u32 s15, s14;
	s29 =	sand.u32 $0x70, s18;
	s1 =	sor.u32 s1, s16;
	[tilespmem:s19+$0x0] =	vst v21  }
0x1ef: {  	s13 =	sadd.s32 $0x1, s13;
	s14 =	sshrl.u32 s14, $0x3;
	s30 =	sor.u32 s29, s16;
	[tilespmem:s1+$0x0] =	vst v18  }
0x1f0: {  	p0 =	slt.u32 s13, s6;
	s31 =	sadd.s32 s2, s14;
	[tilespmem:s30+$0x0] =	vst v17  }
0x1f1: {  	[hbm4b:s31+s9] =	stream.strided.scatter [tilespmem:s11], [sflag:$0x1], $0x4000, s10, s9, $0x38;
	[tilespmem:$0x8000] =	vst v63  }
.Ltmp46:
0x1f2: {  	_ = 	snop;
	(pc) =	sbr.rel @p0 .LBB2_2-.Ltmp46, $4  }
.Ltmp47:
0x1f3: {  	_ = 	snop;
	(pc) =	sbr.rel @!p0 .LBB2_77-.Ltmp47, $4  }
0x1f4: {  	_ =	swait.ge [sflag:s8], $0x4000  }
0x1f5: {  	[sflag:s8] =	ssyncset.done $0x0  }
0x1f6: {  	[sflag:s8] =	ssyncadd.s32 $0xFFFFC000  }
0x1f7: {  	_ = 	snop  }
.LBB2_7:
.Ltmp48:
0x1f8: {  	(pc) =	sbr.rel .LBB2_11-.Ltmp48, $2  }
0x1f9: {  	_ =	sdelay $0x2  }
0x1fa: {  	s21 =	simm.s32 $0x30;
	s23 =	smov.u32 s18;
	p2 =	por $0x0, $0x0  }
.LBB2_12:
.Ltmp49:
0x1fb: {  	(pc) =	sbr.rel .LBB2_16-.Ltmp49, $2  }
0x1fc: {  	_ =	sdelay $0x2  }
0x1fd: {  	s19 =	simm.s32 $0x30;
	s22 =	smov.u32 s18;
	p1 =	por $0x0, $0x0  }
.LBB2_17:
.Ltmp50:
0x1fe: {  	(pc) =	sbr.rel .LBB2_21-.Ltmp50, $3  }
0x1ff: {  	_ =	sdelay $0x1  }
0x200: {  	s23 =	smov.u32 s17;
	p4 =	por p0, p0;
	s25 =	smov.u32 s17  }
0x201: {  	s24 =	smov.u32 s16;
	s20 =	smov.u32 s17;
	p3 =	por $0x0, $0x0  }
.LBB2_22:
.Ltmp51:
0x202: {  	(pc) =	sbr.rel .LBB2_26-.Ltmp51, $2  }
0x203: {  	_ =	sdelay $0x2  }
0x204: {  	s26 =	smov.u32 s16;
	s24 =	smov.u32 s17;
	p2 =	por $0x0, $0x0  }
.LBB2_27:
.Ltmp52:
0x205: {  	(pc) =	sbr.rel .LBB2_31-.Ltmp52, $3  }
0x206: {  	_ =	sdelay $0x1  }
0x207: {  	s25 =	smov.u32 s18  }
0x208: {  	s24 =	smov.u32 s20;
	s19 =	smov.u32 s18;
	p1 =	por $0x0, $0x0  }
.LBB2_32:
.Ltmp53:
0x209: {  	(pc) =	sbr.rel .LBB2_36-.Ltmp53, $2  }
0x20a: {  	_ =	sdelay $0x2  }
0x20b: {  	s22 =	simm.s32 $0x30;
	s21 =	smov.u32 s18  }
.LBB2_37:
.Ltmp54:
0x20c: {  	(pc) =	sbr.rel .LBB2_41-.Ltmp54, $2  }
0x20d: {  	_ =	sdelay $0x2  }
0x20e: {  	s21 =	simm.s32 $0x30;
	s23 =	simm.s32 $0x0;
	p2 =	por $0x0, $0x0  }
.LBB2_42:
.Ltmp55:
0x20f: {  	(pc) =	sbr.rel .LBB2_46-.Ltmp55, $2  }
0x210: {  	_ =	sdelay $0x2  }
0x211: {  	s17 =	simm.s32 $0x0;
	s19 =	simm.s32 $0x30;
	s22 =	simm.s32 $0x0  }
.LBB2_47:
.Ltmp56:
0x212: {  	(pc) =	sbr.rel .LBB2_51-.Ltmp56, $2  }
0x213: {  	_ =	sdelay $0x2  }
0x214: {  	s21 =	simm.s32 $0x30;
	s23 =	smov.u32 s17;
	p2 =	por $0x0, $0x0  }
.LBB2_52:
.Ltmp57:
0x215: {  	(pc) =	sbr.rel .LBB2_56-.Ltmp57, $2  }
0x216: {  	_ =	sdelay $0x2  }
0x217: {  	s19 =	simm.s32 $0x30;
	s21 =	smov.u32 s17  }
.LBB2_57:
.Ltmp58:
0x218: {  	(pc) =	sbr.rel .LBB2_61-.Ltmp58, $2  }
0x219: {  	_ =	sdelay $0x2  }
0x21a: {  	s21 =	simm.s32 $0x30;
	s23 =	smov.u32 s16;
	p2 =	por $0x0, $0x0  }
.LBB2_62:
.Ltmp59:
0x21b: {  	(pc) =	sbr.rel .LBB2_66-.Ltmp59, $2  }
0x21c: {  	_ =	sdelay $0x2  }
0x21d: {  	s19 =	simm.s32 $0x30;
	s21 =	smov.u32 s16  }
.LBB2_67:
.Ltmp60:
0x21e: {  	(pc) =	sbr.rel .LBB2_71-.Ltmp60, $2  }
0x21f: {  	_ =	sdelay $0x2  }
0x220: {  	s21 =	simm.s32 $0x30;
	s23 =	smov.u32 s17;
	p2 =	por $0x0, $0x0  }
.LBB2_72:
.Ltmp61:
0x221: {  	(pc) =	sbr.rel .LBB2_76-.Ltmp61, $2  }
0x222: {  	_ =	sdelay $0x2  }
0x223: {  	s20 =	simm.s32 $0x30;
	s22 =	smov.u32 s17  }
.LBB2_9:
.Ltmp62:
0x224: {  	(pc) =	sbr.rel .LBB2_11-.Ltmp62, $2  }
0x225: {  	_ =	sdelay $0x2  }
0x226: {  	s21 =	simm.s32 $0x30;
	s23 =	smov.u32 s18  }
.LBB2_14:
.Ltmp63:
0x227: {  	(pc) =	sbr.rel .LBB2_16-.Ltmp63, $2  }
0x228: {  	_ =	sdelay $0x2  }
0x229: {  	s19 =	simm.s32 $0x30;
	s22 =	smov.u32 s18  }
.LBB2_19:
.Ltmp64:
0x22a: {  	(pc) =	sbr.rel .LBB2_21-.Ltmp64, $2  }
0x22b: {  	_ =	sdelay $0x2  }
0x22c: {  	s23 =	smov.u32 s17;
	s25 =	smov.u32 s17;
	s24 =	smov.u32 s16  }
.LBB2_24:
.Ltmp65:
0x22d: {  	(pc) =	sbr.rel .LBB2_26-.Ltmp65, $2  }
0x22e: {  	_ =	sdelay $0x2  }
0x22f: {  	s26 =	smov.u32 s16  }
.LBB2_29:
.Ltmp66:
0x230: {  	(pc) =	sbr.rel .LBB2_31-.Ltmp66, $2  }
0x231: {  	_ =	sdelay $0x2  }
0x232: {  	s25 =	smov.u32 s18;
	s24 =	smov.u32 s20  }
.LBB2_34:
.Ltmp67:
0x233: {  	(pc) =	sbr.rel .LBB2_36-.Ltmp67, $2  }
0x234: {  	_ =	sdelay $0x2  }
0x235: {  	s22 =	simm.s32 $0x30;
	s21 =	smov.u32 s18  }
.LBB2_39:
.Ltmp68:
0x236: {  	(pc) =	sbr.rel .LBB2_41-.Ltmp68, $2  }
0x237: {  	_ =	sdelay $0x2  }
0x238: {  	s21 =	simm.s32 $0x30;
	s23 =	simm.s32 $0x0  }
.LBB2_44:
.Ltmp69:
0x239: {  	(pc) =	sbr.rel .LBB2_46-.Ltmp69, $2  }
0x23a: {  	_ =	sdelay $0x2  }
0x23b: {  	s19 =	simm.s32 $0x30;
	s22 =	simm.s32 $0x0  }
.LBB2_49:
.Ltmp70:
0x23c: {  	(pc) =	sbr.rel .LBB2_51-.Ltmp70, $2  }
0x23d: {  	_ =	sdelay $0x2  }
0x23e: {  	s21 =	simm.s32 $0x30;
	s23 =	smov.u32 s17  }
.LBB2_54:
.Ltmp71:
0x23f: {  	(pc) =	sbr.rel .LBB2_56-.Ltmp71, $2  }
0x240: {  	_ =	sdelay $0x2  }
0x241: {  	s19 =	simm.s32 $0x30;
	s21 =	smov.u32 s17  }
.LBB2_59:
.Ltmp72:
0x242: {  	(pc) =	sbr.rel .LBB2_61-.Ltmp72, $2  }
0x243: {  	_ =	sdelay $0x2  }
0x244: {  	s21 =	simm.s32 $0x30;
	s23 =	smov.u32 s16  }
.LBB2_64:
.Ltmp73:
0x245: {  	(pc) =	sbr.rel .LBB2_66-.Ltmp73, $2  }
0x246: {  	_ =	sdelay $0x2  }
0x247: {  	s19 =	simm.s32 $0x30;
	s21 =	smov.u32 s16  }
.LBB2_69:
.Ltmp74:
0x248: {  	(pc) =	sbr.rel .LBB2_71-.Ltmp74, $2  }
0x249: {  	_ =	sdelay $0x2  }
0x24a: {  	s21 =	simm.s32 $0x30;
	s23 =	smov.u32 s17  }
.LBB2_74:
.Ltmp75:
0x24b: {  	(pc) =	sbr.rel .LBB2_76-.Ltmp75, $2  }
0x24c: {  	_ =	sdelay $0x2  }
0x24d: {  	s20 =	simm.s32 $0x30;
	s22 =	smov.u32 s17  }
.LBB2_78:
0x24e: {  	_ =	sfence.sel $0x180000  }
0x24f: {  	[bflag:$0x0] =	sbarrier.arrive $0xFFFF  }
0x250: {  	_ =	strace $0x9000004D  }
0x251: {  	[bflag:$0x2] =	sbarrier.arrive $0xFFFF  }
0x252: {  	p0 =	sne.s32 s0, $0x0;
	s0 =	rddreg [dreg:$0x2]  }
0x253: {  	s0 =	sadd.s32 @!p0 $0x100000, s0  }
0x254: {  	[sflag:s0] =	ssyncadd.tile.s32 @!p0 $0x1;
	_ =	shalt  }
.Lfunc_end2:
_tile_overlayer_lowered:
.L_overlay_start_2:
0x255: {  	(tag) =	ssettag $0x2  }
0x256: {  	s0 =	rddreg [dreg:$0x0];
	s2 =	stileid.u32  }
0x257: {  	s1 =	rddreg [dreg:$0x1];
	p0 =	sne.s32 s2, $0x0  }
0x258: {  	s3 =	rddreg [dreg:$0x2];
	[bflag:$0x3] =	sbarrier.arrive $0xFFFF;
	s2 =	simm.s32 @!p0 $0x1C01  }
0x259: {  	[timem:s3], [sflag:s2] =	dma.local @!p0 [hbm:s0], s1  }
0x25a: {  	s0 =	simm.s32 @!p0 $0x1  }
0x25b: {  	_ =	swait.ge @!p0 [sflag:s0], s1  }
0x25c: {  	s1 =	ssub.s32 @!p0 $0x0, s1;
	[sflag:s0] =	ssyncset.done @!p0 $0x0  }
0x25d: {  	[sflag:s0] =	ssyncadd.s32 @!p0 s1  }
0x25e: {  	[bflag:$0x3] =	sbarrier.arrive $0xFFFF  }
0x25f: {  	_ =	shalt  }

// kernel: kernel.5.cloned.1.call-start
scs
__scs_entry_jumppad:
0x0: {  	(pc) =	sbr.rel $0x88, $3  }
0x1: {  	(tag) =	ssettag $0x0;
	lr =	simm.s32 $0x1  }
0x2: {  	[smem:$0x3F9F] =	sst lr;
	_ =	strace $0xD0000000  }
0x3: {  	_ = 	snop  }
0x4: {  	_ = 	snop  }
0x5: {  	_ = 	snop  }
0x6: {  	_ = 	snop  }
0x7: {  	_ = 	snop  }
__scs_overlays_trampoline_lowered:
0x8: {  	[smem:$0x3FAE] =	sst s0  }
0x9: {  	[smem:$0x3FAF] =	sst s1  }
0xa: {  	[smem:$0x3FB0] =	sst s2  }
0xb: {  	[smem:$0x3FB1] =	sst s3  }
0xc: {  	[smem:$0x3FB2] =	sst s4  }
0xd: {  	[smem:$0x3FB3] =	sst s5  }
0xe: {  	[smem:$0x3FB4] =	sst s6  }
0xf: {  	[smem:$0x3FB5] =	sst s7  }
0x10: {  	[smem:$0x3FB6] =	sst s8  }
0x11: {  	[smem:$0x3FB7] =	sst s9;
	s0 =	simm.s32 @!p0 $0x0  }
0x12: {  	s1 =	sld [smem:$0x3F9D];
	s0 =	simm.s32 @p0 $0x1  }
0x13: {  	[smem:$0x3FB8] =	sst s0;
	s0 =	simm.s32 @!p1 $0x0  }
0x14: {  	s2 =	sld [smem:$0x3F9C];
	s0 =	simm.s32 @p1 $0x1  }
0x15: {  	[smem:$0x3FB9] =	sst s0;
	s0 =	simm.s32 @!p2 $0x0  }
0x16: {  	s3 =	sld [smem:$0x3FDB];
	s0 =	simm.s32 @p2 $0x1  }
0x17: {  	s4 =	simm.s32 $0x1BF5;
	[smem:$0x3FBB] =	sst s0  }
0x18: {  	s0 =	sld [smem:$0x3F9E];
	_ =	swait.ge [sflag:s4], $0x0  }
0x19: {  	s7 =	sld [smem:$0x3F9F]  }
0x1a: {  	s8 =	sadd.s32 $0xFFFFE003, lr  }
0x1b: {  	s9 =	sadd.s32 $0xFFFFFEF7, lr;
	s5 =	simm.s32 $0xFFFFFFFF;
	p2 =	slt.u32 s8, $0xFFFFF086  }
0x1c: {  	p1 =	slt.u32 s9, $0xF7A;
	s5 =	simm.s32 @!p2 $0x0  }
0x1d: {  	s5 =	simm.s32 @p1 $0x1;
	p0 =	seq.s32 s7, s2  }
0x1e: {  	s7 =	smul.u32 @!p0 $0xF7A, s2;
	p2 =	seq.s32 @!p0 s5, $0x0  }
0x1f: {  	s9 =	smul.u32 $0xF7A, s1;
	s8 =	simm.s32 @!p0 $0x1BF5;
	p2 =	por !p2, p0  }
0x20: {  	[sflag:s8] =	ssyncset.s32 @!p0 $0xFFFFF086;
	s6 =	sadd.s32 @!p0 s3, s7;
	s7 =	simm.s32 @!p0 $0x108  }
0x21: {  	s3 =	sadd.s32 s3, s9;
	s6 =	sadd.s32 @!p0 $0x88, s6;
	s7 =	simm.s32 @p2 $0x1082  }
0x22: {  	[simem:s7], [sflag:s8] =	dma.local @!p0 [hbm:s6], $0xF7A  }
0x23: {  	s9 =	sor.u32 $0xD0000000, s2;
	s6 =	simm.s32 $0x108;
	_ =	swait.ge @!p0 [sflag:s8], $0x0  }
0x24: {  	s3 =	sadd.s32 $0x88, s3;
	s6 =	simm.s32 @!p1 $0x1082;
	[sflag:s4] =	ssyncset.s32 $0xFFFFF086  }
0x25: {  	[simem:s6], [sflag:s4] =	dma.local [hbm:s3], $0xF7A  }
0x26: {  	[smem:$0x3F9F] =	sst s1;
	(tag) =	ssettag s2;
	_ =	strace s9  }
0x27: {  	s1 =	sld [smem:$0x3FAF]  }
0x28: {  	s2 =	sld [smem:$0x3FB0]  }
0x29: {  	s4 =	sld [smem:$0x3FB2]  }
0x2a: {  	p0 =	seq.s32 s5, $0x0;
	s5 =	sld [smem:$0x3FB3]  }
0x2b: {  	s6 =	sld [smem:$0x3FB4]  }
0x2c: {  	s7 =	sld [smem:$0x3FB5]  }
0x2d: {  	s3 =	simm.s32 $0x108;
	s8 =	sld [smem:$0x3FB6]  }
0x2e: {  	s3 =	simm.s32 @!p0 $0x1082;
	s9 =	sld [smem:$0x3FB7]  }
0x2f: {  	lr =	sadd.s32 s0, s3;
	s0 =	sld [smem:$0x3FAE]  }
0x30: {  	s3 =	sld [smem:$0x3FB1]  }
0x31: {  	[smem:$0x3FBA] =	sst s10  }
0x32: {  	s10 =	sld [smem:$0x3FB8];
	_ =	sdelay $0x3  }
0x33: {  	p0 =	seq.s32 s10, $0x1;
	s10 =	sld [smem:$0x3FBA];
	_ =	sdelay $0x3  }
0x34: {  	[smem:$0x3FBA] =	sst s10  }
0x35: {  	s10 =	sld [smem:$0x3FB9];
	_ =	sdelay $0x3  }
0x36: {  	p1 =	seq.s32 s10, $0x1;
	s10 =	sld [smem:$0x3FBA];
	_ =	sdelay $0x3  }
0x37: {  	[smem:$0x3FBA] =	sst s10  }
0x38: {  	s10 =	sld [smem:$0x3FBB]  }
0x39: {  	_ = 	snop;
	(pc) =	sbr.ind lr, $3  }
0x3a: {  	_ = 	snop  }
0x3b: {  	_ = 	snop  }
0x3c: {  	p2 =	seq.s32 s10, $0x1;
	s10 =	sld [smem:$0x3FBA]  }
0x3d: {  	_ =	shalt  }
0x3e: {  	_ =	shalt  }
0x3f: {  	_ =	shalt  }
0x40: {  	_ =	shalt  }
0x41: {  	_ =	shalt  }
0x42: {  	_ =	shalt  }
0x43: {  	_ =	shalt  }
0x44: {  	_ =	shalt  }
0x45: {  	_ =	shalt  }
0x46: {  	_ =	shalt  }
0x47: {  	_ =	shalt  }
0x48: {  	_ =	shalt  }
0x49: {  	_ =	shalt  }
0x4a: {  	_ =	shalt  }
0x4b: {  	_ =	shalt  }
0x4c: {  	_ =	shalt  }
0x4d: {  	_ =	shalt  }
0x4e: {  	_ =	shalt  }
0x4f: {  	_ =	shalt  }
0x50: {  	_ =	shalt  }
0x51: {  	_ =	shalt  }
0x52: {  	_ =	shalt  }
0x53: {  	_ =	shalt  }
0x54: {  	_ =	shalt  }
0x55: {  	_ =	shalt  }
0x56: {  	_ =	shalt  }
0x57: {  	_ =	shalt  }
0x58: {  	_ =	shalt  }
0x59: {  	_ =	shalt  }
0x5a: {  	_ =	shalt  }
0x5b: {  	_ =	shalt  }
0x5c: {  	_ =	shalt  }
0x5d: {  	_ =	shalt  }
0x5e: {  	_ =	shalt  }
0x5f: {  	_ =	shalt  }
0x60: {  	_ =	shalt  }
0x61: {  	_ =	shalt  }
0x62: {  	_ =	shalt  }
0x63: {  	_ =	shalt  }
0x64: {  	_ =	shalt  }
0x65: {  	_ =	shalt  }
0x66: {  	_ =	shalt  }
0x67: {  	_ =	shalt  }
0x68: {  	_ =	shalt  }
0x69: {  	_ =	shalt  }
0x6a: {  	_ =	shalt  }
0x6b: {  	_ =	shalt  }
0x6c: {  	_ =	shalt  }
0x6d: {  	_ =	shalt  }
0x6e: {  	_ =	shalt  }
0x6f: {  	_ =	shalt  }
0x70: {  	_ =	shalt  }
0x71: {  	_ =	shalt  }
0x72: {  	_ =	shalt  }
0x73: {  	_ =	shalt  }
0x74: {  	_ =	shalt  }
0x75: {  	_ =	shalt  }
0x76: {  	_ =	shalt  }
0x77: {  	_ =	shalt  }
0x78: {  	_ =	shalt  }
0x79: {  	_ =	shalt  }
0x7a: {  	_ =	shalt  }
0x7b: {  	_ =	shalt  }
0x7c: {  	_ =	shalt  }
0x7d: {  	_ =	shalt  }
0x7e: {  	_ =	shalt  }
0x7f: {  	_ =	shalt  }
0x80: {  	_ =	shalt  }
0x81: {  	_ =	shalt  }
0x82: {  	_ =	shalt  }
0x83: {  	_ =	shalt  }
0x84: {  	_ =	shalt  }
0x85: {  	_ =	shalt  }
0x86: {  	_ =	shalt  }
0x87: {  	_ =	shalt  }
.Lfunc_end0:
.L_simem_size_0:
called_computation_lowered:
.L_overlay_start_0:
0x88: {  	s2 =	sld [smem:$0x3FD9]  }
0x89: {  	s3 =	sld [smem:$0x3FFE];
	_ =	sdelay $0x1  }
0x8a: {  	s1 =	srdreg.scid  }
0x8b: {  	s0 =	sand.u32 $0x1, s1  }
0x8c: {  	s17 =	sshll.u32 s0, $0xA;
	s2 =	sadd.s32 s3, s2  }
0x8d: {  	s2 =	sadd.s32 s2, s17  }
0x8e: {  	[smem:$0x3FC6] =	sst s2  }
0x8f: {  	_ = 	snop  }
0x90: {  	s2 =	sld [smem:$0x3FC8];
	(tm) =	ssettm $0x1  }
0x91: {  	s18 =	sld [smem:$0x3FFB];
	_ =	sdelay $0x3  }
0x92: {  	_ =	strace s18  }
0x93: {  	s3 =	sld [smem:$0x3FFC];
	_ =	sdelay $0x3  }
0x94: {  	_ =	strace s3  }
0x95: {  	s3 =	sld [smem:$0x3FFD];
	_ =	sdelay $0x3  }
0x96: {  	_ =	strace s3  }
0x97: {  	_ =	strace $0x8FFFFFFF  }
0x98: {  	s19 =	sld [smem:$0x3FDB];
	_ =	sdelay $0x1  }
0x99: {  	s4 =	simm.s32 $_scs_section_size  }
0x9a: {  	s5 =	simm.s32 $_size__tile_overlayer_lowered;
	s6 =	simm.s32 $_tile_overlayer_lowered  }
0x9b: {  	s22 =	simm.s32 $0x1BFF;
	s21 =	sshll.u32 s6, $0x1;
	s3 =	sadd.s32 s4, s19  }
0x9c: {  	s7 =	simm.s32 $0x0;
	s20 =	sshll.u32 s5, $0x1;
	s5 =	sadd.s32 s21, s3  }
0x9d: {  	[timem:s7], [sflag:s22] =	dma.local [hbm:s5], s20  }
0x9e: {  	_ =	swait.ge [sflag:s22], s20  }
0x9f: {  	s4 =	ssub.s32 $0x0, s20;
	[sflag:s22] =	ssyncset.done $0x0  }
0xa0: {  	[sflag:s22] =	ssyncadd.s32 s4;
	_ =	sdelay $0x1  }
0xa1: {  	s23 =	simm.s32 $0x1B8B  }
0xa2: {  	_ =	swait.ge [sflag:s23], $0x1  }
0xa3: {  	[sflag:s23] =	ssyncset.done $0x0  }
0xa4: {  	s25 =	simm.s32 $0x1B8E;
	s24 =	sld [smem:$0x3FFE];
	[sflag:s23] =	ssyncadd.s32 $0xFFFFFFFF  }
0xa5: {  	s26 =	simm.s32 $execute0_lowered;
	[smem:$0x3FD2] =	sst s25  }
0xa6: {  	s5 =	sshll.u32 s26, $0x1;
	_ =	strace $0x80000046;
	[dreg:$0x1] =	wrdreg $0xFFFFFFFF  }
0xa7: {  	s28 =	simm.s32 $_size_execute0_lowered;
	s3 =	sadd.s32 s3, s5;
	[dreg:$0x0] =	wrdreg $0x0  }
0xa8: {  	s5 =	sshll.u32 s28, $0x1;
	[dreg:$0x2] =	wrdreg s3  }
0xa9: {  	[dreg:$0x3] =	wrdreg s5  }
0xaa: {  	[dreg:$0x4] =	wrdreg $0xC0  }
0xab: {  	_ =	task [dreg:s7], $0x5FFFF  }
0xac: {  	[dreg:$0x1] =	wrdreg $0xFFFFFFFF  }
0xad: {  	[dreg:$0x0] =	wrdreg $0x60  }
0xae: {  	[dreg:$0x2] =	wrdreg s2  }
0xaf: {  	[dreg:$0x3] =	wrdreg s24  }
0xb0: {  	[dreg:$0x4] =	wrdreg $0x9  }
0xb1: {  	_ =	task.clear_ibuf [dreg:s7], $0x5FFFF;
	_ =	strace $0x90000046  }
0xb2: {  	s29 =	simm.s32 $0x9;
	_ =	strace $0x80000048  }
0xb3: {  	_ =	swait.ge [sflag:s29], $0x1  }
0xb4: {  	[sflag:s29] =	ssyncadd.s32 $0xFFFFFFFF  }
0xb5: {  	_ =	strace $0x90000048  }
0xb6: {  	_ =	sfence  }
0xb7: {  	s30 =	sld [smem:$0x0];
	_ =	sdelay $0x2  }
0xb8: {  	s31 =	sshll.u32 s1, $0xD;
	s1 =	sshrl.u32 s1, $0x2  }
0xb9: {  	s3 =	sand.u32 $0x4000, s31;
	s1 =	sadd.s32 s1, s30  }
0xba: {  	s0 =	sor.u32 s3, s0;
	s1 =	sshll.u32 s1, $0x11  }
0xbb: {  	s0 =	sor.u32 s1, s0  }
0xbc: {  	s0 =	sadd.s32 $0x8F2B, s0  }
0xbd: {  	[sflag:s0] =	ssyncadd.remote.s32 $0x1  }
0xbe: {  	_ =	sfence.sel $0xFFFF  }
0xbf: {  	[dreg:$0x0] =	wrdreg $0xFFFFFFFF;
	(pc) =	sbr.abs _section_cstart, $3  }
0xc0: {  	[dreg:$0x1] =	wrdreg $0xFFFFFFFF  }
0xc1: {  	_ =	task.clear_ibuf [dreg:s7], $0x2FFFF;
	_ =	strace $0x9FFFFFFF  }
0xc2: {  	(tm) =	ssettm $0x7FFFFFFF  }
0xc3: {  	_ =	shalt  }
tec
execute0_lowered:
.L_overlay_start_1:
0x0: {  	(tag) =	ssettag $0x1  }
0x1: {  	v0 =	vimm.s32 $0x4380;
	vm0 =	vcmask $0x300  }
0x2: {  	vm14 =	vcmask $0x704;
	v0 =	vsel vm0, $0x0, v0  }
0x3: {  	vm15 =	vcmask $0xB08;
	v0 =	vsel vm14, $0x80, v0  }
0x4: {  	vm4 =	vcmask $0xF0C;
	v0 =	vsel vm15, $0x100, v0  }
0x5: {  	s7 =	rddreg [dreg:$0x0];
	vm5 =	vcmask $0x1310;
	v0 =	vsel vm4, $0x180, v0  }
0x6: {  	s0 =	rddreg [dreg:$0x1];
	vm6 =	vcmask $0x1714;
	v0 =	vsel vm5, $0x200, v0  }
0x7: {  	s2 =	simm.s32 $0x0;
	vm7 =	vcmask $0x1B18;
	s1 =	srdreg.scid;
	s6 =	stileid.u32;
	v0 =	vsel vm6, $0x280, v0  }
0x8: {  	vm8 =	vcmask $0x1F1C;
	s14 =	simm.s32 $0x2;
	s15 =	simm.s32 $0x8000;
	[smem:$0x7FF] =	sst s2;
	v0 =	vsel vm7, $0x300, v0  }
0x9: {  	vm9 =	vcmask $0x2320;
	s1 =	sand.u32 $0x1, s1;
	s3 =	sadd.s32 $0xE00, s0;
	s5 =	sadd.s32 $0x1000, s0;
	v0 =	vsel vm8, $0x380, v0  }
0xa: {  	vm10 =	vcmask $0x2724;
	s6 =	sshll.u32 s6, $0x1;
	s28 =	sadd.s32 $0x1E9400, s0;
	s29 =	sadd.s32 $0xF4000, s7;
	v0 =	vsel vm9, $0x4000, v0  }
0xb: {  	vm11 =	vcmask $0x2B28;
	s30 =	sadd.s32 $0x1E9000, s0;
	_ =	strace $0x80000047;
	[dreg:$0x3] =	wrdreg s3;
	v0 =	vsel vm10, $0x4080, v0  }
.Ltmp0:
0xc: {  	vm12 =	vcmask $0x2F2C;
	s26 =	ssub.s32 $0x2, s1;
	[dreg:$0x4] =	wrdreg s28;
	v0 =	vsel vm11, $0x4100, v0;
	(pc) =	sbr.rel .LBB2_1-.Ltmp0, $4  }
0xd: {  	vm13 =	vcmask $0x3330;
	s0 =	sadd.s32 $0xE80, s0;
	[dreg:$0x5] =	wrdreg s29;
	s4 =	sshrl.u32 s26, $0x1;
	v0 =	vsel vm12, $0x4180, v0  }
0xe: {  	s6 =	sor.u32 s1, s6;
	[dreg:$0x6] =	wrdreg s30;
	vm14 =	vcmask $0x3734;
	s3 =	ssub.s32 s26, s4;
	v0 =	vsel vm13, $0x4200, v0  }
0xf: {  	[dreg:$0x8] =	wrdreg s0;
	s1 =	simm.s32 $0x0;
	vm15 =	vcmask $0x3B38;
	s31 =	smax.u32 s3, $0x1;
	v0 =	vsel vm14, $0x4280, v0  }
0x10: {  	p0 =	seq.s32 s6, $0x0;
	p1 =	sne.s32 s6, $0x1;
	[dreg:$0x7] =	wrdreg s31;
	v0 =	vsel vm15, $0x4300, v0  }
.LBB2_15:
0x11: {  	s1 =	sadd.s32 $0x1, s1;
	s0 =	rddreg [dreg:$0x7]  }
0x12: {  	p2 =	sne.s32 s1, s0  }
.Ltmp1:
0x13: {  	_ = 	snop;
	(pc) =	sbr.rel @!p2 .LBB2_16-.Ltmp1, $1  }
0x14: {  	_ =	sdelay $0x3  }
.LBB2_1:
.Ltmp2:
0x15: {  	(pc) =	sbr.rel .LBB2_2-.Ltmp2, $2  }
0x16: {  	_ =	sdelay $0x2  }
0x17: {  	[dreg:$0x9] =	wrdreg s1;
	s18 =	simm.s32 $0x0  }
.LBB2_6:
0x18: {  	s18 =	sadd.s32 $0x1, s18  }
0x19: {  	p2 =	sne.s32 s18, $0x10  }
.Ltmp3:
0x1a: {  	_ = 	snop;
	(pc) =	sbr.rel @!p2 .LBB2_7-.Ltmp3, $1  }
0x1b: {  	_ =	sdelay $0x3  }
.LBB2_2:
0x1c: {  	s0 =	sshll.u32 s18, $0x5  }
0x1d: {  	s19 =	sor.u32 s6, s0  }
0x1e: {  	p2 =	sgt.u32 s19, $0x1E7  }
.Ltmp4:
0x1f: {  	_ = 	snop;
	(pc) =	sbr.rel @p2 .LBB2_6-.Ltmp4, $1  }
0x20: {  	_ =	sdelay $0x3  }
0x21: {  	s0 =	simm.s32 $0x8;
	s1 =	simm.s32 $0x18  }
0x22: {  	s3 =	simm.s32 $0x0;
	s20 =	simm.s32 $0x10;
	s26 =	simm.s32 $0x11;
	v1 =	vmov s0;
	v2 =	vmov s1  }
0x23: {  	s31 =	simm.s32 $0x12;
	s8 =	simm.s32 $0xB;
	s9 =	simm.s32 $0x13;
	v3 =	vmov s3;
	v4 =	vmov s20;
	v9 =	vmov s26  }
0x24: {  	s10 =	simm.s32 $0x1C;
	s12 =	simm.s32 $0xC;
	s13 =	simm.s32 $0x1D;
	v14 =	vmov s31;
	v42 =	vmov s8;
	v17 =	vmov s9  }
0x25: {  	s16 =	simm.s32 $0x14;
	v18 =	vmov s10;
	v49 =	vmov s12;
	v50 =	vmov s13  }
0x26: {  	v53 =	vmov s16;
	v5 =	vshll.u32 v2, $0x3;
	v6 =	vshll.u32 v3, $0x3  }
0x27: {  	v2 =	vand.u32 $0x78, v2;
	v7 =	vshll.u32 v1, $0x3;
	v8 =	vshll.u32 v4, $0x3  }
0x28: {  	v3 =	vand.u32 $0x60, v3;
	v1 =	vand.u32 $0x68, v1;
	v4 =	vand.u32 $0x70, v4  }
0x29: {  	s23 =	sshll.u32 s19, $0xB;
	s24 =	rddreg [dreg:$0x0];
	v11 =	vshll.u32 v9, $0x3;
	v15 =	vshll.u32 v14, $0x3;
	v44 =	vshll.u32 v42, $0x3  }
0x2a: {  	s4 =	simm.s32 $0x4000;
	s7 =	simm.s32 $0x7A1400;
	s0 =	sadd.s32 s24, s23;
	v45 =	vshll.u32 v17, $0x3;
	v46 =	vshll.u32 v18, $0x3;
	v47 =	vand.u32 $0x7C, v18  }
0x2b: {  	s23 =	simm.s32 $0x15;
	s26 =	simm.s32 $0xE;
	s31 =	simm.s32 $0x17;
	v48 =	vand.u32 $0x73, v17;
	v52 =	vshll.u32 v50, $0x3;
	v54 =	vshll.u32 v53, $0x3  }
0x2c: {  	[tilespmem:s2], [sflag:$0x2] =	stream.strided.gather [hbm4b:s0+s4], $0x8000, s7, s4, $0x38;
	v56 =	vmov s23;
	v60 =	vmov s26;
	v5 =	vand.u32 $0x3C00, v5;
	[tilespmem:$0x10000] =	vst v63  }
0x2d: {  	v62 =	vmov s31;
	_ =	swait.ge [sflag:s14], $0x8000;
	v11 =	vand.u32 $0x7FFFFC00, v11;
	v2 =	vor.u32 v5, v2  }
0x2e: {  	s25 =	simm.s32 $0x9;
	p2 =	seq.s32 s18, $0x0;
	v15 =	vand.u32 $0x7FFFFC00, v15;
	v5 =	vand.u32 $0x3C00, v6;
	[sflag:s14] =	ssyncset.done $0x0;
	v2 =	vor.u32 v0, v2  }
0x2f: {  	s21 =	simm.s32 $0x19;
	s0 =	simm.s32 @!p2 $0x1;
	v6 =	vand.u32 $0x3C00, v7;
	v7 =	vand.u32 $0x3C00, v8;
	v8 =	vmov s25;
	[sflag:s14] =	ssyncadd.s32 $0xFFFF8000  }
0x30: {  	s22 =	simm.s32 $0x1;
	v3 =	vor.u32 v5, v3;
	v1 =	vor.u32 v6, v1;
	v5 =	vmov s21;
	_ =	swait.ge @!p2 [sflag:s0], $0x8000  }
0x31: {  	v4 =	vor.u32 v7, v4;
	v7 =	vmov s22;
	v6 =	vshll.u32 v5, $0x3;
	[sflag:s0] =	ssyncset.done @!p2 $0x0  }
0x32: {  	v3 =	vor.u32 v0, v3;
	v5 =	vand.u32 $0x79, v5;
	v6 =	vand.u32 $0x7FFFFC00, v6;
	[sflag:s0] =	ssyncadd.s32 @!p2 $0xFFFF8000  }
0x33: {  	v10 =	vshll.u32 v8, $0x3;
	v1 =	vor.u32 v0, v1;
	v5 =	vor.u32 v5, v6;
	v2 =	vld.idx.msk [tilespmem:v2+s2+$0x0], $0xffff  }
0x34: {  	v8 =	vand.u32 $0x69, v8;
	v6 =	vshll.u32 v7, $0x3;
	v5 =	vadd.s32 v0, v5  }
0x35: {  	s28 =	simm.s32 $0x1A;
	v10 =	vand.u32 $0x7FFFFC00, v10;
	v7 =	vand.u32 $0x61, v7;
	v6 =	vand.u32 $0x3C00, v6  }
0x36: {  	v6 =	vor.u32 v6, v7;
	v7 =	vand.u32 $0x71, v9;
	v9 =	vmov s28  }
0x37: {  	s20 =	simm.s32 $0x8100;
	s4 =	simm.s32 $0x1B;
	v4 =	vor.u32 v0, v4;
	v8 =	vor.u32 v8, v10;
	v10 =	vshll.u32 v9, $0x3;
	v3 =	vld.idx.msk [tilespmem:v3+s2+$0x0], $0xffff  }
0x38: {  	v16 =	vmov s4;
	v9 =	vand.u32 $0x7A, v9;
	v1 =	vld.idx.msk [tilespmem:v1+s2+$0x0], $0xffff;
	v10 =	vand.u32 $0x7FFFFC00, v10;
	[tilespmem:s20+$0x80] =	vst v2  }
0x39: {  	v39 =	vshll.u32 v16, $0x3;
	v6 =	vor.u32 v0, v6;
	v9 =	vor.u32 v9, v10;
	v5 =	vld.idx.msk [tilespmem:v5+s2+$0x0], $0xffff  }
0x3a: {  	s29 =	simm.s32 $0x2;
	s30 =	simm.s32 $0xA;
	v40 =	vand.u32 $0x7B, v16;
	v8 =	vadd.s32 v0, v8;
	v9 =	vadd.s32 v0, v9  }
0x3b: {  	v7 =	vor.u32 v7, v11;
	v11 =	vmov s30;
	v10 =	vmov s29  }
0x3c: {  	v4 =	vld.idx.msk [tilespmem:v4+s2+$0x0], $0xffff;
	v7 =	vadd.s32 v0, v7;
	v13 =	vshll.u32 v11, $0x3;
	v12 =	vshll.u32 v10, $0x3;
	[tilespmem:s20+$0xFFFFFF00] =	vst v3  }
0x3d: {  	v10 =	vand.u32 $0x62, v10;
	v12 =	vand.u32 $0x3C00, v12;
	v2 =	vand.u32 $0x6A, v11;
	[tilespmem:s20+$0xFFFFFF80] =	vst v1  }
0x3e: {  	v11 =	vand.u32 $0x72, v14;
	v14 =	vand.u32 $0x7FFFFC00, v39;
	v10 =	vor.u32 v12, v10;
	v1 =	vld.idx.msk [tilespmem:v6+s2+$0x0], $0xffff;
	[tilespmem:s20+$0x90] =	vst v5  }
0x3f: {  	s7 =	simm.s32 $0x3;
	v13 =	vand.u32 $0x7FFFFC00, v13;
	v12 =	vor.u32 v40, v14;
	v10 =	vor.u32 v0, v10;
	v3 =	vld.idx.msk [tilespmem:v9+s2+$0x0], $0xffff  }
0x40: {  	v41 =	vmov s7;
	v2 =	vor.u32 v2, v13;
	v12 =	vadd.s32 v0, v12;
	v8 =	vld.idx.msk [tilespmem:v8+s2+$0x0], $0xffff  }
0x41: {  	v55 =	vand.u32 $0x7FFFFC00, v54;
	v59 =	vshll.u32 v56, $0x3;
	[tilespmem:s20+$0x0] =	vst v4;
	v2 =	vadd.s32 v0, v2  }
0x42: {  	v43 =	vshll.u32 v41, $0x3;
	v16 =	vand.u32 $0x7FFFFC00, v46;
	s28 =	simm.s32 $0x16;
	v11 =	vor.u32 v11, v15;
	v7 =	vld.idx.msk [tilespmem:v7+s2+$0x0], $0xffff  }
0x43: {  	v61 =	vmov s28;
	v15 =	vand.u32 $0x7FFFFC00, v45;
	v11 =	vadd.s32 v0, v11;
	[tilespmem:s20+$0xFFFFFF10] =	vst v1  }
0x44: {  	v4 =	vand.u32 $0x6B, v42;
	v13 =	vor.u32 v47, v16;
	v14 =	vand.u32 $0x7D, v50;
	v10 =	vld.idx.msk [tilespmem:v10+s2+$0x0], $0xffff;
	[tilespmem:s20+$0xA0] =	vst v3  }
0x45: {  	v6 =	vand.u32 $0x63, v41;
	v5 =	vand.u32 $0x3C00, v43;
	v9 =	vand.u32 $0x7FFFFC00, v44;
	[tilespmem:s20+$0xFFFFFF90] =	vst v8;
	v1 =	vld.idx.msk [tilespmem:v12+s2+$0x0], $0xffff  }
0x46: {  	v5 =	vor.u32 v5, v6;
	v6 =	vadd.s32 v0, v13;
	v8 =	vshll.u32 v49, $0x3;
	v2 =	vld.idx.msk [tilespmem:v2+s2+$0x0], $0xffff  }
0x47: {  	s11 =	simm.s32 $0x4;
	[tilespmem:s20+$0x10] =	vst v7;
	v13 =	vand.u32 $0x6C, v49;
	v4 =	vor.u32 v4, v9;
	v5 =	vor.u32 v0, v5  }
0x48: {  	v9 =	vmov s11;
	v11 =	vld.idx.msk [tilespmem:v11+s2+$0x0], $0xffff;
	v4 =	vadd.s32 v0, v4;
	v3 =	vor.u32 v48, v15  }
0x49: {  	s21 =	simm.s32 $0x1E;
	v8 =	vand.u32 $0x7FFFFC00, v8;
	v51 =	vshll.u32 v9, $0x3;
	v3 =	vadd.s32 v0, v3;
	[tilespmem:s20+$0xFFFFFF20] =	vst v10  }
0x4a: {  	s22 =	simm.s32 $0xD;
	v9 =	vand.u32 $0x64, v9;
	v7 =	vand.u32 $0x3C00, v51;
	v15 =	vand.u32 $0x7FFFFC00, v52;
	[tilespmem:s20+$0xB0] =	vst v1  }
0x4b: {  	v14 =	vor.u32 v14, v15;
	v10 =	vmov s21;
	[tilespmem:s20+$0xFFFFFFA0] =	vst v2;
	v2 =	vmov s22;
	v6 =	vld.idx.msk [tilespmem:v6+s2+$0x0], $0xffff  }
0x4c: {  	v14 =	vadd.s32 v0, v14;
	v5 =	vld.idx.msk [tilespmem:v5+s2+$0x0], $0xffff;
	v57 =	vshll.u32 v10, $0x3;
	v1 =	vor.u32 v7, v9  }
0x4d: {  	[tilespmem:s20+$0x20] =	vst v11;
	v4 =	vld.idx.msk [tilespmem:v4+s2+$0x0], $0xffff;
	v10 =	vand.u32 $0x7E, v10;
	v7 =	vor.u32 v13, v8;
	v1 =	vor.u32 v0, v1  }
0x4e: {  	s17 =	simm.s32 $0x5;
	v58 =	vshll.u32 v2, $0x3;
	v8 =	vand.u32 $0x74, v53;
	v3 =	vld.idx.msk [tilespmem:v3+s2+$0x0], $0xffff;
	v7 =	vadd.s32 v0, v7  }
0x4f: {  	v2 =	vand.u32 $0x6D, v2;
	v9 =	vmov s17;
	v8 =	vor.u32 v8, v55  }
0x50: {  	v13 =	vand.u32 $0x7FFFFC00, v57;
	v11 =	vshll.u32 v9, $0x3;
	v8 =	vadd.s32 v0, v8;
	[tilespmem:s20+$0xC0] =	vst v6  }
0x51: {  	v10 =	vor.u32 v10, v13;
	[tilespmem:s20+$0xFFFFFF30] =	vst v5;
	v11 =	vand.u32 $0x3C00, v11;
	v6 =	vand.u32 $0x65, v9;
	v5 =	vld.idx.msk [tilespmem:v14+s2+$0x0], $0xffff  }
0x52: {  	v15 =	vand.u32 $0x7FFFFC00, v58;
	[tilespmem:s20+$0xFFFFFFB0] =	vst v4;
	v10 =	vadd.s32 v0, v10;
	v1 =	vld.idx.msk [tilespmem:v1+s2+$0x0], $0xffff;
	v6 =	vor.u32 v11, v6  }
0x53: {  	s24 =	simm.s32 $0x1F;
	[tilespmem:s20+$0x30] =	vst v3;
	v9 =	vand.u32 $0x7FFFFC00, v59;
	v3 =	vld.idx.msk [tilespmem:v7+s2+$0x0], $0xffff;
	v11 =	vand.u32 $0x75, v56;
	v4 =	vor.u32 v0, v6  }
0x54: {  	s25 =	simm.s32 $0x6;
	v2 =	vor.u32 v2, v15;
	v6 =	vor.u32 v11, v9;
	v9 =	vmov s24  }
0x55: {  	v2 =	vadd.s32 v0, v2;
	v8 =	vld.idx.msk [tilespmem:v8+s2+$0x0], $0xffff;
	v11 =	vmov s25;
	v7 =	vshll.u32 v9, $0x3  }
0x56: {  	v6 =	vadd.s32 v0, v6;
	v9 =	vand.u32 $0x7F, v9;
	v7 =	vand.u32 $0x7FFFFC00, v7;
	[tilespmem:s20+$0xD0] =	vst v5  }
0x57: {  	v7 =	vor.u32 v9, v7;
	v9 =	vshll.u32 v60, $0x3;
	[tilespmem:s20+$0xFFFFFF40] =	vst v1;
	v5 =	vshll.u32 v11, $0x3;
	v10 =	vld.idx.msk [tilespmem:v10+s2+$0x0], $0xffff  }
0x58: {  	[tilespmem:s20+$0xFFFFFFC0] =	vst v3;
	v7 =	vadd.s32 v0, v7;
	v1 =	vand.u32 $0x3C00, v5;
	v5 =	vand.u32 $0x7FFFFC00, v9;
	v3 =	vld.idx.msk [tilespmem:v4+s2+$0x0], $0xffff  }
0x59: {  	v9 =	vshll.u32 v61, $0x3;
	v4 =	vand.u32 $0x66, v11;
	v11 =	vand.u32 $0x6E, v60  }
0x5a: {  	s29 =	simm.s32 $0x7;
	[tilespmem:s20+$0x40] =	vst v8;
	v8 =	vld.idx.msk [tilespmem:v2+s2+$0x0], $0xffff;
	v9 =	vand.u32 $0x7FFFFC00, v9;
	v1 =	vor.u32 v1, v4;
	v2 =	vor.u32 v11, v5  }
0x5b: {  	s30 =	simm.s32 $0xF;
	v4 =	vand.u32 $0x76, v61;
	v11 =	vld.idx.msk [tilespmem:v6+s2+$0x0], $0xffff;
	v6 =	vmov s29;
	v1 =	vor.u32 v0, v1  }
0x5c: {  	v5 =	vor.u32 v4, v9;
	v4 =	vadd.s32 v0, v2;
	v9 =	vmov s30;
	[tilespmem:s20+$0xE0] =	vst v10  }
0x5d: {  	v2 =	vadd.s32 v0, v5;
	v5 =	vshll.u32 v6, $0x3;
	v6 =	vand.u32 $0x67, v6;
	[tilespmem:s20+$0xFFFFFF50] =	vst v3;
	v3 =	vld.idx.msk [tilespmem:v7+s2+$0x0], $0xffff  }
0x5e: {  	v63 =	vand.u32 $0x3C00, v5;
	v5 =	vshll.u32 v62, $0x3;
	v10 =	vshll.u32 v9, $0x3  }
0x5f: {  	[tilespmem:s20+$0xFFFFFFD0] =	vst v8;
	v8 =	vand.u32 $0x6F, v9;
	v5 =	vand.u32 $0x7FFFFC00, v5;
	v10 =	vand.u32 $0x7FFFFC00, v10  }
0x60: {  	s21 =	simm.s32 $0x0;
	s22 =	simm.s32 $0x3F;
	v7 =	vor.u32 v63, v6;
	[tilespmem:s20+$0x50] =	vst v11;
	v1 =	vld.idx.msk [tilespmem:v1+s2+$0x0], $0xffff;
	v6 =	vor.u32 v8, v10;
	v8 =	vand.u32 $0x77, v62  }
.LBB2_4:
0x61: {  	s0 =	sadd.s32 $0xFFFFFFE9, s22;
	s1 =	sadd.s32 $0xFFFFFFF9, s22;
	s21 =	sadd.s32 $0x4, s21;
	v7 =	vor.u32 v0, v7;
	v4 =	vld.idx.msk [tilespmem:v4+s2+$0x0], $0xffff;
	v6 =	vadd.s32 v0, v6;
	v5 =	vor.u32 v8, v5  }
0x62: {  	s3 =	sadd.s32 $0xFFFFFFE1, s22;
	v8 =	vmov s0;
	s0 =	sadd.s32 $0xFFFFFFF1, s22;
	v9 =	vmov s1;
	p2 =	slt.u32 s21, $0xFC;
	v2 =	vld.idx.msk [tilespmem:v2+s2+$0x0], $0xffff;
	v5 =	vadd.s32 v0, v5;
	[tilespmem:s20+$0xF0] =	vst v3  }
0x63: {  	s13 =	sadd.s32 $0xFFFFFFE2, s22;
	s12 =	sadd.s32 $0xFFFFFFF2, s22;
	v3 =	vmov s3;
	s1 =	sadd.s32 $0xFFFFFFEA, s22;
	v10 =	vmov s0;
	v11 =	vshll.u32 v9, $0x3  }
0x64: {  	s16 =	sadd.s32 $0xFFFFFFE3, s22;
	s17 =	sadd.s32 $0xFFFFFFEB, s22;
	s10 =	sadd.s32 $0xFFFFFFF3, s22;
	v12 =	vshll.u32 v3, $0x3;
	v9 =	vand.u32 $0x78, v9;
	v11 =	vand.u32 $0x3C00, v11  }
0x65: {  	s11 =	sadd.s32 $0xFFFFFFE4, s22;
	s8 =	sadd.s32 $0xFFFFFFEC, s22;
	s9 =	sadd.s32 $0xFFFFFFF4, s22;
	v13 =	vshll.u32 v8, $0x3;
	v14 =	vshll.u32 v10, $0x3;
	v9 =	vor.u32 v11, v9  }
0x66: {  	s4 =	sadd.s32 $0xFFFFFFE5, s22;
	s7 =	sadd.s32 $0xFFFFFFED, s22;
	s3 =	sadd.s32 $0xFFFFFFF5, s22;
	v11 =	vand.u32 $0x3C00, v12;
	v12 =	vand.u32 $0x3C00, v13;
	v9 =	vor.u32 v0, v9;
	[tilespmem:s20+$0xFFFFFF60] =	vst v1  }
0x67: {  	s30 =	sadd.s32 $0xFFFFFFEE, s22;
	s31 =	sadd.s32 $0xFFFFFFF6, s22;
	s0 =	sadd.s32 $0xFFFFFFE6, s22;
	v1 =	vand.u32 $0x60, v3;
	v3 =	vand.u32 $0x68, v8;
	v8 =	vand.u32 $0x3C00, v14;
	v7 =	vld.idx.msk [tilespmem:v7+s2+$0x0], $0xffff  }
0x68: {  	s28 =	sadd.s32 $0xFFFFFFE7, s22;
	s26 =	sadd.s32 $0xFFFFFFEF, s22;
	s25 =	sadd.s32 $0xFFFFFFFA, s22;
	v10 =	vand.u32 $0x70, v10;
	v1 =	vor.u32 v11, v1;
	v3 =	vor.u32 v12, v3;
	[tilespmem:s20+$0xFFFFFFE0] =	vst v4  }
0x69: {  	s23 =	sadd.s32 $0xFFFFFFE8, s22;
	s24 =	sadd.s32 $0xFFFFFFF0, s22;
	s29 =	sadd.s32 $0xFFFFFFF7, s22;
	v1 =	vor.u32 v0, v1;
	v4 =	vor.u32 v8, v10;
	v8 =	vmov s25;
	v6 =	vld.idx.msk [tilespmem:v6+s2+$0x0], $0xffff;
	[tilespmem:s20+$0x60] =	vst v2  }
0x6a: {  	s25 =	sadd.s32 $0xFFFFFFF8, s22;
	v2 =	vor.u32 v0, v3;
	v3 =	vor.u32 v0, v4;
	v4 =	vshll.u32 v8, $0x3;
	v5 =	vld.idx.msk [tilespmem:v5+s2+$0x0], $0xffff  }
0x6b: {  	v10 =	vmov s13;
	v8 =	vand.u32 $0x79, v8;
	v4 =	vand.u32 $0x7FFFFC00, v4;
	v9 =	vld.idx.msk [tilespmem:v9+s2+$0x0], $0xffff  }
0x6c: {  	v11 =	vmov s1;
	v12 =	vmov s12;
	v4 =	vor.u32 v8, v4  }
0x6d: {  	v13 =	vshll.u32 v11, $0x3;
	v8 =	vshll.u32 v10, $0x3;
	v4 =	vadd.s32 v0, v4;
	[tilespmem:s20+$0xFFFFFF70] =	vst v7  }
0x6e: {  	v7 =	vand.u32 $0x3C00, v8;
	v8 =	vand.u32 $0x7FFFFC00, v13;
	v13 =	vshll.u32 v12, $0x3;
	v1 =	vld.idx.msk [tilespmem:v1+s2+$0x0], $0xffff  }
0x6f: {  	s1 =	sadd.s32 $0xFFFFFFFB, s22;
	v11 =	vand.u32 $0x69, v11;
	v10 =	vand.u32 $0x61, v10;
	v13 =	vand.u32 $0x7FFFFC00, v13;
	v2 =	vld.idx.msk [tilespmem:v2+s2+$0x0], $0xffff;
	[tilespmem:s20+$0xFFFFFFF0] =	vst v6  }
0x70: {  	v6 =	vor.u32 v7, v10;
	v7 =	vand.u32 $0x71, v12;
	v10 =	vmov s1;
	v3 =	vld.idx.msk [tilespmem:v3+s2+$0x0], $0xffff;
	[tilespmem:s20+$0x70] =	vst v5;
	s20 =	sadd.s32 $0x200, s20  }
0x71: {  	v5 =	vor.u32 v11, v8;
	v7 =	vor.u32 v7, v13;
	v8 =	vshll.u32 v10, $0x3;
	[tilespmem:s20+$0x80] =	vst v9  }
0x72: {  	v6 =	vor.u32 v0, v6;
	v9 =	vand.u32 $0x7A, v10;
	v8 =	vand.u32 $0x7FFFFC00, v8;
	v4 =	vld.idx.msk [tilespmem:v4+s2+$0x0], $0xffff  }
0x73: {  	v5 =	vadd.s32 v0, v5;
	v7 =	vadd.s32 v0, v7;
	v8 =	vor.u32 v9, v8  }
0x74: {  	v9 =	vmov s17;
	v8 =	vadd.s32 v0, v8;
	[tilespmem:s20+$0xFFFFFF00] =	vst v1;
	v1 =	vmov s16  }
0x75: {  	v11 =	vmov s10;
	v10 =	vshll.u32 v1, $0x3;
	[tilespmem:s20+$0xFFFFFF80] =	vst v2;
	v2 =	vshll.u32 v9, $0x3  }
0x76: {  	s1 =	sadd.s32 $0xFFFFFFFC, s22;
	v10 =	vand.u32 $0x3C00, v10;
	v2 =	vand.u32 $0x7FFFFC00, v2;
	[tilespmem:s20+$0x0] =	vst v3;
	v3 =	vshll.u32 v11, $0x3  }
0x77: {  	v12 =	vmov s1;
	v1 =	vand.u32 $0x62, v1;
	v6 =	vld.idx.msk [tilespmem:v6+s2+$0x0], $0xffff;
	v3 =	vand.u32 $0x7FFFFC00, v3  }
0x78: {  	v9 =	vand.u32 $0x6A, v9;
	v11 =	vand.u32 $0x72, v11;
	v5 =	vld.idx.msk [tilespmem:v5+s2+$0x0], $0xffff;
	[tilespmem:s20+$0x90] =	vst v4;
	v4 =	vshll.u32 v12, $0x3  }
0x79: {  	v1 =	vor.u32 v10, v1;
	v10 =	vand.u32 $0x7B, v12;
	v8 =	vld.idx.msk [tilespmem:v8+s2+$0x0], $0xffff;
	v4 =	vand.u32 $0x7FFFFC00, v4  }
0x7a: {  	v2 =	vor.u32 v9, v2;
	v3 =	vor.u32 v11, v3;
	v7 =	vld.idx.msk [tilespmem:v7+s2+$0x0], $0xffff;
	v4 =	vor.u32 v10, v4  }
0x7b: {  	v1 =	vor.u32 v0, v1;
	v2 =	vadd.s32 v0, v2;
	v4 =	vadd.s32 v0, v4  }
0x7c: {  	v9 =	vmov s11;
	v3 =	vadd.s32 v0, v3;
	v10 =	vmov s8  }
0x7d: {  	s1 =	sadd.s32 $0xFFFFFFFD, s22;
	v12 =	vmov s9;
	v11 =	vshll.u32 v10, $0x3;
	[tilespmem:s20+$0xFFFFFF10] =	vst v6;
	v6 =	vshll.u32 v9, $0x3  }
0x7e: {  	v13 =	vmov s1;
	v6 =	vand.u32 $0x3C00, v6;
	[tilespmem:s20+$0xFFFFFF90] =	vst v5;
	v5 =	vshll.u32 v12, $0x3  }
0x7f: {  	v11 =	vand.u32 $0x7FFFFC00, v11;
	v5 =	vand.u32 $0x7FFFFC00, v5;
	[tilespmem:s20+$0xA0] =	vst v8;
	v8 =	vshll.u32 v13, $0x3  }
0x80: {  	v9 =	vand.u32 $0x63, v9;
	[tilespmem:s20+$0x10] =	vst v7;
	v4 =	vld.idx.msk [tilespmem:v4+s2+$0x0], $0xffff;
	v7 =	vand.u32 $0x7C, v13;
	v8 =	vand.u32 $0x7FFFFC00, v8  }
0x81: {  	v10 =	vand.u32 $0x6B, v10;
	v12 =	vand.u32 $0x73, v12;
	v1 =	vld.idx.msk [tilespmem:v1+s2+$0x0], $0xffff;
	v7 =	vor.u32 v7, v8  }
0x82: {  	v6 =	vor.u32 v6, v9;
	v8 =	vor.u32 v10, v11;
	v2 =	vld.idx.msk [tilespmem:v2+s2+$0x0], $0xffff;
	v7 =	vadd.s32 v0, v7  }
0x83: {  	v6 =	vor.u32 v0, v6;
	v5 =	vor.u32 v12, v5;
	v8 =	vadd.s32 v0, v8;
	v3 =	vld.idx.msk [tilespmem:v3+s2+$0x0], $0xffff  }
0x84: {  	s1 =	sadd.s32 $0xFFFFFFFE, s22;
	v9 =	vmov s4;
	v10 =	vmov s7;
	v5 =	vadd.s32 v0, v5  }
0x85: {  	v12 =	vmov s3;
	v13 =	vmov s1;
	v11 =	vshll.u32 v9, $0x3  }
0x86: {  	v15 =	vshll.u32 v12, $0x3;
	v14 =	vshll.u32 v10, $0x3;
	[tilespmem:s20+$0xB0] =	vst v4;
	v4 =	vshll.u32 v13, $0x3  }
0x87: {  	[tilespmem:s20+$0xFFFFFF20] =	vst v1;
	v1 =	vand.u32 $0x3C00, v11;
	v7 =	vld.idx.msk [tilespmem:v7+s2+$0x0], $0xffff;
	v11 =	vand.u32 $0x7D, v13;
	v4 =	vand.u32 $0x7FFFFC00, v4  }
0x88: {  	v13 =	vand.u32 $0x7FFFFC00, v15;
	v6 =	vld.idx.msk [tilespmem:v6+s2+$0x0], $0xffff;
	[tilespmem:s20+$0xFFFFFFA0] =	vst v2;
	v2 =	vand.u32 $0x7FFFFC00, v14;
	v4 =	vor.u32 v11, v4  }
0x89: {  	v9 =	vand.u32 $0x64, v9;
	v10 =	vand.u32 $0x6C, v10;
	v8 =	vld.idx.msk [tilespmem:v8+s2+$0x0], $0xffff;
	[tilespmem:s20+$0x20] =	vst v3;
	v3 =	vadd.s32 v0, v4  }
0x8a: {  	v1 =	vor.u32 v1, v9;
	v2 =	vor.u32 v10, v2;
	v4 =	vld.idx.msk [tilespmem:v5+s2+$0x0], $0xffff;
	v5 =	vand.u32 $0x74, v12  }
0x8b: {  	s1 =	sadd.s32 $0xFFFFFFFF, s22;
	v1 =	vor.u32 v0, v1;
	v2 =	vadd.s32 v0, v2;
	v5 =	vor.u32 v5, v13  }
0x8c: {  	v9 =	vmov s0;
	v10 =	vmov s1;
	v5 =	vadd.s32 v0, v5  }
0x8d: {  	v11 =	vmov s30;
	v12 =	vmov s31;
	[tilespmem:s20+$0xC0] =	vst v7;
	v7 =	vshll.u32 v10, $0x3  }
0x8e: {  	v10 =	vand.u32 $0x7E, v10;
	[tilespmem:s20+$0xFFFFFF30] =	vst v6;
	v6 =	vshll.u32 v9, $0x3;
	v3 =	vld.idx.msk [tilespmem:v3+s2+$0x0], $0xffff;
	v7 =	vand.u32 $0x7FFFFC00, v7  }
0x8f: {  	v13 =	vshll.u32 v12, $0x3;
	[tilespmem:s20+$0xFFFFFFB0] =	vst v8;
	v8 =	vshll.u32 v11, $0x3;
	v7 =	vor.u32 v10, v7  }
0x90: {  	v6 =	vand.u32 $0x3C00, v6;
	v1 =	vld.idx.msk [tilespmem:v1+s2+$0x0], $0xffff;
	v8 =	vand.u32 $0x7FFFFC00, v8;
	[tilespmem:s20+$0x30] =	vst v4;
	v4 =	vadd.s32 v0, v7  }
0x91: {  	v10 =	vand.u32 $0x7FFFFC00, v13;
	v7 =	vand.u32 $0x65, v9;
	v9 =	vand.u32 $0x6D, v11;
	v2 =	vld.idx.msk [tilespmem:v2+s2+$0x0], $0xffff  }
0x92: {  	v6 =	vor.u32 v6, v7;
	v7 =	vor.u32 v9, v8;
	v8 =	vand.u32 $0x75, v12;
	v5 =	vld.idx.msk [tilespmem:v5+s2+$0x0], $0xffff  }
0x93: {  	v9 =	vmov s22;
	v6 =	vor.u32 v0, v6;
	v8 =	vor.u32 v8, v10  }
0x94: {  	v7 =	vadd.s32 v0, v7;
	v8 =	vadd.s32 v0, v8;
	[tilespmem:s20+$0xD0] =	vst v3;
	v3 =	vshll.u32 v9, $0x3  }
0x95: {  	v10 =	vmov s28;
	v11 =	vld.idx.msk [tilespmem:v4+s2+$0x0], $0xffff;
	v4 =	vand.u32 $0x7F, v9;
	v3 =	vand.u32 $0x7FFFFC00, v3  }
0x96: {  	v9 =	vmov s29;
	[tilespmem:s20+$0xFFFFFF40] =	vst v1;
	v1 =	vmov s26;
	v3 =	vor.u32 v4, v3  }
0x97: {  	v4 =	vshll.u32 v10, $0x3;
	[tilespmem:s20+$0xFFFFFFC0] =	vst v2;
	v2 =	vshll.u32 v1, $0x3;
	v3 =	vadd.s32 v0, v3  }
0x98: {  	v4 =	vand.u32 $0x3C00, v4;
	v6 =	vld.idx.msk [tilespmem:v6+s2+$0x0], $0xffff;
	v2 =	vand.u32 $0x7FFFFC00, v2;
	[tilespmem:s20+$0x40] =	vst v5;
	v5 =	vshll.u32 v9, $0x3  }
0x99: {  	v10 =	vand.u32 $0x66, v10;
	v1 =	vand.u32 $0x6E, v1;
	v7 =	vld.idx.msk [tilespmem:v7+s2+$0x0], $0xffff;
	v5 =	vand.u32 $0x7FFFFC00, v5  }
0x9a: {  	v4 =	vor.u32 v4, v10;
	v1 =	vor.u32 v1, v2;
	v2 =	vand.u32 $0x76, v9;
	v8 =	vld.idx.msk [tilespmem:v8+s2+$0x0], $0xffff  }
0x9b: {  	v9 =	vor.u32 v0, v4;
	v4 =	vadd.s32 v0, v1;
	v1 =	vor.u32 v2, v5;
	[tilespmem:s20+$0xE0] =	vst v11  }
.Ltmp5:
0x9c: {  	v10 =	vmov s24;
	v5 =	vmov s23;
	v2 =	vadd.s32 v0, v1;
	v3 =	vld.idx.msk [tilespmem:v3+s2+$0x0], $0xffff;
	(pc) =	sbr.rel @p2 .LBB2_4-.Ltmp5, $4  }
0x9d: {  	v12 =	vmov s25;
	v1 =	vshll.u32 v5, $0x3;
	v11 =	vshll.u32 v10, $0x3  }
0x9e: {  	v11 =	vand.u32 $0x7FFFFC00, v11;
	[tilespmem:s20+$0xFFFFFF50] =	vst v6;
	v6 =	vand.u32 $0x3C00, v1;
	v1 =	vshll.u32 v12, $0x3  }
0x9f: {  	v13 =	vand.u32 $0x67, v5;
	v10 =	vand.u32 $0x6F, v10;
	[tilespmem:s20+$0xFFFFFFD0] =	vst v7;
	v5 =	vand.u32 $0x7FFFFC00, v1  }
0xa0: {  	s22 =	sadd.s32 $0x20, s22;
	v7 =	vor.u32 v6, v13;
	v6 =	vor.u32 v10, v11;
	v1 =	vld.idx.msk [tilespmem:v9+s2+$0x0], $0xffff;
	[tilespmem:s20+$0x50] =	vst v8;
	v8 =	vand.u32 $0x77, v12  }
0xa1: {  	_ =	sdelay $0x3  }
0xa2: {  	v7 =	vor.u32 v0, v7;
	v4 =	vld.idx.msk [tilespmem:v4+s2+$0x0], $0xffff  }
0xa3: {  	v6 =	vadd.s32 v0, v6;
	v5 =	vor.u32 v8, v5;
	v2 =	vld.idx.msk [tilespmem:v2+s2+$0x0], $0xffff  }
0xa4: {  	v5 =	vadd.s32 v0, v5;
	_ =	sdelay $0x1  }
0xa5: {  	[tilespmem:s20+$0xFFFFFF60] =	vst v1  }
0xa6: {  	v1 =	vld.idx.msk [tilespmem:v7+s2+$0x0], $0xffff;
	[tilespmem:s20+$0xFFFFFFE0] =	vst v4  }
0xa7: {  	[tilespmem:s20+$0x60] =	vst v2;
	v4 =	vld.idx.msk [tilespmem:v6+s2+$0x0], $0xffff  }
0xa8: {  	v2 =	vld.idx.msk [tilespmem:v5+s2+$0x0], $0xffff;
	_ =	sdelay $0x1  }
.Ltmp6:
0xa9: {  	[tilespmem:s20+$0xF0] =	vst v3;
	(pc) =	sbr.rel .LBB2_6-.Ltmp6, $4  }
0xaa: {  	[tilespmem:s20+$0xFFFFFF70] =	vst v1  }
0xab: {  	s0 =	sshll.u32 s19, $0xC;
	[tilespmem:s20+$0xFFFFFFF0] =	vst v4  }
0xac: {  	s0 =	sadd.s32 s5, s0;
	[tilespmem:s20+$0x70] =	vst v2  }
0xad: {  	[hbm4b:s0+s2] =	stream.linear.scatter [tilespmem:s15], [sflag:$0x1], $0x8000, $0x38;
	[tilespmem:$0x10000] =	vst v63  }
.LBB2_7:
.Ltmp7:
0xae: {  	(pc) =	sbr.rel @p0 .LBB2_12-.Ltmp7, $4  }
0xaf: {  	s0 =	simm.s32 $0x1  }
0xb0: {  	_ =	swait.ge [sflag:s0], $0x8000  }
0xb1: {  	[sflag:s0] =	ssyncset.done $0x0  }
0xb2: {  	[sflag:s0] =	ssyncadd.s32 $0xFFFF8000  }
.Ltmp8:
0xb3: {  	(pc) =	sbr.rel @p1 .LBB2_15-.Ltmp8, $2  }
0xb4: {  	_ =	sdelay $0x2  }
0xb5: {  	s1 =	rddreg [dreg:$0x9]  }
0xb6: {  	s0 =	simm.s32 $0x8;
	s1 =	simm.s32 $0x18  }
0xb7: {  	s3 =	simm.s32 $0x0;
	s24 =	simm.s32 $0x10;
	s29 =	simm.s32 $0x11;
	v1 =	vmov s0;
	v2 =	vmov s1  }
0xb8: {  	s7 =	simm.s32 $0x12;
	s8 =	simm.s32 $0x1B;
	s9 =	simm.s32 $0x3;
	v3 =	vmov s3;
	v4 =	vmov s24;
	v9 =	vmov s29  }
0xb9: {  	s10 =	simm.s32 $0xB;
	s11 =	simm.s32 $0x13;
	s12 =	simm.s32 $0x1C;
	v14 =	vmov s7;
	v16 =	vmov s8;
	v41 =	vmov s9  }
0xba: {  	s16 =	simm.s32 $0xC;
	s17 =	simm.s32 $0x1D;
	s19 =	simm.s32 $0x14;
	v42 =	vmov s10;
	v17 =	vmov s11;
	v18 =	vmov s12  }
0xbb: {  	s23 =	simm.s32 $0x15;
	v49 =	vmov s16;
	v50 =	vmov s17;
	v53 =	vmov s19  }
0xbc: {  	v56 =	vmov s23;
	v5 =	vshll.u32 v2, $0x3;
	v6 =	vshll.u32 v3, $0x3  }
0xbd: {  	v2 =	vand.u32 $0x78, v2;
	v7 =	vshll.u32 v1, $0x3;
	v8 =	vshll.u32 v4, $0x3  }
0xbe: {  	v3 =	vand.u32 $0x60, v3;
	v1 =	vand.u32 $0x68, v1;
	v4 =	vand.u32 $0x70, v4  }
0xbf: {  	v11 =	vshll.u32 v9, $0x3;
	v15 =	vshll.u32 v14, $0x3;
	v39 =	vshll.u32 v16, $0x3  }
0xc0: {  	v40 =	vand.u32 $0x7B, v16;
	v43 =	vshll.u32 v41, $0x3;
	v44 =	vshll.u32 v42, $0x3  }
0xc1: {  	s25 =	simm.s32 $0x19;
	s30 =	rddreg [dreg:$0x5];
	v45 =	vshll.u32 v17, $0x3;
	v46 =	vshll.u32 v18, $0x3;
	v5 =	vand.u32 $0xC00, v5  }
0xc2: {  	[tilespmem:s2], [sflag:$0x2] =	stream.linear.gather [hbm4b:s30+s2], $0x1000, $0x38;
	v47 =	vand.u32 $0x7C, v18;
	v48 =	vand.u32 $0x73, v17;
	v2 =	vor.u32 v5, v2;
	[tilespmem:$0x10000] =	vst v63  }
0xc3: {  	s28 =	simm.s32 $0x9;
	s31 =	simm.s32 $0x4000;
	s0 =	sadd.s32 $0xF4280, s30;
	v52 =	vshll.u32 v50, $0x3;
	v5 =	vand.u32 $0xC00, v6;
	v2 =	vor.u32 v0, v2  }
0xc4: {  	[tilespmem:s31], [sflag:$0x2] =	stream.linear.gather [hbm4b:s0+s2], $0x1000, $0x38;
	v6 =	vand.u32 $0xC00, v7;
	v7 =	vand.u32 $0xC00, v8;
	v8 =	vmov s28;
	[tilespmem:$0x10000] =	vst v63  }
0xc5: {  	s26 =	simm.s32 $0x1;
	_ =	swait.ge [sflag:s14], $0x2000;
	v3 =	vor.u32 v5, v3;
	v1 =	vor.u32 v6, v1;
	v5 =	vmov s25  }
0xc6: {  	v4 =	vor.u32 v7, v4;
	v7 =	vmov s26;
	[sflag:s14] =	ssyncset.done $0x0;
	v6 =	vshll.u32 v5, $0x3  }
0xc7: {  	v3 =	vor.u32 v0, v3;
	v5 =	vand.u32 $0x79, v5;
	[sflag:s14] =	ssyncadd.s32 $0xFFFFE000;
	v6 =	vand.u32 $0x7FFFFC00, v6  }
0xc8: {  	v10 =	vshll.u32 v8, $0x3;
	v1 =	vor.u32 v0, v1;
	v5 =	vor.u32 v5, v6;
	v2 =	vld.idx.msk [tilespmem:v2+s2+$0x0], $0xffff  }
0xc9: {  	v8 =	vand.u32 $0x69, v8;
	v6 =	vshll.u32 v7, $0x3;
	v5 =	vadd.s32 v0, v5  }
0xca: {  	s1 =	simm.s32 $0x1A;
	v10 =	vand.u32 $0x7FFFFC00, v10;
	v7 =	vand.u32 $0x61, v7;
	v6 =	vand.u32 $0xC00, v6  }
0xcb: {  	v6 =	vor.u32 v6, v7;
	v7 =	vand.u32 $0x71, v9;
	v9 =	vmov s1  }
0xcc: {  	s18 =	simm.s32 $0x8100;
	v4 =	vor.u32 v0, v4;
	v8 =	vor.u32 v8, v10;
	v10 =	vshll.u32 v9, $0x3;
	v3 =	vld.idx.msk [tilespmem:v3+s2+$0x0], $0xffff  }
0xcd: {  	v54 =	vshll.u32 v53, $0x3;
	v9 =	vand.u32 $0x7A, v9;
	v1 =	vld.idx.msk [tilespmem:v1+s2+$0x0], $0xffff;
	v10 =	vand.u32 $0x7FFFFC00, v10;
	[tilespmem:s18+$0x80] =	vst v2  }
0xce: {  	v59 =	vshll.u32 v56, $0x3;
	v6 =	vor.u32 v0, v6;
	v9 =	vor.u32 v9, v10;
	v5 =	vld.idx.msk [tilespmem:v5+s2+$0x0], $0xffff  }
0xcf: {  	s4 =	simm.s32 $0xA;
	s3 =	simm.s32 $0x2;
	v11 =	vand.u32 $0x7FFFFC00, v11;
	v8 =	vadd.s32 v0, v8;
	v9 =	vadd.s32 v0, v9  }
0xd0: {  	v7 =	vor.u32 v7, v11;
	v11 =	vmov s4;
	v10 =	vmov s3  }
0xd1: {  	v4 =	vld.idx.msk [tilespmem:v4+s2+$0x0], $0xffff;
	v7 =	vadd.s32 v0, v7;
	v13 =	vshll.u32 v11, $0x3;
	v12 =	vshll.u32 v10, $0x3;
	[tilespmem:s18+$0xFFFFFF00] =	vst v3  }
0xd2: {  	v10 =	vand.u32 $0x62, v10;
	v12 =	vand.u32 $0xC00, v12;
	v2 =	vand.u32 $0x6A, v11;
	[tilespmem:s18+$0xFFFFFF80] =	vst v1  }
0xd3: {  	v11 =	vand.u32 $0x72, v14;
	v14 =	vand.u32 $0x7FFFFC00, v39;
	v10 =	vor.u32 v12, v10;
	v1 =	vld.idx.msk [tilespmem:v6+s2+$0x0], $0xffff;
	[tilespmem:s18+$0x90] =	vst v5  }
0xd4: {  	v13 =	vand.u32 $0x7FFFFC00, v13;
	v12 =	vor.u32 v40, v14;
	v10 =	vor.u32 v0, v10;
	v3 =	vld.idx.msk [tilespmem:v9+s2+$0x0], $0xffff  }
0xd5: {  	v15 =	vand.u32 $0x7FFFFC00, v15;
	v2 =	vor.u32 v2, v13;
	v12 =	vadd.s32 v0, v12;
	v8 =	vld.idx.msk [tilespmem:v8+s2+$0x0], $0xffff  }
0xd6: {  	v16 =	vand.u32 $0x7FFFFC00, v46;
	v55 =	vand.u32 $0x7FFFFC00, v54;
	s31 =	simm.s32 $0x17;
	s28 =	simm.s32 $0x16;
	[tilespmem:s18+$0x0] =	vst v4;
	v2 =	vadd.s32 v0, v2  }
0xd7: {  	v62 =	vmov s31;
	s26 =	simm.s32 $0xE;
	v61 =	vmov s28;
	v11 =	vor.u32 v11, v15;
	v7 =	vld.idx.msk [tilespmem:v7+s2+$0x0], $0xffff  }
0xd8: {  	v60 =	vmov s26;
	v15 =	vand.u32 $0x7FFFFC00, v45;
	v11 =	vadd.s32 v0, v11;
	[tilespmem:s18+$0xFFFFFF10] =	vst v1  }
0xd9: {  	v4 =	vand.u32 $0x6B, v42;
	v13 =	vor.u32 v47, v16;
	v14 =	vand.u32 $0x7D, v50;
	v10 =	vld.idx.msk [tilespmem:v10+s2+$0x0], $0xffff;
	[tilespmem:s18+$0xA0] =	vst v3  }
0xda: {  	v6 =	vand.u32 $0x63, v41;
	v5 =	vand.u32 $0xC00, v43;
	v9 =	vand.u32 $0x7FFFFC00, v44;
	[tilespmem:s18+$0xFFFFFF90] =	vst v8;
	v1 =	vld.idx.msk [tilespmem:v12+s2+$0x0], $0xffff  }
0xdb: {  	v5 =	vor.u32 v5, v6;
	v6 =	vadd.s32 v0, v13;
	v8 =	vshll.u32 v49, $0x3;
	v2 =	vld.idx.msk [tilespmem:v2+s2+$0x0], $0xffff  }
0xdc: {  	s13 =	simm.s32 $0x4;
	[tilespmem:s18+$0x10] =	vst v7;
	v13 =	vand.u32 $0x6C, v49;
	v4 =	vor.u32 v4, v9;
	v5 =	vor.u32 v0, v5  }
0xdd: {  	v9 =	vmov s13;
	v11 =	vld.idx.msk [tilespmem:v11+s2+$0x0], $0xffff;
	v4 =	vadd.s32 v0, v4;
	v3 =	vor.u32 v48, v15  }
0xde: {  	s21 =	simm.s32 $0x1E;
	v8 =	vand.u32 $0x7FFFFC00, v8;
	v51 =	vshll.u32 v9, $0x3;
	v3 =	vadd.s32 v0, v3;
	[tilespmem:s18+$0xFFFFFF20] =	vst v10  }
0xdf: {  	s22 =	simm.s32 $0xD;
	v9 =	vand.u32 $0x64, v9;
	v7 =	vand.u32 $0xC00, v51;
	v15 =	vand.u32 $0x7FFFFC00, v52;
	[tilespmem:s18+$0xB0] =	vst v1  }
0xe0: {  	v14 =	vor.u32 v14, v15;
	v10 =	vmov s21;
	[tilespmem:s18+$0xFFFFFFA0] =	vst v2;
	v2 =	vmov s22;
	v6 =	vld.idx.msk [tilespmem:v6+s2+$0x0], $0xffff  }
0xe1: {  	v14 =	vadd.s32 v0, v14;
	v5 =	vld.idx.msk [tilespmem:v5+s2+$0x0], $0xffff;
	v57 =	vshll.u32 v10, $0x3;
	v1 =	vor.u32 v7, v9  }
0xe2: {  	[tilespmem:s18+$0x20] =	vst v11;
	v4 =	vld.idx.msk [tilespmem:v4+s2+$0x0], $0xffff;
	v10 =	vand.u32 $0x7E, v10;
	v7 =	vor.u32 v13, v8;
	v1 =	vor.u32 v0, v1  }
0xe3: {  	s20 =	simm.s32 $0x5;
	v58 =	vshll.u32 v2, $0x3;
	v8 =	vand.u32 $0x74, v53;
	v3 =	vld.idx.msk [tilespmem:v3+s2+$0x0], $0xffff;
	v7 =	vadd.s32 v0, v7  }
0xe4: {  	v2 =	vand.u32 $0x6D, v2;
	v9 =	vmov s20;
	v8 =	vor.u32 v8, v55  }
0xe5: {  	v13 =	vand.u32 $0x7FFFFC00, v57;
	v11 =	vshll.u32 v9, $0x3;
	v8 =	vadd.s32 v0, v8;
	[tilespmem:s18+$0xC0] =	vst v6  }
0xe6: {  	v10 =	vor.u32 v10, v13;
	[tilespmem:s18+$0xFFFFFF30] =	vst v5;
	v11 =	vand.u32 $0xC00, v11;
	v6 =	vand.u32 $0x65, v9;
	v5 =	vld.idx.msk [tilespmem:v14+s2+$0x0], $0xffff  }
0xe7: {  	v15 =	vand.u32 $0x7FFFFC00, v58;
	[tilespmem:s18+$0xFFFFFFB0] =	vst v4;
	v10 =	vadd.s32 v0, v10;
	v1 =	vld.idx.msk [tilespmem:v1+s2+$0x0], $0xffff;
	v6 =	vor.u32 v11, v6  }
0xe8: {  	s24 =	simm.s32 $0x1F;
	[tilespmem:s18+$0x30] =	vst v3;
	v9 =	vand.u32 $0x7FFFFC00, v59;
	v3 =	vld.idx.msk [tilespmem:v7+s2+$0x0], $0xffff;
	v11 =	vand.u32 $0x75, v56;
	v4 =	vor.u32 v0, v6  }
0xe9: {  	s25 =	simm.s32 $0x6;
	v2 =	vor.u32 v2, v15;
	v6 =	vor.u32 v11, v9;
	v9 =	vmov s24  }
0xea: {  	v2 =	vadd.s32 v0, v2;
	v8 =	vld.idx.msk [tilespmem:v8+s2+$0x0], $0xffff;
	v11 =	vmov s25;
	v7 =	vshll.u32 v9, $0x3  }
0xeb: {  	v6 =	vadd.s32 v0, v6;
	v9 =	vand.u32 $0x7F, v9;
	v7 =	vand.u32 $0x7FFFFC00, v7;
	[tilespmem:s18+$0xD0] =	vst v5  }
0xec: {  	v7 =	vor.u32 v9, v7;
	v9 =	vshll.u32 v60, $0x3;
	[tilespmem:s18+$0xFFFFFF40] =	vst v1;
	v5 =	vshll.u32 v11, $0x3;
	v10 =	vld.idx.msk [tilespmem:v10+s2+$0x0], $0xffff  }
0xed: {  	[tilespmem:s18+$0xFFFFFFC0] =	vst v3;
	v7 =	vadd.s32 v0, v7;
	v1 =	vand.u32 $0xC00, v5;
	v5 =	vand.u32 $0x7FFFFC00, v9;
	v3 =	vld.idx.msk [tilespmem:v4+s2+$0x0], $0xffff  }
0xee: {  	v9 =	vshll.u32 v61, $0x3;
	v4 =	vand.u32 $0x66, v11;
	v11 =	vand.u32 $0x6E, v60  }
0xef: {  	s29 =	simm.s32 $0x7;
	[tilespmem:s18+$0x40] =	vst v8;
	v8 =	vld.idx.msk [tilespmem:v2+s2+$0x0], $0xffff;
	v9 =	vand.u32 $0x7FFFFC00, v9;
	v1 =	vor.u32 v1, v4;
	v2 =	vor.u32 v11, v5  }
0xf0: {  	s30 =	simm.s32 $0xF;
	v4 =	vand.u32 $0x76, v61;
	v11 =	vld.idx.msk [tilespmem:v6+s2+$0x0], $0xffff;
	v6 =	vmov s29;
	v1 =	vor.u32 v0, v1  }
0xf1: {  	v5 =	vor.u32 v4, v9;
	v4 =	vadd.s32 v0, v2;
	v9 =	vmov s30;
	[tilespmem:s18+$0xE0] =	vst v10  }
0xf2: {  	v2 =	vadd.s32 v0, v5;
	v5 =	vshll.u32 v6, $0x3;
	v6 =	vand.u32 $0x67, v6;
	[tilespmem:s18+$0xFFFFFF50] =	vst v3;
	v3 =	vld.idx.msk [tilespmem:v7+s2+$0x0], $0xffff  }
0xf3: {  	v63 =	vand.u32 $0xC00, v5;
	v5 =	vshll.u32 v62, $0x3;
	v10 =	vshll.u32 v9, $0x3  }
0xf4: {  	[tilespmem:s18+$0xFFFFFFD0] =	vst v8;
	v8 =	vand.u32 $0x6F, v9;
	v5 =	vand.u32 $0x7FFFFC00, v5;
	v10 =	vand.u32 $0x7FFFFC00, v10  }
0xf5: {  	s19 =	simm.s32 $0x0;
	s20 =	simm.s32 $0x3F;
	v7 =	vor.u32 v63, v6;
	[tilespmem:s18+$0x50] =	vst v11;
	v1 =	vld.idx.msk [tilespmem:v1+s2+$0x0], $0xffff;
	v6 =	vor.u32 v8, v10;
	v8 =	vand.u32 $0x77, v62  }
.LBB2_10:
0xf6: {  	s0 =	sadd.s32 $0xFFFFFFE9, s20;
	s1 =	sadd.s32 $0xFFFFFFF9, s20;
	s19 =	sadd.s32 $0x4, s19;
	v7 =	vor.u32 v0, v7;
	v4 =	vld.idx.msk [tilespmem:v4+s2+$0x0], $0xffff;
	v6 =	vadd.s32 v0, v6;
	v5 =	vor.u32 v8, v5  }
0xf7: {  	s3 =	sadd.s32 $0xFFFFFFE1, s20;
	v8 =	vmov s0;
	s0 =	sadd.s32 $0xFFFFFFF1, s20;
	v9 =	vmov s1;
	p2 =	slt.u32 s19, $0x3C;
	v2 =	vld.idx.msk [tilespmem:v2+s2+$0x0], $0xffff;
	v5 =	vadd.s32 v0, v5;
	[tilespmem:s18+$0xF0] =	vst v3  }
0xf8: {  	s12 =	sadd.s32 $0xFFFFFFE2, s20;
	s13 =	sadd.s32 $0xFFFFFFF2, s20;
	v3 =	vmov s3;
	s1 =	sadd.s32 $0xFFFFFFEA, s20;
	v10 =	vmov s0;
	v11 =	vshll.u32 v9, $0x3  }
0xf9: {  	s16 =	sadd.s32 $0xFFFFFFE3, s20;
	s17 =	sadd.s32 $0xFFFFFFEB, s20;
	s10 =	sadd.s32 $0xFFFFFFF3, s20;
	v12 =	vshll.u32 v3, $0x3;
	v9 =	vand.u32 $0x78, v9;
	v11 =	vand.u32 $0xC00, v11  }
0xfa: {  	s11 =	sadd.s32 $0xFFFFFFE4, s20;
	s8 =	sadd.s32 $0xFFFFFFEC, s20;
	s9 =	sadd.s32 $0xFFFFFFF4, s20;
	v13 =	vshll.u32 v8, $0x3;
	v14 =	vshll.u32 v10, $0x3;
	v9 =	vor.u32 v11, v9  }
0xfb: {  	s4 =	sadd.s32 $0xFFFFFFE5, s20;
	s7 =	sadd.s32 $0xFFFFFFED, s20;
	s3 =	sadd.s32 $0xFFFFFFF5, s20;
	v11 =	vand.u32 $0xC00, v12;
	v12 =	vand.u32 $0xC00, v13;
	v9 =	vor.u32 v0, v9;
	[tilespmem:s18+$0xFFFFFF60] =	vst v1  }
0xfc: {  	s28 =	sadd.s32 $0xFFFFFFEE, s20;
	s29 =	sadd.s32 $0xFFFFFFF6, s20;
	s0 =	sadd.s32 $0xFFFFFFE6, s20;
	v1 =	vand.u32 $0x60, v3;
	v3 =	vand.u32 $0x68, v8;
	v8 =	vand.u32 $0xC00, v14;
	v7 =	vld.idx.msk [tilespmem:v7+s2+$0x0], $0xffff  }
0xfd: {  	s25 =	sadd.s32 $0xFFFFFFE7, s20;
	s24 =	sadd.s32 $0xFFFFFFEF, s20;
	s23 =	sadd.s32 $0xFFFFFFFA, s20;
	v10 =	vand.u32 $0x70, v10;
	v1 =	vor.u32 v11, v1;
	v3 =	vor.u32 v12, v3;
	[tilespmem:s18+$0xFFFFFFE0] =	vst v4  }
0xfe: {  	s21 =	sadd.s32 $0xFFFFFFE8, s20;
	s22 =	sadd.s32 $0xFFFFFFF0, s20;
	s26 =	sadd.s32 $0xFFFFFFF7, s20;
	v1 =	vor.u32 v0, v1;
	v4 =	vor.u32 v8, v10;
	v8 =	vmov s23;
	v6 =	vld.idx.msk [tilespmem:v6+s2+$0x0], $0xffff;
	[tilespmem:s18+$0x60] =	vst v2  }
0xff: {  	s23 =	sadd.s32 $0xFFFFFFF8, s20;
	v2 =	vor.u32 v0, v3;
	v3 =	vor.u32 v0, v4;
	v4 =	vshll.u32 v8, $0x3;
	v5 =	vld.idx.msk [tilespmem:v5+s2+$0x0], $0xffff  }
0x100: {  	v10 =	vmov s12;
	v8 =	vand.u32 $0x79, v8;
	v4 =	vand.u32 $0x7FFFFC00, v4;
	v9 =	vld.idx.msk [tilespmem:v9+s2+$0x0], $0xffff  }
0x101: {  	v11 =	vmov s1;
	v12 =	vmov s13;
	v4 =	vor.u32 v8, v4  }
0x102: {  	v13 =	vshll.u32 v11, $0x3;
	v8 =	vshll.u32 v10, $0x3;
	v4 =	vadd.s32 v0, v4;
	[tilespmem:s18+$0xFFFFFF70] =	vst v7  }
0x103: {  	v7 =	vand.u32 $0xC00, v8;
	v8 =	vand.u32 $0x7FFFFC00, v13;
	v13 =	vshll.u32 v12, $0x3;
	v1 =	vld.idx.msk [tilespmem:v1+s2+$0x0], $0xffff  }
0x104: {  	s1 =	sadd.s32 $0xFFFFFFFB, s20;
	v11 =	vand.u32 $0x69, v11;
	v10 =	vand.u32 $0x61, v10;
	v13 =	vand.u32 $0x7FFFFC00, v13;
	v2 =	vld.idx.msk [tilespmem:v2+s2+$0x0], $0xffff;
	[tilespmem:s18+$0xFFFFFFF0] =	vst v6  }
0x105: {  	v6 =	vor.u32 v7, v10;
	v7 =	vand.u32 $0x71, v12;
	v10 =	vmov s1;
	v3 =	vld.idx.msk [tilespmem:v3+s2+$0x0], $0xffff;
	[tilespmem:s18+$0x70] =	vst v5;
	s18 =	sadd.s32 $0x200, s18  }
0x106: {  	v5 =	vor.u32 v11, v8;
	v7 =	vor.u32 v7, v13;
	v8 =	vshll.u32 v10, $0x3;
	[tilespmem:s18+$0x80] =	vst v9  }
0x107: {  	v6 =	vor.u32 v0, v6;
	v9 =	vand.u32 $0x7A, v10;
	v8 =	vand.u32 $0x7FFFFC00, v8;
	v4 =	vld.idx.msk [tilespmem:v4+s2+$0x0], $0xffff  }
0x108: {  	v5 =	vadd.s32 v0, v5;
	v7 =	vadd.s32 v0, v7;
	v8 =	vor.u32 v9, v8  }
0x109: {  	v9 =	vmov s17;
	v8 =	vadd.s32 v0, v8;
	[tilespmem:s18+$0xFFFFFF00] =	vst v1;
	v1 =	vmov s16  }
0x10a: {  	v11 =	vmov s10;
	v10 =	vshll.u32 v1, $0x3;
	[tilespmem:s18+$0xFFFFFF80] =	vst v2;
	v2 =	vshll.u32 v9, $0x3  }
0x10b: {  	s1 =	sadd.s32 $0xFFFFFFFC, s20;
	v10 =	vand.u32 $0xC00, v10;
	v2 =	vand.u32 $0x7FFFFC00, v2;
	[tilespmem:s18+$0x0] =	vst v3;
	v3 =	vshll.u32 v11, $0x3  }
0x10c: {  	v12 =	vmov s1;
	v1 =	vand.u32 $0x62, v1;
	v6 =	vld.idx.msk [tilespmem:v6+s2+$0x0], $0xffff;
	v3 =	vand.u32 $0x7FFFFC00, v3  }
0x10d: {  	v9 =	vand.u32 $0x6A, v9;
	v11 =	vand.u32 $0x72, v11;
	v5 =	vld.idx.msk [tilespmem:v5+s2+$0x0], $0xffff;
	[tilespmem:s18+$0x90] =	vst v4;
	v4 =	vshll.u32 v12, $0x3  }
0x10e: {  	v1 =	vor.u32 v10, v1;
	v10 =	vand.u32 $0x7B, v12;
	v8 =	vld.idx.msk [tilespmem:v8+s2+$0x0], $0xffff;
	v4 =	vand.u32 $0x7FFFFC00, v4  }
0x10f: {  	v2 =	vor.u32 v9, v2;
	v3 =	vor.u32 v11, v3;
	v7 =	vld.idx.msk [tilespmem:v7+s2+$0x0], $0xffff;
	v4 =	vor.u32 v10, v4  }
0x110: {  	v1 =	vor.u32 v0, v1;
	v2 =	vadd.s32 v0, v2;
	v4 =	vadd.s32 v0, v4  }
0x111: {  	v9 =	vmov s11;
	v3 =	vadd.s32 v0, v3;
	v10 =	vmov s8  }
0x112: {  	s1 =	sadd.s32 $0xFFFFFFFD, s20;
	v12 =	vmov s9;
	v11 =	vshll.u32 v10, $0x3;
	[tilespmem:s18+$0xFFFFFF10] =	vst v6;
	v6 =	vshll.u32 v9, $0x3  }
0x113: {  	v13 =	vmov s1;
	v6 =	vand.u32 $0xC00, v6;
	[tilespmem:s18+$0xFFFFFF90] =	vst v5;
	v5 =	vshll.u32 v12, $0x3  }
0x114: {  	v11 =	vand.u32 $0x7FFFFC00, v11;
	v5 =	vand.u32 $0x7FFFFC00, v5;
	[tilespmem:s18+$0xA0] =	vst v8;
	v8 =	vshll.u32 v13, $0x3  }
0x115: {  	v9 =	vand.u32 $0x63, v9;
	[tilespmem:s18+$0x10] =	vst v7;
	v4 =	vld.idx.msk [tilespmem:v4+s2+$0x0], $0xffff;
	v7 =	vand.u32 $0x7C, v13;
	v8 =	vand.u32 $0x7FFFFC00, v8  }
0x116: {  	v10 =	vand.u32 $0x6B, v10;
	v12 =	vand.u32 $0x73, v12;
	v1 =	vld.idx.msk [tilespmem:v1+s2+$0x0], $0xffff;
	v7 =	vor.u32 v7, v8  }
0x117: {  	v6 =	vor.u32 v6, v9;
	v8 =	vor.u32 v10, v11;
	v2 =	vld.idx.msk [tilespmem:v2+s2+$0x0], $0xffff;
	v7 =	vadd.s32 v0, v7  }
0x118: {  	v6 =	vor.u32 v0, v6;
	v5 =	vor.u32 v12, v5;
	v8 =	vadd.s32 v0, v8;
	v3 =	vld.idx.msk [tilespmem:v3+s2+$0x0], $0xffff  }
0x119: {  	s1 =	sadd.s32 $0xFFFFFFFE, s20;
	v9 =	vmov s4;
	v10 =	vmov s7;
	v5 =	vadd.s32 v0, v5  }
0x11a: {  	v12 =	vmov s3;
	v13 =	vmov s1;
	v11 =	vshll.u32 v9, $0x3  }
0x11b: {  	v15 =	vshll.u32 v12, $0x3;
	v14 =	vshll.u32 v10, $0x3;
	[tilespmem:s18+$0xB0] =	vst v4;
	v4 =	vshll.u32 v13, $0x3  }
0x11c: {  	[tilespmem:s18+$0xFFFFFF20] =	vst v1;
	v1 =	vand.u32 $0xC00, v11;
	v7 =	vld.idx.msk [tilespmem:v7+s2+$0x0], $0xffff;
	v11 =	vand.u32 $0x7D, v13;
	v4 =	vand.u32 $0x7FFFFC00, v4  }
0x11d: {  	v13 =	vand.u32 $0x7FFFFC00, v15;
	v6 =	vld.idx.msk [tilespmem:v6+s2+$0x0], $0xffff;
	[tilespmem:s18+$0xFFFFFFA0] =	vst v2;
	v2 =	vand.u32 $0x7FFFFC00, v14;
	v4 =	vor.u32 v11, v4  }
0x11e: {  	v9 =	vand.u32 $0x64, v9;
	v10 =	vand.u32 $0x6C, v10;
	v8 =	vld.idx.msk [tilespmem:v8+s2+$0x0], $0xffff;
	[tilespmem:s18+$0x20] =	vst v3;
	v3 =	vadd.s32 v0, v4  }
0x11f: {  	v1 =	vor.u32 v1, v9;
	v2 =	vor.u32 v10, v2;
	v4 =	vld.idx.msk [tilespmem:v5+s2+$0x0], $0xffff;
	v5 =	vand.u32 $0x74, v12  }
0x120: {  	s1 =	sadd.s32 $0xFFFFFFFF, s20;
	v1 =	vor.u32 v0, v1;
	v2 =	vadd.s32 v0, v2;
	v5 =	vor.u32 v5, v13  }
0x121: {  	v9 =	vmov s0;
	v10 =	vmov s1;
	v5 =	vadd.s32 v0, v5  }
0x122: {  	v11 =	vmov s28;
	v12 =	vmov s29;
	[tilespmem:s18+$0xC0] =	vst v7;
	v7 =	vshll.u32 v10, $0x3  }
0x123: {  	v10 =	vand.u32 $0x7E, v10;
	[tilespmem:s18+$0xFFFFFF30] =	vst v6;
	v6 =	vshll.u32 v9, $0x3;
	v3 =	vld.idx.msk [tilespmem:v3+s2+$0x0], $0xffff;
	v7 =	vand.u32 $0x7FFFFC00, v7  }
0x124: {  	v13 =	vshll.u32 v12, $0x3;
	[tilespmem:s18+$0xFFFFFFB0] =	vst v8;
	v8 =	vshll.u32 v11, $0x3;
	v7 =	vor.u32 v10, v7  }
0x125: {  	v6 =	vand.u32 $0xC00, v6;
	v1 =	vld.idx.msk [tilespmem:v1+s2+$0x0], $0xffff;
	v8 =	vand.u32 $0x7FFFFC00, v8;
	[tilespmem:s18+$0x30] =	vst v4;
	v4 =	vadd.s32 v0, v7  }
0x126: {  	v10 =	vand.u32 $0x7FFFFC00, v13;
	v7 =	vand.u32 $0x65, v9;
	v9 =	vand.u32 $0x6D, v11;
	v2 =	vld.idx.msk [tilespmem:v2+s2+$0x0], $0xffff  }
0x127: {  	v6 =	vor.u32 v6, v7;
	v7 =	vor.u32 v9, v8;
	v8 =	vand.u32 $0x75, v12;
	v5 =	vld.idx.msk [tilespmem:v5+s2+$0x0], $0xffff  }
0x128: {  	v9 =	vmov s20;
	v6 =	vor.u32 v0, v6;
	v8 =	vor.u32 v8, v10  }
0x129: {  	v7 =	vadd.s32 v0, v7;
	v8 =	vadd.s32 v0, v8;
	[tilespmem:s18+$0xD0] =	vst v3;
	v3 =	vshll.u32 v9, $0x3  }
0x12a: {  	v10 =	vmov s25;
	v11 =	vld.idx.msk [tilespmem:v4+s2+$0x0], $0xffff;
	v4 =	vand.u32 $0x7F, v9;
	v3 =	vand.u32 $0x7FFFFC00, v3  }
0x12b: {  	v9 =	vmov s26;
	[tilespmem:s18+$0xFFFFFF40] =	vst v1;
	v1 =	vmov s24;
	v3 =	vor.u32 v4, v3  }
0x12c: {  	v4 =	vshll.u32 v10, $0x3;
	[tilespmem:s18+$0xFFFFFFC0] =	vst v2;
	v2 =	vshll.u32 v1, $0x3;
	v3 =	vadd.s32 v0, v3  }
0x12d: {  	v4 =	vand.u32 $0xC00, v4;
	v6 =	vld.idx.msk [tilespmem:v6+s2+$0x0], $0xffff;
	v2 =	vand.u32 $0x7FFFFC00, v2;
	[tilespmem:s18+$0x40] =	vst v5;
	v5 =	vshll.u32 v9, $0x3  }
0x12e: {  	v10 =	vand.u32 $0x66, v10;
	v1 =	vand.u32 $0x6E, v1;
	v7 =	vld.idx.msk [tilespmem:v7+s2+$0x0], $0xffff;
	v5 =	vand.u32 $0x7FFFFC00, v5  }
0x12f: {  	v4 =	vor.u32 v4, v10;
	v1 =	vor.u32 v1, v2;
	v2 =	vand.u32 $0x76, v9;
	v8 =	vld.idx.msk [tilespmem:v8+s2+$0x0], $0xffff  }
0x130: {  	v9 =	vor.u32 v0, v4;
	v4 =	vadd.s32 v0, v1;
	v1 =	vor.u32 v2, v5;
	[tilespmem:s18+$0xE0] =	vst v11  }
.Ltmp9:
0x131: {  	v10 =	vmov s22;
	v5 =	vmov s21;
	v2 =	vadd.s32 v0, v1;
	v3 =	vld.idx.msk [tilespmem:v3+s2+$0x0], $0xffff;
	(pc) =	sbr.rel @p2 .LBB2_10-.Ltmp9, $4  }
0x132: {  	v12 =	vmov s23;
	v1 =	vshll.u32 v5, $0x3;
	v11 =	vshll.u32 v10, $0x3  }
0x133: {  	v11 =	vand.u32 $0x7FFFFC00, v11;
	[tilespmem:s18+$0xFFFFFF50] =	vst v6;
	v6 =	vand.u32 $0xC00, v1;
	v1 =	vshll.u32 v12, $0x3  }
0x134: {  	v13 =	vand.u32 $0x67, v5;
	v10 =	vand.u32 $0x6F, v10;
	[tilespmem:s18+$0xFFFFFFD0] =	vst v7;
	v5 =	vand.u32 $0x7FFFFC00, v1  }
0x135: {  	s20 =	sadd.s32 $0x20, s20;
	v7 =	vor.u32 v6, v13;
	v6 =	vor.u32 v10, v11;
	v1 =	vld.idx.msk [tilespmem:v9+s2+$0x0], $0xffff;
	[tilespmem:s18+$0x50] =	vst v8;
	v8 =	vand.u32 $0x77, v12  }
0x136: {  	_ =	sdelay $0x3  }
0x137: {  	v7 =	vor.u32 v0, v7;
	v4 =	vld.idx.msk [tilespmem:v4+s2+$0x0], $0xffff  }
0x138: {  	v6 =	vadd.s32 v0, v6;
	v5 =	vor.u32 v8, v5;
	v2 =	vld.idx.msk [tilespmem:v2+s2+$0x0], $0xffff  }
0x139: {  	v5 =	vadd.s32 v0, v5;
	_ =	sdelay $0x1  }
0x13a: {  	[tilespmem:s18+$0xFFFFFF60] =	vst v1  }
0x13b: {  	v1 =	vld.idx.msk [tilespmem:v7+s2+$0x0], $0xffff;
	[tilespmem:s18+$0xFFFFFFE0] =	vst v4  }
0x13c: {  	[tilespmem:s18+$0x60] =	vst v2;
	v4 =	vld.idx.msk [tilespmem:v6+s2+$0x0], $0xffff  }
0x13d: {  	v2 =	vld.idx.msk [tilespmem:v5+s2+$0x0], $0xffff;
	_ =	sdelay $0x1  }
0x13e: {  	[tilespmem:s18+$0xF0] =	vst v3  }
0x13f: {  	[tilespmem:s18+$0xFFFFFF70] =	vst v1  }
0x140: {  	[tilespmem:s18+$0xFFFFFFF0] =	vst v4  }
0x141: {  	[tilespmem:s18+$0x70] =	vst v2  }
.Ltmp10:
0x142: {  	s0 =	rddreg [dreg:$0x6];
	(pc) =	sbr.rel .LBB2_15-.Ltmp10, $4  }
0x143: {  	[hbm4b:s0+s2] =	stream.linear.scatter [tilespmem:s15], [sflag:$0x2], $0x2000, $0x38;
	[tilespmem:$0x10000] =	vst v63  }
0x144: {  	_ =	swait.ge [sflag:s14], $0x2000  }
0x145: {  	[sflag:s14] =	ssyncset.done $0x0  }
0x146: {  	s1 =	rddreg [dreg:$0x9];
	[sflag:s14] =	ssyncadd.s32 $0xFFFFE000  }
.LBB2_12:
0x147: {  	s0 =	rddreg [dreg:$0x3]  }
0x148: {  	s28 =	rddreg [dreg:$0x8];
	s1 =	simm.s32 $0x4000;
	s29 =	simm.s32 $0x8  }
0x149: {  	s30 =	simm.s32 $0x18;
	s3 =	simm.s32 $0x0;
	s31 =	simm.s32 $0x10  }
0x14a: {  	s4 =	simm.s32 $0x19;
	s7 =	simm.s32 $0x11;
	s8 =	simm.s32 $0x1  }
0x14b: {  	[tilespmem:s2], [sflag:$0x2] =	stream.linear.gather [hbm4b:s0+s2], $0x400, $0x38;
	v1 =	vor.u32 s29, v0;
	[tilespmem:$0x10000] =	vst v63  }
0x14c: {  	s9 =	simm.s32 $0xA;
	s10 =	simm.s32 $0x12;
	s11 =	simm.s32 $0x1A;
	v2 =	vor.u32 s30, v0;
	v3 =	vor.u32 s3, v0;
	v4 =	vor.u32 s31, v0  }
0x14d: {  	v6 =	vmov s4;
	v7 =	vmov s7;
	v8 =	vor.u32 s8, v0;
	[tilespmem:s1], [sflag:$0x2] =	stream.linear.gather [hbm4b:s28+s2], $0x400, $0x38;
	[tilespmem:$0x10000] =	vst v63  }
0x14e: {  	s16 =	simm.s32 $0x3;
	s23 =	simm.s32 $0x1C;
	v9 =	vmov s9;
	v10 =	vmov s10;
	v11 =	vmov s11;
	_ =	swait.ge [sflag:s14], $0x800  }
0x14f: {  	s3 =	simm.s32 $0x9;
	v12 =	vor.u32 s16, v0;
	v13 =	vmov s23;
	v6 =	vshll.u32 v6, $0x3;
	[sflag:s14] =	ssyncset.done $0x0  }
0x150: {  	v5 =	vmov s3;
	v7 =	vshll.u32 v7, $0x3;
	v6 =	vand.u32 $0x7FFFFC00, v6;
	[sflag:s14] =	ssyncadd.s32 $0xFFFFF800  }
0x151: {  	v9 =	vshll.u32 v9, $0x3;
	v5 =	vshll.u32 v5, $0x3;
	v6 =	vadd.s32 s4, v6;
	v2 =	vld.idx.msk [tilespmem:v2+s2+$0x0], $0xffff  }
0x152: {  	v10 =	vshll.u32 v10, $0x3;
	v5 =	vand.u32 $0x7FFFFC00, v5;
	v6 =	vadd.s32 v0, v6;
	v3 =	vld.idx.msk [tilespmem:v3+s2+$0x0], $0xffff  }
0x153: {  	v11 =	vshll.u32 v11, $0x3;
	v7 =	vand.u32 $0x7FFFFC00, v7;
	v5 =	vadd.s32 s3, v5;
	v1 =	vld.idx.msk [tilespmem:v1+s2+$0x0], $0xffff  }
0x154: {  	v9 =	vand.u32 $0x7FFFFC00, v9;
	v7 =	vadd.s32 s7, v7;
	v5 =	vadd.s32 v0, v5;
	v4 =	vld.idx.msk [tilespmem:v4+s2+$0x0], $0xffff  }
0x155: {  	s18 =	simm.s32 $0x8100;
	v10 =	vand.u32 $0x7FFFFC00, v10;
	v9 =	vadd.s32 s9, v9;
	v7 =	vadd.s32 v0, v7  }
0x156: {  	v11 =	vand.u32 $0x7FFFFC00, v11;
	s4 =	simm.s32 $0xB;
	[tilespmem:s18+$0x80] =	vst v2;
	v2 =	vadd.s32 v0, v9;
	v9 =	vadd.s32 s10, v10  }
0x157: {  	s12 =	simm.s32 $0x2;
	s13 =	simm.s32 $0x13;
	v10 =	vadd.s32 s11, v11;
	[tilespmem:s18+$0xFFFFFF00] =	vst v3;
	v11 =	vmov s4;
	v3 =	vld.idx.msk [tilespmem:v6+s2+$0x0], $0xffff  }
0x158: {  	[tilespmem:s18+$0xFFFFFF80] =	vst v1;
	v6 =	vor.u32 s12, v0;
	v8 =	vld.idx.msk [tilespmem:v8+s2+$0x0], $0xffff;
	v1 =	vadd.s32 v0, v10;
	v10 =	vmov s13  }
0x159: {  	s17 =	simm.s32 $0x1B;
	[tilespmem:s18+$0x0] =	vst v4;
	v9 =	vadd.s32 v0, v9;
	v11 =	vshll.u32 v11, $0x3;
	v5 =	vld.idx.msk [tilespmem:v5+s2+$0x0], $0xffff;
	v10 =	vshll.u32 v10, $0x3  }
0x15a: {  	v7 =	vld.idx.msk [tilespmem:v7+s2+$0x0], $0xffff;
	v11 =	vand.u32 $0x7FFFFC00, v11;
	v4 =	vand.u32 $0x7FFFFC00, v10;
	v10 =	vmov s17  }
0x15b: {  	s19 =	simm.s32 $0xC;
	v11 =	vadd.s32 s4, v11;
	v4 =	vadd.s32 s13, v4;
	v10 =	vshll.u32 v10, $0x3  }
0x15c: {  	s20 =	simm.s32 $0x14;
	v11 =	vadd.s32 v0, v11;
	[tilespmem:s18+$0x90] =	vst v3;
	v3 =	vand.u32 $0x7FFFFC00, v10;
	v10 =	vmov s19  }
0x15d: {  	[tilespmem:s18+$0xFFFFFF10] =	vst v8;
	v1 =	vld.idx.msk [tilespmem:v1+s2+$0x0], $0xffff;
	v3 =	vadd.s32 s17, v3;
	v8 =	vshll.u32 v10, $0x3;
	v10 =	vmov s20  }
0x15e: {  	s22 =	simm.s32 $0xD;
	[tilespmem:s18+$0xFFFFFF90] =	vst v5;
	v6 =	vld.idx.msk [tilespmem:v6+s2+$0x0], $0xffff;
	v3 =	vadd.s32 v0, v3;
	v5 =	vand.u32 $0x7FFFFC00, v8;
	v8 =	vshll.u32 v10, $0x3  }
0x15f: {  	s21 =	simm.s32 $0x4;
	v4 =	vadd.s32 v0, v4;
	[tilespmem:s18+$0x10] =	vst v7;
	v7 =	vmov s22;
	v2 =	vld.idx.msk [tilespmem:v2+s2+$0x0], $0xffff;
	v8 =	vand.u32 $0x7FFFFC00, v8  }
0x160: {  	v9 =	vld.idx.msk [tilespmem:v9+s2+$0x0], $0xffff;
	v10 =	vor.u32 s21, v0;
	v5 =	vadd.s32 s19, v5;
	v8 =	vadd.s32 s20, v8  }
0x161: {  	s24 =	simm.s32 $0x15;
	v14 =	vadd.s32 v0, v5;
	v5 =	vshll.u32 v13, $0x3;
	v15 =	vadd.s32 v0, v8  }
0x162: {  	s25 =	simm.s32 $0x5;
	v8 =	vmov s24;
	v5 =	vand.u32 $0x7FFFFC00, v5;
	[tilespmem:s18+$0xA0] =	vst v1;
	v1 =	vshll.u32 v7, $0x3  }
0x163: {  	[tilespmem:s18+$0xFFFFFF20] =	vst v6;
	v6 =	vshll.u32 v8, $0x3;
	v8 =	vor.u32 s25, v0;
	v7 =	vld.idx.msk [tilespmem:v3+s2+$0x0], $0xffff;
	v3 =	vadd.s32 s23, v5  }
0x164: {  	s28 =	simm.s32 $0x16;
	[tilespmem:s18+$0xFFFFFFA0] =	vst v2;
	v1 =	vand.u32 $0x7FFFFC00, v1;
	v12 =	vld.idx.msk [tilespmem:v12+s2+$0x0], $0xffff;
	v5 =	vand.u32 $0x7FFFFC00, v6;
	v13 =	vadd.s32 v0, v3  }
0x165: {  	s26 =	simm.s32 $0xE;
	[tilespmem:s18+$0x20] =	vst v9;
	v9 =	vmov s28;
	v1 =	vadd.s32 s22, v1;
	v2 =	vadd.s32 s24, v5  }
0x166: {  	s30 =	simm.s32 $0x1D;
	v6 =	vadd.s32 v0, v1;
	v1 =	vld.idx.msk [tilespmem:v11+s2+$0x0], $0xffff;
	v5 =	vadd.s32 v0, v2;
	v2 =	vmov s26  }
0x167: {  	s29 =	simm.s32 $0x6;
	v16 =	vld.idx.msk [tilespmem:v4+s2+$0x0], $0xffff;
	v4 =	vshll.u32 v9, $0x3;
	v9 =	vmov s30;
	v2 =	vshll.u32 v2, $0x3  }
0x168: {  	v3 =	vor.u32 s29, v0;
	v4 =	vand.u32 $0x7FFFFC00, v4;
	v2 =	vand.u32 $0x7FFFFC00, v2;
	[tilespmem:s18+$0xB0] =	vst v7  }
0x169: {  	v7 =	vshll.u32 v9, $0x3;
	[tilespmem:s18+$0xFFFFFF30] =	vst v12;
	v2 =	vadd.s32 s26, v2;
	v12 =	vadd.s32 s28, v4;
	v11 =	vld.idx.msk [tilespmem:v13+s2+$0x0], $0xffff  }
0x16a: {  	s23 =	simm.s32 $0x17;
	s24 =	simm.s32 $0xF;
	v7 =	vand.u32 $0x7FFFFC00, v7;
	v9 =	vld.idx.msk [tilespmem:v10+s2+$0x0], $0xffff;
	v4 =	vadd.s32 v0, v2;
	v2 =	vadd.s32 v0, v12  }
0x16b: {  	v10 =	vmov s23;
	[tilespmem:s18+$0xFFFFFFB0] =	vst v1;
	v1 =	vadd.s32 s30, v7;
	v7 =	vmov s24  }
0x16c: {  	s31 =	simm.s32 $0x7;
	s0 =	simm.s32 $0x1E;
	s21 =	simm.s32 $0x0;
	[tilespmem:s18+$0x30] =	vst v16;
	v12 =	vld.idx.msk [tilespmem:v14+s2+$0x0], $0xffff;
	v13 =	vadd.s32 v0, v1;
	v7 =	vshll.u32 v7, $0x3;
	v14 =	vshll.u32 v10, $0x3  }
0x16d: {  	s19 =	simm.s32 $0x8100;
	s20 =	simm.s32 $0x1F;
	s22 =	simm.s32 $0x3F;
	v1 =	vor.u32 s31, v0;
	v10 =	vld.idx.msk [tilespmem:v15+s2+$0x0], $0xffff;
	v7 =	vand.u32 $0x7FFFFC00, v7;
	v14 =	vand.u32 $0x7FFFFC00, v14  }
.LBB2_13:
0x16e: {  	s1 =	sadd.s32 $0xFFFFFFE9, s22  }
0x16f: {  	s3 =	sadd.s32 $0xFFFFFFF9, s22;
	s21 =	sadd.s32 $0x4, s21;
	v15 =	vadd.s32 s24, v7;
	v7 =	vadd.s32 s23, v14;
	v14 =	vmov s0;
	s4 =	sadd.s32 $0xFFFFFFE1, s22  }
0x170: {  	s12 =	sadd.s32 $0xFFFFFFE2, s22;
	v16 =	vor.u32 s1, v0;
	s1 =	sadd.s32 $0xFFFFFFF1, s22;
	v17 =	vor.u32 s3, v0;
	p2 =	slt.u32 s21, $0xC;
	[tilespmem:s18+$0xC0] =	vst v11;
	v11 =	vshll.u32 v14, $0x3  }
0x171: {  	s31 =	sadd.s32 $0xFFFFFFEB, s22;
	v14 =	vor.u32 s4, v0;
	s3 =	sadd.s32 $0xFFFFFFEA, s22;
	v18 =	vor.u32 s1, v0;
	s1 =	sadd.s32 $0xFFFFFFF2, s22;
	[tilespmem:s18+$0xFFFFFF40] =	vst v9;
	v9 =	vld.idx.msk [tilespmem:v13+s2+$0x0], $0xffff;
	v11 =	vand.u32 $0x7FFFFC00, v11  }
0x172: {  	s17 =	sadd.s32 $0xFFFFFFF3, s22;
	s13 =	sadd.s32 $0xFFFFFFFA, s22;
	s30 =	sadd.s32 $0xFFFFFFE3, s22;
	v13 =	vmov s3;
	v19 =	vmov s1;
	[tilespmem:s18+$0xFFFFFFC0] =	vst v12;
	v11 =	vadd.s32 s0, v11  }
0x173: {  	s10 =	sadd.s32 $0xFFFFFFEC, s22;
	s29 =	sadd.s32 $0xFFFFFFF4, s22;
	s16 =	sadd.s32 $0xFFFFFFE4, s22;
	v12 =	vshll.u32 v13, $0x3;
	v13 =	vmov s13;
	v8 =	vld.idx.msk [tilespmem:v8+s2+$0x0], $0xffff;
	v11 =	vadd.s32 v0, v11  }
0x174: {  	s9 =	sadd.s32 $0xFFFFFFED, s22;
	s8 =	sadd.s32 $0xFFFFFFF5, s22;
	v12 =	vand.u32 $0x7FFFFC00, v12;
	v19 =	vshll.u32 v19, $0x3;
	v13 =	vshll.u32 v13, $0x3;
	v6 =	vld.idx.msk [tilespmem:v6+s2+$0x0], $0xffff;
	[tilespmem:s18+$0x40] =	vst v10  }
0x175: {  	s11 =	sadd.s32 $0xFFFFFFE5, s22;
	s7 =	sadd.s32 $0xFFFFFFEE, s22;
	s25 =	sadd.s32 $0xFFFFFFF6, s22;
	v10 =	vadd.s32 s3, v12;
	v12 =	vand.u32 $0x7FFFFC00, v19;
	v13 =	vand.u32 $0x7FFFFC00, v13;
	v17 =	vld.idx.msk [tilespmem:v17+s2+$0x0], $0xffff  }
0x176: {  	s26 =	sadd.s32 $0xFFFFFFE6, s22;
	s4 =	sadd.s32 $0xFFFFFFF7, s22;
	s3 =	sadd.s32 $0xFFFFFFEF, s22;
	v19 =	vmov s20;
	v12 =	vadd.s32 s1, v12;
	v13 =	vadd.s32 s13, v13;
	v14 =	vld.idx.msk [tilespmem:v14+s2+$0x0], $0xffff  }
0x177: {  	s28 =	sadd.s32 $0xFFFFFFE7, s22;
	s24 =	sadd.s32 $0xFFFFFFF0, s22;
	s23 =	sadd.s32 $0xFFFFFFF8, s22;
	v10 =	vadd.s32 v0, v10;
	v13 =	vadd.s32 v0, v13;
	v16 =	vld.idx.msk [tilespmem:v16+s2+$0x0], $0xffff;
	[tilespmem:s18+$0xD0] =	vst v9;
	v9 =	vshll.u32 v19, $0x3  }
0x178: {  	s0 =	sadd.s32 $0xFFFFFFE8, s22;
	v12 =	vadd.s32 v0, v12;
	v19 =	vor.u32 s12, v0;
	v11 =	vld.idx.msk [tilespmem:v11+s2+$0x0], $0xffff;
	v9 =	vand.u32 $0x7FFFFC00, v9  }
0x179: {  	v20 =	vmov s31;
	v21 =	vmov s17;
	s1 =	sadd.s32 $0xFFFFFFFB, s22;
	v18 =	vld.idx.msk [tilespmem:v18+s2+$0x0], $0xffff;
	v9 =	vadd.s32 s20, v9;
	s20 =	smov.u32 s22  }
0x17a: {  	v20 =	vshll.u32 v20, $0x3;
	v22 =	vmov s1;
	s18 =	sadd.s32 $0x200, s18;
	[tilespmem:s19+$0xFFFFFF50] =	vst v8;
	v5 =	vld.idx.msk [tilespmem:v5+s2+$0x0], $0xffff;
	v8 =	vadd.s32 v0, v9  }
0x17b: {  	v9 =	vand.u32 $0x7FFFFC00, v20;
	v20 =	vshll.u32 v21, $0x3;
	[tilespmem:s18+$0x80] =	vst v17;
	v17 =	vshll.u32 v22, $0x3;
	v3 =	vld.idx.msk [tilespmem:v3+s2+$0x0], $0xffff  }
0x17c: {  	v9 =	vadd.s32 s31, v9;
	[tilespmem:s18+$0xFFFFFF00] =	vst v14;
	v14 =	vand.u32 $0x7FFFFC00, v20;
	v13 =	vld.idx.msk [tilespmem:v13+s2+$0x0], $0xffff;
	v17 =	vand.u32 $0x7FFFFC00, v17  }
0x17d: {  	v9 =	vadd.s32 v0, v9;
	v19 =	vld.idx.msk [tilespmem:v19+s2+$0x0], $0xffff;
	[tilespmem:s18+$0xFFFFFF80] =	vst v16;
	v14 =	vadd.s32 s17, v14;
	v16 =	vadd.s32 s1, v17  }
0x17e: {  	v17 =	vor.u32 s30, v0;
	v10 =	vld.idx.msk [tilespmem:v10+s2+$0x0], $0xffff;
	v14 =	vadd.s32 v0, v14;
	v16 =	vadd.s32 v0, v16;
	[tilespmem:s19+$0xE0] =	vst v11  }
0x17f: {  	v15 =	vadd.s32 v0, v15;
	v11 =	vmov s10;
	[tilespmem:s18+$0x0] =	vst v18;
	v18 =	vmov s29;
	v8 =	vld.idx.msk [tilespmem:v8+s2+$0x0], $0xffff  }
0x180: {  	v20 =	vor.u32 s16, v0;
	s1 =	sadd.s32 $0xFFFFFFFC, s22;
	v11 =	vshll.u32 v11, $0x3;
	v12 =	vld.idx.msk [tilespmem:v12+s2+$0x0], $0xffff;
	v18 =	vshll.u32 v18, $0x3;
	[tilespmem:s19+$0xFFFFFFD0] =	vst v6  }
0x181: {  	v6 =	vand.u32 $0x7FFFFC00, v11;
	v11 =	vand.u32 $0x7FFFFC00, v18;
	v18 =	vmov s1;
	v4 =	vld.idx.msk [tilespmem:v4+s2+$0x0], $0xffff;
	[tilespmem:s19+$0x50] =	vst v5  }
0x182: {  	v5 =	vadd.s32 s10, v6;
	v6 =	vadd.s32 s29, v11;
	[tilespmem:s18+$0x90] =	vst v13;
	v11 =	vshll.u32 v18, $0x3;
	v2 =	vld.idx.msk [tilespmem:v2+s2+$0x0], $0xffff  }
0x183: {  	v5 =	vadd.s32 v0, v5;
	[tilespmem:s18+$0xFFFFFF10] =	vst v19;
	v13 =	vadd.s32 v0, v6;
	v6 =	vld.idx.msk [tilespmem:v16+s2+$0x0], $0xffff;
	v11 =	vand.u32 $0x7FFFFC00, v11  }
0x184: {  	v7 =	vadd.s32 v0, v7;
	v16 =	vld.idx.msk [tilespmem:v17+s2+$0x0], $0xffff;
	[tilespmem:s18+$0xFFFFFF90] =	vst v10;
	v10 =	vmov s9;
	v11 =	vadd.s32 s1, v11  }
0x185: {  	v17 =	vmov s8;
	v9 =	vld.idx.msk [tilespmem:v9+s2+$0x0], $0xffff;
	v10 =	vshll.u32 v10, $0x3;
	v11 =	vadd.s32 v0, v11;
	[tilespmem:s19+$0xF0] =	vst v8  }
0x186: {  	v18 =	vor.u32 s11, v0;
	v8 =	vand.u32 $0x7FFFFC00, v10;
	[tilespmem:s18+$0x10] =	vst v12;
	v10 =	vshll.u32 v17, $0x3  }
0x187: {  	s1 =	sadd.s32 $0xFFFFFFFD, s22;
	v12 =	vmov s7;
	v8 =	vadd.s32 s9, v8;
	v14 =	vld.idx.msk [tilespmem:v14+s2+$0x0], $0xffff;
	v10 =	vand.u32 $0x7FFFFC00, v10;
	[tilespmem:s19+$0xFFFFFF60] =	vst v3  }
0x188: {  	v17 =	vadd.s32 v0, v8;
	v3 =	vadd.s32 s8, v10;
	v8 =	vmov s1;
	v1 =	vld.idx.msk [tilespmem:v1+s2+$0x0], $0xffff;
	[tilespmem:s19+$0xFFFFFFE0] =	vst v4  }
0x189: {  	v10 =	vadd.s32 v0, v3;
	v3 =	vmov s25;
	[tilespmem:s18+$0xA0] =	vst v6;
	v4 =	vshll.u32 v8, $0x3;
	v15 =	vld.idx.msk [tilespmem:v15+s2+$0x0], $0xffff  }
0x18a: {  	v6 =	vshll.u32 v12, $0x3;
	[tilespmem:s18+$0xFFFFFF20] =	vst v16;
	v3 =	vshll.u32 v3, $0x3;
	v11 =	vld.idx.msk [tilespmem:v11+s2+$0x0], $0xffff;
	v4 =	vand.u32 $0x7FFFFC00, v4  }
0x18b: {  	v6 =	vand.u32 $0x7FFFFC00, v6;
	v12 =	vld.idx.msk [tilespmem:v20+s2+$0x0], $0xffff;
	[tilespmem:s18+$0xFFFFFFA0] =	vst v9;
	v3 =	vand.u32 $0x7FFFFC00, v3;
	v4 =	vadd.s32 s1, v4  }
0x18c: {  	v16 =	vld.idx.msk [tilespmem:v5+s2+$0x0], $0xffff;
	v5 =	vadd.s32 s7, v6;
	v3 =	vadd.s32 s25, v3;
	v4 =	vadd.s32 v0, v4;
	[tilespmem:s19+$0x60] =	vst v2  }
0x18d: {  	v8 =	vor.u32 s26, v0;
	v6 =	vadd.s32 v0, v5;
	[tilespmem:s18+$0x20] =	vst v14;
	v5 =	vadd.s32 v0, v3;
	v19 =	vld.idx.msk [tilespmem:v7+s2+$0x0], $0xffff  }
0x18e: {  	v9 =	vmov s4;
	s1 =	sadd.s32 $0xFFFFFFFE, s22;
	v2 =	vmov s3;
	v3 =	vor.u32 s28, v0;
	v7 =	vld.idx.msk [tilespmem:v13+s2+$0x0], $0xffff  }
0x18f: {  	v9 =	vshll.u32 v9, $0x3;
	v2 =	vshll.u32 v2, $0x3;
	v13 =	vmov s1;
	[tilespmem:s19+$0xFFFFFF70] =	vst v1  }
0x190: {  	v1 =	vand.u32 $0x7FFFFC00, v2;
	v2 =	vand.u32 $0x7FFFFC00, v9;
	v9 =	vshll.u32 v13, $0x3;
	[tilespmem:s18+$0xB0] =	vst v11  }
.Ltmp11:
0x191: {  	v1 =	vadd.s32 s3, v1;
	v2 =	vadd.s32 s4, v2;
	[tilespmem:s18+$0xFFFFFF30] =	vst v12;
	v11 =	vld.idx.msk [tilespmem:v4+s2+$0x0], $0xffff;
	v12 =	vand.u32 $0x7FFFFC00, v9;
	(pc) =	sbr.rel @p2 .LBB2_13-.Ltmp11, $4  }
0x192: {  	v4 =	vadd.s32 v0, v1;
	v2 =	vadd.s32 v0, v2;
	v9 =	vld.idx.msk [tilespmem:v18+s2+$0x0], $0xffff;
	[tilespmem:s18+$0xFFFFFFB0] =	vst v16;
	v1 =	vadd.s32 s1, v12  }
0x193: {  	v14 =	vmov s24;
	v16 =	vmov s23;
	v12 =	vld.idx.msk [tilespmem:v17+s2+$0x0], $0xffff;
	v13 =	vadd.s32 v0, v1;
	[tilespmem:s19+$0xFFFFFFF0] =	vst v15  }
0x194: {  	v14 =	vshll.u32 v14, $0x3;
	v1 =	vor.u32 s0, v0;
	v15 =	vshll.u32 v16, $0x3;
	[tilespmem:s18+$0x30] =	vst v7  }
0x195: {  	s22 =	sadd.s32 $0x20, s22;
	s0 =	sadd.s32 $0xFFFFFFFF, s20;
	v7 =	vand.u32 $0x7FFFFC00, v14;
	v14 =	vand.u32 $0x7FFFFC00, v15;
	v10 =	vld.idx.msk [tilespmem:v10+s2+$0x0], $0xffff;
	[tilespmem:s19+$0x70] =	vst v19;
	s19 =	smov.u32 s18  }
0x196: {  	_ =	sdelay $0x1  }
0x197: {  	v15 =	vmov s0  }
0x198: {  	v15 =	vshll.u32 v15, $0x3;
	[tilespmem:s18+$0xFFFFFF40] =	vst v9  }
0x199: {  	[tilespmem:s18+$0xC0] =	vst v11;
	v55 =	vand.u32 $0x7FFFFC00, v15;
	v8 =	vld.idx.msk [tilespmem:v8+s2+$0x0], $0xffff  }
0x19a: {  	v56 =	vld.idx.msk [tilespmem:v13+s2+$0x0], $0xffff;
	[tilespmem:s18+$0xFFFFFFC0] =	vst v12;
	v11 =	vadd.s32 s0, v55  }
0x19b: {  	v6 =	vld.idx.msk [tilespmem:v6+s2+$0x0], $0xffff;
	v11 =	vadd.s32 v0, v11;
	[tilespmem:s18+$0x40] =	vst v10  }
0x19c: {  	v5 =	vld.idx.msk [tilespmem:v5+s2+$0x0], $0xffff  }
0x19d: {  	v57 =	vmov s20  }
0x19e: {  	v10 =	vshll.u32 v57, $0x3;
	[tilespmem:s19+$0xFFFFFF50] =	vst v8  }
0x19f: {  	v58 =	vand.u32 $0x7FFFFC00, v10;
	[tilespmem:s18+$0xD0] =	vst v56;
	v3 =	vld.idx.msk [tilespmem:v3+s2+$0x0], $0xffff  }
0x1a0: {  	v9 =	vadd.s32 s20, v58;
	[tilespmem:s19+$0xFFFFFFD0] =	vst v6;
	v59 =	vld.idx.msk [tilespmem:v11+s2+$0x0], $0xffff  }
0x1a1: {  	v61 =	vadd.s32 s24, v7;
	v60 =	vadd.s32 v0, v9;
	v4 =	vld.idx.msk [tilespmem:v4+s2+$0x0], $0xffff;
	[tilespmem:s19+$0x50] =	vst v5  }
0x1a2: {  	v62 =	vadd.s32 s23, v14;
	v6 =	vadd.s32 v0, v61;
	v2 =	vld.idx.msk [tilespmem:v2+s2+$0x0], $0xffff  }
0x1a3: {  	v5 =	vadd.s32 v0, v62  }
0x1a4: {  	[tilespmem:s19+$0xFFFFFF60] =	vst v3  }
0x1a5: {  	[tilespmem:s19+$0xE0] =	vst v59;
	v1 =	vld.idx.msk [tilespmem:v1+s2+$0x0], $0xffff  }
0x1a6: {  	[tilespmem:s19+$0xFFFFFFE0] =	vst v4;
	v63 =	vld.idx.msk [tilespmem:v60+s2+$0x0], $0xffff  }
0x1a7: {  	v3 =	vld.idx.msk [tilespmem:v6+s2+$0x0], $0xffff;
	[tilespmem:s19+$0x60] =	vst v2  }
0x1a8: {  	v2 =	vld.idx.msk [tilespmem:v5+s2+$0x0], $0xffff;
	_ =	sdelay $0x1  }
0x1a9: {  	[tilespmem:s19+$0xFFFFFF70] =	vst v1  }
0x1aa: {  	[tilespmem:s19+$0xF0] =	vst v63  }
0x1ab: {  	[tilespmem:s19+$0xFFFFFFF0] =	vst v3  }
0x1ac: {  	[tilespmem:s19+$0x70] =	vst v2  }
.Ltmp12:
0x1ad: {  	s31 =	rddreg [dreg:$0x4];
	(pc) =	sbr.rel .LBB2_15-.Ltmp12, $4  }
0x1ae: {  	[hbm4b:s31+s2] =	stream.linear.scatter [tilespmem:s15], [sflag:$0x2], $0x400, $0x38;
	[tilespmem:$0x10000] =	vst v63  }
0x1af: {  	_ =	swait.ge [sflag:s14], $0x400  }
0x1b0: {  	[sflag:s14] =	ssyncset.done $0x0  }
0x1b1: {  	s1 =	rddreg [dreg:$0x9];
	[sflag:s14] =	ssyncadd.s32 $0xFFFFFC00  }
.LBB2_16:
0x1b2: {  	_ =	sfence.sel $0x180000  }
0x1b3: {  	[bflag:$0x0] =	sbarrier.arrive $0xFFFF  }
0x1b4: {  	_ =	strace $0x90000047  }
0x1b5: {  	s0 =	stileid.u32;
	[bflag:$0x2] =	sbarrier.arrive $0xFFFF  }
0x1b6: {  	p0 =	sne.s32 s0, $0x0;
	s0 =	rddreg [dreg:$0x2]  }
0x1b7: {  	s0 =	sadd.s32 @!p0 $0x100000, s0  }
0x1b8: {  	[sflag:s0] =	ssyncadd.tile.s32 @!p0 $0x1;
	_ =	shalt  }
.Lfunc_end2:
_tile_overlayer_lowered:
.L_overlay_start_2:
0x1b9: {  	(tag) =	ssettag $0x2  }
0x1ba: {  	s0 =	rddreg [dreg:$0x0];
	s2 =	stileid.u32  }
0x1bb: {  	s1 =	rddreg [dreg:$0x1];
	p0 =	sne.s32 s2, $0x0  }
0x1bc: {  	s3 =	rddreg [dreg:$0x2];
	[bflag:$0x3] =	sbarrier.arrive $0xFFFF;
	s2 =	simm.s32 @!p0 $0x1C02  }
0x1bd: {  	[timem:s3], [sflag:s2] =	dma.local @!p0 [hbm:s0], s1  }
0x1be: {  	s0 =	simm.s32 @!p0 $0x2  }
0x1bf: {  	_ =	swait.ge @!p0 [sflag:s0], s1  }
0x1c0: {  	s1 =	ssub.s32 @!p0 $0x0, s1;
	[sflag:s0] =	ssyncset.done @!p0 $0x0  }
0x1c1: {  	[sflag:s0] =	ssyncadd.s32 @!p0 s1  }
0x1c2: {  	[bflag:$0x3] =	sbarrier.arrive $0xFFFF  }
0x1c3: {  	_ =	shalt  }

// kernel: kernel.8.cloned.1.call-start
scs
__scs_entry_jumppad:
0x0: {  	(pc) =	sbr.rel $0x88, $3  }
0x1: {  	(tag) =	ssettag $0x0;
	lr =	simm.s32 $0x1  }
0x2: {  	[smem:$0x3F9F] =	sst lr;
	_ =	strace $0xD0000000  }
0x3: {  	_ = 	snop  }
0x4: {  	_ = 	snop  }
0x5: {  	_ = 	snop  }
0x6: {  	_ = 	snop  }
0x7: {  	_ = 	snop  }
__scs_overlays_trampoline_lowered:
0x8: {  	[smem:$0x3FAE] =	sst s0  }
0x9: {  	[smem:$0x3FAF] =	sst s1  }
0xa: {  	[smem:$0x3FB0] =	sst s2  }
0xb: {  	[smem:$0x3FB1] =	sst s3  }
0xc: {  	[smem:$0x3FB2] =	sst s4  }
0xd: {  	[smem:$0x3FB3] =	sst s5  }
0xe: {  	[smem:$0x3FB4] =	sst s6  }
0xf: {  	[smem:$0x3FB5] =	sst s7  }
0x10: {  	[smem:$0x3FB6] =	sst s8  }
0x11: {  	[smem:$0x3FB7] =	sst s9;
	s0 =	simm.s32 @!p0 $0x0  }
0x12: {  	s1 =	sld [smem:$0x3F9D];
	s0 =	simm.s32 @p0 $0x1  }
0x13: {  	[smem:$0x3FB8] =	sst s0;
	s0 =	simm.s32 @!p1 $0x0  }
0x14: {  	s2 =	sld [smem:$0x3F9C];
	s0 =	simm.s32 @p1 $0x1  }
0x15: {  	[smem:$0x3FB9] =	sst s0;
	s0 =	simm.s32 @!p2 $0x0  }
0x16: {  	s3 =	sld [smem:$0x3FDB];
	s0 =	simm.s32 @p2 $0x1  }
0x17: {  	s4 =	simm.s32 $0x1BF5;
	[smem:$0x3FBB] =	sst s0  }
0x18: {  	s0 =	sld [smem:$0x3F9E];
	_ =	swait.ge [sflag:s4], $0x0  }
0x19: {  	s7 =	sld [smem:$0x3F9F]  }
0x1a: {  	s8 =	sadd.s32 $0xFFFFE003, lr  }
0x1b: {  	s9 =	sadd.s32 $0xFFFFFEF7, lr;
	s5 =	simm.s32 $0xFFFFFFFF;
	p2 =	slt.u32 s8, $0xFFFFF086  }
0x1c: {  	p1 =	slt.u32 s9, $0xF7A;
	s5 =	simm.s32 @!p2 $0x0  }
0x1d: {  	s5 =	simm.s32 @p1 $0x1;
	p0 =	seq.s32 s7, s2  }
0x1e: {  	s7 =	smul.u32 @!p0 $0xF7A, s2;
	p2 =	seq.s32 @!p0 s5, $0x0  }
0x1f: {  	s9 =	smul.u32 $0xF7A, s1;
	s8 =	simm.s32 @!p0 $0x1BF5;
	p2 =	por !p2, p0  }
0x20: {  	[sflag:s8] =	ssyncset.s32 @!p0 $0xFFFFF086;
	s6 =	sadd.s32 @!p0 s3, s7;
	s7 =	simm.s32 @!p0 $0x108  }
0x21: {  	s3 =	sadd.s32 s3, s9;
	s6 =	sadd.s32 @!p0 $0x88, s6;
	s7 =	simm.s32 @p2 $0x1082  }
0x22: {  	[simem:s7], [sflag:s8] =	dma.local @!p0 [hbm:s6], $0xF7A  }
0x23: {  	s9 =	sor.u32 $0xD0000000, s2;
	s6 =	simm.s32 $0x108;
	_ =	swait.ge @!p0 [sflag:s8], $0x0  }
0x24: {  	s3 =	sadd.s32 $0x88, s3;
	s6 =	simm.s32 @!p1 $0x1082;
	[sflag:s4] =	ssyncset.s32 $0xFFFFF086  }
0x25: {  	[simem:s6], [sflag:s4] =	dma.local [hbm:s3], $0xF7A  }
0x26: {  	[smem:$0x3F9F] =	sst s1;
	(tag) =	ssettag s2;
	_ =	strace s9  }
0x27: {  	s1 =	sld [smem:$0x3FAF]  }
0x28: {  	s2 =	sld [smem:$0x3FB0]  }
0x29: {  	s4 =	sld [smem:$0x3FB2]  }
0x2a: {  	p0 =	seq.s32 s5, $0x0;
	s5 =	sld [smem:$0x3FB3]  }
0x2b: {  	s6 =	sld [smem:$0x3FB4]  }
0x2c: {  	s7 =	sld [smem:$0x3FB5]  }
0x2d: {  	s3 =	simm.s32 $0x108;
	s8 =	sld [smem:$0x3FB6]  }
0x2e: {  	s3 =	simm.s32 @!p0 $0x1082;
	s9 =	sld [smem:$0x3FB7]  }
0x2f: {  	lr =	sadd.s32 s0, s3;
	s0 =	sld [smem:$0x3FAE]  }
0x30: {  	s3 =	sld [smem:$0x3FB1]  }
0x31: {  	[smem:$0x3FBA] =	sst s10  }
0x32: {  	s10 =	sld [smem:$0x3FB8];
	_ =	sdelay $0x3  }
0x33: {  	p0 =	seq.s32 s10, $0x1;
	s10 =	sld [smem:$0x3FBA];
	_ =	sdelay $0x3  }
0x34: {  	[smem:$0x3FBA] =	sst s10  }
0x35: {  	s10 =	sld [smem:$0x3FB9];
	_ =	sdelay $0x3  }
0x36: {  	p1 =	seq.s32 s10, $0x1;
	s10 =	sld [smem:$0x3FBA];
	_ =	sdelay $0x3  }
0x37: {  	[smem:$0x3FBA] =	sst s10  }
0x38: {  	s10 =	sld [smem:$0x3FBB]  }
0x39: {  	_ = 	snop;
	(pc) =	sbr.ind lr, $3  }
0x3a: {  	_ = 	snop  }
0x3b: {  	_ = 	snop  }
0x3c: {  	p2 =	seq.s32 s10, $0x1;
	s10 =	sld [smem:$0x3FBA]  }
0x3d: {  	_ =	shalt  }
0x3e: {  	_ =	shalt  }
0x3f: {  	_ =	shalt  }
0x40: {  	_ =	shalt  }
0x41: {  	_ =	shalt  }
0x42: {  	_ =	shalt  }
0x43: {  	_ =	shalt  }
0x44: {  	_ =	shalt  }
0x45: {  	_ =	shalt  }
0x46: {  	_ =	shalt  }
0x47: {  	_ =	shalt  }
0x48: {  	_ =	shalt  }
0x49: {  	_ =	shalt  }
0x4a: {  	_ =	shalt  }
0x4b: {  	_ =	shalt  }
0x4c: {  	_ =	shalt  }
0x4d: {  	_ =	shalt  }
0x4e: {  	_ =	shalt  }
0x4f: {  	_ =	shalt  }
0x50: {  	_ =	shalt  }
0x51: {  	_ =	shalt  }
0x52: {  	_ =	shalt  }
0x53: {  	_ =	shalt  }
0x54: {  	_ =	shalt  }
0x55: {  	_ =	shalt  }
0x56: {  	_ =	shalt  }
0x57: {  	_ =	shalt  }
0x58: {  	_ =	shalt  }
0x59: {  	_ =	shalt  }
0x5a: {  	_ =	shalt  }
0x5b: {  	_ =	shalt  }
0x5c: {  	_ =	shalt  }
0x5d: {  	_ =	shalt  }
0x5e: {  	_ =	shalt  }
0x5f: {  	_ =	shalt  }
0x60: {  	_ =	shalt  }
0x61: {  	_ =	shalt  }
0x62: {  	_ =	shalt  }
0x63: {  	_ =	shalt  }
0x64: {  	_ =	shalt  }
0x65: {  	_ =	shalt  }
0x66: {  	_ =	shalt  }
0x67: {  	_ =	shalt  }
0x68: {  	_ =	shalt  }
0x69: {  	_ =	shalt  }
0x6a: {  	_ =	shalt  }
0x6b: {  	_ =	shalt  }
0x6c: {  	_ =	shalt  }
0x6d: {  	_ =	shalt  }
0x6e: {  	_ =	shalt  }
0x6f: {  	_ =	shalt  }
0x70: {  	_ =	shalt  }
0x71: {  	_ =	shalt  }
0x72: {  	_ =	shalt  }
0x73: {  	_ =	shalt  }
0x74: {  	_ =	shalt  }
0x75: {  	_ =	shalt  }
0x76: {  	_ =	shalt  }
0x77: {  	_ =	shalt  }
0x78: {  	_ =	shalt  }
0x79: {  	_ =	shalt  }
0x7a: {  	_ =	shalt  }
0x7b: {  	_ =	shalt  }
0x7c: {  	_ =	shalt  }
0x7d: {  	_ =	shalt  }
0x7e: {  	_ =	shalt  }
0x7f: {  	_ =	shalt  }
0x80: {  	_ =	shalt  }
0x81: {  	_ =	shalt  }
0x82: {  	_ =	shalt  }
0x83: {  	_ =	shalt  }
0x84: {  	_ =	shalt  }
0x85: {  	_ =	shalt  }
0x86: {  	_ =	shalt  }
0x87: {  	_ =	shalt  }
.Lfunc_end0:
.L_simem_size_0:
called_computation.1_lowered:
.L_overlay_start_0:
0x88: {  	s2 =	sld [smem:$0x3FD9]  }
0x89: {  	s3 =	sld [smem:$0x3FFE];
	_ =	sdelay $0x1  }
0x8a: {  	s1 =	srdreg.scid  }
0x8b: {  	s0 =	sand.u32 $0x1, s1  }
0x8c: {  	s17 =	sshll.u32 s0, $0xA;
	s2 =	sadd.s32 s3, s2  }
0x8d: {  	s2 =	sadd.s32 s2, s17  }
0x8e: {  	[smem:$0x3FC6] =	sst s2  }
0x8f: {  	_ = 	snop  }
0x90: {  	s2 =	sld [smem:$0x3FD0];
	(tm) =	ssettm $0x1  }
0x91: {  	s18 =	sld [smem:$0x3FFB];
	_ =	sdelay $0x3  }
0x92: {  	_ =	strace s18  }
0x93: {  	s3 =	sld [smem:$0x3FFC];
	_ =	sdelay $0x3  }
0x94: {  	_ =	strace s3  }
0x95: {  	s3 =	sld [smem:$0x3FFD];
	_ =	sdelay $0x3  }
0x96: {  	_ =	strace s3  }
0x97: {  	_ =	strace $0x8FFFFFFF  }
0x98: {  	s19 =	sld [smem:$0x3FDB];
	_ =	sdelay $0x1  }
0x99: {  	s4 =	simm.s32 $_scs_section_size  }
0x9a: {  	s5 =	simm.s32 $_size__tile_overlayer_lowered;
	s6 =	simm.s32 $_tile_overlayer_lowered  }
0x9b: {  	s22 =	simm.s32 $0x1BFF;
	s21 =	sshll.u32 s6, $0x1;
	s3 =	sadd.s32 s4, s19  }
0x9c: {  	s7 =	simm.s32 $0x0;
	s20 =	sshll.u32 s5, $0x1;
	s5 =	sadd.s32 s21, s3  }
0x9d: {  	[timem:s7], [sflag:s22] =	dma.local [hbm:s5], s20  }
0x9e: {  	_ =	swait.ge [sflag:s22], s20  }
0x9f: {  	s4 =	ssub.s32 $0x0, s20;
	[sflag:s22] =	ssyncset.done $0x0  }
0xa0: {  	[sflag:s22] =	ssyncadd.s32 s4;
	_ =	sdelay $0x1  }
0xa1: {  	s23 =	simm.s32 $0x1B8B  }
0xa2: {  	_ =	swait.ge [sflag:s23], $0x1  }
0xa3: {  	[sflag:s23] =	ssyncset.done $0x0  }
0xa4: {  	s25 =	simm.s32 $0x1B8E;
	s24 =	sld [smem:$0x3FFE];
	[sflag:s23] =	ssyncadd.s32 $0xFFFFFFFF  }
0xa5: {  	s26 =	simm.s32 $execute0_lowered;
	[smem:$0x3FD2] =	sst s25  }
0xa6: {  	s5 =	sshll.u32 s26, $0x1;
	_ =	strace $0x80000049;
	[dreg:$0x1] =	wrdreg $0xFFFFFFFF  }
0xa7: {  	s28 =	simm.s32 $_size_execute0_lowered;
	s3 =	sadd.s32 s3, s5;
	[dreg:$0x0] =	wrdreg $0x0  }
0xa8: {  	s5 =	sshll.u32 s28, $0x1;
	[dreg:$0x2] =	wrdreg s3  }
0xa9: {  	[dreg:$0x3] =	wrdreg s5  }
0xaa: {  	[dreg:$0x4] =	wrdreg $0xC0  }
0xab: {  	_ =	task [dreg:s7], $0x5FFFF  }
0xac: {  	[dreg:$0x1] =	wrdreg $0xFFFFFFFF  }
0xad: {  	[dreg:$0x0] =	wrdreg $0x60  }
0xae: {  	[dreg:$0x2] =	wrdreg s2  }
0xaf: {  	[dreg:$0x3] =	wrdreg s24  }
0xb0: {  	[dreg:$0x4] =	wrdreg $0x9  }
0xb1: {  	_ =	task.clear_ibuf [dreg:s7], $0x5FFFF;
	_ =	strace $0x90000049  }
0xb2: {  	s29 =	simm.s32 $0x9;
	_ =	strace $0x8000004B  }
0xb3: {  	_ =	swait.ge [sflag:s29], $0x1  }
0xb4: {  	[sflag:s29] =	ssyncadd.s32 $0xFFFFFFFF  }
0xb5: {  	_ =	strace $0x9000004B  }
0xb6: {  	_ =	sfence  }
0xb7: {  	s30 =	sld [smem:$0x0];
	_ =	sdelay $0x2  }
0xb8: {  	s31 =	sshll.u32 s1, $0xD;
	s1 =	sshrl.u32 s1, $0x2  }
0xb9: {  	s3 =	sand.u32 $0x4000, s31;
	s1 =	sadd.s32 s1, s30  }
0xba: {  	s0 =	sor.u32 s3, s0;
	s1 =	sshll.u32 s1, $0x11  }
0xbb: {  	s0 =	sor.u32 s1, s0  }
0xbc: {  	s0 =	sadd.s32 $0x8F2B, s0  }
0xbd: {  	[sflag:s0] =	ssyncadd.remote.s32 $0x1  }
0xbe: {  	_ =	sfence.sel $0xFFFF  }
0xbf: {  	[dreg:$0x0] =	wrdreg $0xFFFFFFFF;
	(pc) =	sbr.abs _section_cstart, $3  }
0xc0: {  	[dreg:$0x1] =	wrdreg $0xFFFFFFFF  }
0xc1: {  	_ =	task.clear_ibuf [dreg:s7], $0x2FFFF;
	_ =	strace $0x9FFFFFFF  }
0xc2: {  	(tm) =	ssettm $0x7FFFFFFF  }
0xc3: {  	_ =	shalt  }
tec
execute0_lowered:
.L_overlay_start_1:
0x0: {  	(tag) =	ssettag $0x1  }
0x1: {  	s1 =	srdreg.scid;
	s0 =	stileid.u32  }
0x2: {  	s14 =	sand.u32 $0x1, s1;
	s26 =	sshll.u32 s0, $0x1  }
0x3: {  	s13 =	rddreg [dreg:$0x0];
	s8 =	sor.u32 s14, s26  }
0x4: {  	s9 =	rddreg [dreg:$0x1];
	s15 =	smul.u32 $0x3400, s8  }
0x5: {  	s2 =	simm.s32 $0x0;
	s1 =	rddreg [dreg:$0x2]  }
0x6: {  	[smem:$0x7FF] =	sst s2;
	s3 =	sshrl.u32 s15, $0x3  }
0x7: {  	_ =	strace $0x8000004A;
	s4 =	sadd.s32 s13, s3;
	s3 =	simm.s32 $0x2  }
0x8: {  	[tilespmem:s2], [sflag:$0x2] =	stream.linear.gather [hbm4b:s4+s2], $0xD00, $0x38;
	[tilespmem:$0xDD00] =	vst v63  }
0x9: {  	_ =	swait.ge [sflag:s3], $0xD00  }
0xa: {  	s6 =	simm.s32 $0xD00;
	[sflag:s3] =	ssyncset.done $0x0  }
0xb: {  	s7 =	simm.s32 $0x1;
	s5 =	sadd.s32 $0x1000, s9;
	[sflag:s3] =	ssyncadd.s32 $0xFFFFF300  }
0xc: {  	[tilespmem:s6], [sflag:$0x1] =	stream.indirect.gather [hbm4b:s5+s6], $0x10, s2, s6, $0xb8;
	[tilespmem:$0xDD00] =	vst v63  }
0xd: {  	s8 =	smul.u32 $0x6800, s8;
	_ =	swait.ge [sflag:s7], $0xD000  }
0xe: {  	s16 =	sadd.s32 $0x1E9600, s9;
	[sflag:s7] =	ssyncset.done $0x0  }
0xf: {  	s8 =	sadd.s32 s16, s8;
	[sflag:s7] =	ssyncadd.s32 $0xFFFF3000  }
0x10: {  	[hbm4b:s8+s2] =	stream.linear.scatter [tilespmem:s6], [sflag:$0x2], $0xD000, $0x38;
	[tilespmem:$0xDD00] =	vst v63  }
0x11: {  	s10 =	sadd.s32 $0xD00, s15;
	_ =	swait.ge [sflag:s3], $0xD000  }
0x12: {  	s28 =	sshrl.u32 s10, $0x3;
	[sflag:s3] =	ssyncset.done $0x0  }
0x13: {  	s9 =	sadd.s32 s13, s28;
	[sflag:s3] =	ssyncadd.s32 $0xFFFF3000  }
0x14: {  	[tilespmem:s2], [sflag:$0x2] =	stream.linear.gather [hbm4b:s9+s2], $0xD00, $0x38;
	[tilespmem:$0xDD00] =	vst v63  }
0x15: {  	_ =	swait.ge [sflag:s3], $0xD00  }
0x16: {  	[sflag:s3] =	ssyncset.done $0x0  }
0x17: {  	[sflag:s3] =	ssyncadd.s32 $0xFFFFF300  }
0x18: {  	[tilespmem:s6], [sflag:$0x1] =	stream.indirect.gather [hbm4b:s5+s6], $0x10, s2, s6, $0xb8;
	[tilespmem:$0xDD00] =	vst v63  }
0x19: {  	_ =	swait.ge [sflag:s7], $0xD000  }
0x1a: {  	s10 =	sshll.u32 s10, $0x1;
	[sflag:s7] =	ssyncset.done $0x0  }
0x1b: {  	s10 =	sadd.s32 s16, s10;
	[sflag:s7] =	ssyncadd.s32 $0xFFFF3000  }
0x1c: {  	[hbm4b:s10+s2] =	stream.linear.scatter [tilespmem:s6], [sflag:$0x2], $0xD000, $0x38;
	[tilespmem:$0xDD00] =	vst v63  }
0x1d: {  	s12 =	sadd.s32 $0x1A00, s15;
	_ =	swait.ge [sflag:s3], $0xD000  }
0x1e: {  	s11 =	sshrl.u32 s12, $0x3;
	[sflag:s3] =	ssyncset.done $0x0  }
0x1f: {  	s11 =	sadd.s32 s13, s11;
	[sflag:s3] =	ssyncadd.s32 $0xFFFF3000  }
0x20: {  	[tilespmem:s2], [sflag:$0x2] =	stream.linear.gather [hbm4b:s11+s2], $0xD00, $0x38;
	[tilespmem:$0xDD00] =	vst v63  }
0x21: {  	_ =	swait.ge [sflag:s3], $0xD00  }
0x22: {  	[sflag:s3] =	ssyncset.done $0x0  }
0x23: {  	[sflag:s3] =	ssyncadd.s32 $0xFFFFF300  }
0x24: {  	[tilespmem:s6], [sflag:$0x1] =	stream.indirect.gather [hbm4b:s5+s6], $0x10, s2, s6, $0xb8;
	[tilespmem:$0xDD00] =	vst v63  }
0x25: {  	_ =	swait.ge [sflag:s7], $0xD000  }
0x26: {  	s12 =	sshll.u32 s12, $0x1;
	[sflag:s7] =	ssyncset.done $0x0  }
0x27: {  	s12 =	sadd.s32 s16, s12;
	[sflag:s7] =	ssyncadd.s32 $0xFFFF3000  }
0x28: {  	[hbm4b:s12+s2] =	stream.linear.scatter [tilespmem:s6], [sflag:$0x2], $0xD000, $0x38;
	[tilespmem:$0xDD00] =	vst v63  }
0x29: {  	s15 =	sadd.s32 $0x2700, s15;
	_ =	swait.ge [sflag:s3], $0xD000  }
0x2a: {  	s17 =	sshrl.u32 s15, $0x3;
	[sflag:s3] =	ssyncset.done $0x0  }
0x2b: {  	s14 =	ssub.s32 $0x2, s14;
	s13 =	sadd.s32 s13, s17;
	[sflag:s3] =	ssyncadd.s32 $0xFFFF3000  }
0x2c: {  	[tilespmem:s2], [sflag:$0x2] =	stream.linear.gather [hbm4b:s13+s2], $0xD00, $0x38;
	[tilespmem:$0xDD00] =	vst v63  }
0x2d: {  	s29 =	sshrl.u32 s14, $0x1;
	_ =	swait.ge [sflag:s3], $0xD00  }
0x2e: {  	s17 =	ssub.s32 s14, s29;
	[sflag:s3] =	ssyncset.done $0x0  }
0x2f: {  	s31 =	smax.u32 s17, $0x1;
	[sflag:s3] =	ssyncadd.s32 $0xFFFFF300  }
0x30: {  	[tilespmem:s6], [sflag:$0x1] =	stream.indirect.gather [hbm4b:s5+s6], $0x10, s2, s6, $0xb8;
	[tilespmem:$0xDD00] =	vst v63  }
0x31: {  	p0 =	sne.s32 s31, $0x1;
	_ =	swait.ge [sflag:s7], $0xD000  }
.Ltmp0:
0x32: {  	s30 =	sshll.u32 s15, $0x1;
	[sflag:s7] =	ssyncset.done $0x0;
	(pc) =	sbr.rel @!p0 .LBB2_2-.Ltmp0, $4  }
0x33: {  	s14 =	sadd.s32 s16, s30;
	[sflag:s7] =	ssyncadd.s32 $0xFFFF3000  }
0x34: {  	[hbm4b:s14+s2] =	stream.linear.scatter [tilespmem:s6], [sflag:$0x2], $0xD000, $0x38;
	[tilespmem:$0xDD00] =	vst v63  }
0x35: {  	_ =	swait.ge [sflag:s3], $0xD000  }
0x36: {  	s15 =	sadd.s32 $0xFFFFFFFF, s31;
	[sflag:s3] =	ssyncset.done $0x0  }
.LBB2_1:
0x37: {  	p0 =	sne.s32 s15, $0x1;
	s15 =	sadd.s32 $0xFFFFFFFF, s15;
	[sflag:s3] =	ssyncadd.s32 $0xFFFF3000  }
0x38: {  	[tilespmem:s2], [sflag:$0x2] =	stream.linear.gather [hbm4b:s4+s2], $0xD00, $0x38;
	[tilespmem:$0xDD00] =	vst v63  }
0x39: {  	_ =	swait.ge [sflag:s3], $0xD00  }
0x3a: {  	[sflag:s3] =	ssyncset.done $0x0  }
0x3b: {  	[sflag:s3] =	ssyncadd.s32 $0xFFFFF300  }
0x3c: {  	[tilespmem:s6], [sflag:$0x1] =	stream.indirect.gather [hbm4b:s5+s6], $0x10, s2, s6, $0xb8;
	[tilespmem:$0xDD00] =	vst v63  }
0x3d: {  	_ =	swait.ge [sflag:s7], $0xD000  }
0x3e: {  	[sflag:s7] =	ssyncset.done $0x0  }
0x3f: {  	[sflag:s7] =	ssyncadd.s32 $0xFFFF3000  }
0x40: {  	[hbm4b:s8+s2] =	stream.linear.scatter [tilespmem:s6], [sflag:$0x2], $0xD000, $0x38;
	[tilespmem:$0xDD00] =	vst v63  }
0x41: {  	_ =	swait.ge [sflag:s3], $0xD000  }
0x42: {  	[sflag:s3] =	ssyncset.done $0x0  }
0x43: {  	[sflag:s3] =	ssyncadd.s32 $0xFFFF3000  }
0x44: {  	[tilespmem:s2], [sflag:$0x2] =	stream.linear.gather [hbm4b:s9+s2], $0xD00, $0x38;
	[tilespmem:$0xDD00] =	vst v63  }
0x45: {  	_ =	swait.ge [sflag:s3], $0xD00  }
0x46: {  	[sflag:s3] =	ssyncset.done $0x0  }
0x47: {  	[sflag:s3] =	ssyncadd.s32 $0xFFFFF300  }
0x48: {  	[tilespmem:s6], [sflag:$0x1] =	stream.indirect.gather [hbm4b:s5+s6], $0x10, s2, s6, $0xb8;
	[tilespmem:$0xDD00] =	vst v63  }
0x49: {  	_ =	swait.ge [sflag:s7], $0xD000  }
0x4a: {  	[sflag:s7] =	ssyncset.done $0x0  }
0x4b: {  	[sflag:s7] =	ssyncadd.s32 $0xFFFF3000  }
0x4c: {  	[hbm4b:s10+s2] =	stream.linear.scatter [tilespmem:s6], [sflag:$0x2], $0xD000, $0x38;
	[tilespmem:$0xDD00] =	vst v63  }
0x4d: {  	_ =	swait.ge [sflag:s3], $0xD000  }
0x4e: {  	[sflag:s3] =	ssyncset.done $0x0  }
0x4f: {  	[sflag:s3] =	ssyncadd.s32 $0xFFFF3000  }
0x50: {  	[tilespmem:s2], [sflag:$0x2] =	stream.linear.gather [hbm4b:s11+s2], $0xD00, $0x38;
	[tilespmem:$0xDD00] =	vst v63  }
0x51: {  	_ =	swait.ge [sflag:s3], $0xD00  }
0x52: {  	[sflag:s3] =	ssyncset.done $0x0  }
0x53: {  	[sflag:s3] =	ssyncadd.s32 $0xFFFFF300  }
0x54: {  	[tilespmem:s6], [sflag:$0x1] =	stream.indirect.gather [hbm4b:s5+s6], $0x10, s2, s6, $0xb8;
	[tilespmem:$0xDD00] =	vst v63  }
0x55: {  	_ =	swait.ge [sflag:s7], $0xD000  }
0x56: {  	[sflag:s7] =	ssyncset.done $0x0  }
0x57: {  	[sflag:s7] =	ssyncadd.s32 $0xFFFF3000  }
0x58: {  	[hbm4b:s12+s2] =	stream.linear.scatter [tilespmem:s6], [sflag:$0x2], $0xD000, $0x38;
	[tilespmem:$0xDD00] =	vst v63  }
0x59: {  	_ =	swait.ge [sflag:s3], $0xD000  }
0x5a: {  	[sflag:s3] =	ssyncset.done $0x0  }
0x5b: {  	[sflag:s3] =	ssyncadd.s32 $0xFFFF3000  }
0x5c: {  	[tilespmem:s2], [sflag:$0x2] =	stream.linear.gather [hbm4b:s13+s2], $0xD00, $0x38;
	[tilespmem:$0xDD00] =	vst v63  }
0x5d: {  	_ =	swait.ge [sflag:s3], $0xD00  }
0x5e: {  	[sflag:s3] =	ssyncset.done $0x0  }
0x5f: {  	[sflag:s3] =	ssyncadd.s32 $0xFFFFF300  }
0x60: {  	[tilespmem:s6], [sflag:$0x1] =	stream.indirect.gather [hbm4b:s5+s6], $0x10, s2, s6, $0xb8;
	[tilespmem:$0xDD00] =	vst v63  }
0x61: {  	_ =	swait.ge [sflag:s7], $0xD000  }
.Ltmp1:
0x62: {  	[sflag:s7] =	ssyncset.done $0x0;
	(pc) =	sbr.rel @p0 .LBB2_1-.Ltmp1, $4  }
0x63: {  	[sflag:s7] =	ssyncadd.s32 $0xFFFF3000  }
0x64: {  	[hbm4b:s14+s2] =	stream.linear.scatter [tilespmem:s6], [sflag:$0x2], $0xD000, $0x38;
	[tilespmem:$0xDD00] =	vst v63  }
0x65: {  	_ =	swait.ge [sflag:s3], $0xD000  }
0x66: {  	[sflag:s3] =	ssyncset.done $0x0  }
.LBB2_2:
0x67: {  	[sflag:s3] =	ssyncadd.s32 $0xFFFF3000  }
0x68: {  	_ =	sfence.sel $0x180000  }
0x69: {  	[bflag:$0x0] =	sbarrier.arrive $0xFFFF  }
0x6a: {  	p0 =	sne.s32 s0, $0x0;
	_ =	strace $0x9000004A  }
0x6b: {  	s0 =	sadd.s32 @!p0 $0x100000, s1;
	[bflag:$0x2] =	sbarrier.arrive $0xFFFF  }
0x6c: {  	[sflag:s0] =	ssyncadd.tile.s32 @!p0 $0x1;
	_ =	shalt  }
.Lfunc_end2:
_tile_overlayer_lowered:
.L_overlay_start_2:
0x6d: {  	(tag) =	ssettag $0x2  }
0x6e: {  	s0 =	rddreg [dreg:$0x0];
	s2 =	stileid.u32  }
0x6f: {  	s1 =	rddreg [dreg:$0x1];
	p0 =	sne.s32 s2, $0x0  }
0x70: {  	s3 =	rddreg [dreg:$0x2];
	[bflag:$0x3] =	sbarrier.arrive $0xFFFF;
	s2 =	simm.s32 @!p0 $0x1C02  }
0x71: {  	[timem:s3], [sflag:s2] =	dma.local @!p0 [hbm:s0], s1  }
0x72: {  	s0 =	simm.s32 @!p0 $0x2  }
0x73: {  	_ =	swait.ge @!p0 [sflag:s0], s1  }
0x74: {  	s1 =	ssub.s32 @!p0 $0x0, s1;
	[sflag:s0] =	ssyncset.done @!p0 $0x0  }
0x75: {  	[sflag:s0] =	ssyncadd.s32 @!p0 s1  }
0x76: {  	[bflag:$0x3] =	sbarrier.arrive $0xFFFF  }
0x77: {  	_ =	shalt  }

</sc_bundles>
